<compile_context>
chip_gen: v7x
topology: tpu7x:2x2x1
jax: 0.10.2.dev20260603
libtpu: 0.0.44.dev20260713+nightly
codegen_flags: <defaults>
</compile_context>

<pallas_src>
import jax
import jax.numpy as jnp
from jax import lax
from jax.experimental import pallas as pl
from jax.experimental.pallas import tpu as pltpu
from jax.experimental.pallas import tpu_sc as plsc

N = 10000
F_IN = 128
H = 4
C = 16
HC = H * C
L = 52
EL = 256

N_PAD = 10240
ROW_W = 80
NC, NS = 2, 16
NW = NC * NS
K = 128
E_TOT = 320000 + N
NTRI = -(-E_TOT // (NW * K * 3))
CH = 3 * NTRI
E_W = CH * K
E_PAD = NW * E_W
DUMMY = N
RPT = N_PAD // NS
MB = 512


def _proj_body(x_ref, wl_ref, bl_ref, wr_ref, br_ref, xl_ref, xr_ref):
    xb = x_ref[...]
    xl = jnp.dot(xb, wl_ref[...], preferred_element_type=jnp.float32) + bl_ref[...]
    xr = jnp.dot(xb, wr_ref[...], preferred_element_type=jnp.float32) + br_ref[...]
    xl_ref[...] = xl.astype(jnp.bfloat16)
    xr_ref[...] = xr.astype(jnp.bfloat16)


def _project(x, Wl, bl, Wr, br):
    return pl.pallas_call(
        _proj_body,
        grid=(N_PAD // MB,),
        in_specs=[
            pl.BlockSpec((MB, F_IN), lambda i: (i, 0)),
            pl.BlockSpec((F_IN, HC), lambda i: (0, 0)),
            pl.BlockSpec((1, HC), lambda i: (0, 0)),
            pl.BlockSpec((F_IN, HC), lambda i: (0, 0)),
            pl.BlockSpec((1, HC), lambda i: (0, 0)),
        ],
        out_specs=[
            pl.BlockSpec((MB, HC), lambda i: (i, 0)),
            pl.BlockSpec((MB, HC), lambda i: (i, 0)),
        ],
        out_shape=[
            jax.ShapeDtypeStruct((N_PAD, HC), jnp.bfloat16),
            jax.ShapeDtypeStruct((N_PAD, HC), jnp.bfloat16),
        ],
    )(x, Wl, bl.reshape(1, HC), Wr, br.reshape(1, HC))


def _label_call(label_args):
    full = lambda shape: pl.BlockSpec(shape, lambda: tuple(0 for _ in shape))
    return pl.pallas_call(
        _label_math,
        in_specs=[full((1, 64)), full((EL, 1)), full((1, EL)), full((EL, 1)),
                  full((EL, 1)), full((1, EL)), full((64, 64)), full((1, 64)),
                  full((64, 64)), full((1, 64)), full((64, 64)), full((1, 64))],
        out_specs=[full((64, 64)), full((1, 64))],
        out_shape=[jax.ShapeDtypeStruct((64, 64), jnp.float32),
                   jax.ShapeDtypeStruct((1, 64), jnp.float32)],
    )(*label_args)


def _label_math(lx_ref, lsrc_c_ref, ldst_r_ref, ldst_c_ref, lew_c_ref, lew_r_ref,
                w1_ref, b1_ref, w2_ref, b2_ref, fw_ref, fb_ref, q_ref, qb_ref):
    f32 = jnp.float32
    iota0_64x256 = lax.broadcasted_iota(jnp.int32, (64, 256), 0)
    iota1_256x64 = lax.broadcasted_iota(jnp.int32, (256, 64), 1)
    ohT_dst = (iota0_64x256 == ldst_r_ref[...]).astype(f32)
    oh_src = (iota1_256x64 == lsrc_c_ref[...]).astype(f32)
    oh_dst = (iota1_256x64 == ldst_c_ref[...]).astype(f32)
    ew_c = lew_c_ref[...]
    wadj = jnp.dot(ohT_dst, ew_c * oh_src, preferred_element_type=f32)
    deg_c = jnp.dot(ohT_dst, ew_c, preferred_element_type=f32) + 1.0
    deg_r = jnp.dot(lew_r_ref[...], oh_dst, preferred_element_type=f32) + 1.0
    dinv_c = lax.rsqrt(deg_c)
    dinv_r = lax.rsqrt(deg_r)
    i0 = lax.broadcasted_iota(jnp.int32, (64, 64), 0)
    i1 = lax.broadcasted_iota(jnp.int32, (64, 64), 1)
    eye = (i0 == i1).astype(f32)
    m = dinv_c * (wadj + eye) * dinv_r

    lxv = lx_ref[...]
    lx0 = eye * (lxv / jnp.sum(lxv))

    def elu(v):
        return jnp.where(v > 0, v, jnp.exp(v) - 1.0)

    h1 = elu(jnp.dot(m, jnp.dot(lx0, w1_ref[...], preferred_element_type=f32),
                     preferred_element_type=f32) + b1_ref[...])
    h2 = elu(jnp.dot(m, jnp.dot(h1, w2_ref[...], preferred_element_type=f32),
                     preferred_element_type=f32) + b2_ref[...])
    q_ref[...] = jnp.dot(fw_ref[...], h2, preferred_element_type=f32)
    qb_ref[...] = jnp.dot(fb_ref[...], h2, preferred_element_type=f32)


def _label_args(label_x, label_edge_index, label_edge_weights,
                gcn1_W, gcn1_b, gcn2_W, gcn2_b, fin_W, fin_b):
    f32 = jnp.float32
    lx = jnp.zeros((1, 64), f32).at[0, :L].set(label_x)
    lsrc = label_edge_index[0].astype(jnp.int32)
    ldst = label_edge_index[1].astype(jnp.int32)
    lsrc_c = lsrc.reshape(EL, 1)
    ldst_r = ldst.reshape(1, EL)
    ldst_c = ldst.reshape(EL, 1)
    lew_c = label_edge_weights.reshape(EL, 1)
    lew_r = label_edge_weights.reshape(1, EL)
    w1 = jnp.zeros((64, 64), f32).at[:L, :].set(gcn1_W)
    b1 = jnp.zeros((1, 64), f32).at[0, :].set(gcn1_b)
    w2 = jnp.zeros((64, 64), f32).at[:, :L].set(gcn2_W)
    b2 = jnp.zeros((1, 64), f32).at[0, :L].set(gcn2_b)
    fw = jnp.zeros((64, 64), f32).at[:, :L].set(fin_W)
    fb = jnp.zeros((1, 64), f32).at[0, :L].set(fin_b)
    return (lx, lsrc_c, ldst_r, ldst_c, lew_c, lew_r,
            w1, b1, w2, b2, fw, fb)


def _sc_body(src_hbm, dst_hbm, xl_hbm, xr_hbm, att_hbm, zeros_hbm, out_hbm,
             src_a, dg_a, ds_a, xl_a, xr_a, co_a,
             src_b, dg_b, ds_b, xl_b, xr_b, co_b,
             src_c, dg_c, ds_c, xl_c, xr_c, co_c,
             acc, att_v, gsem_a, gsem_b, gsem_c, ssem_a, ssem_b, ssem_c, isem):
    f32 = jnp.float32
    cid = lax.axis_index("c")
    sid = lax.axis_index("s")
    wid = cid * NS + sid

    pltpu.sync_copy(zeros_hbm, acc.at[pl.ds(sid * RPT, RPT)])
    pltpu.sync_copy(att_hbm, att_v)
    plsc.subcore_barrier()

    att_vecs = [att_v[h, :] for h in range(H)]
    io16 = lax.iota(jnp.int32, 16)
    zeros16 = jnp.zeros((16,), f32)
    p8, p4, p2, p1 = (io16 ^ k for k in (8, 4, 2, 1))
    m_lt4, m_lt8, m_lt12 = io16 < 4, io16 < 8, io16 < 12
    bidx = [io16 * 0 + (4 * h) for h in range(H)]
    didx = (io16 & 3) * 4

    def g(v, p):
        return v.at[p].get(mode="promise_in_bounds")

    def two_heads(ref, i, k):
        return plsc.unpack(ref[i, pl.ds(32 * k, 32)],
                           format=plsc.PackFormat.INTERLEAVED,
                           preferred_element_type=jnp.float32)

    def compute(xl_v, xr_v, contrib):
        @plsc.parallel_loop(0, K, unroll=8)
        def edge_body(i):
            xs, rs, ss = [], [], []
            for k in range(2):
                x0, x1 = two_heads(xl_v, i, k)
                r0, r1 = two_heads(xr_v, i, k)
                xs.extend((x0, x1))
                rs.extend((r0, r1))
            for h in range(H):
                xh = xs[h]
                t = xh + rs[h]
                e = jnp.maximum(t, 0.2 * t)
                p = e * att_vecs[h]
                s = p + g(p, p8)
                ss.append(s + g(s, p4))
            m = jnp.where(m_lt4, ss[0],
                          jnp.where(m_lt8, ss[1],
                                    jnp.where(m_lt12, ss[2], ss[3])))
            m = m + g(m, p2)
            m = m + g(m, p1)
            em = jnp.exp(m)
            for h in range(H):
                contrib[i, pl.ds(h * 16, 16)] = g(em, bidx[h]) * xs[h]
            contrib[i, pl.ds(64, 16)] = jnp.where(m_lt4, g(em, didx), zeros16)

    def load_idx(c, src_v, dg_v, ds_v, sync):
        base = c * K
        i1 = pltpu.async_copy(src_hbm.at[wid, pl.ds(base, K)], src_v, isem)
        i2 = pltpu.async_copy(dst_hbm.at[wid, pl.ds(base, K)], dg_v, isem)
        i3 = pltpu.async_copy(dst_hbm.at[wid, pl.ds(base, K)], ds_v, isem)
        i1.wait()
        i2.wait()
        i3.wait()

    def issue_gathers(src_v, dg_v, xl_v, xr_v, gsem):
        pltpu.async_copy(xl_hbm.at[src_v], xl_v, gsem)
        pltpu.async_copy(xr_hbm.at[dg_v], xr_v, gsem)

    load_idx(0, src_a, dg_a, ds_a, True)
    issue_gathers(src_a, dg_a, xl_a, xr_a, gsem_a)
    load_idx(1, src_b, dg_b, ds_b, True)
    issue_gathers(src_b, dg_b, xl_b, xr_b, gsem_b)
    load_idx(2, src_c, dg_c, ds_c, True)
    issue_gathers(src_c, dg_c, xl_c, xr_c, gsem_c)

    def phase(j, off, src_v, dg_v, ds_v, xl_v, xr_v, contrib, gsem, ssem):
        pltpu.make_async_copy(xl_hbm.at[src_v], xl_v, gsem).wait()
        pltpu.make_async_copy(xr_hbm.at[dg_v], xr_v, gsem).wait()

        @pl.when(j > 0)
        def _():
            pltpu.make_async_copy(contrib, acc.at[ds_v], ssem).wait()

        compute(xl_v, xr_v, contrib)
        pltpu.async_copy(contrib, acc.at[ds_v], ssem, add=True)

        @pl.when(j < NTRI - 1)
        def _():
            nc = 3 * j + 3 + off
            load_idx(nc, src_v, dg_v, ds_v, False)
            issue_gathers(src_v, dg_v, xl_v, xr_v, gsem)

    def tri_body(j, carry):
        phase(j, 0, src_a, dg_a, ds_a, xl_a, xr_a, co_a, gsem_a, ssem_a)
        phase(j, 1, src_b, dg_b, ds_b, xl_b, xr_b, co_b, gsem_b, ssem_b)
        phase(j, 2, src_c, dg_c, ds_c, xl_c, xr_c, co_c, gsem_c, ssem_c)
        return carry

    lax.fori_loop(0, NTRI, tri_body, 0)
    pltpu.make_async_copy(co_a, acc.at[ds_a], ssem_a).wait()
    pltpu.make_async_copy(co_b, acc.at[ds_b], ssem_b).wait()
    pltpu.make_async_copy(co_c, acc.at[ds_c], ssem_c).wait()
    plsc.subcore_barrier()
    pltpu.sync_copy(acc.at[pl.ds(sid * RPT, RPT)],
                    out_hbm.at[cid, pl.ds(sid * RPT, RPT)])


def _sc_aggregate(src_w, dst_w, xl, xr, att, zeros_hbm):
    mesh = plsc.VectorSubcoreMesh(core_axis_name="c", subcore_axis_name="s",
                                  num_cores=NC, num_subcores=NS)
    fn = pl.kernel(
        _sc_body,
        out_type=jax.ShapeDtypeStruct((NC, N_PAD, ROW_W), jnp.float32),
        mesh=mesh,
        scratch_types=(
            3 * [
                pltpu.VMEM((K,), jnp.int32),
                pltpu.VMEM((K,), jnp.int32),
                pltpu.VMEM((K,), jnp.int32),
                pltpu.VMEM((K, HC), jnp.bfloat16),
                pltpu.VMEM((K, HC), jnp.bfloat16),
                pltpu.VMEM((K, ROW_W), jnp.float32),
            ]
            + [
                pltpu.VMEM_SHARED((N_PAD, ROW_W), jnp.float32),
                pltpu.VMEM((H, C), jnp.float32),
            ]
            + 7 * [pltpu.SemaphoreType.DMA]
        ),
        compiler_params=pltpu.CompilerParams(use_tc_tiling_on_sc=False,
                                             needs_layout_passes=False),
    )
    return fn(src_w, dst_w, xl, xr, att, zeros_hbm)


def _final_body(p0_ref, p1_ref, bias_ref, q_ref, qb_ref, out_ref):
    f32 = jnp.float32
    acc = p0_ref[...] + p1_ref[...]
    num = acc[:, :HC]
    den = acc[:, HC:ROW_W]
    i0 = lax.broadcasted_iota(jnp.int32, (16, HC), 0)
    i1 = lax.broadcasted_iota(jnp.int32, (16, HC), 1) // C
    sel = (i0 == i1).astype(f32)
    den_rep = jnp.dot(den, sel, preferred_element_type=f32)
    gat = num / den_rep + bias_ref[...]
    hg = jnp.where(gat > 0, gat, jnp.exp(gat) - 1.0)
    z = jnp.dot(hg, q_ref[...], preferred_element_type=f32) + qb_ref[...]
    out_ref[...] = jax.nn.sigmoid(lax.slice(z, (0, 0), (MB, L)))


def _finalize(partials, gat_bias, q, qb):
    return pl.pallas_call(
        _final_body,
        grid=(N_PAD // MB,),
        in_specs=[
            pl.BlockSpec((MB, ROW_W), lambda i: (i, 0)),
            pl.BlockSpec((MB, ROW_W), lambda i: (i, 0)),
            pl.BlockSpec((1, HC), lambda i: (0, 0)),
            pl.BlockSpec((64, 64), lambda i: (0, 0)),
            pl.BlockSpec((1, 64), lambda i: (0, 0)),
        ],
        out_specs=pl.BlockSpec((MB, L), lambda i: (i, 0)),
        out_shape=jax.ShapeDtypeStruct((N, L), jnp.float32),
    )(partials[0], partials[1], gat_bias.reshape(1, HC), q, qb)


@jax.jit
def kernel(x, edge_index, label_x, label_edge_index, label_edge_weights,
           gat_Wl, gat_bl, gat_Wr, gat_br, gat_att, gat_bias,
           gcn1_W, gcn1_b, gcn2_W, gcn2_b, fin_W, fin_b):
    f32 = jnp.float32
    j = jnp.arange(HC)
    pidx = (2 * (j // 32) + (j % 2)) * C + (j % 32) // 2
    largs = _label_args(label_x, label_edge_index, label_edge_weights,
                        gcn1_W, gcn1_b, gcn2_W, gcn2_b, fin_W, fin_b)
    xl, xr = _project(x, gat_Wl[:, pidx], gat_bl[pidx],
                      gat_Wr[:, pidx], gat_br[pidx])
    q, qb = _label_call(largs)

    loops = jnp.arange(N, dtype=jnp.int32)
    pad = jnp.full((E_PAD - E_TOT,), DUMMY, jnp.int32)
    src_w = jnp.concatenate([edge_index[0].astype(jnp.int32), loops, pad]).reshape(NW, E_W)
    dst_w = jnp.concatenate([edge_index[1].astype(jnp.int32), loops, pad]).reshape(NW, E_W)

    zeros_hbm = jnp.zeros((RPT, ROW_W), f32)
    partials = _sc_aggregate(src_w, dst_w, xl, xr, gat_att, zeros_hbm)

    return _finalize(partials, gat_bias, q, qb)

# --- scband reference (transcript-rebuilt; emitter-appended) ---
"""Pipeline reference for scband-gat-label-51049981280742 (READ-ONLY COPY).

The authoritative reference and input builder live on the scoring server;
editing this copy changes nothing except your own understanding.
"""

import jax, jax.numpy as jnp
import numpy as np

N = 10000
E = 320000
F_IN = 128
H = 4
C = 16
L = 52
EL = 256


def _gatv2(x, src, dst, Wl, bl, Wr, br, att, bias, n):
    loops = jnp.arange(n, dtype=src.dtype)
    src = jnp.concatenate([src, loops])
    dst = jnp.concatenate([dst, loops])
    xl = (x @ Wl + bl).reshape(n, H, C)
    xr = (x @ Wr + br).reshape(n, H, C)
    e = jax.nn.leaky_relu(xl[src] + xr[dst], 0.2)
    logits = jnp.sum(e * att[None, :, :], axis=-1)
    m = jax.ops.segment_max(logits, dst, num_segments=n)
    a = jnp.exp(logits - m[dst])
    denom = jax.ops.segment_sum(a, dst, num_segments=n)
    alpha = a / denom[dst]
    out = jax.ops.segment_sum(alpha[:, :, None] * xl[src], dst, num_segments=n)
    return out.reshape(n, H * C) + bias


def _gcn(x, src, dst, ew, W, b, n):
    loops = jnp.arange(n, dtype=src.dtype)
    src = jnp.concatenate([src, loops])
    dst = jnp.concatenate([dst, loops])
    ew = jnp.concatenate([ew, jnp.ones((n,), ew.dtype)])
    deg = jax.ops.segment_sum(ew, dst, num_segments=n)
    dinv = 1.0 / jnp.sqrt(deg)
    norm = dinv[src] * ew * dinv[dst]
    h = x @ W
    out = jax.ops.segment_sum(norm[:, None] * h[src], dst, num_segments=n)
    return out + b


def setup_inputs(seed: int = 0):
    key = jax.random.key(seed)
    ks = jax.random.split(key, 12)
    s = 0.05
    inp = {}
    inp["x"] = jax.random.normal(ks[0], (N, F_IN), dtype=jnp.float32)
    inp["edge_index"] = jax.random.randint(ks[1], (2, E), 0, N, dtype=jnp.int32)
    inp["label_x"] = jax.random.uniform(ks[2], (L,), dtype=jnp.float32)
    inp["label_edge_index"] = jax.random.randint(ks[3], (2, EL), 0, L, dtype=jnp.int32)
    inp["label_edge_weights"] = jax.random.uniform(ks[4], (EL,), dtype=jnp.float32)
    inp["gat_Wl"] = jax.random.normal(ks[5], (F_IN, H * C), dtype=jnp.float32) * s
    inp["gat_bl"] = jnp.zeros((H * C,), jnp.float32)
    inp["gat_Wr"] = jax.random.normal(ks[6], (F_IN, H * C), dtype=jnp.float32) * s
    inp["gat_br"] = jnp.zeros((H * C,), jnp.float32)
    inp["gat_att"] = jax.random.normal(ks[7], (H, C), dtype=jnp.float32) * s
    inp["gat_bias"] = jnp.zeros((H * C,), jnp.float32)
    inp["gcn1_W"] = jax.random.normal(ks[8], (L, 64), dtype=jnp.float32) * s
    inp["gcn1_b"] = jnp.zeros((64,), jnp.float32)
    inp["gcn2_W"] = jax.random.normal(ks[9], (64, L), dtype=jnp.float32) * s
    inp["gcn2_b"] = jnp.zeros((L,), jnp.float32)
    inp["fin_W"] = jax.random.normal(ks[10], (H * C, L), dtype=jnp.float32) * s
    inp["fin_b"] = jnp.zeros((L,), jnp.float32)
    return inp


def reference(x, edge_index, label_x, label_edge_index, label_edge_weights,
              gat_Wl, gat_bl, gat_Wr, gat_br, gat_att, gat_bias,
              gcn1_W, gcn1_b, gcn2_W, gcn2_b, fin_W, fin_b):
    # GATv2 layer (only convs[0] is executed: range(num_layers-1) with num_layers=2)
    h = jax.nn.elu(_gatv2(x, edge_index[0], edge_index[1],
                          gat_Wl, gat_bl, gat_Wr, gat_br, gat_att, gat_bias, N))
    # dropout is a no-op in eval mode
    lx = jnp.diag(label_x.squeeze()) / jnp.sum(label_x)
    lx = jax.nn.elu(_gcn(lx, label_edge_index[0], label_edge_index[1],
                         label_edge_weights, gcn1_W, gcn1_b, L))
    lx = jax.nn.elu(_gcn(lx, label_edge_index[0], label_edge_index[1],
                         label_edge_weights, gcn2_W, gcn2_b, L))
    h = h @ fin_W + fin_b
    return jax.nn.sigmoid(h @ lx)

if __name__ == "__main__":
    import jax
    _d = setup_inputs()
    print(jax.jit(kernel)(*tuple(_d.values())))

</pallas_src>

<mosaic_0001>
#map = affine_map<(d0, d1) -> (0, 0)>
#map1 = affine_map<(d0, d1) -> (0, 0, 0)>
module attributes {stable_mosaic.version = 14 : i64} {
  func.func @_sc_body(%arg0: i32, %arg1: i32, %arg2: memref<32x10368xi32, #tpu.memory_space<hbm>>, %arg3: memref<32x10368xi32, #tpu.memory_space<hbm>>, %arg4: memref<10240x64xbf16, #tpu.memory_space<hbm>>, %arg5: memref<10240x64xbf16, #tpu.memory_space<hbm>>, %arg6: memref<4x16xf32, #tpu.memory_space<hbm>>, %arg7: memref<640x80xf32, #tpu.memory_space<hbm>>, %arg8: memref<2x10240x80xf32, #tpu.memory_space<hbm>>, %arg9: memref<128xi32, #tpu.memory_space<vmem>>, %arg10: memref<128xi32, #tpu.memory_space<vmem>>, %arg11: memref<128xi32, #tpu.memory_space<vmem>>, %arg12: memref<128x64xbf16, #tpu.memory_space<vmem>>, %arg13: memref<128x64xbf16, #tpu.memory_space<vmem>>, %arg14: memref<128x80xf32, #tpu.memory_space<vmem>>, %arg15: memref<128xi32, #tpu.memory_space<vmem>>, %arg16: memref<128xi32, #tpu.memory_space<vmem>>, %arg17: memref<128xi32, #tpu.memory_space<vmem>>, %arg18: memref<128x64xbf16, #tpu.memory_space<vmem>>, %arg19: memref<128x64xbf16, #tpu.memory_space<vmem>>, %arg20: memref<128x80xf32, #tpu.memory_space<vmem>>, %arg21: memref<128xi32, #tpu.memory_space<vmem>>, %arg22: memref<128xi32, #tpu.memory_space<vmem>>, %arg23: memref<128xi32, #tpu.memory_space<vmem>>, %arg24: memref<128x64xbf16, #tpu.memory_space<vmem>>, %arg25: memref<128x64xbf16, #tpu.memory_space<vmem>>, %arg26: memref<128x80xf32, #tpu.memory_space<vmem>>, %arg27: memref<10240x80xf32, #tpu.memory_space<vmem_shared>>, %arg28: memref<4x16xf32, #tpu.memory_space<vmem>>, %arg29: memref<!tpu.dma_semaphore, #tpu.memory_space<semaphore_mem>>, %arg30: memref<!tpu.dma_semaphore, #tpu.memory_space<semaphore_mem>>, %arg31: memref<!tpu.dma_semaphore, #tpu.memory_space<semaphore_mem>>, %arg32: memref<!tpu.dma_semaphore, #tpu.memory_space<semaphore_mem>>, %arg33: memref<!tpu.dma_semaphore, #tpu.memory_space<semaphore_mem>>, %arg34: memref<!tpu.dma_semaphore, #tpu.memory_space<semaphore_mem>>, %arg35: memref<!tpu.dma_semaphore, #tpu.memory_space<semaphore_mem>>) attributes {dimension_semantics = [#tpu.dimension_semantics<core_parallel>, #tpu.dimension_semantics<subcore_parallel>], iteration_bounds = array<i64: 2, 16>, scalar_prefetch = 0 : i64, scratch_operands = 27 : i64, tpu.core_type = #tpu.core_type<sc_vector_subcore>, window_params = [{transform_indices = #map}, {transform_indices = #map}, {transform_indices = #map}, {transform_indices = #map}, {transform_indices = #map}, {transform_indices = #map}, {transform_indices = #map1}]} {
    %mul3A = arith.constant 16 : i32
    %mul3A_0 = arith.muli %arg0, %mul3A : i32
    %add3A = arith.addi %mul3A_0, %arg1 : i32
    %mul3A_1 = arith.constant 640 : i32
    %mul3A_2 = arith.muli %arg1, %mul3A_1 : i32
    "tpu.region"() ({
      %run_scoped3A = tpu.sem_alloc : memref<!tpu.dma_semaphore, #tpu.memory_space<semaphore_mem>>
      %dma_start3A_210 = arith.constant 0 : i32
      %dma_start3A_211 = tpu.memref_slice %arg27[%mul3A_2, %dma_start3A_210] : memref<10240x80xf32, #tpu.memory_space<vmem_shared>> -> memref<640x80xf32, #tpu.memory_space<vmem_shared>>
      tpu.enqueue_dma source(%arg7 : memref<640x80xf32, #tpu.memory_space<hbm>>) target(%dma_start3A_211 : memref<640x80xf32, #tpu.memory_space<vmem_shared>>) target_semaphore(%run_scoped3A : memref<!tpu.dma_semaphore, #tpu.memory_space<semaphore_mem>>)
      %dma_wait3A_212 = arith.constant 0 : i32
      %dma_wait3A_213 = tpu.memref_slice %arg27[%mul3A_2, %dma_wait3A_212] : memref<10240x80xf32, #tpu.memory_space<vmem_shared>> -> memref<640x80xf32, #tpu.memory_space<vmem_shared>>
      tpu.wait_dma2 semaphore(%run_scoped3A : memref<!tpu.dma_semaphore, #tpu.memory_space<semaphore_mem>>) src(%arg7 : memref<640x80xf32, #tpu.memory_space<hbm>>) dst(%dma_wait3A_213 : memref<640x80xf32, #tpu.memory_space<vmem_shared>>)
      tpu.yield
    }) : () -> ()
    "tpu.region"() ({
      %run_scoped3A = tpu.sem_alloc : memref<!tpu.dma_semaphore, #tpu.memory_space<semaphore_mem>>
      tpu.enqueue_dma source(%arg6 : memref<4x16xf32, #tpu.memory_space<hbm>>) target(%arg28 : memref<4x16xf32, #tpu.memory_space<vmem>>) target_semaphore(%run_scoped3A : memref<!tpu.dma_semaphore, #tpu.memory_space<semaphore_mem>>)
      tpu.wait_dma2 semaphore(%run_scoped3A : memref<!tpu.dma_semaphore, #tpu.memory_space<semaphore_mem>>) src(%arg6 : memref<4x16xf32, #tpu.memory_space<hbm>>) dst(%arg28 : memref<4x16xf32, #tpu.memory_space<vmem>>)
      tpu.yield
    }) : () -> ()
    %barrier3A = arith.constant 0 : index
    tpu.barrier barrier_id(%barrier3A)
    %get3A = arith.constant 0 : i32
    %get3A_3 = arith.index_cast %get3A : i32 to index
    %get3A_4 = arith.constant 0 : index
    %get3A_5 = tpu.vector_load %arg28[%get3A_3, %get3A_4] {strides = array<i32>} : memref<4x16xf32, #tpu.memory_space<vmem>>, vector<16xf32>,
    %get3A_6 = arith.constant 1 : i32
    %get3A_7 = arith.index_cast %get3A_6 : i32 to index
    %get3A_8 = arith.constant 0 : index
    %get3A_9 = tpu.vector_load %arg28[%get3A_7, %get3A_8] {strides = array<i32>} : memref<4x16xf32, #tpu.memory_space<vmem>>, vector<16xf32>,
    %get3A_10 = arith.constant 2 : i32
    %get3A_11 = arith.index_cast %get3A_10 : i32 to index
    %get3A_12 = arith.constant 0 : index
    %get3A_13 = tpu.vector_load %arg28[%get3A_11, %get3A_12] {strides = array<i32>} : memref<4x16xf32, #tpu.memory_space<vmem>>, vector<16xf32>,
    %get3A_14 = arith.constant 3 : i32
    %get3A_15 = arith.index_cast %get3A_14 : i32 to index
    %get3A_16 = arith.constant 0 : index
    %get3A_17 = tpu.vector_load %arg28[%get3A_15, %get3A_16] {strides = array<i32>} : memref<4x16xf32, #tpu.memory_space<vmem>>, vector<16xf32>,
    %iota3A = tpu.iota {dimensions = array<i32: 0>} : vector<16xi32>
    %broadcast_in_dim3A = arith.constant 0.000000e+00 : f32
    %broadcast_in_dim3A_18 = vector.broadcast %broadcast_in_dim3A : f32 to vector<16xf32>
    %xor3A = arith.constant 8 : i32
    %xor3A_19 = vector.broadcast %xor3A : i32 to vector<16xi32>
    %xor3A_20 = arith.xori %iota3A, %xor3A_19 : vector<16xi32>
    %xor3A_21 = arith.constant 4 : i32
    %xor3A_22 = vector.broadcast %xor3A_21 : i32 to vector<16xi32>
    %xor3A_23 = arith.xori %iota3A, %xor3A_22 : vector<16xi32>
    %xor3A_24 = arith.constant 2 : i32
    %xor3A_25 = vector.broadcast %xor3A_24 : i32 to vector<16xi32>
    %xor3A_26 = arith.xori %iota3A, %xor3A_25 : vector<16xi32>
    %xor3A_27 = arith.constant 1 : i32
    %xor3A_28 = vector.broadcast %xor3A_27 : i32 to vector<16xi32>
    %xor3A_29 = arith.xori %iota3A, %xor3A_28 : vector<16xi32>
    %lt3A = arith.constant 4 : i32
    %lt3A_30 = vector.broadcast %lt3A : i32 to vector<16xi32>
    %lt3A_31 = arith.cmpi slt, %iota3A, %lt3A_30 : vector<16xi32>
    %lt3A_32 = arith.constant 8 : i32
    %lt3A_33 = vector.broadcast %lt3A_32 : i32 to vector<16xi32>
    %lt3A_34 = arith.cmpi slt, %iota3A, %lt3A_33 : vector<16xi32>
    %lt3A_35 = arith.constant 12 : i32
    %lt3A_36 = vector.broadcast %lt3A_35 : i32 to vector<16xi32>
    %lt3A_37 = arith.cmpi slt, %iota3A, %lt3A_36 : vector<16xi32>
    %mul3A_38 = arith.constant 0 : i32
    %mul3A_39 = vector.broadcast %mul3A_38 : i32 to vector<16xi32>
    %mul3A_40 = arith.muli %iota3A, %mul3A_39 : vector<16xi32>
    %add3A_41 = arith.constant 0 : i32
    %add3A_42 = vector.broadcast %add3A_41 : i32 to vector<16xi32>
    %add3A_43 = arith.addi %mul3A_40, %add3A_42 : vector<16xi32>
    %mul3A_44 = arith.constant 0 : i32
    %mul3A_45 = vector.broadcast %mul3A_44 : i32 to vector<16xi32>
    %mul3A_46 = arith.muli %iota3A, %mul3A_45 : vector<16xi32>
    %add3A_47 = arith.constant 4 : i32
    %add3A_48 = vector.broadcast %add3A_47 : i32 to vector<16xi32>
    %add3A_49 = arith.addi %mul3A_46, %add3A_48 : vector<16xi32>
    %mul3A_50 = arith.constant 0 : i32
    %mul3A_51 = vector.broadcast %mul3A_50 : i32 to vector<16xi32>
    %mul3A_52 = arith.muli %iota3A, %mul3A_51 : vector<16xi32>
    %add3A_53 = arith.constant 8 : i32
    %add3A_54 = vector.broadcast %add3A_53 : i32 to vector<16xi32>
    %add3A_55 = arith.addi %mul3A_52, %add3A_54 : vector<16xi32>
    %mul3A_56 = arith.constant 0 : i32
    %mul3A_57 = vector.broadcast %mul3A_56 : i32 to vector<16xi32>
    %mul3A_58 = arith.muli %iota3A, %mul3A_57 : vector<16xi32>
    %add3A_59 = arith.constant 12 : i32
    %add3A_60 = vector.broadcast %add3A_59 : i32 to vector<16xi32>
    %add3A_61 = arith.addi %mul3A_58, %add3A_60 : vector<16xi32>
    %and3A = arith.constant 3 : i32
    %and3A_62 = vector.broadcast %and3A : i32 to vector<16xi32>
    %and3A_63 = arith.andi %iota3A, %and3A_62 : vector<16xi32>
    %mul3A_64 = arith.constant 4 : i32
    %mul3A_65 = vector.broadcast %mul3A_64 : i32 to vector<16xi32>
    %mul3A_66 = arith.muli %and3A_63, %mul3A_65 : vector<16xi32>
    %dma_start3A = arith.constant 0 : i32
    %dma_start3A_67 = tpu.memref_slice %arg2[%add3A, %dma_start3A] : memref<32x10368xi32, #tpu.memory_space<hbm>> -> memref<1x128xi32, #tpu.memory_space<hbm>>
    %dma_start3A_68 = tpu.memref_squeeze %dma_start3A_67 : memref<1x128xi32, #tpu.memory_space<hbm>> -> memref<128xi32, #tpu.memory_space<hbm>>
    %dma_start3A_69 = arith.constant 0 : i32
    %dma_start3A_70 = tpu.memref_slice %arg2[%add3A, %dma_start3A_69] : memref<32x10368xi32, #tpu.memory_space<hbm>> -> memref<1x128xi32, #tpu.memory_space<hbm>>
    %dma_start3A_71 = tpu.memref_squeeze %dma_start3A_70 : memref<1x128xi32, #tpu.memory_space<hbm>> -> memref<128xi32, #tpu.memory_space<hbm>>
    tpu.enqueue_dma source(%dma_start3A_71 : memref<128xi32, #tpu.memory_space<hbm>>) target(%arg9 : memref<128xi32, #tpu.memory_space<vmem>>) target_semaphore(%arg35 : memref<!tpu.dma_semaphore, #tpu.memory_space<semaphore_mem>>)
    %dma_start3A_72 = arith.constant 0 : i32
    %dma_start3A_73 = tpu.memref_slice %arg3[%add3A, %dma_start3A_72] : memref<32x10368xi32, #tpu.memory_space<hbm>> -> memref<1x128xi32, #tpu.memory_space<hbm>>
    %dma_start3A_74 = tpu.memref_squeeze %dma_start3A_73 : memref<1x128xi32, #tpu.memory_space<hbm>> -> memref<128xi32, #tpu.memory_space<hbm>>
    %dma_start3A_75 = arith.constant 0 : i32
    %dma_start3A_76 = tpu.memref_slice %arg3[%add3A, %dma_start3A_75] : memref<32x10368xi32, #tpu.memory_space<hbm>> -> memref<1x128xi32, #tpu.memory_space<hbm>>
    %dma_start3A_77 = tpu.memref_squeeze %dma_start3A_76 : memref<1x128xi32, #tpu.memory_space<hbm>> -> memref<128xi32, #tpu.memory_space<hbm>>
    tpu.enqueue_dma source(%dma_start3A_77 : memref<128xi32, #tpu.memory_space<hbm>>) target(%arg10 : memref<128xi32, #tpu.memory_space<vmem>>) target_semaphore(%arg35 : memref<!tpu.dma_semaphore, #tpu.memory_space<semaphore_mem>>)
    %dma_start3A_78 = arith.constant 0 : i32
    %dma_start3A_79 = tpu.memref_slice %arg3[%add3A, %dma_start3A_78] : memref<32x10368xi32, #tpu.memory_space<hbm>> -> memref<1x128xi32, #tpu.memory_space<hbm>>
    %dma_start3A_80 = tpu.memref_squeeze %dma_start3A_79 : memref<1x128xi32, #tpu.memory_space<hbm>> -> memref<128xi32, #tpu.memory_space<hbm>>
    %dma_start3A_81 = arith.constant 0 : i32
    %dma_start3A_82 = tpu.memref_slice %arg3[%add3A, %dma_start3A_81] : memref<32x10368xi32, #tpu.memory_space<hbm>> -> memref<1x128xi32, #tpu.memory_space<hbm>>
    %dma_start3A_83 = tpu.memref_squeeze %dma_start3A_82 : memref<1x128xi32, #tpu.memory_space<hbm>> -> memref<128xi32, #tpu.memory_space<hbm>>
    tpu.enqueue_dma source(%dma_start3A_83 : memref<128xi32, #tpu.memory_space<hbm>>) target(%arg11 : memref<128xi32, #tpu.memory_space<vmem>>) target_semaphore(%arg35 : memref<!tpu.dma_semaphore, #tpu.memory_space<semaphore_mem>>)
    %dma_wait3A = arith.constant 0 : i32
    %dma_wait3A_84 = tpu.memref_slice %arg2[%add3A, %dma_wait3A] : memref<32x10368xi32, #tpu.memory_space<hbm>> -> memref<1x128xi32, #tpu.memory_space<hbm>>
    %dma_wait3A_85 = tpu.memref_squeeze %dma_wait3A_84 : memref<1x128xi32, #tpu.memory_space<hbm>> -> memref<128xi32, #tpu.memory_space<hbm>>
    %dma_wait3A_86 = arith.constant 0 : i32
    %dma_wait3A_87 = tpu.memref_slice %arg2[%add3A, %dma_wait3A_86] : memref<32x10368xi32, #tpu.memory_space<hbm>> -> memref<1x128xi32, #tpu.memory_space<hbm>>
    %dma_wait3A_88 = tpu.memref_squeeze %dma_wait3A_87 : memref<1x128xi32, #tpu.memory_space<hbm>> -> memref<128xi32, #tpu.memory_space<hbm>>
    tpu.wait_dma2 semaphore(%arg35 : memref<!tpu.dma_semaphore, #tpu.memory_space<semaphore_mem>>) src(%dma_wait3A_88 : memref<128xi32, #tpu.memory_space<hbm>>) dst(%arg9 : memref<128xi32, #tpu.memory_space<vmem>>)
    %dma_wait3A_89 = arith.constant 0 : i32
    %dma_wait3A_90 = tpu.memref_slice %arg3[%add3A, %dma_wait3A_89] : memref<32x10368xi32, #tpu.memory_space<hbm>> -> memref<1x128xi32, #tpu.memory_space<hbm>>
    %dma_wait3A_91 = tpu.memref_squeeze %dma_wait3A_90 : memref<1x128xi32, #tpu.memory_space<hbm>> -> memref<128xi32, #tpu.memory_space<hbm>>
    %dma_wait3A_92 = arith.constant 0 : i32
    %dma_wait3A_93 = tpu.memref_slice %arg3[%add3A, %dma_wait3A_92] : memref<32x10368xi32, #tpu.memory_space<hbm>> -> memref<1x128xi32, #tpu.memory_space<hbm>>
    %dma_wait3A_94 = tpu.memref_squeeze %dma_wait3A_93 : memref<1x128xi32, #tpu.memory_space<hbm>> -> memref<128xi32, #tpu.memory_space<hbm>>
    tpu.wait_dma2 semaphore(%arg35 : memref<!tpu.dma_semaphore, #tpu.memory_space<semaphore_mem>>) src(%dma_wait3A_94 : memref<128xi32, #tpu.memory_space<hbm>>) dst(%arg10 : memref<128xi32, #tpu.memory_space<vmem>>)
    %dma_wait3A_95 = arith.constant 0 : i32
    %dma_wait3A_96 = tpu.memref_slice %arg3[%add3A, %dma_wait3A_95] : memref<32x10368xi32, #tpu.memory_space<hbm>> -> memref<1x128xi32, #tpu.memory_space<hbm>>
    %dma_wait3A_97 = tpu.memref_squeeze %dma_wait3A_96 : memref<1x128xi32, #tpu.memory_space<hbm>> -> memref<128xi32, #tpu.memory_space<hbm>>
    %dma_wait3A_98 = arith.constant 0 : i32
    %dma_wait3A_99 = tpu.memref_slice %arg3[%add3A, %dma_wait3A_98] : memref<32x10368xi32, #tpu.memory_space<hbm>> -> memref<1x128xi32, #tpu.memory_space<hbm>>
    %dma_wait3A_100 = tpu.memref_squeeze %dma_wait3A_99 : memref<1x128xi32, #tpu.memory_space<hbm>> -> memref<128xi32, #tpu.memory_space<hbm>>
    tpu.wait_dma2 semaphore(%arg35 : memref<!tpu.dma_semaphore, #tpu.memory_space<semaphore_mem>>) src(%dma_wait3A_100 : memref<128xi32, #tpu.memory_space<hbm>>) dst(%arg11 : memref<128xi32, #tpu.memory_space<vmem>>)
    %dma_start3A_101 = arith.constant 0 : i32
    %dma_start3A_102 = arith.constant 0 : i32
    %dma_start3A_103 = tpu.memref_slice %arg4[%dma_start3A_101, %dma_start3A_102] : memref<10240x64xbf16, #tpu.memory_space<hbm>> -> memref<10240x64xbf16, #tpu.memory_space<hbm>>
    tpu.enqueue_indirect_dma source(%dma_start3A_103 : memref<10240x64xbf16, #tpu.memory_space<hbm>>) target(%arg12 : memref<128x64xbf16, #tpu.memory_space<vmem>>) offsets(%arg9 : memref<128xi32, #tpu.memory_space<vmem>>) semaphore(%arg29 : memref<!tpu.dma_semaphore, #tpu.memory_space<semaphore_mem>>)
    %dma_start3A_104 = arith.constant 0 : i32
    %dma_start3A_105 = arith.constant 0 : i32
    %dma_start3A_106 = tpu.memref_slice %arg5[%dma_start3A_104, %dma_start3A_105] : memref<10240x64xbf16, #tpu.memory_space<hbm>> -> memref<10240x64xbf16, #tpu.memory_space<hbm>>
    tpu.enqueue_indirect_dma source(%dma_start3A_106 : memref<10240x64xbf16, #tpu.memory_space<hbm>>) target(%arg13 : memref<128x64xbf16, #tpu.memory_space<vmem>>) offsets(%arg10 : memref<128xi32, #tpu.memory_space<vmem>>) semaphore(%arg29 : memref<!tpu.dma_semaphore, #tpu.memory_space<semaphore_mem>>)
    %dma_start3A_107 = arith.constant 128 : i32
    %dma_start3A_108 = tpu.memref_slice %arg2[%add3A, %dma_start3A_107] : memref<32x10368xi32, #tpu.memory_space<hbm>> -> memref<1x128xi32, #tpu.memory_space<hbm>>
    %dma_start3A_109 = tpu.memref_squeeze %dma_start3A_108 : memref<1x128xi32, #tpu.memory_space<hbm>> -> memref<128xi32, #tpu.memory_space<hbm>>
    %dma_start3A_110 = arith.constant 128 : i32
    %dma_start3A_111 = tpu.memref_slice %arg2[%add3A, %dma_start3A_110] : memref<32x10368xi32, #tpu.memory_space<hbm>> -> memref<1x128xi32, #tpu.memory_space<hbm>>
    %dma_start3A_112 = tpu.memref_squeeze %dma_start3A_111 : memref<1x128xi32, #tpu.memory_space<hbm>> -> memref<128xi32, #tpu.memory_space<hbm>>
    tpu.enqueue_dma source(%dma_start3A_112 : memref<128xi32, #tpu.memory_space<hbm>>) target(%arg15 : memref<128xi32, #tpu.memory_space<vmem>>) target_semaphore(%arg35 : memref<!tpu.dma_semaphore, #tpu.memory_space<semaphore_mem>>)
    %dma_start3A_113 = arith.constant 128 : i32
    %dma_start3A_114 = tpu.memref_slice %arg3[%add3A, %dma_start3A_113] : memref<32x10368xi32, #tpu.memory_space<hbm>> -> memref<1x128xi32, #tpu.memory_space<hbm>>
    %dma_start3A_115 = tpu.memref_squeeze %dma_start3A_114 : memref<1x128xi32, #tpu.memory_space<hbm>> -> memref<128xi32, #tpu.memory_space<hbm>>
    %dma_start3A_116 = arith.constant 128 : i32
    %dma_start3A_117 = tpu.memref_slice %arg3[%add3A, %dma_start3A_116] : memref<32x10368xi32, #tpu.memory_space<hbm>> -> memref<1x128xi32, #tpu.memory_space<hbm>>
    %dma_start3A_118 = tpu.memref_squeeze %dma_start3A_117 : memref<1x128xi32, #tpu.memory_space<hbm>> -> memref<128xi32, #tpu.memory_space<hbm>>
    tpu.enqueue_dma source(%dma_start3A_118 : memref<128xi32, #tpu.memory_space<hbm>>) target(%arg16 : memref<128xi32, #tpu.memory_space<vmem>>) target_semaphore(%arg35 : memref<!tpu.dma_semaphore, #tpu.memory_space<semaphore_mem>>)
    %dma_start3A_119 = arith.constant 128 : i32
    %dma_start3A_120 = tpu.memref_slice %arg3[%add3A, %dma_start3A_119] : memref<32x10368xi32, #tpu.memory_space<hbm>> -> memref<1x128xi32, #tpu.memory_space<hbm>>
    %dma_start3A_121 = tpu.memref_squeeze %dma_start3A_120 : memref<1x128xi32, #tpu.memory_space<hbm>> -> memref<128xi32, #tpu.memory_space<hbm>>
    %dma_start3A_122 = arith.constant 128 : i32
    %dma_start3A_123 = tpu.memref_slice %arg3[%add3A, %dma_start3A_122] : memref<32x10368xi32, #tpu.memory_space<hbm>> -> memref<1x128xi32, #tpu.memory_space<hbm>>
    %dma_start3A_124 = tpu.memref_squeeze %dma_start3A_123 : memref<1x128xi32, #tpu.memory_space<hbm>> -> memref<128xi32, #tpu.memory_space<hbm>>
    tpu.enqueue_dma source(%dma_start3A_124 : memref<128xi32, #tpu.memory_space<hbm>>) target(%arg17 : memref<128xi32, #tpu.memory_space<vmem>>) target_semaphore(%arg35 : memref<!tpu.dma_semaphore, #tpu.memory_space<semaphore_mem>>)
    %dma_wait3A_125 = arith.constant 128 : i32
    %dma_wait3A_126 = tpu.memref_slice %arg2[%add3A, %dma_wait3A_125] : memref<32x10368xi32, #tpu.memory_space<hbm>> -> memref<1x128xi32, #tpu.memory_space<hbm>>
    %dma_wait3A_127 = tpu.memref_squeeze %dma_wait3A_126 : memref<1x128xi32, #tpu.memory_space<hbm>> -> memref<128xi32, #tpu.memory_space<hbm>>
    %dma_wait3A_128 = arith.constant 128 : i32
    %dma_wait3A_129 = tpu.memref_slice %arg2[%add3A, %dma_wait3A_128] : memref<32x10368xi32, #tpu.memory_space<hbm>> -> memref<1x128xi32, #tpu.memory_space<hbm>>
    %dma_wait3A_130 = tpu.memref_squeeze %dma_wait3A_129 : memref<1x128xi32, #tpu.memory_space<hbm>> -> memref<128xi32, #tpu.memory_space<hbm>>
    tpu.wait_dma2 semaphore(%arg35 : memref<!tpu.dma_semaphore, #tpu.memory_space<semaphore_mem>>) src(%dma_wait3A_130 : memref<128xi32, #tpu.memory_space<hbm>>) dst(%arg15 : memref<128xi32, #tpu.memory_space<vmem>>)
    %dma_wait3A_131 = arith.constant 128 : i32
    %dma_wait3A_132 = tpu.memref_slice %arg3[%add3A, %dma_wait3A_131] : memref<32x10368xi32, #tpu.memory_space<hbm>> -> memref<1x128xi32, #tpu.memory_space<hbm>>
    %dma_wait3A_133 = tpu.memref_squeeze %dma_wait3A_132 : memref<1x128xi32, #tpu.memory_space<hbm>> -> memref<128xi32, #tpu.memory_space<hbm>>
    %dma_wait3A_134 = arith.constant 128 : i32
    %dma_wait3A_135 = tpu.memref_slice %arg3[%add3A, %dma_wait3A_134] : memref<32x10368xi32, #tpu.memory_space<hbm>> -> memref<1x128xi32, #tpu.memory_space<hbm>>
    %dma_wait3A_136 = tpu.memref_squeeze %dma_wait3A_135 : memref<1x128xi32, #tpu.memory_space<hbm>> -> memref<128xi32, #tpu.memory_space<hbm>>
    tpu.wait_dma2 semaphore(%arg35 : memref<!tpu.dma_semaphore, #tpu.memory_space<semaphore_mem>>) src(%dma_wait3A_136 : memref<128xi32, #tpu.memory_space<hbm>>) dst(%arg16 : memref<128xi32, #tpu.memory_space<vmem>>)
    %dma_wait3A_137 = arith.constant 128 : i32
    %dma_wait3A_138 = tpu.memref_slice %arg3[%add3A, %dma_wait3A_137] : memref<32x10368xi32, #tpu.memory_space<hbm>> -> memref<1x128xi32, #tpu.memory_space<hbm>>
    %dma_wait3A_139 = tpu.memref_squeeze %dma_wait3A_138 : memref<1x128xi32, #tpu.memory_space<hbm>> -> memref<128xi32, #tpu.memory_space<hbm>>
    %dma_wait3A_140 = arith.constant 128 : i32
    %dma_wait3A_141 = tpu.memref_slice %arg3[%add3A, %dma_wait3A_140] : memref<32x10368xi32, #tpu.memory_space<hbm>> -> memref<1x128xi32, #tpu.memory_space<hbm>>
    %dma_wait3A_142 = tpu.memref_squeeze %dma_wait3A_141 : memref<1x128xi32, #tpu.memory_space<hbm>> -> memref<128xi32, #tpu.memory_space<hbm>>
    tpu.wait_dma2 semaphore(%arg35 : memref<!tpu.dma_semaphore, #tpu.memory_space<semaphore_mem>>) src(%dma_wait3A_142 : memref<128xi32, #tpu.memory_space<hbm>>) dst(%arg17 : memref<128xi32, #tpu.memory_space<vmem>>)
    %dma_start3A_143 = arith.constant 0 : i32
    %dma_start3A_144 = arith.constant 0 : i32
    %dma_start3A_145 = tpu.memref_slice %arg4[%dma_start3A_143, %dma_start3A_144] : memref<10240x64xbf16, #tpu.memory_space<hbm>> -> memref<10240x64xbf16, #tpu.memory_space<hbm>>
    tpu.enqueue_indirect_dma source(%dma_start3A_145 : memref<10240x64xbf16, #tpu.memory_space<hbm>>) target(%arg18 : memref<128x64xbf16, #tpu.memory_space<vmem>>) offsets(%arg15 : memref<128xi32, #tpu.memory_space<vmem>>) semaphore(%arg30 : memref<!tpu.dma_semaphore, #tpu.memory_space<semaphore_mem>>)
    %dma_start3A_146 = arith.constant 0 : i32
    %dma_start3A_147 = arith.constant 0 : i32
    %dma_start3A_148 = tpu.memref_slice %arg5[%dma_start3A_146, %dma_start3A_147] : memref<10240x64xbf16, #tpu.memory_space<hbm>> -> memref<10240x64xbf16, #tpu.memory_space<hbm>>
    tpu.enqueue_indirect_dma source(%dma_start3A_148 : memref<10240x64xbf16, #tpu.memory_space<hbm>>) target(%arg19 : memref<128x64xbf16, #tpu.memory_space<vmem>>) offsets(%arg16 : memref<128xi32, #tpu.memory_space<vmem>>) semaphore(%arg30 : memref<!tpu.dma_semaphore, #tpu.memory_space<semaphore_mem>>)
    %dma_start3A_149 = arith.constant 256 : i32
    %dma_start3A_150 = tpu.memref_slice %arg2[%add3A, %dma_start3A_149] : memref<32x10368xi32, #tpu.memory_space<hbm>> -> memref<1x128xi32, #tpu.memory_space<hbm>>
    %dma_start3A_151 = tpu.memref_squeeze %dma_start3A_150 : memref<1x128xi32, #tpu.memory_space<hbm>> -> memref<128xi32, #tpu.memory_space<hbm>>
    %dma_start3A_152 = arith.constant 256 : i32
    %dma_start3A_153 = tpu.memref_slice %arg2[%add3A, %dma_start3A_152] : memref<32x10368xi32, #tpu.memory_space<hbm>> -> memref<1x128xi32, #tpu.memory_space<hbm>>
    %dma_start3A_154 = tpu.memref_squeeze %dma_start3A_153 : memref<1x128xi32, #tpu.memory_space<hbm>> -> memref<128xi32, #tpu.memory_space<hbm>>
    tpu.enqueue_dma source(%dma_start3A_154 : memref<128xi32, #tpu.memory_space<hbm>>) target(%arg21 : memref<128xi32, #tpu.memory_space<vmem>>) target_semaphore(%arg35 : memref<!tpu.dma_semaphore, #tpu.memory_space<semaphore_mem>>)
    %dma_start3A_155 = arith.constant 256 : i32
    %dma_start3A_156 = tpu.memref_slice %arg3[%add3A, %dma_start3A_155] : memref<32x10368xi32, #tpu.memory_space<hbm>> -> memref<1x128xi32, #tpu.memory_space<hbm>>
    %dma_start3A_157 = tpu.memref_squeeze %dma_start3A_156 : memref<1x128xi32, #tpu.memory_space<hbm>> -> memref<128xi32, #tpu.memory_space<hbm>>
    %dma_start3A_158 = arith.constant 256 : i32
    %dma_start3A_159 = tpu.memref_slice %arg3[%add3A, %dma_start3A_158] : memref<32x10368xi32, #tpu.memory_space<hbm>> -> memref<1x128xi32, #tpu.memory_space<hbm>>
    %dma_start3A_160 = tpu.memref_squeeze %dma_start3A_159 : memref<1x128xi32, #tpu.memory_space<hbm>> -> memref<128xi32, #tpu.memory_space<hbm>>
    tpu.enqueue_dma source(%dma_start3A_160 : memref<128xi32, #tpu.memory_space<hbm>>) target(%arg22 : memref<128xi32, #tpu.memory_space<vmem>>) target_semaphore(%arg35 : memref<!tpu.dma_semaphore, #tpu.memory_space<semaphore_mem>>)
    %dma_start3A_161 = arith.constant 256 : i32
    %dma_start3A_162 = tpu.memref_slice %arg3[%add3A, %dma_start3A_161] : memref<32x10368xi32, #tpu.memory_space<hbm>> -> memref<1x128xi32, #tpu.memory_space<hbm>>
    %dma_start3A_163 = tpu.memref_squeeze %dma_start3A_162 : memref<1x128xi32, #tpu.memory_space<hbm>> -> memref<128xi32, #tpu.memory_space<hbm>>
    %dma_start3A_164 = arith.constant 256 : i32
    %dma_start3A_165 = tpu.memref_slice %arg3[%add3A, %dma_start3A_164] : memref<32x10368xi32, #tpu.memory_space<hbm>> -> memref<1x128xi32, #tpu.memory_space<hbm>>
    %dma_start3A_166 = tpu.memref_squeeze %dma_start3A_165 : memref<1x128xi32, #tpu.memory_space<hbm>> -> memref<128xi32, #tpu.memory_space<hbm>>
    tpu.enqueue_dma source(%dma_start3A_166 : memref<128xi32, #tpu.memory_space<hbm>>) target(%arg23 : memref<128xi32, #tpu.memory_space<vmem>>) target_semaphore(%arg35 : memref<!tpu.dma_semaphore, #tpu.memory_space<semaphore_mem>>)
    %dma_wait3A_167 = arith.constant 256 : i32
    %dma_wait3A_168 = tpu.memref_slice %arg2[%add3A, %dma_wait3A_167] : memref<32x10368xi32, #tpu.memory_space<hbm>> -> memref<1x128xi32, #tpu.memory_space<hbm>>
    %dma_wait3A_169 = tpu.memref_squeeze %dma_wait3A_168 : memref<1x128xi32, #tpu.memory_space<hbm>> -> memref<128xi32, #tpu.memory_space<hbm>>
    %dma_wait3A_170 = arith.constant 256 : i32
    %dma_wait3A_171 = tpu.memref_slice %arg2[%add3A, %dma_wait3A_170] : memref<32x10368xi32, #tpu.memory_space<hbm>> -> memref<1x128xi32, #tpu.memory_space<hbm>>
    %dma_wait3A_172 = tpu.memref_squeeze %dma_wait3A_171 : memref<1x128xi32, #tpu.memory_space<hbm>> -> memref<128xi32, #tpu.memory_space<hbm>>
    tpu.wait_dma2 semaphore(%arg35 : memref<!tpu.dma_semaphore, #tpu.memory_space<semaphore_mem>>) src(%dma_wait3A_172 : memref<128xi32, #tpu.memory_space<hbm>>) dst(%arg21 : memref<128xi32, #tpu.memory_space<vmem>>)
    %dma_wait3A_173 = arith.constant 256 : i32
    %dma_wait3A_174 = tpu.memref_slice %arg3[%add3A, %dma_wait3A_173] : memref<32x10368xi32, #tpu.memory_space<hbm>> -> memref<1x128xi32, #tpu.memory_space<hbm>>
    %dma_wait3A_175 = tpu.memref_squeeze %dma_wait3A_174 : memref<1x128xi32, #tpu.memory_space<hbm>> -> memref<128xi32, #tpu.memory_space<hbm>>
    %dma_wait3A_176 = arith.constant 256 : i32
    %dma_wait3A_177 = tpu.memref_slice %arg3[%add3A, %dma_wait3A_176] : memref<32x10368xi32, #tpu.memory_space<hbm>> -> memref<1x128xi32, #tpu.memory_space<hbm>>
    %dma_wait3A_178 = tpu.memref_squeeze %dma_wait3A_177 : memref<1x128xi32, #tpu.memory_space<hbm>> -> memref<128xi32, #tpu.memory_space<hbm>>
    tpu.wait_dma2 semaphore(%arg35 : memref<!tpu.dma_semaphore, #tpu.memory_space<semaphore_mem>>) src(%dma_wait3A_178 : memref<128xi32, #tpu.memory_space<hbm>>) dst(%arg22 : memref<128xi32, #tpu.memory_space<vmem>>)
    %dma_wait3A_179 = arith.constant 256 : i32
    %dma_wait3A_180 = tpu.memref_slice %arg3[%add3A, %dma_wait3A_179] : memref<32x10368xi32, #tpu.memory_space<hbm>> -> memref<1x128xi32, #tpu.memory_space<hbm>>
    %dma_wait3A_181 = tpu.memref_squeeze %dma_wait3A_180 : memref<1x128xi32, #tpu.memory_space<hbm>> -> memref<128xi32, #tpu.memory_space<hbm>>
    %dma_wait3A_182 = arith.constant 256 : i32
    %dma_wait3A_183 = tpu.memref_slice %arg3[%add3A, %dma_wait3A_182] : memref<32x10368xi32, #tpu.memory_space<hbm>> -> memref<1x128xi32, #tpu.memory_space<hbm>>
    %dma_wait3A_184 = tpu.memref_squeeze %dma_wait3A_183 : memref<1x128xi32, #tpu.memory_space<hbm>> -> memref<128xi32, #tpu.memory_space<hbm>>
    tpu.wait_dma2 semaphore(%arg35 : memref<!tpu.dma_semaphore, #tpu.memory_space<semaphore_mem>>) src(%dma_wait3A_184 : memref<128xi32, #tpu.memory_space<hbm>>) dst(%arg23 : memref<128xi32, #tpu.memory_space<vmem>>)
    %dma_start3A_185 = arith.constant 0 : i32
    %dma_start3A_186 = arith.constant 0 : i32
    %dma_start3A_187 = tpu.memref_slice %arg4[%dma_start3A_185, %dma_start3A_186] : memref<10240x64xbf16, #tpu.memory_space<hbm>> -> memref<10240x64xbf16, #tpu.memory_space<hbm>>
    tpu.enqueue_indirect_dma source(%dma_start3A_187 : memref<10240x64xbf16, #tpu.memory_space<hbm>>) target(%arg24 : memref<128x64xbf16, #tpu.memory_space<vmem>>) offsets(%arg21 : memref<128xi32, #tpu.memory_space<vmem>>) semaphore(%arg31 : memref<!tpu.dma_semaphore, #tpu.memory_space<semaphore_mem>>)
    %dma_start3A_188 = arith.constant 0 : i32
    %dma_start3A_189 = arith.constant 0 : i32
    %dma_start3A_190 = tpu.memref_slice %arg5[%dma_start3A_188, %dma_start3A_189] : memref<10240x64xbf16, #tpu.memory_space<hbm>> -> memref<10240x64xbf16, #tpu.memory_space<hbm>>
    tpu.enqueue_indirect_dma source(%dma_start3A_190 : memref<10240x64xbf16, #tpu.memory_space<hbm>>) target(%arg25 : memref<128x64xbf16, #tpu.memory_space<vmem>>) offsets(%arg22 : memref<128xi32, #tpu.memory_space<vmem>>) semaphore(%arg31 : memref<!tpu.dma_semaphore, #tpu.memory_space<semaphore_mem>>)
    %scan3A = arith.constant 0 : i32
    %scan3A_191 = arith.constant 0 : i32
    %scan3A_192 = arith.constant 27 : i32
    %scan3A_193 = arith.addi %scan3A_191, %scan3A_192 : i32
    %scan3A_194 = arith.constant 1 : i32
    scf.for %scan3A_210 = %scan3A_191 to %scan3A_193 step %scan3A_194  : i32 {
      %dma_wait3A_211 = arith.constant 0 : i32
      %dma_wait3A_212 = arith.constant 0 : i32
      %dma_wait3A_213 = tpu.memref_slice %arg4[%dma_wait3A_211, %dma_wait3A_212] : memref<10240x64xbf16, #tpu.memory_space<hbm>> -> memref<10240x64xbf16, #tpu.memory_space<hbm>>
      tpu.wait_indirect_dma semaphore(%arg29 : memref<!tpu.dma_semaphore, #tpu.memory_space<semaphore_mem>>) src(%dma_wait3A_213 : memref<10240x64xbf16, #tpu.memory_space<hbm>>) dst(%arg12 : memref<128x64xbf16, #tpu.memory_space<vmem>>)
      %dma_wait3A_214 = arith.constant 0 : i32
      %dma_wait3A_215 = arith.constant 0 : i32
      %dma_wait3A_216 = tpu.memref_slice %arg5[%dma_wait3A_214, %dma_wait3A_215] : memref<10240x64xbf16, #tpu.memory_space<hbm>> -> memref<10240x64xbf16, #tpu.memory_space<hbm>>
      tpu.wait_indirect_dma semaphore(%arg29 : memref<!tpu.dma_semaphore, #tpu.memory_space<semaphore_mem>>) src(%dma_wait3A_216 : memref<10240x64xbf16, #tpu.memory_space<hbm>>) dst(%arg13 : memref<128x64xbf16, #tpu.memory_space<vmem>>)
      %gt3A = arith.constant 0 : i32
      %gt3A_217 = arith.cmpi sgt, %scan3A_210, %gt3A : i32
      %convert_element_type3A = arith.extui %gt3A_217 : i1 to i32
      %cond3A = arith.constant 0 : i32
      %cond3A_218 = arith.cmpi ne, %convert_element_type3A, %cond3A : i32
      scf.if %cond3A_218 {
        %dma_wait3A_273 = arith.constant 0 : i32
        %dma_wait3A_274 = arith.constant 0 : i32
        %dma_wait3A_275 = tpu.memref_slice %arg27[%dma_wait3A_273, %dma_wait3A_274] : memref<10240x80xf32, #tpu.memory_space<vmem_shared>> -> memref<10240x80xf32, #tpu.memory_space<vmem_shared>>
        tpu.wait_indirect_dma semaphore(%arg32 : memref<!tpu.dma_semaphore, #tpu.memory_space<semaphore_mem>>) src(%arg14 : memref<128x80xf32, #tpu.memory_space<vmem>>) dst(%dma_wait3A_275 : memref<10240x80xf32, #tpu.memory_space<vmem_shared>>)
      } else {
      }
      %parallel_loop3A = arith.constant 0 : i32
      %parallel_loop3A_219 = arith.constant 128 : i32
      %parallel_loop3A_220 = arith.constant 1 : i32
      scf.for %parallel_loop3A_273 = %parallel_loop3A to %parallel_loop3A_219 step %parallel_loop3A_220  : i32 {
        %parallel_loop3A_274 = arith.index_cast %parallel_loop3A_273 : i32 to index
        %parallel_loop3A_275 = arith.constant 0 : index
        %parallel_loop3A_276 = tpu.vector_load %arg12[%parallel_loop3A_274, %parallel_loop3A_275] {strides = array<i32>} : memref<128x64xbf16, #tpu.memory_space<vmem>>, vector<32xbf16>,
        %parallel_loop3A_277 = tpu.unpack_subelements %parallel_loop3A_276, 0 {pack_format = #tpu.pack_format<interleaved>} : vector<32xbf16> -> vector<16xf32>
        %parallel_loop3A_278 = tpu.unpack_subelements %parallel_loop3A_276, 1 {pack_format = #tpu.pack_format<interleaved>} : vector<32xbf16> -> vector<16xf32>
        %parallel_loop3A_279 = arith.index_cast %parallel_loop3A_273 : i32 to index
        %parallel_loop3A_280 = arith.constant 0 : index
        %parallel_loop3A_281 = tpu.vector_load %arg13[%parallel_loop3A_279, %parallel_loop3A_280] {strides = array<i32>} : memref<128x64xbf16, #tpu.memory_space<vmem>>, vector<32xbf16>,
        %parallel_loop3A_282 = tpu.unpack_subelements %parallel_loop3A_281, 0 {pack_format = #tpu.pack_format<interleaved>} : vector<32xbf16> -> vector<16xf32>
        %parallel_loop3A_283 = tpu.unpack_subelements %parallel_loop3A_281, 1 {pack_format = #tpu.pack_format<interleaved>} : vector<32xbf16> -> vector<16xf32>
        %parallel_loop3A_284 = arith.index_cast %parallel_loop3A_273 : i32 to index
        %parallel_loop3A_285 = arith.constant 32 : index
        %parallel_loop3A_286 = tpu.vector_load %arg12[%parallel_loop3A_284, %parallel_loop3A_285] {strides = array<i32>} : memref<128x64xbf16, #tpu.memory_space<vmem>>, vector<32xbf16>,
        %parallel_loop3A_287 = tpu.unpack_subelements %parallel_loop3A_286, 0 {pack_format = #tpu.pack_format<interleaved>} : vector<32xbf16> -> vector<16xf32>
        %parallel_loop3A_288 = tpu.unpack_subelements %parallel_loop3A_286, 1 {pack_format = #tpu.pack_format<interleaved>} : vector<32xbf16> -> vector<16xf32>
        %parallel_loop3A_289 = arith.index_cast %parallel_loop3A_273 : i32 to index
        %parallel_loop3A_290 = arith.constant 32 : index
        %parallel_loop3A_291 = tpu.vector_load %arg13[%parallel_loop3A_289, %parallel_loop3A_290] {strides = array<i32>} : memref<128x64xbf16, #tpu.memory_space<vmem>>, vector<32xbf16>,
        %parallel_loop3A_292 = tpu.unpack_subelements %parallel_loop3A_291, 0 {pack_format = #tpu.pack_format<interleaved>} : vector<32xbf16> -> vector<16xf32>
        %parallel_loop3A_293 = tpu.unpack_subelements %parallel_loop3A_291, 1 {pack_format = #tpu.pack_format<interleaved>} : vector<32xbf16> -> vector<16xf32>
        %parallel_loop3A_294 = arith.addf %parallel_loop3A_277, %parallel_loop3A_282 : vector<16xf32>
        %parallel_loop3A_295 = arith.constant 2.000000e-01 : f32
        %parallel_loop3A_296 = vector.broadcast %parallel_loop3A_295 : f32 to vector<16xf32>
        %parallel_loop3A_297 = arith.mulf %parallel_loop3A_296, %parallel_loop3A_294 : vector<16xf32>
        %parallel_loop3A_298 = arith.maximumf %parallel_loop3A_294, %parallel_loop3A_297 : vector<16xf32>
        %parallel_loop3A_299 = arith.mulf %parallel_loop3A_298, %get3A_5 : vector<16xf32>
        %parallel_loop3A_300 = arith.constant 0 : i32
        %parallel_loop3A_301 = vector.broadcast %parallel_loop3A_300 : i32 to vector<16xi32>
        %parallel_loop3A_302 = arith.cmpi slt, %xor3A_20, %parallel_loop3A_301 : vector<16xi32>
        %parallel_loop3A_303 = arith.constant 16 : i32
        %parallel_loop3A_304 = vector.broadcast %parallel_loop3A_303 : i32 to vector<16xi32>
        %parallel_loop3A_305 = arith.addi %xor3A_20, %parallel_loop3A_304 : vector<16xi32>
        %parallel_loop3A_306 = arith.select %parallel_loop3A_302, %parallel_loop3A_305, %xor3A_20 : vector<16xi1>, vector<16xi32>
        %parallel_loop3A_307 = vector.shape_cast %parallel_loop3A_306 : vector<16xi32> to vector<16x1xi32>
        %parallel_loop3A_308 = vector.shape_cast %parallel_loop3A_307 : vector<16x1xi32> to vector<16xi32>
        %parallel_loop3A_309 = tpu.dynamic_gather %parallel_loop3A_299[%parallel_loop3A_308] in [0] : vector<16xf32>, vector<16xi32> -> vector<16xf32>
        %parallel_loop3A_310 = arith.addf %parallel_loop3A_299, %parallel_loop3A_309 : vector<16xf32>
        %parallel_loop3A_311 = arith.constant 0 : i32
        %parallel_loop3A_312 = vector.broadcast %parallel_loop3A_311 : i32 to vector<16xi32>
        %parallel_loop3A_313 = arith.cmpi slt, %xor3A_23, %parallel_loop3A_312 : vector<16xi32>
        %parallel_loop3A_314 = arith.constant 16 : i32
        %parallel_loop3A_315 = vector.broadcast %parallel_loop3A_314 : i32 to vector<16xi32>
        %parallel_loop3A_316 = arith.addi %xor3A_23, %parallel_loop3A_315 : vector<16xi32>
        %parallel_loop3A_317 = arith.select %parallel_loop3A_313, %parallel_loop3A_316, %xor3A_23 : vector<16xi1>, vector<16xi32>
        %parallel_loop3A_318 = vector.shape_cast %parallel_loop3A_317 : vector<16xi32> to vector<16x1xi32>
        %parallel_loop3A_319 = vector.shape_cast %parallel_loop3A_318 : vector<16x1xi32> to vector<16xi32>
        %parallel_loop3A_320 = tpu.dynamic_gather %parallel_loop3A_310[%parallel_loop3A_319] in [0] : vector<16xf32>, vector<16xi32> -> vector<16xf32>
        %parallel_loop3A_321 = arith.addf %parallel_loop3A_310, %parallel_loop3A_320 : vector<16xf32>
        %parallel_loop3A_322 = arith.addf %parallel_loop3A_278, %parallel_loop3A_283 : vector<16xf32>
        %parallel_loop3A_323 = arith.constant 2.000000e-01 : f32
        %parallel_loop3A_324 = vector.broadcast %parallel_loop3A_323 : f32 to vector<16xf32>
        %parallel_loop3A_325 = arith.mulf %parallel_loop3A_324, %parallel_loop3A_322 : vector<16xf32>
        %parallel_loop3A_326 = arith.maximumf %parallel_loop3A_322, %parallel_loop3A_325 : vector<16xf32>
        %parallel_loop3A_327 = arith.mulf %parallel_loop3A_326, %get3A_9 : vector<16xf32>
        %parallel_loop3A_328 = arith.constant 0 : i32
        %parallel_loop3A_329 = vector.broadcast %parallel_loop3A_328 : i32 to vector<16xi32>
        %parallel_loop3A_330 = arith.cmpi slt, %xor3A_20, %parallel_loop3A_329 : vector<16xi32>
        %parallel_loop3A_331 = arith.constant 16 : i32
        %parallel_loop3A_332 = vector.broadcast %parallel_loop3A_331 : i32 to vector<16xi32>
        %parallel_loop3A_333 = arith.addi %xor3A_20, %parallel_loop3A_332 : vector<16xi32>
        %parallel_loop3A_334 = arith.select %parallel_loop3A_330, %parallel_loop3A_333, %xor3A_20 : vector<16xi1>, vector<16xi32>
        %parallel_loop3A_335 = vector.shape_cast %parallel_loop3A_334 : vector<16xi32> to vector<16x1xi32>
        %parallel_loop3A_336 = vector.shape_cast %parallel_loop3A_335 : vector<16x1xi32> to vector<16xi32>
        %parallel_loop3A_337 = tpu.dynamic_gather %parallel_loop3A_327[%parallel_loop3A_336] in [0] : vector<16xf32>, vector<16xi32> -> vector<16xf32>
        %parallel_loop3A_338 = arith.addf %parallel_loop3A_327, %parallel_loop3A_337 : vector<16xf32>
        %parallel_loop3A_339 = arith.constant 0 : i32
        %parallel_loop3A_340 = vector.broadcast %parallel_loop3A_339 : i32 to vector<16xi32>
        %parallel_loop3A_341 = arith.cmpi slt, %xor3A_23, %parallel_loop3A_340 : vector<16xi32>
        %parallel_loop3A_342 = arith.constant 16 : i32
        %parallel_loop3A_343 = vector.broadcast %parallel_loop3A_342 : i32 to vector<16xi32>
        %parallel_loop3A_344 = arith.addi %xor3A_23, %parallel_loop3A_343 : vector<16xi32>
        %parallel_loop3A_345 = arith.select %parallel_loop3A_341, %parallel_loop3A_344, %xor3A_23 : vector<16xi1>, vector<16xi32>
        %parallel_loop3A_346 = vector.shape_cast %parallel_loop3A_345 : vector<16xi32> to vector<16x1xi32>
        %parallel_loop3A_347 = vector.shape_cast %parallel_loop3A_346 : vector<16x1xi32> to vector<16xi32>
        %parallel_loop3A_348 = tpu.dynamic_gather %parallel_loop3A_338[%parallel_loop3A_347] in [0] : vector<16xf32>, vector<16xi32> -> vector<16xf32>
        %parallel_loop3A_349 = arith.addf %parallel_loop3A_338, %parallel_loop3A_348 : vector<16xf32>
        %parallel_loop3A_350 = arith.addf %parallel_loop3A_287, %parallel_loop3A_292 : vector<16xf32>
        %parallel_loop3A_351 = arith.constant 2.000000e-01 : f32
        %parallel_loop3A_352 = vector.broadcast %parallel_loop3A_351 : f32 to vector<16xf32>
        %parallel_loop3A_353 = arith.mulf %parallel_loop3A_352, %parallel_loop3A_350 : vector<16xf32>
        %parallel_loop3A_354 = arith.maximumf %parallel_loop3A_350, %parallel_loop3A_353 : vector<16xf32>
        %parallel_loop3A_355 = arith.mulf %parallel_loop3A_354, %get3A_13 : vector<16xf32>
        %parallel_loop3A_356 = arith.constant 0 : i32
        %parallel_loop3A_357 = vector.broadcast %parallel_loop3A_356 : i32 to vector<16xi32>
        %parallel_loop3A_358 = arith.cmpi slt, %xor3A_20, %parallel_loop3A_357 : vector<16xi32>
        %parallel_loop3A_359 = arith.constant 16 : i32
        %parallel_loop3A_360 = vector.broadcast %parallel_loop3A_359 : i32 to vector<16xi32>
        %parallel_loop3A_361 = arith.addi %xor3A_20, %parallel_loop3A_360 : vector<16xi32>
        %parallel_loop3A_362 = arith.select %parallel_loop3A_358, %parallel_loop3A_361, %xor3A_20 : vector<16xi1>, vector<16xi32>
        %parallel_loop3A_363 = vector.shape_cast %parallel_loop3A_362 : vector<16xi32> to vector<16x1xi32>
        %parallel_loop3A_364 = vector.shape_cast %parallel_loop3A_363 : vector<16x1xi32> to vector<16xi32>
        %parallel_loop3A_365 = tpu.dynamic_gather %parallel_loop3A_355[%parallel_loop3A_364] in [0] : vector<16xf32>, vector<16xi32> -> vector<16xf32>
        %parallel_loop3A_366 = arith.addf %parallel_loop3A_355, %parallel_loop3A_365 : vector<16xf32>
        %parallel_loop3A_367 = arith.constant 0 : i32
        %parallel_loop3A_368 = vector.broadcast %parallel_loop3A_367 : i32 to vector<16xi32>
        %parallel_loop3A_369 = arith.cmpi slt, %xor3A_23, %parallel_loop3A_368 : vector<16xi32>
        %parallel_loop3A_370 = arith.constant 16 : i32
        %parallel_loop3A_371 = vector.broadcast %parallel_loop3A_370 : i32 to vector<16xi32>
        %parallel_loop3A_372 = arith.addi %xor3A_23, %parallel_loop3A_371 : vector<16xi32>
        %parallel_loop3A_373 = arith.select %parallel_loop3A_369, %parallel_loop3A_372, %xor3A_23 : vector<16xi1>, vector<16xi32>
        %parallel_loop3A_374 = vector.shape_cast %parallel_loop3A_373 : vector<16xi32> to vector<16x1xi32>
        %parallel_loop3A_375 = vector.shape_cast %parallel_loop3A_374 : vector<16x1xi32> to vector<16xi32>
        %parallel_loop3A_376 = tpu.dynamic_gather %parallel_loop3A_366[%parallel_loop3A_375] in [0] : vector<16xf32>, vector<16xi32> -> vector<16xf32>
        %parallel_loop3A_377 = arith.addf %parallel_loop3A_366, %parallel_loop3A_376 : vector<16xf32>
        %parallel_loop3A_378 = arith.addf %parallel_loop3A_288, %parallel_loop3A_293 : vector<16xf32>
        %parallel_loop3A_379 = arith.constant 2.000000e-01 : f32
        %parallel_loop3A_380 = vector.broadcast %parallel_loop3A_379 : f32 to vector<16xf32>
        %parallel_loop3A_381 = arith.mulf %parallel_loop3A_380, %parallel_loop3A_378 : vector<16xf32>
        %parallel_loop3A_382 = arith.maximumf %parallel_loop3A_378, %parallel_loop3A_381 : vector<16xf32>
        %parallel_loop3A_383 = arith.mulf %parallel_loop3A_382, %get3A_17 : vector<16xf32>
        %parallel_loop3A_384 = arith.constant 0 : i32
        %parallel_loop3A_385 = vector.broadcast %parallel_loop3A_384 : i32 to vector<16xi32>
        %parallel_loop3A_386 = arith.cmpi slt, %xor3A_20, %parallel_loop3A_385 : vector<16xi32>
        %parallel_loop3A_387 = arith.constant 16 : i32
        %parallel_loop3A_388 = vector.broadcast %parallel_loop3A_387 : i32 to vector<16xi32>
        %parallel_loop3A_389 = arith.addi %xor3A_20, %parallel_loop3A_388 : vector<16xi32>
        %parallel_loop3A_390 = arith.select %parallel_loop3A_386, %parallel_loop3A_389, %xor3A_20 : vector<16xi1>, vector<16xi32>
        %parallel_loop3A_391 = vector.shape_cast %parallel_loop3A_390 : vector<16xi32> to vector<16x1xi32>
        %parallel_loop3A_392 = vector.shape_cast %parallel_loop3A_391 : vector<16x1xi32> to vector<16xi32>
        %parallel_loop3A_393 = tpu.dynamic_gather %parallel_loop3A_383[%parallel_loop3A_392] in [0] : vector<16xf32>, vector<16xi32> -> vector<16xf32>
        %parallel_loop3A_394 = arith.addf %parallel_loop3A_383, %parallel_loop3A_393 : vector<16xf32>
        %parallel_loop3A_395 = arith.constant 0 : i32
        %parallel_loop3A_396 = vector.broadcast %parallel_loop3A_395 : i32 to vector<16xi32>
        %parallel_loop3A_397 = arith.cmpi slt, %xor3A_23, %parallel_loop3A_396 : vector<16xi32>
        %parallel_loop3A_398 = arith.constant 16 : i32
        %parallel_loop3A_399 = vector.broadcast %parallel_loop3A_398 : i32 to vector<16xi32>
        %parallel_loop3A_400 = arith.addi %xor3A_23, %parallel_loop3A_399 : vector<16xi32>
        %parallel_loop3A_401 = arith.select %parallel_loop3A_397, %parallel_loop3A_400, %xor3A_23 : vector<16xi1>, vector<16xi32>
        %parallel_loop3A_402 = vector.shape_cast %parallel_loop3A_401 : vector<16xi32> to vector<16x1xi32>
        %parallel_loop3A_403 = vector.shape_cast %parallel_loop3A_402 : vector<16x1xi32> to vector<16xi32>
        %parallel_loop3A_404 = tpu.dynamic_gather %parallel_loop3A_394[%parallel_loop3A_403] in [0] : vector<16xf32>, vector<16xi32> -> vector<16xf32>
        %parallel_loop3A_405 = arith.addf %parallel_loop3A_394, %parallel_loop3A_404 : vector<16xf32>
        %parallel_loop3A_406 = arith.select %lt3A_37, %parallel_loop3A_377, %parallel_loop3A_405 : vector<16xi1>, vector<16xf32>
        %parallel_loop3A_407 = arith.select %lt3A_34, %parallel_loop3A_349, %parallel_loop3A_406 : vector<16xi1>, vector<16xf32>
        %parallel_loop3A_408 = arith.select %lt3A_31, %parallel_loop3A_321, %parallel_loop3A_407 : vector<16xi1>, vector<16xf32>
        %parallel_loop3A_409 = arith.constant 0 : i32
        %parallel_loop3A_410 = vector.broadcast %parallel_loop3A_409 : i32 to vector<16xi32>
        %parallel_loop3A_411 = arith.cmpi slt, %xor3A_26, %parallel_loop3A_410 : vector<16xi32>
        %parallel_loop3A_412 = arith.constant 16 : i32
        %parallel_loop3A_413 = vector.broadcast %parallel_loop3A_412 : i32 to vector<16xi32>
        %parallel_loop3A_414 = arith.addi %xor3A_26, %parallel_loop3A_413 : vector<16xi32>
        %parallel_loop3A_415 = arith.select %parallel_loop3A_411, %parallel_loop3A_414, %xor3A_26 : vector<16xi1>, vector<16xi32>
        %parallel_loop3A_416 = vector.shape_cast %parallel_loop3A_415 : vector<16xi32> to vector<16x1xi32>
        %parallel_loop3A_417 = vector.shape_cast %parallel_loop3A_416 : vector<16x1xi32> to vector<16xi32>
        %parallel_loop3A_418 = tpu.dynamic_gather %parallel_loop3A_408[%parallel_loop3A_417] in [0] : vector<16xf32>, vector<16xi32> -> vector<16xf32>
        %parallel_loop3A_419 = arith.addf %parallel_loop3A_408, %parallel_loop3A_418 : vector<16xf32>
        %parallel_loop3A_420 = arith.constant 0 : i32
        %parallel_loop3A_421 = vector.broadcast %parallel_loop3A_420 : i32 to vector<16xi32>
        %parallel_loop3A_422 = arith.cmpi slt, %xor3A_29, %parallel_loop3A_421 : vector<16xi32>
        %parallel_loop3A_423 = arith.constant 16 : i32
        %parallel_loop3A_424 = vector.broadcast %parallel_loop3A_423 : i32 to vector<16xi32>
        %parallel_loop3A_425 = arith.addi %xor3A_29, %parallel_loop3A_424 : vector<16xi32>
        %parallel_loop3A_426 = arith.select %parallel_loop3A_422, %parallel_loop3A_425, %xor3A_29 : vector<16xi1>, vector<16xi32>
        %parallel_loop3A_427 = vector.shape_cast %parallel_loop3A_426 : vector<16xi32> to vector<16x1xi32>
        %parallel_loop3A_428 = vector.shape_cast %parallel_loop3A_427 : vector<16x1xi32> to vector<16xi32>
        %parallel_loop3A_429 = tpu.dynamic_gather %parallel_loop3A_419[%parallel_loop3A_428] in [0] : vector<16xf32>, vector<16xi32> -> vector<16xf32>
        %parallel_loop3A_430 = arith.addf %parallel_loop3A_419, %parallel_loop3A_429 : vector<16xf32>
        %parallel_loop3A_431 = math.exp %parallel_loop3A_430 : vector<16xf32>
        %parallel_loop3A_432 = arith.constant 0 : i32
        %parallel_loop3A_433 = vector.broadcast %parallel_loop3A_432 : i32 to vector<16xi32>
        %parallel_loop3A_434 = arith.cmpi slt, %add3A_43, %parallel_loop3A_433 : vector<16xi32>
        %parallel_loop3A_435 = arith.constant 16 : i32
        %parallel_loop3A_436 = vector.broadcast %parallel_loop3A_435 : i32 to vector<16xi32>
        %parallel_loop3A_437 = arith.addi %add3A_43, %parallel_loop3A_436 : vector<16xi32>
        %parallel_loop3A_438 = arith.select %parallel_loop3A_434, %parallel_loop3A_437, %add3A_43 : vector<16xi1>, vector<16xi32>
        %parallel_loop3A_439 = vector.shape_cast %parallel_loop3A_438 : vector<16xi32> to vector<16x1xi32>
        %parallel_loop3A_440 = vector.shape_cast %parallel_loop3A_439 : vector<16x1xi32> to vector<16xi32>
        %parallel_loop3A_441 = tpu.dynamic_gather %parallel_loop3A_431[%parallel_loop3A_440] in [0] : vector<16xf32>, vector<16xi32> -> vector<16xf32>
        %parallel_loop3A_442 = arith.mulf %parallel_loop3A_441, %parallel_loop3A_277 : vector<16xf32>
        %parallel_loop3A_443 = arith.index_cast %parallel_loop3A_273 : i32 to index
        %parallel_loop3A_444 = arith.constant 0 : index
        %parallel_loop3A_445 = tpu.vector_load %arg14[%parallel_loop3A_443, %parallel_loop3A_444] {strides = array<i32>} : memref<128x80xf32, #tpu.memory_space<vmem>>, vector<16xf32>,
        tpu.vector_store %arg14[%parallel_loop3A_443, %parallel_loop3A_444], %parallel_loop3A_442 {strides = array<i32>} : memref<128x80xf32, #tpu.memory_space<vmem>>, vector<16xf32>,
        %parallel_loop3A_446 = arith.constant 0 : i32
        %parallel_loop3A_447 = vector.broadcast %parallel_loop3A_446 : i32 to vector<16xi32>
        %parallel_loop3A_448 = arith.cmpi slt, %add3A_49, %parallel_loop3A_447 : vector<16xi32>
        %parallel_loop3A_449 = arith.constant 16 : i32
        %parallel_loop3A_450 = vector.broadcast %parallel_loop3A_449 : i32 to vector<16xi32>
        %parallel_loop3A_451 = arith.addi %add3A_49, %parallel_loop3A_450 : vector<16xi32>
        %parallel_loop3A_452 = arith.select %parallel_loop3A_448, %parallel_loop3A_451, %add3A_49 : vector<16xi1>, vector<16xi32>
        %parallel_loop3A_453 = vector.shape_cast %parallel_loop3A_452 : vector<16xi32> to vector<16x1xi32>
        %parallel_loop3A_454 = vector.shape_cast %parallel_loop3A_453 : vector<16x1xi32> to vector<16xi32>
        %parallel_loop3A_455 = tpu.dynamic_gather %parallel_loop3A_431[%parallel_loop3A_454] in [0] : vector<16xf32>, vector<16xi32> -> vector<16xf32>
        %parallel_loop3A_456 = arith.mulf %parallel_loop3A_455, %parallel_loop3A_278 : vector<16xf32>
        %parallel_loop3A_457 = arith.index_cast %parallel_loop3A_273 : i32 to index
        %parallel_loop3A_458 = arith.constant 16 : index
        %parallel_loop3A_459 = tpu.vector_load %arg14[%parallel_loop3A_457, %parallel_loop3A_458] {strides = array<i32>} : memref<128x80xf32, #tpu.memory_space<vmem>>, vector<16xf32>,
        tpu.vector_store %arg14[%parallel_loop3A_457, %parallel_loop3A_458], %parallel_loop3A_456 {strides = array<i32>} : memref<128x80xf32, #tpu.memory_space<vmem>>, vector<16xf32>,
        %parallel_loop3A_460 = arith.constant 0 : i32
        %parallel_loop3A_461 = vector.broadcast %parallel_loop3A_460 : i32 to vector<16xi32>
        %parallel_loop3A_462 = arith.cmpi slt, %add3A_55, %parallel_loop3A_461 : vector<16xi32>
        %parallel_loop3A_463 = arith.constant 16 : i32
        %parallel_loop3A_464 = vector.broadcast %parallel_loop3A_463 : i32 to vector<16xi32>
        %parallel_loop3A_465 = arith.addi %add3A_55, %parallel_loop3A_464 : vector<16xi32>
        %parallel_loop3A_466 = arith.select %parallel_loop3A_462, %parallel_loop3A_465, %add3A_55 : vector<16xi1>, vector<16xi32>
        %parallel_loop3A_467 = vector.shape_cast %parallel_loop3A_466 : vector<16xi32> to vector<16x1xi32>
        %parallel_loop3A_468 = vector.shape_cast %parallel_loop3A_467 : vector<16x1xi32> to vector<16xi32>
        %parallel_loop3A_469 = tpu.dynamic_gather %parallel_loop3A_431[%parallel_loop3A_468] in [0] : vector<16xf32>, vector<16xi32> -> vector<16xf32>
        %parallel_loop3A_470 = arith.mulf %parallel_loop3A_469, %parallel_loop3A_287 : vector<16xf32>
        %parallel_loop3A_471 = arith.index_cast %parallel_loop3A_273 : i32 to index
        %parallel_loop3A_472 = arith.constant 32 : index
        %parallel_loop3A_473 = tpu.vector_load %arg14[%parallel_loop3A_471, %parallel_loop3A_472] {strides = array<i32>} : memref<128x80xf32, #tpu.memory_space<vmem>>, vector<16xf32>,
        tpu.vector_store %arg14[%parallel_loop3A_471, %parallel_loop3A_472], %parallel_loop3A_470 {strides = array<i32>} : memref<128x80xf32, #tpu.memory_space<vmem>>, vector<16xf32>,
        %parallel_loop3A_474 = arith.constant 0 : i32
        %parallel_loop3A_475 = vector.broadcast %parallel_loop3A_474 : i32 to vector<16xi32>
        %parallel_loop3A_476 = arith.cmpi slt, %add3A_61, %parallel_loop3A_475 : vector<16xi32>
        %parallel_loop3A_477 = arith.constant 16 : i32
        %parallel_loop3A_478 = vector.broadcast %parallel_loop3A_477 : i32 to vector<16xi32>
        %parallel_loop3A_479 = arith.addi %add3A_61, %parallel_loop3A_478 : vector<16xi32>
        %parallel_loop3A_480 = arith.select %parallel_loop3A_476, %parallel_loop3A_479, %add3A_61 : vector<16xi1>, vector<16xi32>
        %parallel_loop3A_481 = vector.shape_cast %parallel_loop3A_480 : vector<16xi32> to vector<16x1xi32>
        %parallel_loop3A_482 = vector.shape_cast %parallel_loop3A_481 : vector<16x1xi32> to vector<16xi32>
        %parallel_loop3A_483 = tpu.dynamic_gather %parallel_loop3A_431[%parallel_loop3A_482] in [0] : vector<16xf32>, vector<16xi32> -> vector<16xf32>
        %parallel_loop3A_484 = arith.mulf %parallel_loop3A_483, %parallel_loop3A_288 : vector<16xf32>
        %parallel_loop3A_485 = arith.index_cast %parallel_loop3A_273 : i32 to index
        %parallel_loop3A_486 = arith.constant 48 : index
        %parallel_loop3A_487 = tpu.vector_load %arg14[%parallel_loop3A_485, %parallel_loop3A_486] {strides = array<i32>} : memref<128x80xf32, #tpu.memory_space<vmem>>, vector<16xf32>,
        tpu.vector_store %arg14[%parallel_loop3A_485, %parallel_loop3A_486], %parallel_loop3A_484 {strides = array<i32>} : memref<128x80xf32, #tpu.memory_space<vmem>>, vector<16xf32>,
        %parallel_loop3A_488 = arith.constant 0 : i32
        %parallel_loop3A_489 = vector.broadcast %parallel_loop3A_488 : i32 to vector<16xi32>
        %parallel_loop3A_490 = arith.cmpi slt, %mul3A_66, %parallel_loop3A_489 : vector<16xi32>
        %parallel_loop3A_491 = arith.constant 16 : i32
        %parallel_loop3A_492 = vector.broadcast %parallel_loop3A_491 : i32 to vector<16xi32>
        %parallel_loop3A_493 = arith.addi %mul3A_66, %parallel_loop3A_492 : vector<16xi32>
        %parallel_loop3A_494 = arith.select %parallel_loop3A_490, %parallel_loop3A_493, %mul3A_66 : vector<16xi1>, vector<16xi32>
        %parallel_loop3A_495 = vector.shape_cast %parallel_loop3A_494 : vector<16xi32> to vector<16x1xi32>
        %parallel_loop3A_496 = vector.shape_cast %parallel_loop3A_495 : vector<16x1xi32> to vector<16xi32>
        %parallel_loop3A_497 = tpu.dynamic_gather %parallel_loop3A_431[%parallel_loop3A_496] in [0] : vector<16xf32>, vector<16xi32> -> vector<16xf32>
        %parallel_loop3A_498 = arith.select %lt3A_31, %parallel_loop3A_497, %broadcast_in_dim3A_18 : vector<16xi1>, vector<16xf32>
        %parallel_loop3A_499 = arith.index_cast %parallel_loop3A_273 : i32 to index
        %parallel_loop3A_500 = arith.constant 64 : index
        %parallel_loop3A_501 = tpu.vector_load %arg14[%parallel_loop3A_499, %parallel_loop3A_500] {strides = array<i32>} : memref<128x80xf32, #tpu.memory_space<vmem>>, vector<16xf32>,
        tpu.vector_store %arg14[%parallel_loop3A_499, %parallel_loop3A_500], %parallel_loop3A_498 {strides = array<i32>} : memref<128x80xf32, #tpu.memory_space<vmem>>, vector<16xf32>,
      } {sc.loop_unroll_factor = 8 : i64, sc.parallel_access}
      %dma_start3A_221 = arith.constant 0 : i32
      %dma_start3A_222 = arith.constant 0 : i32
      %dma_start3A_223 = tpu.memref_slice %arg27[%dma_start3A_221, %dma_start3A_222] : memref<10240x80xf32, #tpu.memory_space<vmem_shared>> -> memref<10240x80xf32, #tpu.memory_space<vmem_shared>>
      tpu.enqueue_indirect_dma source(%arg14 : memref<128x80xf32, #tpu.memory_space<vmem>>) target(%dma_start3A_223 : memref<10240x80xf32, #tpu.memory_space<vmem_shared>>) offsets(%arg11 : memref<128xi32, #tpu.memory_space<vmem>>) semaphore(%arg32 : memref<!tpu.dma_semaphore, #tpu.memory_space<semaphore_mem>>) {add = true}
      %lt3A_224 = arith.constant 26 : i32
      %lt3A_225 = arith.cmpi slt, %scan3A_210, %lt3A_224 : i32
      %convert_element_type3A_226 = arith.extui %lt3A_225 : i1 to i32
      %cond3A_227 = arith.constant 0 : i32
      %cond3A_228 = arith.cmpi ne, %convert_element_type3A_226, %cond3A_227 : i32
      scf.if %cond3A_228 {
        %mul3A_273 = arith.constant 3 : i32
        %mul3A_274 = arith.muli %mul3A_273, %scan3A_210 : i32
        %add3A_275 = arith.constant 3 : i32
        %add3A_276 = arith.addi %mul3A_274, %add3A_275 : i32
        %add3A_277 = arith.constant 0 : i32
        %add3A_278 = arith.addi %add3A_276, %add3A_277 : i32
        %mul3A_279 = arith.constant 128 : i32
        %mul3A_280 = arith.muli %add3A_278, %mul3A_279 : i32
        %dma_start3A_281 = tpu.memref_slice %arg2[%add3A, %mul3A_280] : memref<32x10368xi32, #tpu.memory_space<hbm>> -> memref<1x128xi32, #tpu.memory_space<hbm>>
        %dma_start3A_282 = tpu.memref_squeeze %dma_start3A_281 : memref<1x128xi32, #tpu.memory_space<hbm>> -> memref<128xi32, #tpu.memory_space<hbm>>
        %dma_start3A_283 = tpu.memref_slice %arg2[%add3A, %mul3A_280] : memref<32x10368xi32, #tpu.memory_space<hbm>> -> memref<1x128xi32, #tpu.memory_space<hbm>>
        %dma_start3A_284 = tpu.memref_squeeze %dma_start3A_283 : memref<1x128xi32, #tpu.memory_space<hbm>> -> memref<128xi32, #tpu.memory_space<hbm>>
        tpu.enqueue_dma source(%dma_start3A_284 : memref<128xi32, #tpu.memory_space<hbm>>) target(%arg9 : memref<128xi32, #tpu.memory_space<vmem>>) target_semaphore(%arg35 : memref<!tpu.dma_semaphore, #tpu.memory_space<semaphore_mem>>)
        %dma_start3A_285 = tpu.memref_slice %arg3[%add3A, %mul3A_280] : memref<32x10368xi32, #tpu.memory_space<hbm>> -> memref<1x128xi32, #tpu.memory_space<hbm>>
        %dma_start3A_286 = tpu.memref_squeeze %dma_start3A_285 : memref<1x128xi32, #tpu.memory_space<hbm>> -> memref<128xi32, #tpu.memory_space<hbm>>
        %dma_start3A_287 = tpu.memref_slice %arg3[%add3A, %mul3A_280] : memref<32x10368xi32, #tpu.memory_space<hbm>> -> memref<1x128xi32, #tpu.memory_space<hbm>>
        %dma_start3A_288 = tpu.memref_squeeze %dma_start3A_287 : memref<1x128xi32, #tpu.memory_space<hbm>> -> memref<128xi32, #tpu.memory_space<hbm>>
        tpu.enqueue_dma source(%dma_start3A_288 : memref<128xi32, #tpu.memory_space<hbm>>) target(%arg10 : memref<128xi32, #tpu.memory_space<vmem>>) target_semaphore(%arg35 : memref<!tpu.dma_semaphore, #tpu.memory_space<semaphore_mem>>)
        %dma_start3A_289 = tpu.memref_slice %arg3[%add3A, %mul3A_280] : memref<32x10368xi32, #tpu.memory_space<hbm>> -> memref<1x128xi32, #tpu.memory_space<hbm>>
        %dma_start3A_290 = tpu.memref_squeeze %dma_start3A_289 : memref<1x128xi32, #tpu.memory_space<hbm>> -> memref<128xi32, #tpu.memory_space<hbm>>
        %dma_start3A_291 = tpu.memref_slice %arg3[%add3A, %mul3A_280] : memref<32x10368xi32, #tpu.memory_space<hbm>> -> memref<1x128xi32, #tpu.memory_space<hbm>>
        %dma_start3A_292 = tpu.memref_squeeze %dma_start3A_291 : memref<1x128xi32, #tpu.memory_space<hbm>> -> memref<128xi32, #tpu.memory_space<hbm>>
        tpu.enqueue_dma source(%dma_start3A_292 : memref<128xi32, #tpu.memory_space<hbm>>) target(%arg11 : memref<128xi32, #tpu.memory_space<vmem>>) target_semaphore(%arg35 : memref<!tpu.dma_semaphore, #tpu.memory_space<semaphore_mem>>)
        %dma_wait3A_293 = tpu.memref_slice %arg2[%add3A, %mul3A_280] : memref<32x10368xi32, #tpu.memory_space<hbm>> -> memref<1x128xi32, #tpu.memory_space<hbm>>
        %dma_wait3A_294 = tpu.memref_squeeze %dma_wait3A_293 : memref<1x128xi32, #tpu.memory_space<hbm>> -> memref<128xi32, #tpu.memory_space<hbm>>
        %dma_wait3A_295 = tpu.memref_slice %arg2[%add3A, %mul3A_280] : memref<32x10368xi32, #tpu.memory_space<hbm>> -> memref<1x128xi32, #tpu.memory_space<hbm>>
        %dma_wait3A_296 = tpu.memref_squeeze %dma_wait3A_295 : memref<1x128xi32, #tpu.memory_space<hbm>> -> memref<128xi32, #tpu.memory_space<hbm>>
        tpu.wait_dma2 semaphore(%arg35 : memref<!tpu.dma_semaphore, #tpu.memory_space<semaphore_mem>>) src(%dma_wait3A_296 : memref<128xi32, #tpu.memory_space<hbm>>) dst(%arg9 : memref<128xi32, #tpu.memory_space<vmem>>)
        %dma_wait3A_297 = tpu.memref_slice %arg3[%add3A, %mul3A_280] : memref<32x10368xi32, #tpu.memory_space<hbm>> -> memref<1x128xi32, #tpu.memory_space<hbm>>
        %dma_wait3A_298 = tpu.memref_squeeze %dma_wait3A_297 : memref<1x128xi32, #tpu.memory_space<hbm>> -> memref<128xi32, #tpu.memory_space<hbm>>
        %dma_wait3A_299 = tpu.memref_slice %arg3[%add3A, %mul3A_280] : memref<32x10368xi32, #tpu.memory_space<hbm>> -> memref<1x128xi32, #tpu.memory_space<hbm>>
        %dma_wait3A_300 = tpu.memref_squeeze %dma_wait3A_299 : memref<1x128xi32, #tpu.memory_space<hbm>> -> memref<128xi32, #tpu.memory_space<hbm>>
        tpu.wait_dma2 semaphore(%arg35 : memref<!tpu.dma_semaphore, #tpu.memory_space<semaphore_mem>>) src(%dma_wait3A_300 : memref<128xi32, #tpu.memory_space<hbm>>) dst(%arg10 : memref<128xi32, #tpu.memory_space<vmem>>)
        %dma_wait3A_301 = tpu.memref_slice %arg3[%add3A, %mul3A_280] : memref<32x10368xi32, #tpu.memory_space<hbm>> -> memref<1x128xi32, #tpu.memory_space<hbm>>
        %dma_wait3A_302 = tpu.memref_squeeze %dma_wait3A_301 : memref<1x128xi32, #tpu.memory_space<hbm>> -> memref<128xi32, #tpu.memory_space<hbm>>
        %dma_wait3A_303 = tpu.memref_slice %arg3[%add3A, %mul3A_280] : memref<32x10368xi32, #tpu.memory_space<hbm>> -> memref<1x128xi32, #tpu.memory_space<hbm>>
        %dma_wait3A_304 = tpu.memref_squeeze %dma_wait3A_303 : memref<1x128xi32, #tpu.memory_space<hbm>> -> memref<128xi32, #tpu.memory_space<hbm>>
        tpu.wait_dma2 semaphore(%arg35 : memref<!tpu.dma_semaphore, #tpu.memory_space<semaphore_mem>>) src(%dma_wait3A_304 : memref<128xi32, #tpu.memory_space<hbm>>) dst(%arg11 : memref<128xi32, #tpu.memory_space<vmem>>)
        %dma_start3A_305 = arith.constant 0 : i32
        %dma_start3A_306 = arith.constant 0 : i32
        %dma_start3A_307 = tpu.memref_slice %arg4[%dma_start3A_305, %dma_start3A_306] : memref<10240x64xbf16, #tpu.memory_space<hbm>> -> memref<10240x64xbf16, #tpu.memory_space<hbm>>
        tpu.enqueue_indirect_dma source(%dma_start3A_307 : memref<10240x64xbf16, #tpu.memory_space<hbm>>) target(%arg12 : memref<128x64xbf16, #tpu.memory_space<vmem>>) offsets(%arg9 : memref<128xi32, #tpu.memory_space<vmem>>) semaphore(%arg29 : memref<!tpu.dma_semaphore, #tpu.memory_space<semaphore_mem>>)
        %dma_start3A_308 = arith.constant 0 : i32
        %dma_start3A_309 = arith.constant 0 : i32
        %dma_start3A_310 = tpu.memref_slice %arg5[%dma_start3A_308, %dma_start3A_309] : memref<10240x64xbf16, #tpu.memory_space<hbm>> -> memref<10240x64xbf16, #tpu.memory_space<hbm>>
        tpu.enqueue_indirect_dma source(%dma_start3A_310 : memref<10240x64xbf16, #tpu.memory_space<hbm>>) target(%arg13 : memref<128x64xbf16, #tpu.memory_space<vmem>>) offsets(%arg10 : memref<128xi32, #tpu.memory_space<vmem>>) semaphore(%arg29 : memref<!tpu.dma_semaphore, #tpu.memory_space<semaphore_mem>>)
      } else {
      }
      %dma_wait3A_229 = arith.constant 0 : i32
      %dma_wait3A_230 = arith.constant 0 : i32
      %dma_wait3A_231 = tpu.memref_slice %arg4[%dma_wait3A_229, %dma_wait3A_230] : memref<10240x64xbf16, #tpu.memory_space<hbm>> -> memref<10240x64xbf16, #tpu.memory_space<hbm>>
      tpu.wait_indirect_dma semaphore(%arg30 : memref<!tpu.dma_semaphore, #tpu.memory_space<semaphore_mem>>) src(%dma_wait3A_231 : memref<10240x64xbf16, #tpu.memory_space<hbm>>) dst(%arg18 : memref<128x64xbf16, #tpu.memory_space<vmem>>)
      %dma_wait3A_232 = arith.constant 0 : i32
      %dma_wait3A_233 = arith.constant 0 : i32
      %dma_wait3A_234 = tpu.memref_slice %arg5[%dma_wait3A_232, %dma_wait3A_233] : memref<10240x64xbf16, #tpu.memory_space<hbm>> -> memref<10240x64xbf16, #tpu.memory_space<hbm>>
      tpu.wait_indirect_dma semaphore(%arg30 : memref<!tpu.dma_semaphore, #tpu.memory_space<semaphore_mem>>) src(%dma_wait3A_234 : memref<10240x64xbf16, #tpu.memory_space<hbm>>) dst(%arg19 : memref<128x64xbf16, #tpu.memory_space<vmem>>)
      %gt3A_235 = arith.constant 0 : i32
      %gt3A_236 = arith.cmpi sgt, %scan3A_210, %gt3A_235 : i32
      %convert_element_type3A_237 = arith.extui %gt3A_236 : i1 to i32
      %cond3A_238 = arith.constant 0 : i32
      %cond3A_239 = arith.cmpi ne, %convert_element_type3A_237, %cond3A_238 : i32
      scf.if %cond3A_239 {
        %dma_wait3A_273 = arith.constant 0 : i32
        %dma_wait3A_274 = arith.constant 0 : i32
        %dma_wait3A_275 = tpu.memref_slice %arg27[%dma_wait3A_273, %dma_wait3A_274] : memref<10240x80xf32, #tpu.memory_space<vmem_shared>> -> memref<10240x80xf32, #tpu.memory_space<vmem_shared>>
        tpu.wait_indirect_dma semaphore(%arg33 : memref<!tpu.dma_semaphore, #tpu.memory_space<semaphore_mem>>) src(%arg20 : memref<128x80xf32, #tpu.memory_space<vmem>>) dst(%dma_wait3A_275 : memref<10240x80xf32, #tpu.memory_space<vmem_shared>>)
      } else {
      }
      %parallel_loop3A_240 = arith.constant 0 : i32
      %parallel_loop3A_241 = arith.constant 128 : i32
      %parallel_loop3A_242 = arith.constant 1 : i32
      scf.for %parallel_loop3A_273 = %parallel_loop3A_240 to %parallel_loop3A_241 step %parallel_loop3A_242  : i32 {
        %parallel_loop3A_274 = arith.index_cast %parallel_loop3A_273 : i32 to index
        %parallel_loop3A_275 = arith.constant 0 : index
        %parallel_loop3A_276 = tpu.vector_load %arg18[%parallel_loop3A_274, %parallel_loop3A_275] {strides = array<i32>} : memref<128x64xbf16, #tpu.memory_space<vmem>>, vector<32xbf16>,
        %parallel_loop3A_277 = tpu.unpack_subelements %parallel_loop3A_276, 0 {pack_format = #tpu.pack_format<interleaved>} : vector<32xbf16> -> vector<16xf32>
        %parallel_loop3A_278 = tpu.unpack_subelements %parallel_loop3A_276, 1 {pack_format = #tpu.pack_format<interleaved>} : vector<32xbf16> -> vector<16xf32>
        %parallel_loop3A_279 = arith.index_cast %parallel_loop3A_273 : i32 to index
        %parallel_loop3A_280 = arith.constant 0 : index
        %parallel_loop3A_281 = tpu.vector_load %arg19[%parallel_loop3A_279, %parallel_loop3A_280] {strides = array<i32>} : memref<128x64xbf16, #tpu.memory_space<vmem>>, vector<32xbf16>,
        %parallel_loop3A_282 = tpu.unpack_subelements %parallel_loop3A_281, 0 {pack_format = #tpu.pack_format<interleaved>} : vector<32xbf16> -> vector<16xf32>
        %parallel_loop3A_283 = tpu.unpack_subelements %parallel_loop3A_281, 1 {pack_format = #tpu.pack_format<interleaved>} : vector<32xbf16> -> vector<16xf32>
        %parallel_loop3A_284 = arith.index_cast %parallel_loop3A_273 : i32 to index
        %parallel_loop3A_285 = arith.constant 32 : index
        %parallel_loop3A_286 = tpu.vector_load %arg18[%parallel_loop3A_284, %parallel_loop3A_285] {strides = array<i32>} : memref<128x64xbf16, #tpu.memory_space<vmem>>, vector<32xbf16>,
        %parallel_loop3A_287 = tpu.unpack_subelements %parallel_loop3A_286, 0 {pack_format = #tpu.pack_format<interleaved>} : vector<32xbf16> -> vector<16xf32>
        %parallel_loop3A_288 = tpu.unpack_subelements %parallel_loop3A_286, 1 {pack_format = #tpu.pack_format<interleaved>} : vector<32xbf16> -> vector<16xf32>
        %parallel_loop3A_289 = arith.index_cast %parallel_loop3A_273 : i32 to index
        %parallel_loop3A_290 = arith.constant 32 : index
        %parallel_loop3A_291 = tpu.vector_load %arg19[%parallel_loop3A_289, %parallel_loop3A_290] {strides = array<i32>} : memref<128x64xbf16, #tpu.memory_space<vmem>>, vector<32xbf16>,
        %parallel_loop3A_292 = tpu.unpack_subelements %parallel_loop3A_291, 0 {pack_format = #tpu.pack_format<interleaved>} : vector<32xbf16> -> vector<16xf32>
        %parallel_loop3A_293 = tpu.unpack_subelements %parallel_loop3A_291, 1 {pack_format = #tpu.pack_format<interleaved>} : vector<32xbf16> -> vector<16xf32>
        %parallel_loop3A_294 = arith.addf %parallel_loop3A_277, %parallel_loop3A_282 : vector<16xf32>
        %parallel_loop3A_295 = arith.constant 2.000000e-01 : f32
        %parallel_loop3A_296 = vector.broadcast %parallel_loop3A_295 : f32 to vector<16xf32>
        %parallel_loop3A_297 = arith.mulf %parallel_loop3A_296, %parallel_loop3A_294 : vector<16xf32>
        %parallel_loop3A_298 = arith.maximumf %parallel_loop3A_294, %parallel_loop3A_297 : vector<16xf32>
        %parallel_loop3A_299 = arith.mulf %parallel_loop3A_298, %get3A_5 : vector<16xf32>
        %parallel_loop3A_300 = arith.constant 0 : i32
        %parallel_loop3A_301 = vector.broadcast %parallel_loop3A_300 : i32 to vector<16xi32>
        %parallel_loop3A_302 = arith.cmpi slt, %xor3A_20, %parallel_loop3A_301 : vector<16xi32>
        %parallel_loop3A_303 = arith.constant 16 : i32
        %parallel_loop3A_304 = vector.broadcast %parallel_loop3A_303 : i32 to vector<16xi32>
        %parallel_loop3A_305 = arith.addi %xor3A_20, %parallel_loop3A_304 : vector<16xi32>
        %parallel_loop3A_306 = arith.select %parallel_loop3A_302, %parallel_loop3A_305, %xor3A_20 : vector<16xi1>, vector<16xi32>
        %parallel_loop3A_307 = vector.shape_cast %parallel_loop3A_306 : vector<16xi32> to vector<16x1xi32>
        %parallel_loop3A_308 = vector.shape_cast %parallel_loop3A_307 : vector<16x1xi32> to vector<16xi32>
        %parallel_loop3A_309 = tpu.dynamic_gather %parallel_loop3A_299[%parallel_loop3A_308] in [0] : vector<16xf32>, vector<16xi32> -> vector<16xf32>
        %parallel_loop3A_310 = arith.addf %parallel_loop3A_299, %parallel_loop3A_309 : vector<16xf32>
        %parallel_loop3A_311 = arith.constant 0 : i32
        %parallel_loop3A_312 = vector.broadcast %parallel_loop3A_311 : i32 to vector<16xi32>
        %parallel_loop3A_313 = arith.cmpi slt, %xor3A_23, %parallel_loop3A_312 : vector<16xi32>
        %parallel_loop3A_314 = arith.constant 16 : i32
        %parallel_loop3A_315 = vector.broadcast %parallel_loop3A_314 : i32 to vector<16xi32>
        %parallel_loop3A_316 = arith.addi %xor3A_23, %parallel_loop3A_315 : vector<16xi32>
        %parallel_loop3A_317 = arith.select %parallel_loop3A_313, %parallel_loop3A_316, %xor3A_23 : vector<16xi1>, vector<16xi32>
        %parallel_loop3A_318 = vector.shape_cast %parallel_loop3A_317 : vector<16xi32> to vector<16x1xi32>
        %parallel_loop3A_319 = vector.shape_cast %parallel_loop3A_318 : vector<16x1xi32> to vector<16xi32>
        %parallel_loop3A_320 = tpu.dynamic_gather %parallel_loop3A_310[%parallel_loop3A_319] in [0] : vector<16xf32>, vector<16xi32> -> vector<16xf32>
        %parallel_loop3A_321 = arith.addf %parallel_loop3A_310, %parallel_loop3A_320 : vector<16xf32>
        %parallel_loop3A_322 = arith.addf %parallel_loop3A_278, %parallel_loop3A_283 : vector<16xf32>
        %parallel_loop3A_323 = arith.constant 2.000000e-01 : f32
        %parallel_loop3A_324 = vector.broadcast %parallel_loop3A_323 : f32 to vector<16xf32>
        %parallel_loop3A_325 = arith.mulf %parallel_loop3A_324, %parallel_loop3A_322 : vector<16xf32>
        %parallel_loop3A_326 = arith.maximumf %parallel_loop3A_322, %parallel_loop3A_325 : vector<16xf32>
        %parallel_loop3A_327 = arith.mulf %parallel_loop3A_326, %get3A_9 : vector<16xf32>
        %parallel_loop3A_328 = arith.constant 0 : i32
        %parallel_loop3A_329 = vector.broadcast %parallel_loop3A_328 : i32 to vector<16xi32>
        %parallel_loop3A_330 = arith.cmpi slt, %xor3A_20, %parallel_loop3A_329 : vector<16xi32>
        %parallel_loop3A_331 = arith.constant 16 : i32
        %parallel_loop3A_332 = vector.broadcast %parallel_loop3A_331 : i32 to vector<16xi32>
        %parallel_loop3A_333 = arith.addi %xor3A_20, %parallel_loop3A_332 : vector<16xi32>
        %parallel_loop3A_334 = arith.select %parallel_loop3A_330, %parallel_loop3A_333, %xor3A_20 : vector<16xi1>, vector<16xi32>
        %parallel_loop3A_335 = vector.shape_cast %parallel_loop3A_334 : vector<16xi32> to vector<16x1xi32>
        %parallel_loop3A_336 = vector.shape_cast %parallel_loop3A_335 : vector<16x1xi32> to vector<16xi32>
        %parallel_loop3A_337 = tpu.dynamic_gather %parallel_loop3A_327[%parallel_loop3A_336] in [0] : vector<16xf32>, vector<16xi32> -> vector<16xf32>
        %parallel_loop3A_338 = arith.addf %parallel_loop3A_327, %parallel_loop3A_337 : vector<16xf32>
        %parallel_loop3A_339 = arith.constant 0 : i32
        %parallel_loop3A_340 = vector.broadcast %parallel_loop3A_339 : i32 to vector<16xi32>
        %parallel_loop3A_341 = arith.cmpi slt, %xor3A_23, %parallel_loop3A_340 : vector<16xi32>
        %parallel_loop3A_342 = arith.constant 16 : i32
        %parallel_loop3A_343 = vector.broadcast %parallel_loop3A_342 : i32 to vector<16xi32>
        %parallel_loop3A_344 = arith.addi %xor3A_23, %parallel_loop3A_343 : vector<16xi32>
        %parallel_loop3A_345 = arith.select %parallel_loop3A_341, %parallel_loop3A_344, %xor3A_23 : vector<16xi1>, vector<16xi32>
        %parallel_loop3A_346 = vector.shape_cast %parallel_loop3A_345 : vector<16xi32> to vector<16x1xi32>
        %parallel_loop3A_347 = vector.shape_cast %parallel_loop3A_346 : vector<16x1xi32> to vector<16xi32>
        %parallel_loop3A_348 = tpu.dynamic_gather %parallel_loop3A_338[%parallel_loop3A_347] in [0] : vector<16xf32>, vector<16xi32> -> vector<16xf32>
        %parallel_loop3A_349 = arith.addf %parallel_loop3A_338, %parallel_loop3A_348 : vector<16xf32>
        %parallel_loop3A_350 = arith.addf %parallel_loop3A_287, %parallel_loop3A_292 : vector<16xf32>
        %parallel_loop3A_351 = arith.constant 2.000000e-01 : f32
        %parallel_loop3A_352 = vector.broadcast %parallel_loop3A_351 : f32 to vector<16xf32>
        %parallel_loop3A_353 = arith.mulf %parallel_loop3A_352, %parallel_loop3A_350 : vector<16xf32>
        %parallel_loop3A_354 = arith.maximumf %parallel_loop3A_350, %parallel_loop3A_353 : vector<16xf32>
        %parallel_loop3A_355 = arith.mulf %parallel_loop3A_354, %get3A_13 : vector<16xf32>
        %parallel_loop3A_356 = arith.constant 0 : i32
        %parallel_loop3A_357 = vector.broadcast %parallel_loop3A_356 : i32 to vector<16xi32>
        %parallel_loop3A_358 = arith.cmpi slt, %xor3A_20, %parallel_loop3A_357 : vector<16xi32>
        %parallel_loop3A_359 = arith.constant 16 : i32
        %parallel_loop3A_360 = vector.broadcast %parallel_loop3A_359 : i32 to vector<16xi32>
        %parallel_loop3A_361 = arith.addi %xor3A_20, %parallel_loop3A_360 : vector<16xi32>
        %parallel_loop3A_362 = arith.select %parallel_loop3A_358, %parallel_loop3A_361, %xor3A_20 : vector<16xi1>, vector<16xi32>
        %parallel_loop3A_363 = vector.shape_cast %parallel_loop3A_362 : vector<16xi32> to vector<16x1xi32>
        %parallel_loop3A_364 = vector.shape_cast %parallel_loop3A_363 : vector<16x1xi32> to vector<16xi32>
        %parallel_loop3A_365 = tpu.dynamic_gather %parallel_loop3A_355[%parallel_loop3A_364] in [0] : vector<16xf32>, vector<16xi32> -> vector<16xf32>
        %parallel_loop3A_366 = arith.addf %parallel_loop3A_355, %parallel_loop3A_365 : vector<16xf32>
        %parallel_loop3A_367 = arith.constant 0 : i32
        %parallel_loop3A_368 = vector.broadcast %parallel_loop3A_367 : i32 to vector<16xi32>
        %parallel_loop3A_369 = arith.cmpi slt, %xor3A_23, %parallel_loop3A_368 : vector<16xi32>
        %parallel_loop3A_370 = arith.constant 16 : i32
        %parallel_loop3A_371 = vector.broadcast %parallel_loop3A_370 : i32 to vector<16xi32>
        %parallel_loop3A_372 = arith.addi %xor3A_23, %parallel_loop3A_371 : vector<16xi32>
        %parallel_loop3A_373 = arith.select %parallel_loop3A_369, %parallel_loop3A_372, %xor3A_23 : vector<16xi1>, vector<16xi32>
        %parallel_loop3A_374 = vector.shape_cast %parallel_loop3A_373 : vector<16xi32> to vector<16x1xi32>
        %parallel_loop3A_375 = vector.shape_cast %parallel_loop3A_374 : vector<16x1xi32> to vector<16xi32>
        %parallel_loop3A_376 = tpu.dynamic_gather %parallel_loop3A_366[%parallel_loop3A_375] in [0] : vector<16xf32>, vector<16xi32> -> vector<16xf32>
        %parallel_loop3A_377 = arith.addf %parallel_loop3A_366, %parallel_loop3A_376 : vector<16xf32>
        %parallel_loop3A_378 = arith.addf %parallel_loop3A_288, %parallel_loop3A_293 : vector<16xf32>
        %parallel_loop3A_379 = arith.constant 2.000000e-01 : f32
        %parallel_loop3A_380 = vector.broadcast %parallel_loop3A_379 : f32 to vector<16xf32>
        %parallel_loop3A_381 = arith.mulf %parallel_loop3A_380, %parallel_loop3A_378 : vector<16xf32>
        %parallel_loop3A_382 = arith.maximumf %parallel_loop3A_378, %parallel_loop3A_381 : vector<16xf32>
        %parallel_loop3A_383 = arith.mulf %parallel_loop3A_382, %get3A_17 : vector<16xf32>
        %parallel_loop3A_384 = arith.constant 0 : i32
        %parallel_loop3A_385 = vector.broadcast %parallel_loop3A_384 : i32 to vector<16xi32>
        %parallel_loop3A_386 = arith.cmpi slt, %xor3A_20, %parallel_loop3A_385 : vector<16xi32>
        %parallel_loop3A_387 = arith.constant 16 : i32
        %parallel_loop3A_388 = vector.broadcast %parallel_loop3A_387 : i32 to vector<16xi32>
        %parallel_loop3A_389 = arith.addi %xor3A_20, %parallel_loop3A_388 : vector<16xi32>
        %parallel_loop3A_390 = arith.select %parallel_loop3A_386, %parallel_loop3A_389, %xor3A_20 : vector<16xi1>, vector<16xi32>
        %parallel_loop3A_391 = vector.shape_cast %parallel_loop3A_390 : vector<16xi32> to vector<16x1xi32>
        %parallel_loop3A_392 = vector.shape_cast %parallel_loop3A_391 : vector<16x1xi32> to vector<16xi32>
        %parallel_loop3A_393 = tpu.dynamic_gather %parallel_loop3A_383[%parallel_loop3A_392] in [0] : vector<16xf32>, vector<16xi32> -> vector<16xf32>
        %parallel_loop3A_394 = arith.addf %parallel_loop3A_383, %parallel_loop3A_393 : vector<16xf32>
        %parallel_loop3A_395 = arith.constant 0 : i32
        %parallel_loop3A_396 = vector.broadcast %parallel_loop3A_395 : i32 to vector<16xi32>
        %parallel_loop3A_397 = arith.cmpi slt, %xor3A_23, %parallel_loop3A_396 : vector<16xi32>
        %parallel_loop3A_398 = arith.constant 16 : i32
        %parallel_loop3A_399 = vector.broadcast %parallel_loop3A_398 : i32 to vector<16xi32>
        %parallel_loop3A_400 = arith.addi %xor3A_23, %parallel_loop3A_399 : vector<16xi32>
        %parallel_loop3A_401 = arith.select %parallel_loop3A_397, %parallel_loop3A_400, %xor3A_23 : vector<16xi1>, vector<16xi32>
        %parallel_loop3A_402 = vector.shape_cast %parallel_loop3A_401 : vector<16xi32> to vector<16x1xi32>
        %parallel_loop3A_403 = vector.shape_cast %parallel_loop3A_402 : vector<16x1xi32> to vector<16xi32>
        %parallel_loop3A_404 = tpu.dynamic_gather %parallel_loop3A_394[%parallel_loop3A_403] in [0] : vector<16xf32>, vector<16xi32> -> vector<16xf32>
        %parallel_loop3A_405 = arith.addf %parallel_loop3A_394, %parallel_loop3A_404 : vector<16xf32>
        %parallel_loop3A_406 = arith.select %lt3A_37, %parallel_loop3A_377, %parallel_loop3A_405 : vector<16xi1>, vector<16xf32>
        %parallel_loop3A_407 = arith.select %lt3A_34, %parallel_loop3A_349, %parallel_loop3A_406 : vector<16xi1>, vector<16xf32>
        %parallel_loop3A_408 = arith.select %lt3A_31, %parallel_loop3A_321, %parallel_loop3A_407 : vector<16xi1>, vector<16xf32>
        %parallel_loop3A_409 = arith.constant 0 : i32
        %parallel_loop3A_410 = vector.broadcast %parallel_loop3A_409 : i32 to vector<16xi32>
        %parallel_loop3A_411 = arith.cmpi slt, %xor3A_26, %parallel_loop3A_410 : vector<16xi32>
        %parallel_loop3A_412 = arith.constant 16 : i32
        %parallel_loop3A_413 = vector.broadcast %parallel_loop3A_412 : i32 to vector<16xi32>
        %parallel_loop3A_414 = arith.addi %xor3A_26, %parallel_loop3A_413 : vector<16xi32>
        %parallel_loop3A_415 = arith.select %parallel_loop3A_411, %parallel_loop3A_414, %xor3A_26 : vector<16xi1>, vector<16xi32>
        %parallel_loop3A_416 = vector.shape_cast %parallel_loop3A_415 : vector<16xi32> to vector<16x1xi32>
        %parallel_loop3A_417 = vector.shape_cast %parallel_loop3A_416 : vector<16x1xi32> to vector<16xi32>
        %parallel_loop3A_418 = tpu.dynamic_gather %parallel_loop3A_408[%parallel_loop3A_417] in [0] : vector<16xf32>, vector<16xi32> -> vector<16xf32>
        %parallel_loop3A_419 = arith.addf %parallel_loop3A_408, %parallel_loop3A_418 : vector<16xf32>
        %parallel_loop3A_420 = arith.constant 0 : i32
        %parallel_loop3A_421 = vector.broadcast %parallel_loop3A_420 : i32 to vector<16xi32>
        %parallel_loop3A_422 = arith.cmpi slt, %xor3A_29, %parallel_loop3A_421 : vector<16xi32>
        %parallel_loop3A_423 = arith.constant 16 : i32
        %parallel_loop3A_424 = vector.broadcast %parallel_loop3A_423 : i32 to vector<16xi32>
        %parallel_loop3A_425 = arith.addi %xor3A_29, %parallel_loop3A_424 : vector<16xi32>
        %parallel_loop3A_426 = arith.select %parallel_loop3A_422, %parallel_loop3A_425, %xor3A_29 : vector<16xi1>, vector<16xi32>
        %parallel_loop3A_427 = vector.shape_cast %parallel_loop3A_426 : vector<16xi32> to vector<16x1xi32>
        %parallel_loop3A_428 = vector.shape_cast %parallel_loop3A_427 : vector<16x1xi32> to vector<16xi32>
        %parallel_loop3A_429 = tpu.dynamic_gather %parallel_loop3A_419[%parallel_loop3A_428] in [0] : vector<16xf32>, vector<16xi32> -> vector<16xf32>
        %parallel_loop3A_430 = arith.addf %parallel_loop3A_419, %parallel_loop3A_429 : vector<16xf32>
        %parallel_loop3A_431 = math.exp %parallel_loop3A_430 : vector<16xf32>
        %parallel_loop3A_432 = arith.constant 0 : i32
        %parallel_loop3A_433 = vector.broadcast %parallel_loop3A_432 : i32 to vector<16xi32>
        %parallel_loop3A_434 = arith.cmpi slt, %add3A_43, %parallel_loop3A_433 : vector<16xi32>
        %parallel_loop3A_435 = arith.constant 16 : i32
        %parallel_loop3A_436 = vector.broadcast %parallel_loop3A_435 : i32 to vector<16xi32>
        %parallel_loop3A_437 = arith.addi %add3A_43, %parallel_loop3A_436 : vector<16xi32>
        %parallel_loop3A_438 = arith.select %parallel_loop3A_434, %parallel_loop3A_437, %add3A_43 : vector<16xi1>, vector<16xi32>
        %parallel_loop3A_439 = vector.shape_cast %parallel_loop3A_438 : vector<16xi32> to vector<16x1xi32>
        %parallel_loop3A_440 = vector.shape_cast %parallel_loop3A_439 : vector<16x1xi32> to vector<16xi32>
        %parallel_loop3A_441 = tpu.dynamic_gather %parallel_loop3A_431[%parallel_loop3A_440] in [0] : vector<16xf32>, vector<16xi32> -> vector<16xf32>
        %parallel_loop3A_442 = arith.mulf %parallel_loop3A_441, %parallel_loop3A_277 : vector<16xf32>
        %parallel_loop3A_443 = arith.index_cast %parallel_loop3A_273 : i32 to index
        %parallel_loop3A_444 = arith.constant 0 : index
        %parallel_loop3A_445 = tpu.vector_load %arg20[%parallel_loop3A_443, %parallel_loop3A_444] {strides = array<i32>} : memref<128x80xf32, #tpu.memory_space<vmem>>, vector<16xf32>,
        tpu.vector_store %arg20[%parallel_loop3A_443, %parallel_loop3A_444], %parallel_loop3A_442 {strides = array<i32>} : memref<128x80xf32, #tpu.memory_space<vmem>>, vector<16xf32>,
        %parallel_loop3A_446 = arith.constant 0 : i32
        %parallel_loop3A_447 = vector.broadcast %parallel_loop3A_446 : i32 to vector<16xi32>
        %parallel_loop3A_448 = arith.cmpi slt, %add3A_49, %parallel_loop3A_447 : vector<16xi32>
        %parallel_loop3A_449 = arith.constant 16 : i32
        %parallel_loop3A_450 = vector.broadcast %parallel_loop3A_449 : i32 to vector<16xi32>
        %parallel_loop3A_451 = arith.addi %add3A_49, %parallel_loop3A_450 : vector<16xi32>
        %parallel_loop3A_452 = arith.select %parallel_loop3A_448, %parallel_loop3A_451, %add3A_49 : vector<16xi1>, vector<16xi32>
        %parallel_loop3A_453 = vector.shape_cast %parallel_loop3A_452 : vector<16xi32> to vector<16x1xi32>
        %parallel_loop3A_454 = vector.shape_cast %parallel_loop3A_453 : vector<16x1xi32> to vector<16xi32>
        %parallel_loop3A_455 = tpu.dynamic_gather %parallel_loop3A_431[%parallel_loop3A_454] in [0] : vector<16xf32>, vector<16xi32> -> vector<16xf32>
        %parallel_loop3A_456 = arith.mulf %parallel_loop3A_455, %parallel_loop3A_278 : vector<16xf32>
        %parallel_loop3A_457 = arith.index_cast %parallel_loop3A_273 : i32 to index
        %parallel_loop3A_458 = arith.constant 16 : index
        %parallel_loop3A_459 = tpu.vector_load %arg20[%parallel_loop3A_457, %parallel_loop3A_458] {strides = array<i32>} : memref<128x80xf32, #tpu.memory_space<vmem>>, vector<16xf32>,
        tpu.vector_store %arg20[%parallel_loop3A_457, %parallel_loop3A_458], %parallel_loop3A_456 {strides = array<i32>} : memref<128x80xf32, #tpu.memory_space<vmem>>, vector<16xf32>,
        %parallel_loop3A_460 = arith.constant 0 : i32
        %parallel_loop3A_461 = vector.broadcast %parallel_loop3A_460 : i32 to vector<16xi32>
        %parallel_loop3A_462 = arith.cmpi slt, %add3A_55, %parallel_loop3A_461 : vector<16xi32>
        %parallel_loop3A_463 = arith.constant 16 : i32
        %parallel_loop3A_464 = vector.broadcast %parallel_loop3A_463 : i32 to vector<16xi32>
        %parallel_loop3A_465 = arith.addi %add3A_55, %parallel_loop3A_464 : vector<16xi32>
        %parallel_loop3A_466 = arith.select %parallel_loop3A_462, %parallel_loop3A_465, %add3A_55 : vector<16xi1>, vector<16xi32>
        %parallel_loop3A_467 = vector.shape_cast %parallel_loop3A_466 : vector<16xi32> to vector<16x1xi32>
        %parallel_loop3A_468 = vector.shape_cast %parallel_loop3A_467 : vector<16x1xi32> to vector<16xi32>
        %parallel_loop3A_469 = tpu.dynamic_gather %parallel_loop3A_431[%parallel_loop3A_468] in [0] : vector<16xf32>, vector<16xi32> -> vector<16xf32>
        %parallel_loop3A_470 = arith.mulf %parallel_loop3A_469, %parallel_loop3A_287 : vector<16xf32>
        %parallel_loop3A_471 = arith.index_cast %parallel_loop3A_273 : i32 to index
        %parallel_loop3A_472 = arith.constant 32 : index
        %parallel_loop3A_473 = tpu.vector_load %arg20[%parallel_loop3A_471, %parallel_loop3A_472] {strides = array<i32>} : memref<128x80xf32, #tpu.memory_space<vmem>>, vector<16xf32>,
        tpu.vector_store %arg20[%parallel_loop3A_471, %parallel_loop3A_472], %parallel_loop3A_470 {strides = array<i32>} : memref<128x80xf32, #tpu.memory_space<vmem>>, vector<16xf32>,
        %parallel_loop3A_474 = arith.constant 0 : i32
        %parallel_loop3A_475 = vector.broadcast %parallel_loop3A_474 : i32 to vector<16xi32>
        %parallel_loop3A_476 = arith.cmpi slt, %add3A_61, %parallel_loop3A_475 : vector<16xi32>
        %parallel_loop3A_477 = arith.constant 16 : i32
        %parallel_loop3A_478 = vector.broadcast %parallel_loop3A_477 : i32 to vector<16xi32>
        %parallel_loop3A_479 = arith.addi %add3A_61, %parallel_loop3A_478 : vector<16xi32>
        %parallel_loop3A_480 = arith.select %parallel_loop3A_476, %parallel_loop3A_479, %add3A_61 : vector<16xi1>, vector<16xi32>
        %parallel_loop3A_481 = vector.shape_cast %parallel_loop3A_480 : vector<16xi32> to vector<16x1xi32>
        %parallel_loop3A_482 = vector.shape_cast %parallel_loop3A_481 : vector<16x1xi32> to vector<16xi32>
        %parallel_loop3A_483 = tpu.dynamic_gather %parallel_loop3A_431[%parallel_loop3A_482] in [0] : vector<16xf32>, vector<16xi32> -> vector<16xf32>
        %parallel_loop3A_484 = arith.mulf %parallel_loop3A_483, %parallel_loop3A_288 : vector<16xf32>
        %parallel_loop3A_485 = arith.index_cast %parallel_loop3A_273 : i32 to index
        %parallel_loop3A_486 = arith.constant 48 : index
        %parallel_loop3A_487 = tpu.vector_load %arg20[%parallel_loop3A_485, %parallel_loop3A_486] {strides = array<i32>} : memref<128x80xf32, #tpu.memory_space<vmem>>, vector<16xf32>,
        tpu.vector_store %arg20[%parallel_loop3A_485, %parallel_loop3A_486], %parallel_loop3A_484 {strides = array<i32>} : memref<128x80xf32, #tpu.memory_space<vmem>>, vector<16xf32>,
        %parallel_loop3A_488 = arith.constant 0 : i32
        %parallel_loop3A_489 = vector.broadcast %parallel_loop3A_488 : i32 to vector<16xi32>
        %parallel_loop3A_490 = arith.cmpi slt, %mul3A_66, %parallel_loop3A_489 : vector<16xi32>
        %parallel_loop3A_491 = arith.constant 16 : i32
        %parallel_loop3A_492 = vector.broadcast %parallel_loop3A_491 : i32 to vector<16xi32>
        %parallel_loop3A_493 = arith.addi %mul3A_66, %parallel_loop3A_492 : vector<16xi32>
        %parallel_loop3A_494 = arith.select %parallel_loop3A_490, %parallel_loop3A_493, %mul3A_66 : vector<16xi1>, vector<16xi32>
        %parallel_loop3A_495 = vector.shape_cast %parallel_loop3A_494 : vector<16xi32> to vector<16x1xi32>
        %parallel_loop3A_496 = vector.shape_cast %parallel_loop3A_495 : vector<16x1xi32> to vector<16xi32>
        %parallel_loop3A_497 = tpu.dynamic_gather %parallel_loop3A_431[%parallel_loop3A_496] in [0] : vector<16xf32>, vector<16xi32> -> vector<16xf32>
        %parallel_loop3A_498 = arith.select %lt3A_31, %parallel_loop3A_497, %broadcast_in_dim3A_18 : vector<16xi1>, vector<16xf32>
        %parallel_loop3A_499 = arith.index_cast %parallel_loop3A_273 : i32 to index
        %parallel_loop3A_500 = arith.constant 64 : index
        %parallel_loop3A_501 = tpu.vector_load %arg20[%parallel_loop3A_499, %parallel_loop3A_500] {strides = array<i32>} : memref<128x80xf32, #tpu.memory_space<vmem>>, vector<16xf32>,
        tpu.vector_store %arg20[%parallel_loop3A_499, %parallel_loop3A_500], %parallel_loop3A_498 {strides = array<i32>} : memref<128x80xf32, #tpu.memory_space<vmem>>, vector<16xf32>,
      } {sc.loop_unroll_factor = 8 : i64, sc.parallel_access}
      %dma_start3A_243 = arith.constant 0 : i32
      %dma_start3A_244 = arith.constant 0 : i32
      %dma_start3A_245 = tpu.memref_slice %arg27[%dma_start3A_243, %dma_start3A_244] : memref<10240x80xf32, #tpu.memory_space<vmem_shared>> -> memref<10240x80xf32, #tpu.memory_space<vmem_shared>>
      tpu.enqueue_indirect_dma source(%arg20 : memref<128x80xf32, #tpu.memory_space<vmem>>) target(%dma_start3A_245 : memref<10240x80xf32, #tpu.memory_space<vmem_shared>>) offsets(%arg17 : memref<128xi32, #tpu.memory_space<vmem>>) semaphore(%arg33 : memref<!tpu.dma_semaphore, #tpu.memory_space<semaphore_mem>>) {add = true}
      %lt3A_246 = arith.constant 26 : i32
      %lt3A_247 = arith.cmpi slt, %scan3A_210, %lt3A_246 : i32
      %convert_element_type3A_248 = arith.extui %lt3A_247 : i1 to i32
      %cond3A_249 = arith.constant 0 : i32
      %cond3A_250 = arith.cmpi ne, %convert_element_type3A_248, %cond3A_249 : i32
      scf.if %cond3A_250 {
        %mul3A_273 = arith.constant 3 : i32
        %mul3A_274 = arith.muli %mul3A_273, %scan3A_210 : i32
        %add3A_275 = arith.constant 3 : i32
        %add3A_276 = arith.addi %mul3A_274, %add3A_275 : i32
        %add3A_277 = arith.constant 1 : i32
        %add3A_278 = arith.addi %add3A_276, %add3A_277 : i32
        %mul3A_279 = arith.constant 128 : i32
        %mul3A_280 = arith.muli %add3A_278, %mul3A_279 : i32
        %dma_start3A_281 = tpu.memref_slice %arg2[%add3A, %mul3A_280] : memref<32x10368xi32, #tpu.memory_space<hbm>> -> memref<1x128xi32, #tpu.memory_space<hbm>>
        %dma_start3A_282 = tpu.memref_squeeze %dma_start3A_281 : memref<1x128xi32, #tpu.memory_space<hbm>> -> memref<128xi32, #tpu.memory_space<hbm>>
        %dma_start3A_283 = tpu.memref_slice %arg2[%add3A, %mul3A_280] : memref<32x10368xi32, #tpu.memory_space<hbm>> -> memref<1x128xi32, #tpu.memory_space<hbm>>
        %dma_start3A_284 = tpu.memref_squeeze %dma_start3A_283 : memref<1x128xi32, #tpu.memory_space<hbm>> -> memref<128xi32, #tpu.memory_space<hbm>>
        tpu.enqueue_dma source(%dma_start3A_284 : memref<128xi32, #tpu.memory_space<hbm>>) target(%arg15 : memref<128xi32, #tpu.memory_space<vmem>>) target_semaphore(%arg35 : memref<!tpu.dma_semaphore, #tpu.memory_space<semaphore_mem>>)
        %dma_start3A_285 = tpu.memref_slice %arg3[%add3A, %mul3A_280] : memref<32x10368xi32, #tpu.memory_space<hbm>> -> memref<1x128xi32, #tpu.memory_space<hbm>>
        %dma_start3A_286 = tpu.memref_squeeze %dma_start3A_285 : memref<1x128xi32, #tpu.memory_space<hbm>> -> memref<128xi32, #tpu.memory_space<hbm>>
        %dma_start3A_287 = tpu.memref_slice %arg3[%add3A, %mul3A_280] : memref<32x10368xi32, #tpu.memory_space<hbm>> -> memref<1x128xi32, #tpu.memory_space<hbm>>
        %dma_start3A_288 = tpu.memref_squeeze %dma_start3A_287 : memref<1x128xi32, #tpu.memory_space<hbm>> -> memref<128xi32, #tpu.memory_space<hbm>>
        tpu.enqueue_dma source(%dma_start3A_288 : memref<128xi32, #tpu.memory_space<hbm>>) target(%arg16 : memref<128xi32, #tpu.memory_space<vmem>>) target_semaphore(%arg35 : memref<!tpu.dma_semaphore, #tpu.memory_space<semaphore_mem>>)
        %dma_start3A_289 = tpu.memref_slice %arg3[%add3A, %mul3A_280] : memref<32x10368xi32, #tpu.memory_space<hbm>> -> memref<1x128xi32, #tpu.memory_space<hbm>>
        %dma_start3A_290 = tpu.memref_squeeze %dma_start3A_289 : memref<1x128xi32, #tpu.memory_space<hbm>> -> memref<128xi32, #tpu.memory_space<hbm>>
        %dma_start3A_291 = tpu.memref_slice %arg3[%add3A, %mul3A_280] : memref<32x10368xi32, #tpu.memory_space<hbm>> -> memref<1x128xi32, #tpu.memory_space<hbm>>
        %dma_start3A_292 = tpu.memref_squeeze %dma_start3A_291 : memref<1x128xi32, #tpu.memory_space<hbm>> -> memref<128xi32, #tpu.memory_space<hbm>>
        tpu.enqueue_dma source(%dma_start3A_292 : memref<128xi32, #tpu.memory_space<hbm>>) target(%arg17 : memref<128xi32, #tpu.memory_space<vmem>>) target_semaphore(%arg35 : memref<!tpu.dma_semaphore, #tpu.memory_space<semaphore_mem>>)
        %dma_wait3A_293 = tpu.memref_slice %arg2[%add3A, %mul3A_280] : memref<32x10368xi32, #tpu.memory_space<hbm>> -> memref<1x128xi32, #tpu.memory_space<hbm>>
        %dma_wait3A_294 = tpu.memref_squeeze %dma_wait3A_293 : memref<1x128xi32, #tpu.memory_space<hbm>> -> memref<128xi32, #tpu.memory_space<hbm>>
        %dma_wait3A_295 = tpu.memref_slice %arg2[%add3A, %mul3A_280] : memref<32x10368xi32, #tpu.memory_space<hbm>> -> memref<1x128xi32, #tpu.memory_space<hbm>>
        %dma_wait3A_296 = tpu.memref_squeeze %dma_wait3A_295 : memref<1x128xi32, #tpu.memory_space<hbm>> -> memref<128xi32, #tpu.memory_space<hbm>>
        tpu.wait_dma2 semaphore(%arg35 : memref<!tpu.dma_semaphore, #tpu.memory_space<semaphore_mem>>) src(%dma_wait3A_296 : memref<128xi32, #tpu.memory_space<hbm>>) dst(%arg15 : memref<128xi32, #tpu.memory_space<vmem>>)
        %dma_wait3A_297 = tpu.memref_slice %arg3[%add3A, %mul3A_280] : memref<32x10368xi32, #tpu.memory_space<hbm>> -> memref<1x128xi32, #tpu.memory_space<hbm>>
        %dma_wait3A_298 = tpu.memref_squeeze %dma_wait3A_297 : memref<1x128xi32, #tpu.memory_space<hbm>> -> memref<128xi32, #tpu.memory_space<hbm>>
        %dma_wait3A_299 = tpu.memref_slice %arg3[%add3A, %mul3A_280] : memref<32x10368xi32, #tpu.memory_space<hbm>> -> memref<1x128xi32, #tpu.memory_space<hbm>>
        %dma_wait3A_300 = tpu.memref_squeeze %dma_wait3A_299 : memref<1x128xi32, #tpu.memory_space<hbm>> -> memref<128xi32, #tpu.memory_space<hbm>>
        tpu.wait_dma2 semaphore(%arg35 : memref<!tpu.dma_semaphore, #tpu.memory_space<semaphore_mem>>) src(%dma_wait3A_300 : memref<128xi32, #tpu.memory_space<hbm>>) dst(%arg16 : memref<128xi32, #tpu.memory_space<vmem>>)
        %dma_wait3A_301 = tpu.memref_slice %arg3[%add3A, %mul3A_280] : memref<32x10368xi32, #tpu.memory_space<hbm>> -> memref<1x128xi32, #tpu.memory_space<hbm>>
        %dma_wait3A_302 = tpu.memref_squeeze %dma_wait3A_301 : memref<1x128xi32, #tpu.memory_space<hbm>> -> memref<128xi32, #tpu.memory_space<hbm>>
        %dma_wait3A_303 = tpu.memref_slice %arg3[%add3A, %mul3A_280] : memref<32x10368xi32, #tpu.memory_space<hbm>> -> memref<1x128xi32, #tpu.memory_space<hbm>>
        %dma_wait3A_304 = tpu.memref_squeeze %dma_wait3A_303 : memref<1x128xi32, #tpu.memory_space<hbm>> -> memref<128xi32, #tpu.memory_space<hbm>>
        tpu.wait_dma2 semaphore(%arg35 : memref<!tpu.dma_semaphore, #tpu.memory_space<semaphore_mem>>) src(%dma_wait3A_304 : memref<128xi32, #tpu.memory_space<hbm>>) dst(%arg17 : memref<128xi32, #tpu.memory_space<vmem>>)
        %dma_start3A_305 = arith.constant 0 : i32
        %dma_start3A_306 = arith.constant 0 : i32
        %dma_start3A_307 = tpu.memref_slice %arg4[%dma_start3A_305, %dma_start3A_306] : memref<10240x64xbf16, #tpu.memory_space<hbm>> -> memref<10240x64xbf16, #tpu.memory_space<hbm>>
        tpu.enqueue_indirect_dma source(%dma_start3A_307 : memref<10240x64xbf16, #tpu.memory_space<hbm>>) target(%arg18 : memref<128x64xbf16, #tpu.memory_space<vmem>>) offsets(%arg15 : memref<128xi32, #tpu.memory_space<vmem>>) semaphore(%arg30 : memref<!tpu.dma_semaphore, #tpu.memory_space<semaphore_mem>>)
        %dma_start3A_308 = arith.constant 0 : i32
        %dma_start3A_309 = arith.constant 0 : i32
        %dma_start3A_310 = tpu.memref_slice %arg5[%dma_start3A_308, %dma_start3A_309] : memref<10240x64xbf16, #tpu.memory_space<hbm>> -> memref<10240x64xbf16, #tpu.memory_space<hbm>>
        tpu.enqueue_indirect_dma source(%dma_start3A_310 : memref<10240x64xbf16, #tpu.memory_space<hbm>>) target(%arg19 : memref<128x64xbf16, #tpu.memory_space<vmem>>) offsets(%arg16 : memref<128xi32, #tpu.memory_space<vmem>>) semaphore(%arg30 : memref<!tpu.dma_semaphore, #tpu.memory_space<semaphore_mem>>)
      } else {
      }
      %dma_wait3A_251 = arith.constant 0 : i32
      %dma_wait3A_252 = arith.constant 0 : i32
      %dma_wait3A_253 = tpu.memref_slice %arg4[%dma_wait3A_251, %dma_wait3A_252] : memref<10240x64xbf16, #tpu.memory_space<hbm>> -> memref<10240x64xbf16, #tpu.memory_space<hbm>>
      tpu.wait_indirect_dma semaphore(%arg31 : memref<!tpu.dma_semaphore, #tpu.memory_space<semaphore_mem>>) src(%dma_wait3A_253 : memref<10240x64xbf16, #tpu.memory_space<hbm>>) dst(%arg24 : memref<128x64xbf16, #tpu.memory_space<vmem>>)
      %dma_wait3A_254 = arith.constant 0 : i32
      %dma_wait3A_255 = arith.constant 0 : i32
      %dma_wait3A_256 = tpu.memref_slice %arg5[%dma_wait3A_254, %dma_wait3A_255] : memref<10240x64xbf16, #tpu.memory_space<hbm>> -> memref<10240x64xbf16, #tpu.memory_space<hbm>>
      tpu.wait_indirect_dma semaphore(%arg31 : memref<!tpu.dma_semaphore, #tpu.memory_space<semaphore_mem>>) src(%dma_wait3A_256 : memref<10240x64xbf16, #tpu.memory_space<hbm>>) dst(%arg25 : memref<128x64xbf16, #tpu.memory_space<vmem>>)
      %gt3A_257 = arith.constant 0 : i32
      %gt3A_258 = arith.cmpi sgt, %scan3A_210, %gt3A_257 : i32
      %convert_element_type3A_259 = arith.extui %gt3A_258 : i1 to i32
      %cond3A_260 = arith.constant 0 : i32
      %cond3A_261 = arith.cmpi ne, %convert_element_type3A_259, %cond3A_260 : i32
      scf.if %cond3A_261 {
        %dma_wait3A_273 = arith.constant 0 : i32
        %dma_wait3A_274 = arith.constant 0 : i32
        %dma_wait3A_275 = tpu.memref_slice %arg27[%dma_wait3A_273, %dma_wait3A_274] : memref<10240x80xf32, #tpu.memory_space<vmem_shared>> -> memref<10240x80xf32, #tpu.memory_space<vmem_shared>>
        tpu.wait_indirect_dma semaphore(%arg34 : memref<!tpu.dma_semaphore, #tpu.memory_space<semaphore_mem>>) src(%arg26 : memref<128x80xf32, #tpu.memory_space<vmem>>) dst(%dma_wait3A_275 : memref<10240x80xf32, #tpu.memory_space<vmem_shared>>)
      } else {
      }
      %parallel_loop3A_262 = arith.constant 0 : i32
      %parallel_loop3A_263 = arith.constant 128 : i32
      %parallel_loop3A_264 = arith.constant 1 : i32
      scf.for %parallel_loop3A_273 = %parallel_loop3A_262 to %parallel_loop3A_263 step %parallel_loop3A_264  : i32 {
        %parallel_loop3A_274 = arith.index_cast %parallel_loop3A_273 : i32 to index
        %parallel_loop3A_275 = arith.constant 0 : index
        %parallel_loop3A_276 = tpu.vector_load %arg24[%parallel_loop3A_274, %parallel_loop3A_275] {strides = array<i32>} : memref<128x64xbf16, #tpu.memory_space<vmem>>, vector<32xbf16>,
        %parallel_loop3A_277 = tpu.unpack_subelements %parallel_loop3A_276, 0 {pack_format = #tpu.pack_format<interleaved>} : vector<32xbf16> -> vector<16xf32>
        %parallel_loop3A_278 = tpu.unpack_subelements %parallel_loop3A_276, 1 {pack_format = #tpu.pack_format<interleaved>} : vector<32xbf16> -> vector<16xf32>
        %parallel_loop3A_279 = arith.index_cast %parallel_loop3A_273 : i32 to index
        %parallel_loop3A_280 = arith.constant 0 : index
        %parallel_loop3A_281 = tpu.vector_load %arg25[%parallel_loop3A_279, %parallel_loop3A_280] {strides = array<i32>} : memref<128x64xbf16, #tpu.memory_space<vmem>>, vector<32xbf16>,
        %parallel_loop3A_282 = tpu.unpack_subelements %parallel_loop3A_281, 0 {pack_format = #tpu.pack_format<interleaved>} : vector<32xbf16> -> vector<16xf32>
        %parallel_loop3A_283 = tpu.unpack_subelements %parallel_loop3A_281, 1 {pack_format = #tpu.pack_format<interleaved>} : vector<32xbf16> -> vector<16xf32>
        %parallel_loop3A_284 = arith.index_cast %parallel_loop3A_273 : i32 to index
        %parallel_loop3A_285 = arith.constant 32 : index
        %parallel_loop3A_286 = tpu.vector_load %arg24[%parallel_loop3A_284, %parallel_loop3A_285] {strides = array<i32>} : memref<128x64xbf16, #tpu.memory_space<vmem>>, vector<32xbf16>,
        %parallel_loop3A_287 = tpu.unpack_subelements %parallel_loop3A_286, 0 {pack_format = #tpu.pack_format<interleaved>} : vector<32xbf16> -> vector<16xf32>
        %parallel_loop3A_288 = tpu.unpack_subelements %parallel_loop3A_286, 1 {pack_format = #tpu.pack_format<interleaved>} : vector<32xbf16> -> vector<16xf32>
        %parallel_loop3A_289 = arith.index_cast %parallel_loop3A_273 : i32 to index
        %parallel_loop3A_290 = arith.constant 32 : index
        %parallel_loop3A_291 = tpu.vector_load %arg25[%parallel_loop3A_289, %parallel_loop3A_290] {strides = array<i32>} : memref<128x64xbf16, #tpu.memory_space<vmem>>, vector<32xbf16>,
        %parallel_loop3A_292 = tpu.unpack_subelements %parallel_loop3A_291, 0 {pack_format = #tpu.pack_format<interleaved>} : vector<32xbf16> -> vector<16xf32>
        %parallel_loop3A_293 = tpu.unpack_subelements %parallel_loop3A_291, 1 {pack_format = #tpu.pack_format<interleaved>} : vector<32xbf16> -> vector<16xf32>
        %parallel_loop3A_294 = arith.addf %parallel_loop3A_277, %parallel_loop3A_282 : vector<16xf32>
        %parallel_loop3A_295 = arith.constant 2.000000e-01 : f32
        %parallel_loop3A_296 = vector.broadcast %parallel_loop3A_295 : f32 to vector<16xf32>
        %parallel_loop3A_297 = arith.mulf %parallel_loop3A_296, %parallel_loop3A_294 : vector<16xf32>
        %parallel_loop3A_298 = arith.maximumf %parallel_loop3A_294, %parallel_loop3A_297 : vector<16xf32>
        %parallel_loop3A_299 = arith.mulf %parallel_loop3A_298, %get3A_5 : vector<16xf32>
        %parallel_loop3A_300 = arith.constant 0 : i32
        %parallel_loop3A_301 = vector.broadcast %parallel_loop3A_300 : i32 to vector<16xi32>
        %parallel_loop3A_302 = arith.cmpi slt, %xor3A_20, %parallel_loop3A_301 : vector<16xi32>
        %parallel_loop3A_303 = arith.constant 16 : i32
        %parallel_loop3A_304 = vector.broadcast %parallel_loop3A_303 : i32 to vector<16xi32>
        %parallel_loop3A_305 = arith.addi %xor3A_20, %parallel_loop3A_304 : vector<16xi32>
        %parallel_loop3A_306 = arith.select %parallel_loop3A_302, %parallel_loop3A_305, %xor3A_20 : vector<16xi1>, vector<16xi32>
        %parallel_loop3A_307 = vector.shape_cast %parallel_loop3A_306 : vector<16xi32> to vector<16x1xi32>
        %parallel_loop3A_308 = vector.shape_cast %parallel_loop3A_307 : vector<16x1xi32> to vector<16xi32>
        %parallel_loop3A_309 = tpu.dynamic_gather %parallel_loop3A_299[%parallel_loop3A_308] in [0] : vector<16xf32>, vector<16xi32> -> vector<16xf32>
        %parallel_loop3A_310 = arith.addf %parallel_loop3A_299, %parallel_loop3A_309 : vector<16xf32>
        %parallel_loop3A_311 = arith.constant 0 : i32
        %parallel_loop3A_312 = vector.broadcast %parallel_loop3A_311 : i32 to vector<16xi32>
        %parallel_loop3A_313 = arith.cmpi slt, %xor3A_23, %parallel_loop3A_312 : vector<16xi32>
        %parallel_loop3A_314 = arith.constant 16 : i32
        %parallel_loop3A_315 = vector.broadcast %parallel_loop3A_314 : i32 to vector<16xi32>
        %parallel_loop3A_316 = arith.addi %xor3A_23, %parallel_loop3A_315 : vector<16xi32>
        %parallel_loop3A_317 = arith.select %parallel_loop3A_313, %parallel_loop3A_316, %xor3A_23 : vector<16xi1>, vector<16xi32>
        %parallel_loop3A_318 = vector.shape_cast %parallel_loop3A_317 : vector<16xi32> to vector<16x1xi32>
        %parallel_loop3A_319 = vector.shape_cast %parallel_loop3A_318 : vector<16x1xi32> to vector<16xi32>
        %parallel_loop3A_320 = tpu.dynamic_gather %parallel_loop3A_310[%parallel_loop3A_319] in [0] : vector<16xf32>, vector<16xi32> -> vector<16xf32>
        %parallel_loop3A_321 = arith.addf %parallel_loop3A_310, %parallel_loop3A_320 : vector<16xf32>
        %parallel_loop3A_322 = arith.addf %parallel_loop3A_278, %parallel_loop3A_283 : vector<16xf32>
        %parallel_loop3A_323 = arith.constant 2.000000e-01 : f32
        %parallel_loop3A_324 = vector.broadcast %parallel_loop3A_323 : f32 to vector<16xf32>
        %parallel_loop3A_325 = arith.mulf %parallel_loop3A_324, %parallel_loop3A_322 : vector<16xf32>
        %parallel_loop3A_326 = arith.maximumf %parallel_loop3A_322, %parallel_loop3A_325 : vector<16xf32>
        %parallel_loop3A_327 = arith.mulf %parallel_loop3A_326, %get3A_9 : vector<16xf32>
        %parallel_loop3A_328 = arith.constant 0 : i32
        %parallel_loop3A_329 = vector.broadcast %parallel_loop3A_328 : i32 to vector<16xi32>
        %parallel_loop3A_330 = arith.cmpi slt, %xor3A_20, %parallel_loop3A_329 : vector<16xi32>
        %parallel_loop3A_331 = arith.constant 16 : i32
        %parallel_loop3A_332 = vector.broadcast %parallel_loop3A_331 : i32 to vector<16xi32>
        %parallel_loop3A_333 = arith.addi %xor3A_20, %parallel_loop3A_332 : vector<16xi32>
        %parallel_loop3A_334 = arith.select %parallel_loop3A_330, %parallel_loop3A_333, %xor3A_20 : vector<16xi1>, vector<16xi32>
        %parallel_loop3A_335 = vector.shape_cast %parallel_loop3A_334 : vector<16xi32> to vector<16x1xi32>
        %parallel_loop3A_336 = vector.shape_cast %parallel_loop3A_335 : vector<16x1xi32> to vector<16xi32>
        %parallel_loop3A_337 = tpu.dynamic_gather %parallel_loop3A_327[%parallel_loop3A_336] in [0] : vector<16xf32>, vector<16xi32> -> vector<16xf32>
        %parallel_loop3A_338 = arith.addf %parallel_loop3A_327, %parallel_loop3A_337 : vector<16xf32>
        %parallel_loop3A_339 = arith.constant 0 : i32
        %parallel_loop3A_340 = vector.broadcast %parallel_loop3A_339 : i32 to vector<16xi32>
        %parallel_loop3A_341 = arith.cmpi slt, %xor3A_23, %parallel_loop3A_340 : vector<16xi32>
        %parallel_loop3A_342 = arith.constant 16 : i32
        %parallel_loop3A_343 = vector.broadcast %parallel_loop3A_342 : i32 to vector<16xi32>
        %parallel_loop3A_344 = arith.addi %xor3A_23, %parallel_loop3A_343 : vector<16xi32>
        %parallel_loop3A_345 = arith.select %parallel_loop3A_341, %parallel_loop3A_344, %xor3A_23 : vector<16xi1>, vector<16xi32>
        %parallel_loop3A_346 = vector.shape_cast %parallel_loop3A_345 : vector<16xi32> to vector<16x1xi32>
        %parallel_loop3A_347 = vector.shape_cast %parallel_loop3A_346 : vector<16x1xi32> to vector<16xi32>
        %parallel_loop3A_348 = tpu.dynamic_gather %parallel_loop3A_338[%parallel_loop3A_347] in [0] : vector<16xf32>, vector<16xi32> -> vector<16xf32>
        %parallel_loop3A_349 = arith.addf %parallel_loop3A_338, %parallel_loop3A_348 : vector<16xf32>
        %parallel_loop3A_350 = arith.addf %parallel_loop3A_287, %parallel_loop3A_292 : vector<16xf32>
        %parallel_loop3A_351 = arith.constant 2.000000e-01 : f32
        %parallel_loop3A_352 = vector.broadcast %parallel_loop3A_351 : f32 to vector<16xf32>
        %parallel_loop3A_353 = arith.mulf %parallel_loop3A_352, %parallel_loop3A_350 : vector<16xf32>
        %parallel_loop3A_354 = arith.maximumf %parallel_loop3A_350, %parallel_loop3A_353 : vector<16xf32>
        %parallel_loop3A_355 = arith.mulf %parallel_loop3A_354, %get3A_13 : vector<16xf32>
        %parallel_loop3A_356 = arith.constant 0 : i32
        %parallel_loop3A_357 = vector.broadcast %parallel_loop3A_356 : i32 to vector<16xi32>
        %parallel_loop3A_358 = arith.cmpi slt, %xor3A_20, %parallel_loop3A_357 : vector<16xi32>
        %parallel_loop3A_359 = arith.constant 16 : i32
        %parallel_loop3A_360 = vector.broadcast %parallel_loop3A_359 : i32 to vector<16xi32>
        %parallel_loop3A_361 = arith.addi %xor3A_20, %parallel_loop3A_360 : vector<16xi32>
        %parallel_loop3A_362 = arith.select %parallel_loop3A_358, %parallel_loop3A_361, %xor3A_20 : vector<16xi1>, vector<16xi32>
        %parallel_loop3A_363 = vector.shape_cast %parallel_loop3A_362 : vector<16xi32> to vector<16x1xi32>
        %parallel_loop3A_364 = vector.shape_cast %parallel_loop3A_363 : vector<16x1xi32> to vector<16xi32>
        %parallel_loop3A_365 = tpu.dynamic_gather %parallel_loop3A_355[%parallel_loop3A_364] in [0] : vector<16xf32>, vector<16xi32> -> vector<16xf32>
        %parallel_loop3A_366 = arith.addf %parallel_loop3A_355, %parallel_loop3A_365 : vector<16xf32>
        %parallel_loop3A_367 = arith.constant 0 : i32
        %parallel_loop3A_368 = vector.broadcast %parallel_loop3A_367 : i32 to vector<16xi32>
        %parallel_loop3A_369 = arith.cmpi slt, %xor3A_23, %parallel_loop3A_368 : vector<16xi32>
        %parallel_loop3A_370 = arith.constant 16 : i32
        %parallel_loop3A_371 = vector.broadcast %parallel_loop3A_370 : i32 to vector<16xi32>
        %parallel_loop3A_372 = arith.addi %xor3A_23, %parallel_loop3A_371 : vector<16xi32>
        %parallel_loop3A_373 = arith.select %parallel_loop3A_369, %parallel_loop3A_372, %xor3A_23 : vector<16xi1>, vector<16xi32>
        %parallel_loop3A_374 = vector.shape_cast %parallel_loop3A_373 : vector<16xi32> to vector<16x1xi32>
        %parallel_loop3A_375 = vector.shape_cast %parallel_loop3A_374 : vector<16x1xi32> to vector<16xi32>
        %parallel_loop3A_376 = tpu.dynamic_gather %parallel_loop3A_366[%parallel_loop3A_375] in [0] : vector<16xf32>, vector<16xi32> -> vector<16xf32>
        %parallel_loop3A_377 = arith.addf %parallel_loop3A_366, %parallel_loop3A_376 : vector<16xf32>
        %parallel_loop3A_378 = arith.addf %parallel_loop3A_288, %parallel_loop3A_293 : vector<16xf32>
        %parallel_loop3A_379 = arith.constant 2.000000e-01 : f32
        %parallel_loop3A_380 = vector.broadcast %parallel_loop3A_379 : f32 to vector<16xf32>
        %parallel_loop3A_381 = arith.mulf %parallel_loop3A_380, %parallel_loop3A_378 : vector<16xf32>
        %parallel_loop3A_382 = arith.maximumf %parallel_loop3A_378, %parallel_loop3A_381 : vector<16xf32>
        %parallel_loop3A_383 = arith.mulf %parallel_loop3A_382, %get3A_17 : vector<16xf32>
        %parallel_loop3A_384 = arith.constant 0 : i32
        %parallel_loop3A_385 = vector.broadcast %parallel_loop3A_384 : i32 to vector<16xi32>
        %parallel_loop3A_386 = arith.cmpi slt, %xor3A_20, %parallel_loop3A_385 : vector<16xi32>
        %parallel_loop3A_387 = arith.constant 16 : i32
        %parallel_loop3A_388 = vector.broadcast %parallel_loop3A_387 : i32 to vector<16xi32>
        %parallel_loop3A_389 = arith.addi %xor3A_20, %parallel_loop3A_388 : vector<16xi32>
        %parallel_loop3A_390 = arith.select %parallel_loop3A_386, %parallel_loop3A_389, %xor3A_20 : vector<16xi1>, vector<16xi32>
        %parallel_loop3A_391 = vector.shape_cast %parallel_loop3A_390 : vector<16xi32> to vector<16x1xi32>
        %parallel_loop3A_392 = vector.shape_cast %parallel_loop3A_391 : vector<16x1xi32> to vector<16xi32>
        %parallel_loop3A_393 = tpu.dynamic_gather %parallel_loop3A_383[%parallel_loop3A_392] in [0] : vector<16xf32>, vector<16xi32> -> vector<16xf32>
        %parallel_loop3A_394 = arith.addf %parallel_loop3A_383, %parallel_loop3A_393 : vector<16xf32>
        %parallel_loop3A_395 = arith.constant 0 : i32
        %parallel_loop3A_396 = vector.broadcast %parallel_loop3A_395 : i32 to vector<16xi32>
        %parallel_loop3A_397 = arith.cmpi slt, %xor3A_23, %parallel_loop3A_396 : vector<16xi32>
        %parallel_loop3A_398 = arith.constant 16 : i32
        %parallel_loop3A_399 = vector.broadcast %parallel_loop3A_398 : i32 to vector<16xi32>
        %parallel_loop3A_400 = arith.addi %xor3A_23, %parallel_loop3A_399 : vector<16xi32>
        %parallel_loop3A_401 = arith.select %parallel_loop3A_397, %parallel_loop3A_400, %xor3A_23 : vector<16xi1>, vector<16xi32>
        %parallel_loop3A_402 = vector.shape_cast %parallel_loop3A_401 : vector<16xi32> to vector<16x1xi32>
        %parallel_loop3A_403 = vector.shape_cast %parallel_loop3A_402 : vector<16x1xi32> to vector<16xi32>
        %parallel_loop3A_404 = tpu.dynamic_gather %parallel_loop3A_394[%parallel_loop3A_403] in [0] : vector<16xf32>, vector<16xi32> -> vector<16xf32>
        %parallel_loop3A_405 = arith.addf %parallel_loop3A_394, %parallel_loop3A_404 : vector<16xf32>
        %parallel_loop3A_406 = arith.select %lt3A_37, %parallel_loop3A_377, %parallel_loop3A_405 : vector<16xi1>, vector<16xf32>
        %parallel_loop3A_407 = arith.select %lt3A_34, %parallel_loop3A_349, %parallel_loop3A_406 : vector<16xi1>, vector<16xf32>
        %parallel_loop3A_408 = arith.select %lt3A_31, %parallel_loop3A_321, %parallel_loop3A_407 : vector<16xi1>, vector<16xf32>
        %parallel_loop3A_409 = arith.constant 0 : i32
        %parallel_loop3A_410 = vector.broadcast %parallel_loop3A_409 : i32 to vector<16xi32>
        %parallel_loop3A_411 = arith.cmpi slt, %xor3A_26, %parallel_loop3A_410 : vector<16xi32>
        %parallel_loop3A_412 = arith.constant 16 : i32
        %parallel_loop3A_413 = vector.broadcast %parallel_loop3A_412 : i32 to vector<16xi32>
        %parallel_loop3A_414 = arith.addi %xor3A_26, %parallel_loop3A_413 : vector<16xi32>
        %parallel_loop3A_415 = arith.select %parallel_loop3A_411, %parallel_loop3A_414, %xor3A_26 : vector<16xi1>, vector<16xi32>
        %parallel_loop3A_416 = vector.shape_cast %parallel_loop3A_415 : vector<16xi32> to vector<16x1xi32>
        %parallel_loop3A_417 = vector.shape_cast %parallel_loop3A_416 : vector<16x1xi32> to vector<16xi32>
        %parallel_loop3A_418 = tpu.dynamic_gather %parallel_loop3A_408[%parallel_loop3A_417] in [0] : vector<16xf32>, vector<16xi32> -> vector<16xf32>
        %parallel_loop3A_419 = arith.addf %parallel_loop3A_408, %parallel_loop3A_418 : vector<16xf32>
        %parallel_loop3A_420 = arith.constant 0 : i32
        %parallel_loop3A_421 = vector.broadcast %parallel_loop3A_420 : i32 to vector<16xi32>
        %parallel_loop3A_422 = arith.cmpi slt, %xor3A_29, %parallel_loop3A_421 : vector<16xi32>
        %parallel_loop3A_423 = arith.constant 16 : i32
        %parallel_loop3A_424 = vector.broadcast %parallel_loop3A_423 : i32 to vector<16xi32>
        %parallel_loop3A_425 = arith.addi %xor3A_29, %parallel_loop3A_424 : vector<16xi32>
        %parallel_loop3A_426 = arith.select %parallel_loop3A_422, %parallel_loop3A_425, %xor3A_29 : vector<16xi1>, vector<16xi32>
        %parallel_loop3A_427 = vector.shape_cast %parallel_loop3A_426 : vector<16xi32> to vector<16x1xi32>
        %parallel_loop3A_428 = vector.shape_cast %parallel_loop3A_427 : vector<16x1xi32> to vector<16xi32>
        %parallel_loop3A_429 = tpu.dynamic_gather %parallel_loop3A_419[%parallel_loop3A_428] in [0] : vector<16xf32>, vector<16xi32> -> vector<16xf32>
        %parallel_loop3A_430 = arith.addf %parallel_loop3A_419, %parallel_loop3A_429 : vector<16xf32>
        %parallel_loop3A_431 = math.exp %parallel_loop3A_430 : vector<16xf32>
        %parallel_loop3A_432 = arith.constant 0 : i32
        %parallel_loop3A_433 = vector.broadcast %parallel_loop3A_432 : i32 to vector<16xi32>
        %parallel_loop3A_434 = arith.cmpi slt, %add3A_43, %parallel_loop3A_433 : vector<16xi32>
        %parallel_loop3A_435 = arith.constant 16 : i32
        %parallel_loop3A_436 = vector.broadcast %parallel_loop3A_435 : i32 to vector<16xi32>
        %parallel_loop3A_437 = arith.addi %add3A_43, %parallel_loop3A_436 : vector<16xi32>
        %parallel_loop3A_438 = arith.select %parallel_loop3A_434, %parallel_loop3A_437, %add3A_43 : vector<16xi1>, vector<16xi32>
        %parallel_loop3A_439 = vector.shape_cast %parallel_loop3A_438 : vector<16xi32> to vector<16x1xi32>
        %parallel_loop3A_440 = vector.shape_cast %parallel_loop3A_439 : vector<16x1xi32> to vector<16xi32>
        %parallel_loop3A_441 = tpu.dynamic_gather %parallel_loop3A_431[%parallel_loop3A_440] in [0] : vector<16xf32>, vector<16xi32> -> vector<16xf32>
        %parallel_loop3A_442 = arith.mulf %parallel_loop3A_441, %parallel_loop3A_277 : vector<16xf32>
        %parallel_loop3A_443 = arith.index_cast %parallel_loop3A_273 : i32 to index
        %parallel_loop3A_444 = arith.constant 0 : index
        %parallel_loop3A_445 = tpu.vector_load %arg26[%parallel_loop3A_443, %parallel_loop3A_444] {strides = array<i32>} : memref<128x80xf32, #tpu.memory_space<vmem>>, vector<16xf32>,
        tpu.vector_store %arg26[%parallel_loop3A_443, %parallel_loop3A_444], %parallel_loop3A_442 {strides = array<i32>} : memref<128x80xf32, #tpu.memory_space<vmem>>, vector<16xf32>,
        %parallel_loop3A_446 = arith.constant 0 : i32
        %parallel_loop3A_447 = vector.broadcast %parallel_loop3A_446 : i32 to vector<16xi32>
        %parallel_loop3A_448 = arith.cmpi slt, %add3A_49, %parallel_loop3A_447 : vector<16xi32>
        %parallel_loop3A_449 = arith.constant 16 : i32
        %parallel_loop3A_450 = vector.broadcast %parallel_loop3A_449 : i32 to vector<16xi32>
        %parallel_loop3A_451 = arith.addi %add3A_49, %parallel_loop3A_450 : vector<16xi32>
        %parallel_loop3A_452 = arith.select %parallel_loop3A_448, %parallel_loop3A_451, %add3A_49 : vector<16xi1>, vector<16xi32>
        %parallel_loop3A_453 = vector.shape_cast %parallel_loop3A_452 : vector<16xi32> to vector<16x1xi32>
        %parallel_loop3A_454 = vector.shape_cast %parallel_loop3A_453 : vector<16x1xi32> to vector<16xi32>
        %parallel_loop3A_455 = tpu.dynamic_gather %parallel_loop3A_431[%parallel_loop3A_454] in [0] : vector<16xf32>, vector<16xi32> -> vector<16xf32>
        %parallel_loop3A_456 = arith.mulf %parallel_loop3A_455, %parallel_loop3A_278 : vector<16xf32>
        %parallel_loop3A_457 = arith.index_cast %parallel_loop3A_273 : i32 to index
        %parallel_loop3A_458 = arith.constant 16 : index
        %parallel_loop3A_459 = tpu.vector_load %arg26[%parallel_loop3A_457, %parallel_loop3A_458] {strides = array<i32>} : memref<128x80xf32, #tpu.memory_space<vmem>>, vector<16xf32>,
        tpu.vector_store %arg26[%parallel_loop3A_457, %parallel_loop3A_458], %parallel_loop3A_456 {strides = array<i32>} : memref<128x80xf32, #tpu.memory_space<vmem>>, vector<16xf32>,
        %parallel_loop3A_460 = arith.constant 0 : i32
        %parallel_loop3A_461 = vector.broadcast %parallel_loop3A_460 : i32 to vector<16xi32>
        %parallel_loop3A_462 = arith.cmpi slt, %add3A_55, %parallel_loop3A_461 : vector<16xi32>
        %parallel_loop3A_463 = arith.constant 16 : i32
        %parallel_loop3A_464 = vector.broadcast %parallel_loop3A_463 : i32 to vector<16xi32>
        %parallel_loop3A_465 = arith.addi %add3A_55, %parallel_loop3A_464 : vector<16xi32>
        %parallel_loop3A_466 = arith.select %parallel_loop3A_462, %parallel_loop3A_465, %add3A_55 : vector<16xi1>, vector<16xi32>
        %parallel_loop3A_467 = vector.shape_cast %parallel_loop3A_466 : vector<16xi32> to vector<16x1xi32>
        %parallel_loop3A_468 = vector.shape_cast %parallel_loop3A_467 : vector<16x1xi32> to vector<16xi32>
        %parallel_loop3A_469 = tpu.dynamic_gather %parallel_loop3A_431[%parallel_loop3A_468] in [0] : vector<16xf32>, vector<16xi32> -> vector<16xf32>
        %parallel_loop3A_470 = arith.mulf %parallel_loop3A_469, %parallel_loop3A_287 : vector<16xf32>
        %parallel_loop3A_471 = arith.index_cast %parallel_loop3A_273 : i32 to index
        %parallel_loop3A_472 = arith.constant 32 : index
        %parallel_loop3A_473 = tpu.vector_load %arg26[%parallel_loop3A_471, %parallel_loop3A_472] {strides = array<i32>} : memref<128x80xf32, #tpu.memory_space<vmem>>, vector<16xf32>,
        tpu.vector_store %arg26[%parallel_loop3A_471, %parallel_loop3A_472], %parallel_loop3A_470 {strides = array<i32>} : memref<128x80xf32, #tpu.memory_space<vmem>>, vector<16xf32>,
        %parallel_loop3A_474 = arith.constant 0 : i32
        %parallel_loop3A_475 = vector.broadcast %parallel_loop3A_474 : i32 to vector<16xi32>
        %parallel_loop3A_476 = arith.cmpi slt, %add3A_61, %parallel_loop3A_475 : vector<16xi32>
        %parallel_loop3A_477 = arith.constant 16 : i32
        %parallel_loop3A_478 = vector.broadcast %parallel_loop3A_477 : i32 to vector<16xi32>
        %parallel_loop3A_479 = arith.addi %add3A_61, %parallel_loop3A_478 : vector<16xi32>
        %parallel_loop3A_480 = arith.select %parallel_loop3A_476, %parallel_loop3A_479, %add3A_61 : vector<16xi1>, vector<16xi32>
        %parallel_loop3A_481 = vector.shape_cast %parallel_loop3A_480 : vector<16xi32> to vector<16x1xi32>
        %parallel_loop3A_482 = vector.shape_cast %parallel_loop3A_481 : vector<16x1xi32> to vector<16xi32>
        %parallel_loop3A_483 = tpu.dynamic_gather %parallel_loop3A_431[%parallel_loop3A_482] in [0] : vector<16xf32>, vector<16xi32> -> vector<16xf32>
        %parallel_loop3A_484 = arith.mulf %parallel_loop3A_483, %parallel_loop3A_288 : vector<16xf32>
        %parallel_loop3A_485 = arith.index_cast %parallel_loop3A_273 : i32 to index
        %parallel_loop3A_486 = arith.constant 48 : index
        %parallel_loop3A_487 = tpu.vector_load %arg26[%parallel_loop3A_485, %parallel_loop3A_486] {strides = array<i32>} : memref<128x80xf32, #tpu.memory_space<vmem>>, vector<16xf32>,
        tpu.vector_store %arg26[%parallel_loop3A_485, %parallel_loop3A_486], %parallel_loop3A_484 {strides = array<i32>} : memref<128x80xf32, #tpu.memory_space<vmem>>, vector<16xf32>,
        %parallel_loop3A_488 = arith.constant 0 : i32
        %parallel_loop3A_489 = vector.broadcast %parallel_loop3A_488 : i32 to vector<16xi32>
        %parallel_loop3A_490 = arith.cmpi slt, %mul3A_66, %parallel_loop3A_489 : vector<16xi32>
        %parallel_loop3A_491 = arith.constant 16 : i32
        %parallel_loop3A_492 = vector.broadcast %parallel_loop3A_491 : i32 to vector<16xi32>
        %parallel_loop3A_493 = arith.addi %mul3A_66, %parallel_loop3A_492 : vector<16xi32>
        %parallel_loop3A_494 = arith.select %parallel_loop3A_490, %parallel_loop3A_493, %mul3A_66 : vector<16xi1>, vector<16xi32>
        %parallel_loop3A_495 = vector.shape_cast %parallel_loop3A_494 : vector<16xi32> to vector<16x1xi32>
        %parallel_loop3A_496 = vector.shape_cast %parallel_loop3A_495 : vector<16x1xi32> to vector<16xi32>
        %parallel_loop3A_497 = tpu.dynamic_gather %parallel_loop3A_431[%parallel_loop3A_496] in [0] : vector<16xf32>, vector<16xi32> -> vector<16xf32>
        %parallel_loop3A_498 = arith.select %lt3A_31, %parallel_loop3A_497, %broadcast_in_dim3A_18 : vector<16xi1>, vector<16xf32>
        %parallel_loop3A_499 = arith.index_cast %parallel_loop3A_273 : i32 to index
        %parallel_loop3A_500 = arith.constant 64 : index
        %parallel_loop3A_501 = tpu.vector_load %arg26[%parallel_loop3A_499, %parallel_loop3A_500] {strides = array<i32>} : memref<128x80xf32, #tpu.memory_space<vmem>>, vector<16xf32>,
        tpu.vector_store %arg26[%parallel_loop3A_499, %parallel_loop3A_500], %parallel_loop3A_498 {strides = array<i32>} : memref<128x80xf32, #tpu.memory_space<vmem>>, vector<16xf32>,
      } {sc.loop_unroll_factor = 8 : i64, sc.parallel_access}
      %dma_start3A_265 = arith.constant 0 : i32
      %dma_start3A_266 = arith.constant 0 : i32
      %dma_start3A_267 = tpu.memref_slice %arg27[%dma_start3A_265, %dma_start3A_266] : memref<10240x80xf32, #tpu.memory_space<vmem_shared>> -> memref<10240x80xf32, #tpu.memory_space<vmem_shared>>
      tpu.enqueue_indirect_dma source(%arg26 : memref<128x80xf32, #tpu.memory_space<vmem>>) target(%dma_start3A_267 : memref<10240x80xf32, #tpu.memory_space<vmem_shared>>) offsets(%arg23 : memref<128xi32, #tpu.memory_space<vmem>>) semaphore(%arg34 : memref<!tpu.dma_semaphore, #tpu.memory_space<semaphore_mem>>) {add = true}
      %lt3A_268 = arith.constant 26 : i32
      %lt3A_269 = arith.cmpi slt, %scan3A_210, %lt3A_268 : i32
      %convert_element_type3A_270 = arith.extui %lt3A_269 : i1 to i32
      %cond3A_271 = arith.constant 0 : i32
      %cond3A_272 = arith.cmpi ne, %convert_element_type3A_270, %cond3A_271 : i32
      scf.if %cond3A_272 {
        %mul3A_273 = arith.constant 3 : i32
        %mul3A_274 = arith.muli %mul3A_273, %scan3A_210 : i32
        %add3A_275 = arith.constant 3 : i32
        %add3A_276 = arith.addi %mul3A_274, %add3A_275 : i32
        %add3A_277 = arith.constant 2 : i32
        %add3A_278 = arith.addi %add3A_276, %add3A_277 : i32
        %mul3A_279 = arith.constant 128 : i32
        %mul3A_280 = arith.muli %add3A_278, %mul3A_279 : i32
        %dma_start3A_281 = tpu.memref_slice %arg2[%add3A, %mul3A_280] : memref<32x10368xi32, #tpu.memory_space<hbm>> -> memref<1x128xi32, #tpu.memory_space<hbm>>
        %dma_start3A_282 = tpu.memref_squeeze %dma_start3A_281 : memref<1x128xi32, #tpu.memory_space<hbm>> -> memref<128xi32, #tpu.memory_space<hbm>>
        %dma_start3A_283 = tpu.memref_slice %arg2[%add3A, %mul3A_280] : memref<32x10368xi32, #tpu.memory_space<hbm>> -> memref<1x128xi32, #tpu.memory_space<hbm>>
        %dma_start3A_284 = tpu.memref_squeeze %dma_start3A_283 : memref<1x128xi32, #tpu.memory_space<hbm>> -> memref<128xi32, #tpu.memory_space<hbm>>
        tpu.enqueue_dma source(%dma_start3A_284 : memref<128xi32, #tpu.memory_space<hbm>>) target(%arg21 : memref<128xi32, #tpu.memory_space<vmem>>) target_semaphore(%arg35 : memref<!tpu.dma_semaphore, #tpu.memory_space<semaphore_mem>>)
        %dma_start3A_285 = tpu.memref_slice %arg3[%add3A, %mul3A_280] : memref<32x10368xi32, #tpu.memory_space<hbm>> -> memref<1x128xi32, #tpu.memory_space<hbm>>
        %dma_start3A_286 = tpu.memref_squeeze %dma_start3A_285 : memref<1x128xi32, #tpu.memory_space<hbm>> -> memref<128xi32, #tpu.memory_space<hbm>>
        %dma_start3A_287 = tpu.memref_slice %arg3[%add3A, %mul3A_280] : memref<32x10368xi32, #tpu.memory_space<hbm>> -> memref<1x128xi32, #tpu.memory_space<hbm>>
        %dma_start3A_288 = tpu.memref_squeeze %dma_start3A_287 : memref<1x128xi32, #tpu.memory_space<hbm>> -> memref<128xi32, #tpu.memory_space<hbm>>
        tpu.enqueue_dma source(%dma_start3A_288 : memref<128xi32, #tpu.memory_space<hbm>>) target(%arg22 : memref<128xi32, #tpu.memory_space<vmem>>) target_semaphore(%arg35 : memref<!tpu.dma_semaphore, #tpu.memory_space<semaphore_mem>>)
        %dma_start3A_289 = tpu.memref_slice %arg3[%add3A, %mul3A_280] : memref<32x10368xi32, #tpu.memory_space<hbm>> -> memref<1x128xi32, #tpu.memory_space<hbm>>
        %dma_start3A_290 = tpu.memref_squeeze %dma_start3A_289 : memref<1x128xi32, #tpu.memory_space<hbm>> -> memref<128xi32, #tpu.memory_space<hbm>>
        %dma_start3A_291 = tpu.memref_slice %arg3[%add3A, %mul3A_280] : memref<32x10368xi32, #tpu.memory_space<hbm>> -> memref<1x128xi32, #tpu.memory_space<hbm>>
        %dma_start3A_292 = tpu.memref_squeeze %dma_start3A_291 : memref<1x128xi32, #tpu.memory_space<hbm>> -> memref<128xi32, #tpu.memory_space<hbm>>
        tpu.enqueue_dma source(%dma_start3A_292 : memref<128xi32, #tpu.memory_space<hbm>>) target(%arg23 : memref<128xi32, #tpu.memory_space<vmem>>) target_semaphore(%arg35 : memref<!tpu.dma_semaphore, #tpu.memory_space<semaphore_mem>>)
        %dma_wait3A_293 = tpu.memref_slice %arg2[%add3A, %mul3A_280] : memref<32x10368xi32, #tpu.memory_space<hbm>> -> memref<1x128xi32, #tpu.memory_space<hbm>>
        %dma_wait3A_294 = tpu.memref_squeeze %dma_wait3A_293 : memref<1x128xi32, #tpu.memory_space<hbm>> -> memref<128xi32, #tpu.memory_space<hbm>>
        %dma_wait3A_295 = tpu.memref_slice %arg2[%add3A, %mul3A_280] : memref<32x10368xi32, #tpu.memory_space<hbm>> -> memref<1x128xi32, #tpu.memory_space<hbm>>
        %dma_wait3A_296 = tpu.memref_squeeze %dma_wait3A_295 : memref<1x128xi32, #tpu.memory_space<hbm>> -> memref<128xi32, #tpu.memory_space<hbm>>
        tpu.wait_dma2 semaphore(%arg35 : memref<!tpu.dma_semaphore, #tpu.memory_space<semaphore_mem>>) src(%dma_wait3A_296 : memref<128xi32, #tpu.memory_space<hbm>>) dst(%arg21 : memref<128xi32, #tpu.memory_space<vmem>>)
        %dma_wait3A_297 = tpu.memref_slice %arg3[%add3A, %mul3A_280] : memref<32x10368xi32, #tpu.memory_space<hbm>> -> memref<1x128xi32, #tpu.memory_space<hbm>>
        %dma_wait3A_298 = tpu.memref_squeeze %dma_wait3A_297 : memref<1x128xi32, #tpu.memory_space<hbm>> -> memref<128xi32, #tpu.memory_space<hbm>>
        %dma_wait3A_299 = tpu.memref_slice %arg3[%add3A, %mul3A_280] : memref<32x10368xi32, #tpu.memory_space<hbm>> -> memref<1x128xi32, #tpu.memory_space<hbm>>
        %dma_wait3A_300 = tpu.memref_squeeze %dma_wait3A_299 : memref<1x128xi32, #tpu.memory_space<hbm>> -> memref<128xi32, #tpu.memory_space<hbm>>
        tpu.wait_dma2 semaphore(%arg35 : memref<!tpu.dma_semaphore, #tpu.memory_space<semaphore_mem>>) src(%dma_wait3A_300 : memref<128xi32, #tpu.memory_space<hbm>>) dst(%arg22 : memref<128xi32, #tpu.memory_space<vmem>>)
        %dma_wait3A_301 = tpu.memref_slice %arg3[%add3A, %mul3A_280] : memref<32x10368xi32, #tpu.memory_space<hbm>> -> memref<1x128xi32, #tpu.memory_space<hbm>>
        %dma_wait3A_302 = tpu.memref_squeeze %dma_wait3A_301 : memref<1x128xi32, #tpu.memory_space<hbm>> -> memref<128xi32, #tpu.memory_space<hbm>>
        %dma_wait3A_303 = tpu.memref_slice %arg3[%add3A, %mul3A_280] : memref<32x10368xi32, #tpu.memory_space<hbm>> -> memref<1x128xi32, #tpu.memory_space<hbm>>
        %dma_wait3A_304 = tpu.memref_squeeze %dma_wait3A_303 : memref<1x128xi32, #tpu.memory_space<hbm>> -> memref<128xi32, #tpu.memory_space<hbm>>
        tpu.wait_dma2 semaphore(%arg35 : memref<!tpu.dma_semaphore, #tpu.memory_space<semaphore_mem>>) src(%dma_wait3A_304 : memref<128xi32, #tpu.memory_space<hbm>>) dst(%arg23 : memref<128xi32, #tpu.memory_space<vmem>>)
        %dma_start3A_305 = arith.constant 0 : i32
        %dma_start3A_306 = arith.constant 0 : i32
        %dma_start3A_307 = tpu.memref_slice %arg4[%dma_start3A_305, %dma_start3A_306] : memref<10240x64xbf16, #tpu.memory_space<hbm>> -> memref<10240x64xbf16, #tpu.memory_space<hbm>>
        tpu.enqueue_indirect_dma source(%dma_start3A_307 : memref<10240x64xbf16, #tpu.memory_space<hbm>>) target(%arg24 : memref<128x64xbf16, #tpu.memory_space<vmem>>) offsets(%arg21 : memref<128xi32, #tpu.memory_space<vmem>>) semaphore(%arg31 : memref<!tpu.dma_semaphore, #tpu.memory_space<semaphore_mem>>)
        %dma_start3A_308 = arith.constant 0 : i32
        %dma_start3A_309 = arith.constant 0 : i32
        %dma_start3A_310 = tpu.memref_slice %arg5[%dma_start3A_308, %dma_start3A_309] : memref<10240x64xbf16, #tpu.memory_space<hbm>> -> memref<10240x64xbf16, #tpu.memory_space<hbm>>
        tpu.enqueue_indirect_dma source(%dma_start3A_310 : memref<10240x64xbf16, #tpu.memory_space<hbm>>) target(%arg25 : memref<128x64xbf16, #tpu.memory_space<vmem>>) offsets(%arg22 : memref<128xi32, #tpu.memory_space<vmem>>) semaphore(%arg31 : memref<!tpu.dma_semaphore, #tpu.memory_space<semaphore_mem>>)
      } else {
      }
    }
    %scan3A_195 = arith.constant 27 : i32
    %dma_wait3A_196 = arith.constant 0 : i32
    %dma_wait3A_197 = arith.constant 0 : i32
    %dma_wait3A_198 = tpu.memref_slice %arg27[%dma_wait3A_196, %dma_wait3A_197] : memref<10240x80xf32, #tpu.memory_space<vmem_shared>> -> memref<10240x80xf32, #tpu.memory_space<vmem_shared>>
    tpu.wait_indirect_dma semaphore(%arg32 : memref<!tpu.dma_semaphore, #tpu.memory_space<semaphore_mem>>) src(%arg14 : memref<128x80xf32, #tpu.memory_space<vmem>>) dst(%dma_wait3A_198 : memref<10240x80xf32, #tpu.memory_space<vmem_shared>>)
    %dma_wait3A_199 = arith.constant 0 : i32
    %dma_wait3A_200 = arith.constant 0 : i32
    %dma_wait3A_201 = tpu.memref_slice %arg27[%dma_wait3A_199, %dma_wait3A_200] : memref<10240x80xf32, #tpu.memory_space<vmem_shared>> -> memref<10240x80xf32, #tpu.memory_space<vmem_shared>>
    tpu.wait_indirect_dma semaphore(%arg33 : memref<!tpu.dma_semaphore, #tpu.memory_space<semaphore_mem>>) src(%arg20 : memref<128x80xf32, #tpu.memory_space<vmem>>) dst(%dma_wait3A_201 : memref<10240x80xf32, #tpu.memory_space<vmem_shared>>)
    %dma_wait3A_202 = arith.constant 0 : i32
    %dma_wait3A_203 = arith.constant 0 : i32
    %dma_wait3A_204 = tpu.memref_slice %arg27[%dma_wait3A_202, %dma_wait3A_203] : memref<10240x80xf32, #tpu.memory_space<vmem_shared>> -> memref<10240x80xf32, #tpu.memory_space<vmem_shared>>
    tpu.wait_indirect_dma semaphore(%arg34 : memref<!tpu.dma_semaphore, #tpu.memory_space<semaphore_mem>>) src(%arg26 : memref<128x80xf32, #tpu.memory_space<vmem>>) dst(%dma_wait3A_204 : memref<10240x80xf32, #tpu.memory_space<vmem_shared>>)
    %barrier3A_205 = arith.constant 0 : index
    tpu.barrier barrier_id(%barrier3A_205)
    %mul3A_206 = arith.constant 640 : i32
    %mul3A_207 = arith.muli %arg1, %mul3A_206 : i32
    %mul3A_208 = arith.constant 640 : i32
    %mul3A_209 = arith.muli %arg1, %mul3A_208 : i32
    "tpu.region"() ({
      %run_scoped3A = tpu.sem_alloc : memref<!tpu.dma_semaphore, #tpu.memory_space<semaphore_mem>>
      %dma_start3A_210 = arith.constant 0 : i32
      %dma_start3A_211 = tpu.memref_slice %arg8[%arg0, %mul3A_209, %dma_start3A_210] : memref<2x10240x80xf32, #tpu.memory_space<hbm>> -> memref<1x640x80xf32, #tpu.memory_space<hbm>>
      %dma_start3A_212 = tpu.memref_squeeze %dma_start3A_211 : memref<1x640x80xf32, #tpu.memory_space<hbm>> -> memref<640x80xf32, #tpu.memory_space<hbm>>
      %dma_start3A_213 = arith.constant 0 : i32
      %dma_start3A_214 = tpu.memref_slice %arg27[%mul3A_207, %dma_start3A_213] : memref<10240x80xf32, #tpu.memory_space<vmem_shared>> -> memref<640x80xf32, #tpu.memory_space<vmem_shared>>
      tpu.enqueue_dma source(%dma_start3A_214 : memref<640x80xf32, #tpu.memory_space<vmem_shared>>) target(%dma_start3A_212 : memref<640x80xf32, #tpu.memory_space<hbm>>) target_semaphore(%run_scoped3A : memref<!tpu.dma_semaphore, #tpu.memory_space<semaphore_mem>>)
      %dma_wait3A_215 = arith.constant 0 : i32
      %dma_wait3A_216 = tpu.memref_slice %arg8[%arg0, %mul3A_209, %dma_wait3A_215] : memref<2x10240x80xf32, #tpu.memory_space<hbm>> -> memref<1x640x80xf32, #tpu.memory_space<hbm>>
      %dma_wait3A_217 = tpu.memref_squeeze %dma_wait3A_216 : memref<1x640x80xf32, #tpu.memory_space<hbm>> -> memref<640x80xf32, #tpu.memory_space<hbm>>
      %dma_wait3A_218 = arith.constant 0 : i32
      %dma_wait3A_219 = tpu.memref_slice %arg27[%mul3A_207, %dma_wait3A_218] : memref<10240x80xf32, #tpu.memory_space<vmem_shared>> -> memref<640x80xf32, #tpu.memory_space<vmem_shared>>
      tpu.wait_dma2 semaphore(%run_scoped3A : memref<!tpu.dma_semaphore, #tpu.memory_space<semaphore_mem>>) src(%dma_wait3A_219 : memref<640x80xf32, #tpu.memory_space<vmem_shared>>) dst(%dma_wait3A_217 : memref<640x80xf32, #tpu.memory_space<hbm>>)
      tpu.yield
    }) : () -> ()
    return
  }
}

module attributes {stable_mosaic.version = 14 : i64} {
  func.func @_proj_body(%arg0: i32, %arg1: memref<512x128xf32, #tpu.memory_space<vmem>>, %arg2: memref<128x64xf32, #tpu.memory_space<vmem>>, %arg3: memref<1x64xf32, #tpu.memory_space<vmem>>, %arg4: memref<128x64xf32, #tpu.memory_space<vmem>>, %arg5: memref<1x64xf32, #tpu.memory_space<vmem>>, %arg6: memref<512x64xbf16, #tpu.memory_space<vmem>>, %arg7: memref<512x64xbf16, #tpu.memory_space<vmem>>) attributes {dimension_semantics = [#tpu.dimension_semantics<arbitrary>], iteration_bounds = array<i64: 20>, scalar_prefetch = 0 : i64, scratch_operands = 0 : i64, tpu.core_type = #tpu.core_type<tc>, window_params = [{transform_indices = @transform_0, window_bounds = array<i64: 512, 128>}, {pipeline_mode = #tpu.pipeline_mode<synchronous>, transform_indices = @transform_1, window_bounds = array<i64: 128, 64>}, {pipeline_mode = #tpu.pipeline_mode<synchronous>, transform_indices = @transform_2, window_bounds = array<i64: 1, 64>}, {pipeline_mode = #tpu.pipeline_mode<synchronous>, transform_indices = @transform_3, window_bounds = array<i64: 128, 64>}, {pipeline_mode = #tpu.pipeline_mode<synchronous>, transform_indices = @transform_4, window_bounds = array<i64: 1, 64>}, {transform_indices = @transform_5, window_bounds = array<i64: 512, 64>}, {transform_indices = @transform_6, window_bounds = array<i64: 512, 64>}]} {
    %get3A = arith.constant 0 : index
    %get3A_0 = arith.constant 0 : index
    %get3A_1 = vector.load %arg1[%get3A, %get3A_0] : memref<512x128xf32, #tpu.memory_space<vmem>>, vector<512x128xf32>
    %get3A_2 = arith.constant 0 : index
    %get3A_3 = arith.constant 0 : index
    %get3A_4 = vector.load %arg2[%get3A_2, %get3A_3] : memref<128x64xf32, #tpu.memory_space<vmem>>, vector<128x64xf32>
    %dot_general3A = arith.constant dense<0.000000e+00> : vector<512x64xf32>
    %dot_general3A_5 = tpu.matmul %get3A_1, %get3A_4, %dot_general3A {dimension_numbers = #tpu.dot_dimension_numbers<[1], [0], [0], [1], [0, 0, 1, 1], [], []>, transpose_lhs_hint = false} : vector<512x128xf32>, vector<128x64xf32>, vector<512x64xf32> -> vector<512x64xf32>
    %get3A_6 = arith.constant 0 : index
    %get3A_7 = arith.constant 0 : index
    %get3A_8 = vector.load %arg3[%get3A_6, %get3A_7] : memref<1x64xf32, #tpu.memory_space<vmem>>, vector<1x64xf32>
    %add3A = vector.broadcast %get3A_8 : vector<1x64xf32> to vector<512x64xf32>
    %add3A_9 = arith.addf %dot_general3A_5, %add3A : vector<512x64xf32>
    %get3A_10 = arith.constant 0 : index
    %get3A_11 = arith.constant 0 : index
    %get3A_12 = vector.load %arg4[%get3A_10, %get3A_11] : memref<128x64xf32, #tpu.memory_space<vmem>>, vector<128x64xf32>
    %dot_general3A_13 = arith.constant dense<0.000000e+00> : vector<512x64xf32>
    %dot_general3A_14 = tpu.matmul %get3A_1, %get3A_12, %dot_general3A_13 {dimension_numbers = #tpu.dot_dimension_numbers<[1], [0], [0], [1], [0, 0, 1, 1], [], []>, transpose_lhs_hint = false} : vector<512x128xf32>, vector<128x64xf32>, vector<512x64xf32> -> vector<512x64xf32>
    %get3A_15 = arith.constant 0 : index
    %get3A_16 = arith.constant 0 : index
    %get3A_17 = vector.load %arg5[%get3A_15, %get3A_16] : memref<1x64xf32, #tpu.memory_space<vmem>>, vector<1x64xf32>
    %add3A_18 = vector.broadcast %get3A_17 : vector<1x64xf32> to vector<512x64xf32>
    %add3A_19 = arith.addf %dot_general3A_14, %add3A_18 : vector<512x64xf32>
    %convert_element_type3A = arith.truncf %add3A_9 : vector<512x64xf32> to vector<512x64xbf16>
    %swap3A = arith.constant 0 : index
    %swap3A_20 = arith.constant 0 : index
    %swap3A_21 = vector.load %arg6[%swap3A, %swap3A_20] : memref<512x64xbf16, #tpu.memory_space<vmem>>, vector<512x64xbf16>
    tpu.vector_store %arg6[%swap3A, %swap3A_20], %convert_element_type3A {strides = array<i32>} : memref<512x64xbf16, #tpu.memory_space<vmem>>, vector<512x64xbf16>,
    %convert_element_type3A_22 = arith.truncf %add3A_19 : vector<512x64xf32> to vector<512x64xbf16>
    %swap3A_23 = arith.constant 0 : index
    %swap3A_24 = arith.constant 0 : index
    %swap3A_25 = vector.load %arg7[%swap3A_23, %swap3A_24] : memref<512x64xbf16, #tpu.memory_space<vmem>>, vector<512x64xbf16>
    tpu.vector_store %arg7[%swap3A_23, %swap3A_24], %convert_element_type3A_22 {strides = array<i32>} : memref<512x64xbf16, #tpu.memory_space<vmem>>, vector<512x64xbf16>,
    return
  }
  func.func @transform_0(%arg0: i32) -> (i32, i32) {
    %c0_i32 = arith.constant 0 : i32
    %c0_i32_0 = arith.constant 0 : i32
    return %arg0, %c0_i32 : i32, i32
  }
  func.func @transform_1(%arg0: i32) -> (i32, i32) {
    %c0_i32 = arith.constant 0 : i32
    %c0_i32_0 = arith.constant 0 : i32
    %c0_i32_1 = arith.constant 0 : i32
    return %c0_i32, %c0_i32_0 : i32, i32
  }
  func.func @transform_2(%arg0: i32) -> (i32, i32) {
    %c0_i32 = arith.constant 0 : i32
    %c0_i32_0 = arith.constant 0 : i32
    %c0_i32_1 = arith.constant 0 : i32
    return %c0_i32, %c0_i32_0 : i32, i32
  }
  func.func @transform_3(%arg0: i32) -> (i32, i32) {
    %c0_i32 = arith.constant 0 : i32
    %c0_i32_0 = arith.constant 0 : i32
    %c0_i32_1 = arith.constant 0 : i32
    return %c0_i32, %c0_i32_0 : i32, i32
  }
  func.func @transform_4(%arg0: i32) -> (i32, i32) {
    %c0_i32 = arith.constant 0 : i32
    %c0_i32_0 = arith.constant 0 : i32
    %c0_i32_1 = arith.constant 0 : i32
    return %c0_i32, %c0_i32_0 : i32, i32
  }
  func.func @transform_5(%arg0: i32) -> (i32, i32) {
    %c0_i32 = arith.constant 0 : i32
    %c0_i32_0 = arith.constant 0 : i32
    return %arg0, %c0_i32 : i32, i32
  }
  func.func @transform_6(%arg0: i32) -> (i32, i32) {
    %c0_i32 = arith.constant 0 : i32
    %c0_i32_0 = arith.constant 0 : i32
    return %arg0, %c0_i32 : i32, i32
  }
}

module attributes {stable_mosaic.version = 14 : i64} {
  func.func @_label_math(%arg0: memref<1x64xf32, #tpu.memory_space<vmem>>, %arg1: memref<256x1xi32, #tpu.memory_space<vmem>>, %arg2: memref<1x256xi32, #tpu.memory_space<vmem>>, %arg3: memref<256x1xi32, #tpu.memory_space<vmem>>, %arg4: memref<256x1xf32, #tpu.memory_space<vmem>>, %arg5: memref<1x256xf32, #tpu.memory_space<vmem>>, %arg6: memref<64x64xf32, #tpu.memory_space<vmem>>, %arg7: memref<1x64xf32, #tpu.memory_space<vmem>>, %arg8: memref<64x64xf32, #tpu.memory_space<vmem>>, %arg9: memref<1x64xf32, #tpu.memory_space<vmem>>, %arg10: memref<64x64xf32, #tpu.memory_space<vmem>>, %arg11: memref<1x64xf32, #tpu.memory_space<vmem>>, %arg12: memref<64x64xf32, #tpu.memory_space<vmem>>, %arg13: memref<1x64xf32, #tpu.memory_space<vmem>>) attributes {dimension_semantics = [], scalar_prefetch = 0 : i64, scratch_operands = 0 : i64, tpu.core_type = #tpu.core_type<tc>} {
    %iota3A = tpu.iota {dimensions = array<i32: 0>} : vector<64x256xi32>
    %iota3A_0 = tpu.iota {dimensions = array<i32: 1>} : vector<256x64xi32>
    %get3A = arith.constant 0 : index
    %get3A_1 = arith.constant 0 : index
    %get3A_2 = vector.load %arg2[%get3A, %get3A_1] : memref<1x256xi32, #tpu.memory_space<vmem>>, vector<1x256xi32>
    %eq3A = vector.broadcast %get3A_2 : vector<1x256xi32> to vector<64x256xi32>
    %eq3A_3 = arith.cmpi eq, %iota3A, %eq3A : vector<64x256xi32>
    %convert_element_type3A = arith.extui %eq3A_3 : vector<64x256xi1> to vector<64x256xi32>
    %convert_element_type3A_4 = arith.sitofp %convert_element_type3A : vector<64x256xi32> to vector<64x256xf32>
    %get3A_5 = arith.constant 0 : index
    %get3A_6 = arith.constant 0 : index
    %get3A_7 = vector.load %arg1[%get3A_5, %get3A_6] : memref<256x1xi32, #tpu.memory_space<vmem>>, vector<256x1xi32>
    %eq3A_8 = vector.broadcast %get3A_7 : vector<256x1xi32> to vector<256x64xi32>
    %eq3A_9 = arith.cmpi eq, %iota3A_0, %eq3A_8 : vector<256x64xi32>
    %convert_element_type3A_10 = arith.extui %eq3A_9 : vector<256x64xi1> to vector<256x64xi32>
    %convert_element_type3A_11 = arith.sitofp %convert_element_type3A_10 : vector<256x64xi32> to vector<256x64xf32>
    %get3A_12 = arith.constant 0 : index
    %get3A_13 = arith.constant 0 : index
    %get3A_14 = vector.load %arg3[%get3A_12, %get3A_13] : memref<256x1xi32, #tpu.memory_space<vmem>>, vector<256x1xi32>
    %eq3A_15 = vector.broadcast %get3A_14 : vector<256x1xi32> to vector<256x64xi32>
    %eq3A_16 = arith.cmpi eq, %iota3A_0, %eq3A_15 : vector<256x64xi32>
    %convert_element_type3A_17 = arith.extui %eq3A_16 : vector<256x64xi1> to vector<256x64xi32>
    %convert_element_type3A_18 = arith.sitofp %convert_element_type3A_17 : vector<256x64xi32> to vector<256x64xf32>
    %get3A_19 = arith.constant 0 : index
    %get3A_20 = arith.constant 0 : index
    %get3A_21 = vector.load %arg4[%get3A_19, %get3A_20] : memref<256x1xf32, #tpu.memory_space<vmem>>, vector<256x1xf32>
    %mul3A = vector.broadcast %get3A_21 : vector<256x1xf32> to vector<256x64xf32>
    %mul3A_22 = arith.mulf %mul3A, %convert_element_type3A_11 : vector<256x64xf32>
    %dot_general3A = arith.constant dense<0.000000e+00> : vector<64x64xf32>
    %dot_general3A_23 = tpu.matmul %convert_element_type3A_4, %mul3A_22, %dot_general3A {dimension_numbers = #tpu.dot_dimension_numbers<[1], [0], [0], [1], [0, 0, 1, 1], [], []>, transpose_lhs_hint = false} : vector<64x256xf32>, vector<256x64xf32>, vector<64x64xf32> -> vector<64x64xf32>
    %dot_general3A_24 = arith.constant dense<0.000000e+00> : vector<64x1xf32>
    %dot_general3A_25 = tpu.matmul %convert_element_type3A_4, %get3A_21, %dot_general3A_24 {dimension_numbers = #tpu.dot_dimension_numbers<[1], [0], [0], [1], [0, 0, 1, 1], [], []>, transpose_lhs_hint = false} : vector<64x256xf32>, vector<256x1xf32>, vector<64x1xf32> -> vector<64x1xf32>
    %add3A = arith.constant 1.000000e+00 : f32
    %add3A_26 = vector.broadcast %add3A : f32 to vector<64x1xf32>
    %add3A_27 = arith.addf %dot_general3A_25, %add3A_26 : vector<64x1xf32>
    %get3A_28 = arith.constant 0 : index
    %get3A_29 = arith.constant 0 : index
    %get3A_30 = vector.load %arg5[%get3A_28, %get3A_29] : memref<1x256xf32, #tpu.memory_space<vmem>>, vector<1x256xf32>
    %dot_general3A_31 = arith.constant dense<0.000000e+00> : vector<1x64xf32>
    %dot_general3A_32 = tpu.matmul %get3A_30, %convert_element_type3A_18, %dot_general3A_31 {dimension_numbers = #tpu.dot_dimension_numbers<[1], [0], [0], [1], [0, 0, 1, 1], [], []>, transpose_lhs_hint = false} : vector<1x256xf32>, vector<256x64xf32>, vector<1x64xf32> -> vector<1x64xf32>
    %add3A_33 = arith.constant 1.000000e+00 : f32
    %add3A_34 = vector.broadcast %add3A_33 : f32 to vector<1x64xf32>
    %add3A_35 = arith.addf %dot_general3A_32, %add3A_34 : vector<1x64xf32>
    %rsqrt3A = math.rsqrt %add3A_27 : vector<64x1xf32>
    %rsqrt3A_36 = math.rsqrt %add3A_35 : vector<1x64xf32>
    %iota3A_37 = tpu.iota {dimensions = array<i32: 0>} : vector<64x64xi32>
    %iota3A_38 = tpu.iota {dimensions = array<i32: 1>} : vector<64x64xi32>
    %eq3A_39 = arith.cmpi eq, %iota3A_37, %iota3A_38 : vector<64x64xi32>
    %convert_element_type3A_40 = arith.extui %eq3A_39 : vector<64x64xi1> to vector<64x64xi32>
    %convert_element_type3A_41 = arith.sitofp %convert_element_type3A_40 : vector<64x64xi32> to vector<64x64xf32>
    %add3A_42 = arith.addf %dot_general3A_23, %convert_element_type3A_41 : vector<64x64xf32>
    %mul3A_43 = vector.broadcast %rsqrt3A : vector<64x1xf32> to vector<64x64xf32>
    %mul3A_44 = arith.mulf %mul3A_43, %add3A_42 : vector<64x64xf32>
    %mul3A_45 = vector.broadcast %rsqrt3A_36 : vector<1x64xf32> to vector<64x64xf32>
    %mul3A_46 = arith.mulf %mul3A_44, %mul3A_45 : vector<64x64xf32>
    %get3A_47 = arith.constant 0 : index
    %get3A_48 = arith.constant 0 : index
    %get3A_49 = vector.load %arg0[%get3A_47, %get3A_48] : memref<1x64xf32, #tpu.memory_space<vmem>>, vector<1x64xf32>
    %reduce_sum3A = vector.shape_cast %get3A_49 : vector<1x64xf32> to vector<1x1x64xf32>
    %reduce_sum3A_50 = arith.constant dense<0.000000e+00> : vector<1xf32>
    %reduce_sum3A_51 = vector.multi_reduction <add>, %reduce_sum3A, %reduce_sum3A_50 [1, 2] : vector<1x1x64xf32> to vector<1xf32>
    %reduce_sum3A_52 = vector.shape_cast %reduce_sum3A_51 : vector<1xf32> to vector<1x1x1xf32>
    %reduce_sum3A_53 = vector.extract %reduce_sum3A_52[0, 0, 0] : f32 from vector<1x1x1xf32>
    %div3A = vector.broadcast %reduce_sum3A_53 : f32 to vector<1x64xf32>
    %div3A_54 = arith.divf %get3A_49, %div3A : vector<1x64xf32>
    %mul3A_55 = vector.broadcast %div3A_54 : vector<1x64xf32> to vector<64x64xf32>
    %mul3A_56 = arith.mulf %convert_element_type3A_41, %mul3A_55 : vector<64x64xf32>
    %get3A_57 = arith.constant 0 : index
    %get3A_58 = arith.constant 0 : index
    %get3A_59 = vector.load %arg6[%get3A_57, %get3A_58] : memref<64x64xf32, #tpu.memory_space<vmem>>, vector<64x64xf32>
    %dot_general3A_60 = arith.constant dense<0.000000e+00> : vector<64x64xf32>
    %dot_general3A_61 = tpu.matmul %mul3A_56, %get3A_59, %dot_general3A_60 {dimension_numbers = #tpu.dot_dimension_numbers<[1], [0], [0], [1], [0, 0, 1, 1], [], []>, transpose_lhs_hint = false} : vector<64x64xf32>, vector<64x64xf32>, vector<64x64xf32> -> vector<64x64xf32>
    %dot_general3A_62 = arith.constant dense<0.000000e+00> : vector<64x64xf32>
    %dot_general3A_63 = tpu.matmul %mul3A_46, %dot_general3A_61, %dot_general3A_62 {dimension_numbers = #tpu.dot_dimension_numbers<[1], [0], [0], [1], [0, 0, 1, 1], [], []>, transpose_lhs_hint = false} : vector<64x64xf32>, vector<64x64xf32>, vector<64x64xf32> -> vector<64x64xf32>
    %get3A_64 = arith.constant 0 : index
    %get3A_65 = arith.constant 0 : index
    %get3A_66 = vector.load %arg7[%get3A_64, %get3A_65] : memref<1x64xf32, #tpu.memory_space<vmem>>, vector<1x64xf32>
    %add3A_67 = vector.broadcast %get3A_66 : vector<1x64xf32> to vector<64x64xf32>
    %add3A_68 = arith.addf %dot_general3A_63, %add3A_67 : vector<64x64xf32>
    %gt3A = arith.constant 0.000000e+00 : f32
    %gt3A_69 = vector.broadcast %gt3A : f32 to vector<64x64xf32>
    %gt3A_70 = arith.cmpf ogt, %add3A_68, %gt3A_69 : vector<64x64xf32>
    %exp3A = math.exp %add3A_68 : vector<64x64xf32>
    %sub3A = arith.constant 1.000000e+00 : f32
    %sub3A_71 = vector.broadcast %sub3A : f32 to vector<64x64xf32>
    %sub3A_72 = arith.subf %exp3A, %sub3A_71 : vector<64x64xf32>
    %select_n3A = arith.select %gt3A_70, %add3A_68, %sub3A_72 : vector<64x64xi1>, vector<64x64xf32>
    %get3A_73 = arith.constant 0 : index
    %get3A_74 = arith.constant 0 : index
    %get3A_75 = vector.load %arg8[%get3A_73, %get3A_74] : memref<64x64xf32, #tpu.memory_space<vmem>>, vector<64x64xf32>
    %dot_general3A_76 = arith.constant dense<0.000000e+00> : vector<64x64xf32>
    %dot_general3A_77 = tpu.matmul %select_n3A, %get3A_75, %dot_general3A_76 {dimension_numbers = #tpu.dot_dimension_numbers<[1], [0], [0], [1], [0, 0, 1, 1], [], []>, transpose_lhs_hint = false} : vector<64x64xf32>, vector<64x64xf32>, vector<64x64xf32> -> vector<64x64xf32>
    %dot_general3A_78 = arith.constant dense<0.000000e+00> : vector<64x64xf32>
    %dot_general3A_79 = tpu.matmul %mul3A_46, %dot_general3A_77, %dot_general3A_78 {dimension_numbers = #tpu.dot_dimension_numbers<[1], [0], [0], [1], [0, 0, 1, 1], [], []>, transpose_lhs_hint = false} : vector<64x64xf32>, vector<64x64xf32>, vector<64x64xf32> -> vector<64x64xf32>
    %get3A_80 = arith.constant 0 : index
    %get3A_81 = arith.constant 0 : index
    %get3A_82 = vector.load %arg9[%get3A_80, %get3A_81] : memref<1x64xf32, #tpu.memory_space<vmem>>, vector<1x64xf32>
    %add3A_83 = vector.broadcast %get3A_82 : vector<1x64xf32> to vector<64x64xf32>
    %add3A_84 = arith.addf %dot_general3A_79, %add3A_83 : vector<64x64xf32>
    %gt3A_85 = arith.constant 0.000000e+00 : f32
    %gt3A_86 = vector.broadcast %gt3A_85 : f32 to vector<64x64xf32>
    %gt3A_87 = arith.cmpf ogt, %add3A_84, %gt3A_86 : vector<64x64xf32>
    %exp3A_88 = math.exp %add3A_84 : vector<64x64xf32>
    %sub3A_89 = arith.constant 1.000000e+00 : f32
    %sub3A_90 = vector.broadcast %sub3A_89 : f32 to vector<64x64xf32>
    %sub3A_91 = arith.subf %exp3A_88, %sub3A_90 : vector<64x64xf32>
    %select_n3A_92 = arith.select %gt3A_87, %add3A_84, %sub3A_91 : vector<64x64xi1>, vector<64x64xf32>
    %get3A_93 = arith.constant 0 : index
    %get3A_94 = arith.constant 0 : index
    %get3A_95 = vector.load %arg10[%get3A_93, %get3A_94] : memref<64x64xf32, #tpu.memory_space<vmem>>, vector<64x64xf32>
    %dot_general3A_96 = arith.constant dense<0.000000e+00> : vector<64x64xf32>
    %dot_general3A_97 = tpu.matmul %get3A_95, %select_n3A_92, %dot_general3A_96 {dimension_numbers = #tpu.dot_dimension_numbers<[1], [0], [0], [1], [0, 0, 1, 1], [], []>, transpose_lhs_hint = false} : vector<64x64xf32>, vector<64x64xf32>, vector<64x64xf32> -> vector<64x64xf32>
    %swap3A = arith.constant 0 : index
    %swap3A_98 = arith.constant 0 : index
    %swap3A_99 = vector.load %arg12[%swap3A, %swap3A_98] : memref<64x64xf32, #tpu.memory_space<vmem>>, vector<64x64xf32>
    tpu.vector_store %arg12[%swap3A, %swap3A_98], %dot_general3A_97 {strides = array<i32>} : memref<64x64xf32, #tpu.memory_space<vmem>>, vector<64x64xf32>,
    %get3A_100 = arith.constant 0 : index
    %get3A_101 = arith.constant 0 : index
    %get3A_102 = vector.load %arg11[%get3A_100, %get3A_101] : memref<1x64xf32, #tpu.memory_space<vmem>>, vector<1x64xf32>
    %dot_general3A_103 = arith.constant dense<0.000000e+00> : vector<1x64xf32>
    %dot_general3A_104 = tpu.matmul %get3A_102, %select_n3A_92, %dot_general3A_103 {dimension_numbers = #tpu.dot_dimension_numbers<[1], [0], [0], [1], [0, 0, 1, 1], [], []>, transpose_lhs_hint = false} : vector<1x64xf32>, vector<64x64xf32>, vector<1x64xf32> -> vector<1x64xf32>
    %swap3A_105 = arith.constant 0 : index
    %swap3A_106 = arith.constant 0 : index
    %swap3A_107 = vector.load %arg13[%swap3A_105, %swap3A_106] : memref<1x64xf32, #tpu.memory_space<vmem>>, vector<1x64xf32>
    tpu.vector_store %arg13[%swap3A_105, %swap3A_106], %dot_general3A_104 {strides = array<i32>} : memref<1x64xf32, #tpu.memory_space<vmem>>, vector<1x64xf32>,
    return
  }
}

module attributes {stable_mosaic.version = 14 : i64} {
  func.func @_final_body(%arg0: i32, %arg1: memref<512x80xf32, #tpu.memory_space<vmem>>, %arg2: memref<512x80xf32, #tpu.memory_space<vmem>>, %arg3: memref<1x64xf32, #tpu.memory_space<vmem>>, %arg4: memref<64x64xf32, #tpu.memory_space<vmem>>, %arg5: memref<1x64xf32, #tpu.memory_space<vmem>>, %arg6: memref<512x52xf32, #tpu.memory_space<vmem>>) attributes {dimension_semantics = [#tpu.dimension_semantics<arbitrary>], iteration_bounds = array<i64: 20>, scalar_prefetch = 0 : i64, scratch_operands = 0 : i64, tpu.core_type = #tpu.core_type<tc>, window_params = [{transform_indices = @transform_0, window_bounds = array<i64: 512, 80>}, {transform_indices = @transform_1, window_bounds = array<i64: 512, 80>}, {pipeline_mode = #tpu.pipeline_mode<synchronous>, transform_indices = @transform_2, window_bounds = array<i64: 1, 64>}, {pipeline_mode = #tpu.pipeline_mode<synchronous>, transform_indices = @transform_3, window_bounds = array<i64: 64, 64>}, {pipeline_mode = #tpu.pipeline_mode<synchronous>, transform_indices = @transform_4, window_bounds = array<i64: 1, 64>}, {transform_indices = @transform_5, window_bounds = array<i64: 512, 52>}]} {
    %get3A = arith.constant 0 : index
    %get3A_0 = arith.constant 0 : index
    %get3A_1 = vector.load %arg1[%get3A, %get3A_0] : memref<512x80xf32, #tpu.memory_space<vmem>>, vector<512x80xf32>
    %get3A_2 = arith.constant 0 : index
    %get3A_3 = arith.constant 0 : index
    %get3A_4 = vector.load %arg2[%get3A_2, %get3A_3] : memref<512x80xf32, #tpu.memory_space<vmem>>, vector<512x80xf32>
    %add3A = arith.addf %get3A_1, %get3A_4 : vector<512x80xf32>
    %slice3A = vector.extract_strided_slice %add3A {offsets = [0, 0], sizes = [512, 64], strides = [1, 1]} : vector<512x80xf32> to vector<512x64xf32>
    %slice3A_5 = vector.extract_strided_slice %add3A {offsets = [0, 64], sizes = [512, 16], strides = [1, 1]} : vector<512x80xf32> to vector<512x16xf32>
    %iota3A = tpu.iota {dimensions = array<i32: 0>} : vector<16x64xi32>
    %iota3A_6 = tpu.iota {dimensions = array<i32: 1>} : vector<16x64xi32>
    %jit3A = arith.constant 16 : i32
    %div3A = vector.broadcast %jit3A : i32 to vector<16x64xi32>
    %div3A_7 = arith.divsi %iota3A_6, %div3A : vector<16x64xi32>
    %sign3A = arith.constant 0 : i32
    %sign3A_8 = vector.broadcast %sign3A : i32 to vector<16x64xi32>
    %sign3A_9 = arith.cmpi sgt, %iota3A_6, %sign3A_8 : vector<16x64xi32>
    %sign3A_10 = arith.extui %sign3A_9 : vector<16x64xi1> to vector<16x64xi32>
    %sign3A_11 = arith.constant 0 : i32
    %sign3A_12 = vector.broadcast %sign3A_11 : i32 to vector<16x64xi32>
    %sign3A_13 = arith.cmpi slt, %iota3A_6, %sign3A_12 : vector<16x64xi32>
    %sign3A_14 = arith.extui %sign3A_13 : vector<16x64xi1> to vector<16x64xi32>
    %sign3A_15 = arith.subi %sign3A_10, %sign3A_14 : vector<16x64xi32>
    %sign3A_16 = arith.constant 0 : i32
    %sign3A_17 = arith.cmpi sgt, %jit3A, %sign3A_16 : i32
    %sign3A_18 = arith.extui %sign3A_17 : i1 to i32
    %sign3A_19 = arith.constant 0 : i32
    %sign3A_20 = arith.cmpi slt, %jit3A, %sign3A_19 : i32
    %sign3A_21 = arith.extui %sign3A_20 : i1 to i32
    %sign3A_22 = arith.subi %sign3A_18, %sign3A_21 : i32
    %ne3A = vector.broadcast %sign3A_22 : i32 to vector<16x64xi32>
    %ne3A_23 = arith.cmpi ne, %sign3A_15, %ne3A : vector<16x64xi32>
    %rem3A = vector.broadcast %jit3A : i32 to vector<16x64xi32>
    %rem3A_24 = arith.remsi %iota3A_6, %rem3A : vector<16x64xi32>
    %ne3A_25 = arith.constant 0 : i32
    %ne3A_26 = vector.broadcast %ne3A_25 : i32 to vector<16x64xi32>
    %ne3A_27 = arith.cmpi ne, %rem3A_24, %ne3A_26 : vector<16x64xi32>
    %and3A = arith.andi %ne3A_23, %ne3A_27 : vector<16x64xi1>
    %sub3A = arith.constant 1 : i32
    %sub3A_28 = vector.broadcast %sub3A : i32 to vector<16x64xi32>
    %sub3A_29 = arith.subi %div3A_7, %sub3A_28 : vector<16x64xi32>
    %select_n3A = arith.select %and3A, %sub3A_29, %div3A_7 : vector<16x64xi1>, vector<16x64xi32>
    %eq3A = arith.cmpi eq, %iota3A, %select_n3A : vector<16x64xi32>
    %convert_element_type3A = arith.extui %eq3A : vector<16x64xi1> to vector<16x64xi32>
    %convert_element_type3A_30 = arith.sitofp %convert_element_type3A : vector<16x64xi32> to vector<16x64xf32>
    %dot_general3A = arith.constant dense<0.000000e+00> : vector<512x64xf32>
    %dot_general3A_31 = tpu.matmul %slice3A_5, %convert_element_type3A_30, %dot_general3A {dimension_numbers = #tpu.dot_dimension_numbers<[1], [0], [0], [1], [0, 0, 1, 1], [], []>, transpose_lhs_hint = false} : vector<512x16xf32>, vector<16x64xf32>, vector<512x64xf32> -> vector<512x64xf32>
    %div3A_32 = arith.divf %slice3A, %dot_general3A_31 : vector<512x64xf32>
    %get3A_33 = arith.constant 0 : index
    %get3A_34 = arith.constant 0 : index
    %get3A_35 = vector.load %arg3[%get3A_33, %get3A_34] : memref<1x64xf32, #tpu.memory_space<vmem>>, vector<1x64xf32>
    %add3A_36 = vector.broadcast %get3A_35 : vector<1x64xf32> to vector<512x64xf32>
    %add3A_37 = arith.addf %div3A_32, %add3A_36 : vector<512x64xf32>
    %gt3A = arith.constant 0.000000e+00 : f32
    %gt3A_38 = vector.broadcast %gt3A : f32 to vector<512x64xf32>
    %gt3A_39 = arith.cmpf ogt, %add3A_37, %gt3A_38 : vector<512x64xf32>
    %exp3A = math.exp %add3A_37 : vector<512x64xf32>
    %sub3A_40 = arith.constant 1.000000e+00 : f32
    %sub3A_41 = vector.broadcast %sub3A_40 : f32 to vector<512x64xf32>
    %sub3A_42 = arith.subf %exp3A, %sub3A_41 : vector<512x64xf32>
    %select_n3A_43 = arith.select %gt3A_39, %add3A_37, %sub3A_42 : vector<512x64xi1>, vector<512x64xf32>
    %get3A_44 = arith.constant 0 : index
    %get3A_45 = arith.constant 0 : index
    %get3A_46 = vector.load %arg4[%get3A_44, %get3A_45] : memref<64x64xf32, #tpu.memory_space<vmem>>, vector<64x64xf32>
    %dot_general3A_47 = arith.constant dense<0.000000e+00> : vector<512x64xf32>
    %dot_general3A_48 = tpu.matmul %select_n3A_43, %get3A_46, %dot_general3A_47 {dimension_numbers = #tpu.dot_dimension_numbers<[1], [0], [0], [1], [0, 0, 1, 1], [], []>, transpose_lhs_hint = false} : vector<512x64xf32>, vector<64x64xf32>, vector<512x64xf32> -> vector<512x64xf32>
    %get3A_49 = arith.constant 0 : index
    %get3A_50 = arith.constant 0 : index
    %get3A_51 = vector.load %arg5[%get3A_49, %get3A_50] : memref<1x64xf32, #tpu.memory_space<vmem>>, vector<1x64xf32>
    %add3A_52 = vector.broadcast %get3A_51 : vector<1x64xf32> to vector<512x64xf32>
    %add3A_53 = arith.addf %dot_general3A_48, %add3A_52 : vector<512x64xf32>
    %slice3A_54 = vector.extract_strided_slice %add3A_53 {offsets = [0, 0], sizes = [512, 52], strides = [1, 1]} : vector<512x64xf32> to vector<512x52xf32>
    %logistic3A = arith.negf %slice3A_54 : vector<512x52xf32>
    %logistic3A_55 = math.exp %logistic3A : vector<512x52xf32>
    %logistic3A_56 = arith.constant 1.000000e+00 : f32
    %logistic3A_57 = vector.broadcast %logistic3A_56 : f32 to vector<512x52xf32>
    %logistic3A_58 = arith.addf %logistic3A_57, %logistic3A_55 : vector<512x52xf32>
    %logistic3A_59 = arith.divf %logistic3A_57, %logistic3A_58 : vector<512x52xf32>
    %swap3A = arith.constant 0 : index
    %swap3A_60 = arith.constant 0 : index
    %swap3A_61 = vector.load %arg6[%swap3A, %swap3A_60] : memref<512x52xf32, #tpu.memory_space<vmem>>, vector<512x52xf32>
    tpu.vector_store %arg6[%swap3A, %swap3A_60], %logistic3A_59 {strides = array<i32>} : memref<512x52xf32, #tpu.memory_space<vmem>>, vector<512x52xf32>,
    return
  }
  func.func @transform_0(%arg0: i32) -> (i32, i32) {
    %c0_i32 = arith.constant 0 : i32
    %c0_i32_0 = arith.constant 0 : i32
    return %arg0, %c0_i32 : i32, i32
  }
  func.func @transform_1(%arg0: i32) -> (i32, i32) {
    %c0_i32 = arith.constant 0 : i32
    %c0_i32_0 = arith.constant 0 : i32
    return %arg0, %c0_i32 : i32, i32
  }
  func.func @transform_2(%arg0: i32) -> (i32, i32) {
    %c0_i32 = arith.constant 0 : i32
    %c0_i32_0 = arith.constant 0 : i32
    %c0_i32_1 = arith.constant 0 : i32
    return %c0_i32, %c0_i32_0 : i32, i32
  }
  func.func @transform_3(%arg0: i32) -> (i32, i32) {
    %c0_i32 = arith.constant 0 : i32
    %c0_i32_0 = arith.constant 0 : i32
    %c0_i32_1 = arith.constant 0 : i32
    return %c0_i32, %c0_i32_0 : i32, i32
  }
  func.func @transform_4(%arg0: i32) -> (i32, i32) {
    %c0_i32 = arith.constant 0 : i32
    %c0_i32_0 = arith.constant 0 : i32
    %c0_i32_1 = arith.constant 0 : i32
    return %c0_i32, %c0_i32_0 : i32, i32
  }
  func.func @transform_5(%arg0: i32) -> (i32, i32) {
    %c0_i32 = arith.constant 0 : i32
    %c0_i32_0 = arith.constant 0 : i32
    return %arg0, %c0_i32 : i32, i32
  }
}

</mosaic_0001>

<sc_bundles>
// kernel: kernel.6.cloned.1.call-start
scs
__scs_entry_jumppad:
0x0: {  	(pc) =	sbr.rel $0x88, $3  }
0x1: {  	(tag) =	ssettag $0x0;
	lr =	simm.s32 $0x1  }
0x2: {  	[smem:$0x3F90] =	sst lr;
	_ =	strace $0xD0000000  }
0x3: {  	_ = 	snop  }
0x4: {  	_ = 	snop  }
0x5: {  	_ = 	snop  }
0x6: {  	_ = 	snop  }
0x7: {  	_ = 	snop  }
__scs_overlays_trampoline_lowered:
0x8: {  	[smem:$0x3F9F] =	sst s0  }
0x9: {  	[smem:$0x3FA0] =	sst s1  }
0xa: {  	[smem:$0x3FA1] =	sst s2  }
0xb: {  	[smem:$0x3FA2] =	sst s3  }
0xc: {  	[smem:$0x3FA3] =	sst s4  }
0xd: {  	[smem:$0x3FA4] =	sst s5  }
0xe: {  	[smem:$0x3FA5] =	sst s6  }
0xf: {  	[smem:$0x3FA6] =	sst s7  }
0x10: {  	[smem:$0x3FA7] =	sst s8  }
0x11: {  	[smem:$0x3FA8] =	sst s9;
	s0 =	simm.s32 @!p0 $0x0  }
0x12: {  	s1 =	sld [smem:$0x3F8E];
	s0 =	simm.s32 @p0 $0x1  }
0x13: {  	[smem:$0x3FA9] =	sst s0;
	s0 =	simm.s32 @!p1 $0x0  }
0x14: {  	s2 =	sld [smem:$0x3F8D];
	s0 =	simm.s32 @p1 $0x1  }
0x15: {  	[smem:$0x3FAA] =	sst s0;
	s0 =	simm.s32 @!p2 $0x0  }
0x16: {  	s3 =	sld [smem:$0x3FDB];
	s0 =	simm.s32 @p2 $0x1  }
0x17: {  	s4 =	simm.s32 $0x1BF5;
	[smem:$0x3FAC] =	sst s0  }
0x18: {  	s0 =	sld [smem:$0x3F8F];
	_ =	swait.ge [sflag:s4], $0x0  }
0x19: {  	s7 =	sld [smem:$0x3F90]  }
0x1a: {  	s8 =	sadd.s32 $0xFFFFE003, lr  }
0x1b: {  	s9 =	sadd.s32 $0xFFFFFEF7, lr;
	s5 =	simm.s32 $0xFFFFFFFF;
	p2 =	slt.u32 s8, $0xFFFFF086  }
0x1c: {  	p1 =	slt.u32 s9, $0xF7A;
	s5 =	simm.s32 @!p2 $0x0  }
0x1d: {  	s5 =	simm.s32 @p1 $0x1;
	p0 =	seq.s32 s7, s2  }
0x1e: {  	s7 =	smul.u32 @!p0 $0xF7A, s2;
	p2 =	seq.s32 @!p0 s5, $0x0  }
0x1f: {  	s9 =	smul.u32 $0xF7A, s1;
	s8 =	simm.s32 @!p0 $0x1BF5;
	p2 =	por !p2, p0  }
0x20: {  	[sflag:s8] =	ssyncset.s32 @!p0 $0xFFFFF086;
	s6 =	sadd.s32 @!p0 s3, s7;
	s7 =	simm.s32 @!p0 $0x108  }
0x21: {  	s3 =	sadd.s32 s3, s9;
	s6 =	sadd.s32 @!p0 $0x88, s6;
	s7 =	simm.s32 @p2 $0x1082  }
0x22: {  	[simem:s7], [sflag:s8] =	dma.local @!p0 [hbm:s6], $0xF7A  }
0x23: {  	s9 =	sor.u32 $0xD0000000, s2;
	s6 =	simm.s32 $0x108;
	_ =	swait.ge @!p0 [sflag:s8], $0x0  }
0x24: {  	s3 =	sadd.s32 $0x88, s3;
	s6 =	simm.s32 @!p1 $0x1082;
	[sflag:s4] =	ssyncset.s32 $0xFFFFF086  }
0x25: {  	[simem:s6], [sflag:s4] =	dma.local [hbm:s3], $0xF7A  }
0x26: {  	[smem:$0x3F90] =	sst s1;
	(tag) =	ssettag s2;
	_ =	strace s9  }
0x27: {  	s1 =	sld [smem:$0x3FA0]  }
0x28: {  	s2 =	sld [smem:$0x3FA1]  }
0x29: {  	s4 =	sld [smem:$0x3FA3]  }
0x2a: {  	p0 =	seq.s32 s5, $0x0;
	s5 =	sld [smem:$0x3FA4]  }
0x2b: {  	s6 =	sld [smem:$0x3FA5]  }
0x2c: {  	s7 =	sld [smem:$0x3FA6]  }
0x2d: {  	s3 =	simm.s32 $0x108;
	s8 =	sld [smem:$0x3FA7]  }
0x2e: {  	s3 =	simm.s32 @!p0 $0x1082;
	s9 =	sld [smem:$0x3FA8]  }
0x2f: {  	lr =	sadd.s32 s0, s3;
	s0 =	sld [smem:$0x3F9F]  }
0x30: {  	s3 =	sld [smem:$0x3FA2]  }
0x31: {  	[smem:$0x3FAB] =	sst s10  }
0x32: {  	s10 =	sld [smem:$0x3FA9];
	_ =	sdelay $0x3  }
0x33: {  	p0 =	seq.s32 s10, $0x1;
	s10 =	sld [smem:$0x3FAB];
	_ =	sdelay $0x3  }
0x34: {  	[smem:$0x3FAB] =	sst s10  }
0x35: {  	s10 =	sld [smem:$0x3FAA];
	_ =	sdelay $0x3  }
0x36: {  	p1 =	seq.s32 s10, $0x1;
	s10 =	sld [smem:$0x3FAB];
	_ =	sdelay $0x3  }
0x37: {  	[smem:$0x3FAB] =	sst s10  }
0x38: {  	s10 =	sld [smem:$0x3FAC]  }
0x39: {  	_ = 	snop;
	(pc) =	sbr.ind lr, $3  }
0x3a: {  	_ = 	snop  }
0x3b: {  	_ = 	snop  }
0x3c: {  	p2 =	seq.s32 s10, $0x1;
	s10 =	sld [smem:$0x3FAB]  }
0x3d: {  	_ =	shalt  }
0x3e: {  	_ =	shalt  }
0x3f: {  	_ =	shalt  }
0x40: {  	_ =	shalt  }
0x41: {  	_ =	shalt  }
0x42: {  	_ =	shalt  }
0x43: {  	_ =	shalt  }
0x44: {  	_ =	shalt  }
0x45: {  	_ =	shalt  }
0x46: {  	_ =	shalt  }
0x47: {  	_ =	shalt  }
0x48: {  	_ =	shalt  }
0x49: {  	_ =	shalt  }
0x4a: {  	_ =	shalt  }
0x4b: {  	_ =	shalt  }
0x4c: {  	_ =	shalt  }
0x4d: {  	_ =	shalt  }
0x4e: {  	_ =	shalt  }
0x4f: {  	_ =	shalt  }
0x50: {  	_ =	shalt  }
0x51: {  	_ =	shalt  }
0x52: {  	_ =	shalt  }
0x53: {  	_ =	shalt  }
0x54: {  	_ =	shalt  }
0x55: {  	_ =	shalt  }
0x56: {  	_ =	shalt  }
0x57: {  	_ =	shalt  }
0x58: {  	_ =	shalt  }
0x59: {  	_ =	shalt  }
0x5a: {  	_ =	shalt  }
0x5b: {  	_ =	shalt  }
0x5c: {  	_ =	shalt  }
0x5d: {  	_ =	shalt  }
0x5e: {  	_ =	shalt  }
0x5f: {  	_ =	shalt  }
0x60: {  	_ =	shalt  }
0x61: {  	_ =	shalt  }
0x62: {  	_ =	shalt  }
0x63: {  	_ =	shalt  }
0x64: {  	_ =	shalt  }
0x65: {  	_ =	shalt  }
0x66: {  	_ =	shalt  }
0x67: {  	_ =	shalt  }
0x68: {  	_ =	shalt  }
0x69: {  	_ =	shalt  }
0x6a: {  	_ =	shalt  }
0x6b: {  	_ =	shalt  }
0x6c: {  	_ =	shalt  }
0x6d: {  	_ =	shalt  }
0x6e: {  	_ =	shalt  }
0x6f: {  	_ =	shalt  }
0x70: {  	_ =	shalt  }
0x71: {  	_ =	shalt  }
0x72: {  	_ =	shalt  }
0x73: {  	_ =	shalt  }
0x74: {  	_ =	shalt  }
0x75: {  	_ =	shalt  }
0x76: {  	_ =	shalt  }
0x77: {  	_ =	shalt  }
0x78: {  	_ =	shalt  }
0x79: {  	_ =	shalt  }
0x7a: {  	_ =	shalt  }
0x7b: {  	_ =	shalt  }
0x7c: {  	_ =	shalt  }
0x7d: {  	_ =	shalt  }
0x7e: {  	_ =	shalt  }
0x7f: {  	_ =	shalt  }
0x80: {  	_ =	shalt  }
0x81: {  	_ =	shalt  }
0x82: {  	_ =	shalt  }
0x83: {  	_ =	shalt  }
0x84: {  	_ =	shalt  }
0x85: {  	_ =	shalt  }
0x86: {  	_ =	shalt  }
0x87: {  	_ =	shalt  }
.Lfunc_end0:
.L_simem_size_0:
called_computation_lowered:
.L_overlay_start_0:
0x88: {  	s2 =	sld [smem:$0x3FD9]  }
0x89: {  	s3 =	sld [smem:$0x3FFE];
	_ =	sdelay $0x1  }
0x8a: {  	s1 =	srdreg.scid  }
0x8b: {  	s0 =	sand.u32 $0x1, s1  }
0x8c: {  	s17 =	sshll.u32 s0, $0xA;
	s2 =	sadd.s32 s3, s2  }
0x8d: {  	s2 =	sadd.s32 s2, s17  }
0x8e: {  	[smem:$0x3FB7] =	sst s2  }
0x8f: {  	_ = 	snop  }
0x90: {  	s2 =	sld [smem:$0x3FD0];
	(tm) =	ssettm $0x1  }
0x91: {  	s18 =	sld [smem:$0x3FFB];
	_ =	sdelay $0x3  }
0x92: {  	_ =	strace s18  }
0x93: {  	s3 =	sld [smem:$0x3FFC];
	_ =	sdelay $0x3  }
0x94: {  	_ =	strace s3  }
0x95: {  	s3 =	sld [smem:$0x3FFD];
	_ =	sdelay $0x3  }
0x96: {  	_ =	strace s3  }
0x97: {  	_ =	strace $0x8FFFFFFF  }
0x98: {  	s19 =	sld [smem:$0x3FDB];
	_ =	sdelay $0x1  }
0x99: {  	s4 =	simm.s32 $_scs_section_size  }
0x9a: {  	s5 =	simm.s32 $_size__tile_overlayer_lowered;
	s6 =	simm.s32 $_tile_overlayer_lowered  }
0x9b: {  	s22 =	simm.s32 $0x1BFF;
	s21 =	sshll.u32 s6, $0x1;
	s3 =	sadd.s32 s4, s19  }
0x9c: {  	s7 =	simm.s32 $0x0;
	s20 =	sshll.u32 s5, $0x1;
	s5 =	sadd.s32 s21, s3  }
0x9d: {  	[timem:s7], [sflag:s22] =	dma.local [hbm:s5], s20  }
0x9e: {  	_ =	swait.ge [sflag:s22], s20  }
0x9f: {  	s4 =	ssub.s32 $0x0, s20;
	[sflag:s22] =	ssyncset.done $0x0  }
0xa0: {  	[sflag:s22] =	ssyncadd.s32 s4;
	_ =	sdelay $0x1  }
0xa1: {  	s23 =	simm.s32 $0x1B8B  }
0xa2: {  	_ =	swait.ge [sflag:s23], $0x1  }
0xa3: {  	[sflag:s23] =	ssyncset.done $0x0  }
0xa4: {  	s25 =	simm.s32 $0x1B8E;
	s24 =	sld [smem:$0x3FFE];
	[sflag:s23] =	ssyncadd.s32 $0xFFFFFFFF  }
0xa5: {  	s26 =	simm.s32 $execute0_lowered;
	[smem:$0x3FD2] =	sst s25  }
0xa6: {  	s5 =	sshll.u32 s26, $0x1;
	_ =	strace $0x80000046;
	[dreg:$0x1] =	wrdreg $0xFFFFFFFF  }
0xa7: {  	s28 =	simm.s32 $_size_execute0_lowered;
	s3 =	sadd.s32 s3, s5;
	[dreg:$0x0] =	wrdreg $0x0  }
0xa8: {  	s5 =	sshll.u32 s28, $0x1;
	[dreg:$0x2] =	wrdreg s3  }
0xa9: {  	[dreg:$0x3] =	wrdreg s5  }
0xaa: {  	[dreg:$0x4] =	wrdreg $0xC0  }
0xab: {  	_ =	task [dreg:s7], $0x5FFFF  }
0xac: {  	[dreg:$0x1] =	wrdreg $0xFFFFFFFF  }
0xad: {  	[dreg:$0x0] =	wrdreg $0x60  }
0xae: {  	[dreg:$0x2] =	wrdreg s2  }
0xaf: {  	[dreg:$0x3] =	wrdreg s24  }
0xb0: {  	[dreg:$0x4] =	wrdreg $0xDC800  }
0xb1: {  	[dreg:$0x5] =	wrdreg $0x9  }
0xb2: {  	_ =	task.clear_ibuf [dreg:s7], $0x6FFFF;
	_ =	strace $0x90000046  }
0xb3: {  	s29 =	simm.s32 $0x9;
	_ =	strace $0x80000048  }
0xb4: {  	_ =	swait.ge [sflag:s29], $0x1  }
0xb5: {  	[sflag:s29] =	ssyncadd.s32 $0xFFFFFFFF  }
0xb6: {  	_ =	strace $0x90000048  }
0xb7: {  	_ =	sfence  }
0xb8: {  	s30 =	sld [smem:$0x0];
	_ =	sdelay $0x2  }
0xb9: {  	s31 =	sshll.u32 s1, $0xD;
	s1 =	sshrl.u32 s1, $0x2  }
0xba: {  	s3 =	sand.u32 $0x4000, s31;
	s1 =	sadd.s32 s1, s30  }
0xbb: {  	s0 =	sor.u32 s3, s0;
	s1 =	sshll.u32 s1, $0x11  }
0xbc: {  	s0 =	sor.u32 s1, s0  }
0xbd: {  	s0 =	sadd.s32 $0x8F2B, s0  }
0xbe: {  	[sflag:s0] =	ssyncadd.remote.s32 $0x1  }
0xbf: {  	_ =	sfence.sel $0xFFFF  }
0xc0: {  	[dreg:$0x0] =	wrdreg $0xFFFFFFFF;
	(pc) =	sbr.abs _section_cstart, $3  }
0xc1: {  	[dreg:$0x1] =	wrdreg $0xFFFFFFFF  }
0xc2: {  	_ =	task.clear_ibuf [dreg:s7], $0x2FFFF;
	_ =	strace $0x9FFFFFFF  }
0xc3: {  	(tm) =	ssettm $0x7FFFFFFF  }
tec
execute0_lowered:
.L_overlay_start_1:
0x0: {  	(tag) =	ssettag $0x1  }
0x1: {  	s1 =	rddreg [dreg:$0x0]  }
0x2: {  	s0 =	rddreg [dreg:$0x1]  }
0x3: {  	s3 =	rddreg [dreg:$0x2]  }
0x4: {  	s4 =	simm.s32 $0x0;
	s2 =	srdreg.scid;
	s11 =	stileid.u32  }
0x5: {  	s28 =	simm.s32 $0x7;
	s30 =	simm.s32 $0x9300;
	s29 =	simm.s32 $0x9400  }
0x6: {  	s31 =	simm.s32 $0x9480;
	s14 =	simm.s32 $0x3;
	[smem:$0x7FF] =	sst s4  }
0x7: {  	s2 =	sand.u32 $0x1, s2;
	s8 =	smul.u32 $0xC800, s11;
	s5 =	sadd.s32 $0x16200, s0  }
0x8: {  	s6 =	sadd.s32 $0xC200, s0;
	s7 =	sadd.s32 $0x2200, s0;
	s12 =	sadd.s32 $0x20400, s0  }
0x9: {  	s15 =	sadd.s32 $0x20600, s0;
	s17 =	sshll.u32 s11, $0x6;
	_ =	strace $0x80000047  }
0xa: {  	s9 =	smul.u32 $0xC8000, s2;
	s10 =	sshll.u32 s2, $0x4;
	[dreg:$0x4] =	wrdreg s12  }
0xb: {  	v0 =	vimm.s32 $0x76543210;
	s2 =	ssub.s32 $0x2, s2;
	[dreg:$0x5] =	wrdreg s15;
	s13 =	sor.u32 $0x1C08, s17  }
0xc: {  	v1 =	vimm.s32 $0xFEDCBA98;
	v2 =	vimm.s32 $0xBA98FEDC;
	s15 =	simm.s32 $0x8;
	s12 =	simm.s32 $0x6B00;
	s10 =	sor.u32 s11, s10  }
0xd: {  	v3 =	vimm.s32 $0x32107654;
	v4 =	vimm.s32 $0xDCFE98BA;
	v5 =	vimm.s32 $0x54761032;
	s16 =	sshrl.u32 s2, $0x1;
	[dreg:$0x7] =	wrdreg s13;
	s9 =	sadd.s32 s8, s9  }
0xe: {  	v6 =	vimm.s32 $0xEFCDAB89;
	v7 =	vimm.s32 $0x67452301;
	s10 =	smul.u32 $0x2880, s10;
	s2 =	ssub.s32 s2, s16;
	s8 =	sadd.s32 s8, s3  }
0xf: {  	v0 =	vunpack.c.l.s4.s8 v0;
	v2 =	vunpack.c.l.s4.s8 v2;
	v3 =	vunpack.c.l.s4.s8 v3;
	s9 =	sshrl.u32 s9, $0x3;
	[dreg:$0x6] =	wrdreg s8;
	s26 =	smax.u32 s2, $0x1  }
0x10: {  	v1 =	vunpack.c.l.s4.s8 v1;
	v4 =	vunpack.c.l.s4.s8 v4;
	v5 =	vunpack.c.l.s4.s8 v5;
	s2 =	simm.s32 $0x4A80;
	s0 =	sadd.s32 s9, s0;
	s18 =	sshrl.u32 s10, $0x3  }
0x11: {  	v6 =	vunpack.c.l.s4.s8 v6;
	v2 =	vunpack.c.0.s8.s32 v2;
	v3 =	vunpack.c.0.s8.s32 v3;
	s16 =	sadd.s32 $0x180, s10;
	s17 =	sadd.s32 $0x200, s10;
	[dreg:$0xf] =	wrdreg s26  }
0x12: {  	v7 =	vunpack.c.l.s4.s8 v7;
	v0 =	vunpack.c.0.s8.s32 v0;
	v1 =	vunpack.c.0.s8.s32 v1;
	s26 =	simm.s32 $0x100;
	s9 =	simm.s32 $0x2180;
	s20 =	sadd.s32 s1, s18  }
0x13: {  	v2 =	vcombine.low v3, v2;
	v3 =	vunpack.c.0.s8.s32 v4;
	v4 =	vunpack.c.0.s8.s32 v5;
	s19 =	sadd.s32 $0x10, s18;
	s21 =	sadd.s32 s5, s18;
	[dreg:$0x8] =	wrdreg s20  }
0x14: {  	v1 =	vand.u32 $0xF, v1;
	v5 =	vunpack.c.0.s8.s32 v6;
	v6 =	vunpack.c.0.s8.s32 v7;
	s23 =	sadd.s32 $0x20, s18;
	s0 =	sadd.s32 $0x22000, s0;
	[dreg:$0x9] =	wrdreg s21  }
0x15: {  	v1 =	vcombine.low v1, v0;
	s18 =	sadd.s32 $0x280, s10;
	v7 =	vand.u32 $0xF, v2;
	v2 =	vcombine.low v4, v3;
	s22 =	sadd.s32 s1, s19;
	[dreg:$0xc] =	wrdreg s0  }
.Ltmp0:
0x16: {  	v3 =	vcombine.low v6, v5;
	v6 =	vlaneseq.u32;
	s8 =	sadd.s32 s5, s19;
	[tilespmem:$0x1FFC0] =	vst v7;
	[dreg:$0xa] =	wrdreg s22;
	(pc) =	sbr.rel .LBB2_1-.Ltmp0, $4  }
0x17: {  	s10 =	simm.s32 $0x2;
	s24 =	sadd.s32 s1, s23;
	v8 =	vand.u32 $0x3, v6;
	[tilespmem:$0x1FFD0] =	vst v1;
	[dreg:$0xb] =	wrdreg s8;
	v4 =	vand.u32 $0xF, v2  }
0x18: {  	s25 =	sadd.s32 s5, s23;
	s0 =	simm.s32 $0xA480;
	[dreg:$0xd] =	wrdreg s24;
	v2 =	vand.u32 $0xF, v3;
	v19 =	vmul.u32 $0x4, v8;
	[tilespmem:$0x1FFE0] =	vst v4  }
0x19: {  	s19 =	simm.s32 $0xB480;
	s20 =	simm.s32 $0x0;
	[dreg:$0xe] =	wrdreg s25;
	[tilespmem:$0x1FFF0] =	vst v2  }
0x1a: {  	vm0 =	vcmask $0x2F20;
	vm1 =	vcmask $0x1F10;
	vm2 =	vmmov $0xf;
	s25 =	simm.s32 $0x80;
	s24 =	simm.s32 $0x9380;
	s8 =	simm.s32 $0x1;
	[tilespmem:$0x1FFB0] =	vst v19  }
.LBB2_10:
0x1b: {  	s11 =	simm.s32 $0x4  }
0x1c: {  	_ =	swait.ge [sflag:s11], $0x2800  }
0x1d: {  	[sflag:s11] =	ssyncset.done $0x0  }
0x1e: {  	s20 =	simm.s32 $0x5;
	[sflag:s11] =	ssyncadd.s32 $0xFFFFD800  }
0x1f: {  	_ =	swait.ge [sflag:s20], $0x2800  }
0x20: {  	[sflag:s20] =	ssyncset.done $0x0  }
0x21: {  	s21 =	simm.s32 $0x6;
	[sflag:s20] =	ssyncadd.s32 $0xFFFFD800  }
0x22: {  	_ =	swait.ge [sflag:s21], $0x2800  }
0x23: {  	[sflag:s21] =	ssyncset.done $0x0  }
0x24: {  	[sflag:s21] =	ssyncadd.s32 $0xFFFFD800  }
0x25: {  	[bflag:$0x0] =	sbarrier.arrive $0xFFFF  }
0x26: {  	s13 =	rddreg [dreg:$0x7]  }
0x27: {  	s22 =	rddreg [dreg:$0xc]  }
0x28: {  	s15 =	rddreg [dreg:$0x11]  }
0x29: {  	[hbm:s22], [sflag:s13] =	dma.local [spmem:s15], $0x1900  }
0x2a: {  	s15 =	simm.s32 $0x8  }
0x2b: {  	_ =	swait.ge [sflag:s15], $0x1900  }
0x2c: {  	s20 =	rddreg [dreg:$0x10]  }
0x2d: {  	s23 =	rddreg [dreg:$0xf];
	s20 =	sadd.s32 $0x1, s20  }
0x2e: {  	p0 =	sne.s32 s20, s23  }
.Ltmp1:
0x2f: {  	_ = 	snop;
	(pc) =	sbr.rel @!p0 .LBB2_11-.Ltmp1, $3  }
0x30: {  	_ =	sdelay $0x1  }
0x31: {  	[sflag:s15] =	ssyncset.done $0x0  }
0x32: {  	v1 =	vmov v3;
	v2 =	vmov v5;
	[sflag:s15] =	ssyncadd.s32 $0xFFFFE700  }
.LBB2_1:
0x33: {  	[dreg:$0x10] =	wrdreg s20  }
0x34: {  	s11 =	rddreg [dreg:$0x6]  }
0x35: {  	s23 =	rddreg [dreg:$0x5];
	s22 =	sshrl.u32 s11, $0x3  }
0x36: {  	[dreg:$0x11] =	wrdreg s22  }
0x37: {  	[spmem:s22], [sflag:s13] =	dma.local [hbm:s23], $0x1900  }
0x38: {  	_ =	swait.ge [sflag:s15], $0x1900  }
0x39: {  	[sflag:s15] =	ssyncset.done $0x0  }
0x3a: {  	s21 =	simm.s32 $0x1A480;
	s20 =	rddreg [dreg:$0x4];
	[sflag:s15] =	ssyncadd.s32 $0xFFFFE700  }
0x3b: {  	[tilespmem:s21], [sflag:$0x8] =	stream.linear.gather [hbm4b:s20+s4], $0x40, $0x38;
	[tilespmem:$0x1A4C0] =	vst v63  }
0x3c: {  	_ =	swait.ge [sflag:s15], $0x40  }
0x3d: {  	[sflag:s15] =	ssyncset.done $0x0  }
0x3e: {  	[sflag:s15] =	ssyncadd.s32 $0xFFFFFFC0  }
0x3f: {  	[bflag:$0x0] =	sbarrier.arrive $0xFFFF  }
0x40: {  	v5 =	vld [tilespmem:$0x1A480]  }
0x41: {  	v6 =	vld [tilespmem:$0x1A490]  }
0x42: {  	v8 =	vld [tilespmem:$0x1A4A0];
	s22 =	rddreg [dreg:$0x8]  }
0x43: {  	v9 =	vld [tilespmem:$0x1A4B0];
	[tilespmem:s4], [sflag:$0x7] =	stream.linear.gather [hbm4b:s22+s4], $0x80, $0x38  }
0x44: {  	s23 =	rddreg [dreg:$0x9]  }
0x45: {  	[tilespmem:s25], [sflag:$0x7] =	stream.linear.gather [hbm4b:s23+s4], $0x80, $0x38;
	[tilespmem:$0x1A4C0] =	vst v63  }
0x46: {  	_ = 	snop  }
0x47: {  	[tilespmem:s26], [sflag:$0x7] =	stream.linear.gather [hbm4b:s23+s4], $0x80, $0x38;
	[tilespmem:$0x1A4C0] =	vst v63  }
0x48: {  	_ =	swait.ge [sflag:s28], $0x80  }
0x49: {  	[sflag:s28] =	ssyncset.done $0x0  }
0x4a: {  	[sflag:s28] =	ssyncadd.s32 $0xFFFFFF80  }
0x4b: {  	_ =	swait.ge [sflag:s28], $0x80  }
0x4c: {  	[sflag:s28] =	ssyncset.done $0x0  }
0x4d: {  	[sflag:s28] =	ssyncadd.s32 $0xFFFFFF80  }
0x4e: {  	_ =	swait.ge [sflag:s28], $0x80  }
0x4f: {  	[sflag:s28] =	ssyncset.done $0x0  }
0x50: {  	s13 =	simm.s32 $0x180;
	[sflag:s28] =	ssyncadd.s32 $0xFFFFFF80  }
0x51: {  	[tilespmem:s13], [sflag:$0x1] =	stream.indirect.gather [hbm4b:s6+s25], $0x20, s4, s25, $0xb8;
	[tilespmem:$0x1A4C0] =	vst v63  }
0x52: {  	s15 =	simm.s32 $0x1180  }
0x53: {  	[tilespmem:s15], [sflag:$0x1] =	stream.indirect.gather [hbm4b:s7+s25], $0x20, s25, s25, $0xb8;
	[tilespmem:$0x1A4C0] =	vst v63  }
0x54: {  	s21 =	simm.s32 $0x4980;
	s20 =	rddreg [dreg:$0xa]  }
0x55: {  	[tilespmem:s21], [sflag:$0x7] =	stream.linear.gather [hbm4b:s20+s4], $0x80, $0x38;
	[tilespmem:$0x1A4C0] =	vst v63  }
0x56: {  	s23 =	simm.s32 $0x4A00;
	s22 =	rddreg [dreg:$0xb]  }
0x57: {  	[tilespmem:s23], [sflag:$0x7] =	stream.linear.gather [hbm4b:s22+s4], $0x80, $0x38;
	[tilespmem:$0x1A4C0] =	vst v63  }
0x58: {  	_ = 	snop  }
0x59: {  	[tilespmem:s2], [sflag:$0x7] =	stream.linear.gather [hbm4b:s22+s4], $0x80, $0x38;
	[tilespmem:$0x1A4C0] =	vst v63  }
0x5a: {  	_ =	swait.ge [sflag:s28], $0x80  }
0x5b: {  	[sflag:s28] =	ssyncset.done $0x0  }
0x5c: {  	[sflag:s28] =	ssyncadd.s32 $0xFFFFFF80  }
0x5d: {  	_ =	swait.ge [sflag:s28], $0x80  }
0x5e: {  	[sflag:s28] =	ssyncset.done $0x0  }
0x5f: {  	[sflag:s28] =	ssyncadd.s32 $0xFFFFFF80  }
0x60: {  	_ =	swait.ge [sflag:s28], $0x80  }
0x61: {  	[sflag:s28] =	ssyncset.done $0x0  }
0x62: {  	s20 =	simm.s32 $0x4B00;
	[sflag:s28] =	ssyncadd.s32 $0xFFFFFF80  }
0x63: {  	[tilespmem:s20], [sflag:$0x2] =	stream.indirect.gather [hbm4b:s6+s25], $0x20, s21, s25, $0xb8;
	[tilespmem:$0x1A4C0] =	vst v63  }
0x64: {  	s21 =	simm.s32 $0x5B00  }
0x65: {  	[tilespmem:s21], [sflag:$0x2] =	stream.indirect.gather [hbm4b:s7+s25], $0x20, s23, s25, $0xb8;
	[tilespmem:$0x1A4C0] =	vst v63  }
0x66: {  	s22 =	rddreg [dreg:$0xd]  }
0x67: {  	[tilespmem:s30], [sflag:$0x7] =	stream.linear.gather [hbm4b:s22+s4], $0x80, $0x38;
	[tilespmem:$0x1A4C0] =	vst v63  }
0x68: {  	s23 =	rddreg [dreg:$0xe]  }
0x69: {  	[tilespmem:s24], [sflag:$0x7] =	stream.linear.gather [hbm4b:s23+s4], $0x80, $0x38;
	[tilespmem:$0x1A4C0] =	vst v63  }
0x6a: {  	_ = 	snop  }
0x6b: {  	[tilespmem:s29], [sflag:$0x7] =	stream.linear.gather [hbm4b:s23+s4], $0x80, $0x38;
	[tilespmem:$0x1A4C0] =	vst v63  }
0x6c: {  	_ =	swait.ge [sflag:s28], $0x80  }
0x6d: {  	[sflag:s28] =	ssyncset.done $0x0  }
0x6e: {  	[sflag:s28] =	ssyncadd.s32 $0xFFFFFF80  }
0x6f: {  	_ =	swait.ge [sflag:s28], $0x80  }
0x70: {  	[sflag:s28] =	ssyncset.done $0x0  }
0x71: {  	[sflag:s28] =	ssyncadd.s32 $0xFFFFFF80  }
0x72: {  	_ =	swait.ge [sflag:s28], $0x80  }
0x73: {  	[tilespmem:$0x1FF70] =	vst v5  }
0x74: {  	[sflag:s28] =	ssyncset.done $0x0;
	[tilespmem:$0x1FF80] =	vst v6  }
0x75: {  	[tilespmem:$0x1FF90] =	vst v8;
	[sflag:s28] =	ssyncadd.s32 $0xFFFFFF80  }
0x76: {  	[tilespmem:s31], [sflag:$0x3] =	stream.indirect.gather [hbm4b:s6+s25], $0x20, s30, s25, $0xb8;
	[tilespmem:$0x1A4C0] =	vst v63  }
0x77: {  	s11 =	simm.s32 $0x0;
	[tilespmem:$0x1FFA0] =	vst v9  }
0x78: {  	[tilespmem:s0], [sflag:$0x3] =	stream.indirect.gather [hbm4b:s7+s25], $0x20, s24, s25, $0xb8;
	[tilespmem:$0x1A4C0] =	vst v63  }
.LBB2_2:
0x79: {  	_ =	swait.ge [sflag:s8], $0x1000  }
0x7a: {  	[sflag:s8] =	ssyncset.done $0x0  }
0x7b: {  	[sflag:s8] =	ssyncadd.s32 $0xFFFFF000  }
0x7c: {  	_ =	swait.ge [sflag:s8], $0x1000  }
0x7d: {  	p0 =	seq.s32 s11, $0x0;
	[sflag:s8] =	ssyncset.done $0x0  }
0x7e: {  	s13 =	simm.s32 @!p0 $0x4;
	[sflag:s8] =	ssyncadd.s32 $0xFFFFF000  }
0x7f: {  	_ =	swait.ge @!p0 [sflag:s13], $0x2800  }
0x80: {  	[sflag:s13] =	ssyncset.done @!p0 $0x0  }
0x81: {  	s15 =	simm.s32 $0x200;
	[sflag:s13] =	ssyncadd.s32 @!p0 $0xFFFFD800  }
0x82: {  	v13 =	vld [tilespmem:s15+$0x60];
	_ =	sdelay $0x1  }
0x83: {  	s13 =	simm.s32 $0x1200;
	v15 =	vld [tilespmem:s15+$0x70]  }
0x84: {  	v14 =	vld [tilespmem:s13+$0x60]  }
0x85: {  	v16 =	vld [tilespmem:s13+$0x70]  }
0x86: {  	v0 =	vunpack.i.l.bf16.f32 v13  }
0x87: {  	v10 =	vunpack.i.u.bf16.f32 v13;
	[tilespmem:$0x1FED0] =	vst v0  }
0x88: {  	v63 =	vunpack.i.u.bf16.f32 v15;
	[tilespmem:$0x1FEE0] =	vst v10  }
0x89: {  	v11 =	vunpack.i.l.bf16.f32 v15;
	[tilespmem:$0x1FEB0] =	vst v63  }
0x8a: {  	v17 =	vunpack.i.l.bf16.f32 v14;
	v13 =	vunpack.i.u.bf16.f32 v16;
	v15 =	vunpack.i.l.bf16.f32 v16;
	[tilespmem:$0x1FEF0] =	vst v11  }
0x8b: {  	v14 =	vunpack.i.u.bf16.f32 v14;
	v16 =	vadd.f32 v17, v0;
	v15 =	vadd.f32 v15, v11;
	v17 =	vld [tilespmem:s15+$0xFFFFFF90]  }
0x8c: {  	v13 =	vadd.f32 v13, v63;
	v14 =	vadd.f32 v14, v10  }
0x8d: {  	v22 =	vld [tilespmem:s13+$0xFFFFFF90];
	v18 =	vmul.f32 $2.000000030e-01, v16;
	v19 =	vmul.f32 $2.000000030e-01, v15  }
0x8e: {  	v24 =	vld [tilespmem:s15+$0xFFFFFFB0];
	v20 =	vmul.f32 $2.000000030e-01, v13;
	v23 =	vmul.f32 $2.000000030e-01, v14  }
0x8f: {  	v16 =	vmax.f32 v16, v18;
	v15 =	vmax.f32 v15, v19  }
0x90: {  	v13 =	vmax.f32 v13, v20;
	v18 =	vld [tilespmem:s13+$0xFFFFFFB0];
	v14 =	vmax.f32 v14, v23;
	v33 =	vunpack.i.u.bf16.f32 v17  }
0x91: {  	v19 =	vld [tilespmem:s15+$0xFFFFFFD0];
	v15 =	vmul.f32 v15, v8;
	v13 =	vmul.f32 v13, v9;
	v34 =	vunpack.i.l.bf16.f32 v17;
	[tilespmem:$0x1FF20] =	vst v33  }
0x92: {  	v16 =	vmul.f32 v16, v5;
	v14 =	vmul.f32 v14, v6;
	v26 =	vunpack.i.u.bf16.f32 v22;
	v20 =	vld [tilespmem:s13+$0xFFFFFFD0];
	[tilespmem:$0x1FF10] =	vst v34  }
0x93: {  	v27 =	vunpack.i.l.bf16.f32 v22;
	v32 =	vunpack.i.u.bf16.f32 v24;
	v17 =	vperm.xlane v15, v1;
	v25 =	vld [tilespmem:s15+$0xFFFFFFF0]  }
0x94: {  	v35 =	vunpack.i.l.bf16.f32 v24;
	v23 =	vperm.xlane v13, v1;
	v22 =	vperm.xlane v14, v1;
	v28 =	vld [tilespmem:s13+$0xFFFFFFF0]  }
0x95: {  	v29 =	vperm.xlane v16, v1;
	v53 =	vadd.f32 v27, v34;
	v15 =	vadd.f32 v17, v15;
	v17 =	vld [tilespmem:s15+$0x10];
	[tilespmem:$0x1FF60] =	vst v32  }
0x96: {  	v55 =	vadd.f32 v26, v33;
	v13 =	vadd.f32 v23, v13;
	[tilespmem:$0x1FF50] =	vst v35  }
0x97: {  	v14 =	vadd.f32 v22, v14;
	v16 =	vadd.f32 v29, v16;
	v31 =	vunpack.i.u.bf16.f32 v18;
	v29 =	vld [tilespmem:s15+$0x30]  }
0x98: {  	v39 =	vunpack.i.l.bf16.f32 v18;
	v40 =	vld [tilespmem:s13+$0x30];
	v22 =	vperm.xlane v15, v7;
	v23 =	vperm.xlane v13, v7  }
0x99: {  	v10 =	vunpack.i.u.bf16.f32 v19;
	v42 =	vld [tilespmem:s15+$0x50];
	v57 =	vadd.f32 v39, v35;
	v24 =	vperm.xlane v14, v7  }
0x9a: {  	v45 =	vld [tilespmem:s13+$0xFFFFFF80];
	v41 =	vperm.xlane v16, v7;
	v15 =	vadd.f32 v22, v15;
	v13 =	vadd.f32 v23, v13  }
0x9b: {  	v11 =	vunpack.i.l.bf16.f32 v19;
	v46 =	vld [tilespmem:s15+$0xFFFFFFA0];
	v37 =	vadd.f32 v31, v32;
	v14 =	vadd.f32 v24, v14  }
0x9c: {  	v47 =	vld [tilespmem:s13+$0xFFFFFFA0];
	v44 =	vunpack.i.u.bf16.f32 v20;
	v16 =	vadd.f32 v41, v16;
	v13 =	vsel vm0, v15, v13  }
0x9d: {  	v3 =	vmovc v4;
	v48 =	vld [tilespmem:s15+$0xFFFFFFC0];
	v4 =	vunpack.i.l.bf16.f32 v20;
	v12 =	vunpack.i.u.bf16.f32 v25;
	v13 =	vsel vm1, v14, v13  }
0x9e: {  	v49 =	vld [tilespmem:s13+$0xFFFFFFC0];
	v38 =	vunpack.i.l.bf16.f32 v17;
	v60 =	vadd.f32 v4, v11;
	v13 =	vsel vm2, v16, v13  }
0x9f: {  	v56 =	vld [tilespmem:s15+$0xFFFFFF80];
	v62 =	vadd.f32 v44, v10;
	v15 =	vunpack.i.l.bf16.f32 v25;
	v16 =	vperm.xlane v13, v3  }
0xa0: {  	v30 =	vld [tilespmem:s13+$0x10];
	v25 =	vunpack.i.u.bf16.f32 v28;
	v28 =	vunpack.i.l.bf16.f32 v28;
	v20 =	vunpack.i.u.bf16.f32 v29  }
0xa1: {  	v43 =	vld [tilespmem:s13+$0x50];
	v21 =	vunpack.i.l.bf16.f32 v29;
	v51 =	vunpack.i.u.bf16.f32 v40;
	v29 =	vadd.f32 v13, v16  }
0xa2: {  	v50 =	vld [tilespmem:s15+$0xFFFFFFE0];
	v40 =	vunpack.i.l.bf16.f32 v40;
	v24 =	vunpack.i.l.bf16.f32 v42;
	v58 =	vunpack.i.u.bf16.f32 v45  }
0xa3: {  	v52 =	vld [tilespmem:s13+$0xFFFFFFE0];
	v19 =	vunpack.i.u.bf16.f32 v46;
	v0 =	vunpack.i.u.bf16.f32 v47;
	v27 =	vperm.xlane v29, v2  }
0xa4: {  	v54 =	vld [tilespmem:s15+$0x0];
	v22 =	vunpack.i.u.bf16.f32 v56;
	v18 =	vunpack.i.u.bf16.f32 v48;
	v31 =	vunpack.i.u.bf16.f32 v49  }
0xa5: {  	v59 =	vld [tilespmem:s13+$0x0];
	v14 =	vunpack.i.u.bf16.f32 v17;
	[tilespmem:$0x1FF40] =	vst v19;
	v63 =	vadd.f32 v28, v15;
	v26 =	vadd.f32 v29, v27  }
0xa6: {  	v17 =	vunpack.i.u.bf16.f32 v30;
	v36 =	vadd.f32 v25, v12;
	v44 =	vadd.f32 v40, v21;
	v33 =	vld [tilespmem:s15+$0x40]  }
0xa7: {  	v51 =	vadd.f32 v51, v20;
	v58 =	vadd.f32 v58, v22;
	v26 =	vmul.f32 $1.442695020e+00, v26  }
0xa8: {  	v30 =	vunpack.i.l.bf16.f32 v30;
	v32 =	vadd.f32 v0, v19;
	v31 =	vadd.f32 v31, v18  }
0xa9: {  	v19 =	vunpack.i.l.bf16.f32 v46;
	v46 =	vunpack.i.l.bf16.f32 v47;
	v23 =	vld [tilespmem:s15+$0x20];
	(erf) = vpow2.f32 v26  }
0xaa: {  	v4 =	vld [tilespmem:s13+$0x20];
	v39 =	vadd.f32 v17, v14;
	v46 =	vadd.f32 v46, v19;
	v13 =	vmovc v38;
	v16 =	vunpack.i.u.bf16.f32 v42  }
0xab: {  	v42 =	vunpack.i.u.bf16.f32 v43;
	v43 =	vunpack.i.l.bf16.f32 v43;
	v38 =	vadd.f32 v30, v13;
	[tilespmem:$0x1FEC0] =	vst v33  }
0xac: {  	v45 =	vunpack.i.l.bf16.f32 v45;
	v40 =	vadd.f32 v43, v24;
	v41 =	vadd.f32 v42, v16;
	v61 =	vld [tilespmem:s13+$0x40]  }
0xad: {  	v42 =	vunpack.i.u.bf16.f32 v52;
	v30 =	vunpack.i.u.bf16.f32 v59;
	v52 =	vunpack.i.l.bf16.f32 v52  }
0xae: {  	v28 =	vunpack.i.u.bf16.f32 v23;
	v25 =	vmovc v23;
	v17 =	vunpack.i.u.bf16.f32 v33;
	v23 =	vunpack.i.l.bf16.f32 v48  }
0xaf: {  	v48 =	vmul.f32 $2.000000030e-01, v60;
	v27 =	vunpack.i.u.bf16.f32 v50;
	v29 =	vunpack.i.u.bf16.f32 v4  }
0xb0: {  	[tilespmem:$0x1FF00] =	vst v22;
	v22 =	vunpack.i.l.bf16.f32 v56;
	v56 =	vadd.f32 v42, v27;
	v35 =	vadd.f32 v29, v28  }
0xb1: {  	v42 =	vunpack.i.l.bf16.f32 v49;
	v29 =	vunpack.i.l.bf16.f32 v54;
	v43 =	vunpack.i.u.bf16.f32 v61  }
0xb2: {  	[tilespmem:$0x1FEA0] =	vst v18;
	v49 =	vmul.f32 $2.000000030e-01, v62;
	v34 =	vadd.f32 v43, v17;
	v43 =	vimm.s32 $0xC;
	v18 =	vpop (erf)  }
0xb3: {  	v26 =	vunpack.i.u.bf16.f32 v54;
	v54 =	vmul.f32 $2.000000030e-01, v55;
	v47 =	vperm.xlane v18, v43;
	v43 =	vld [tilespmem:$0x1FEB0]  }
0xb4: {  	v33 =	vadd.f32 v30, v26;
	v30 =	vunpack.i.l.bf16.f32 v50;
	v50 =	vmul.f32 $2.000000030e-01, v53  }
0xb5: {  	v54 =	vmax.f32 v55, v54;
	v55 =	vmax.f32 v60, v48;
	v60 =	vmul.f32 $2.000000030e-01, v44  }
0xb6: {  	v48 =	vmul.f32 $2.000000030e-01, v36;
	v50 =	vmax.f32 v53, v50;
	v54 =	vmul.f32 v54, v9  }
0xb7: {  	v55 =	vmul.f32 v55, v8;
	v44 =	vmax.f32 v44, v60;
	v60 =	vmul.f32 $2.000000030e-01, v31  }
0xb8: {  	v59 =	vunpack.i.l.bf16.f32 v59;
	v50 =	vmul.f32 v50, v8;
	v0 =	vmul.f32 v47, v43  }
0xb9: {  	v42 =	vadd.f32 v42, v23;
	v47 =	vmul.f32 $2.000000030e-01, v57;
	v43 =	vmul.f32 $2.000000030e-01, v37  }
0xba: {  	v44 =	vmul.f32 v44, v8;
	v60 =	vmax.f32 v31, v60;
	v31 =	vmul.f32 $2.000000030e-01, v35  }
0xbb: {  	v60 =	vmul.f32 v60, v6;
	[tilespmem:$0x1FF30] =	vst v0;
	v47 =	vmax.f32 v57, v47;
	v0 =	vmax.f32 v37, v43  }
0xbc: {  	v43 =	vmul.f32 $2.000000030e-01, v63;
	v57 =	vmax.f32 v62, v49;
	v49 =	vmul.f32 $2.000000030e-01, v38  }
0xbd: {  	v45 =	vadd.f32 v45, v22;
	v37 =	vmul.f32 $2.000000030e-01, v39;
	v62 =	vmul.f32 $2.000000030e-01, v42  }
0xbe: {  	v47 =	vmul.f32 v47, v8;
	v57 =	vmul.f32 v57, v9;
	v53 =	vmax.f32 v63, v43  }
0xbf: {  	v43 =	vmax.f32 v36, v48;
	v48 =	vmax.f32 v38, v49;
	v49 =	vmul.f32 $2.000000030e-01, v51  }
0xc0: {  	v4 =	vunpack.i.l.bf16.f32 v4;
	v38 =	vmul.f32 $2.000000030e-01, v40;
	v36 =	vmul.f32 $2.000000030e-01, v41  }
0xc1: {  	v39 =	vmax.f32 v39, v37;
	v37 =	vmul.f32 $2.000000030e-01, v58;
	v63 =	vmul.f32 $2.000000030e-01, v45  }
0xc2: {  	v52 =	vadd.f32 v52, v30;
	v53 =	vmul.f32 v53, v8;
	v43 =	vmul.f32 v43, v9  }
0xc3: {  	v42 =	vmax.f32 v42, v62;
	v48 =	vmul.f32 v48, v8;
	v39 =	vmul.f32 v39, v9  }
0xc4: {  	v42 =	vmul.f32 v42, v5;
	v51 =	vmax.f32 v51, v49;
	v40 =	vmax.f32 v40, v38  }
0xc5: {  	v38 =	vmul.f32 $2.000000030e-01, v32;
	v58 =	vmax.f32 v58, v37;
	v49 =	vmul.f32 $2.000000030e-01, v56  }
0xc6: {  	v37 =	vmul.f32 $2.000000030e-01, v33;
	v45 =	vmax.f32 v45, v63;
	v63 =	vmul.f32 $2.000000030e-01, v52  }
0xc7: {  	v41 =	vmax.f32 v41, v36;
	v51 =	vmul.f32 v51, v9;
	v40 =	vmul.f32 v40, v8  }
0xc8: {  	v41 =	vmul.f32 v41, v9;
	v45 =	vmul.f32 v45, v5;
	v38 =	vmax.f32 v32, v38  }
0xc9: {  	v56 =	vmax.f32 v56, v49;
	v49 =	vmul.f32 $2.000000030e-01, v34;
	v36 =	vmax.f32 v33, v37  }
0xca: {  	v37 =	vmax.f32 v35, v31;
	v35 =	vmul.f32 $2.000000030e-01, v46;
	v31 =	vunpack.i.l.bf16.f32 v25  }
0xcb: {  	v52 =	vmax.f32 v52, v63;
	v38 =	vmul.f32 v38, v6;
	v56 =	vmul.f32 v56, v6  }
0xcc: {  	v33 =	vld [tilespmem:$0x1FEC0];
	v32 =	vadd.f32 v4, v31;
	v36 =	vmul.f32 v36, v6;
	v37 =	vmul.f32 v37, v6  }
0xcd: {  	v52 =	vmul.f32 v52, v5;
	v49 =	vmax.f32 v34, v49;
	v34 =	vmul.f32 v0, v9  }
0xce: {  	v35 =	vmax.f32 v46, v35;
	v46 =	vmul.f32 v58, v6;
	v58 =	vperm.xlane v50, v1  }
0xcf: {  	v59 =	vadd.f32 v59, v29;
	v0 =	vmul.f32 $2.000000030e-01, v32;
	v49 =	vmul.f32 v49, v6  }
0xd0: {  	v61 =	vunpack.i.l.bf16.f32 v61;
	v6 =	vperm.xlane v53, v1;
	v35 =	vmul.f32 v35, v5  }
0xd1: {  	v50 =	vadd.f32 v58, v50;
	v58 =	vperm.xlane v34, v1;
	v25 =	vunpack.i.l.bf16.f32 v33  }
0xd2: {  	v33 =	vmul.f32 $2.000000030e-01, v59;
	v32 =	vmax.f32 v32, v0;
	v0 =	vperm.xlane v54, v1  }
0xd3: {  	v53 =	vadd.f32 v6, v53;
	v6 =	vperm.xlane v39, v1;
	v61 =	vadd.f32 v61, v25  }
0xd4: {  	v34 =	vadd.f32 v58, v34;
	v32 =	vmul.f32 v32, v5;
	v33 =	vmax.f32 v59, v33  }
0xd5: {  	v54 =	vadd.f32 v0, v54;
	v0 =	vperm.xlane v55, v1;
	v59 =	vperm.xlane v44, v1  }
0xd6: {  	v39 =	vadd.f32 v6, v39;
	v6 =	vperm.xlane v41, v1;
	v4 =	vmul.f32 $2.000000030e-01, v61  }
0xd7: {  	v33 =	vmul.f32 v33, v5;
	v55 =	vadd.f32 v0, v55;
	v0 =	vperm.xlane v43, v1  }
0xd8: {  	v44 =	vadd.f32 v59, v44;
	v41 =	vadd.f32 v6, v41;
	v6 =	vperm.xlane v60, v1  }
0xd9: {  	v61 =	vmax.f32 v61, v4;
	v4 =	vperm.xlane v47, v1;
	v43 =	vadd.f32 v0, v43  }
0xda: {  	v0 =	vperm.xlane v51, v1;
	v58 =	vadd.f32 v6, v60;
	v6 =	vperm.xlane v37, v1  }
0xdb: {  	v61 =	vmul.f32 v61, v5;
	v5 =	vperm.xlane v33, v1;
	v47 =	vadd.f32 v4, v47  }
0xdc: {  	v4 =	vperm.xlane v57, v1;
	v51 =	vadd.f32 v0, v51;
	v0 =	vperm.xlane v46, v1  }
0xdd: {  	v37 =	vadd.f32 v6, v37;
	v6 =	vperm.xlane v35, v1;
	v33 =	vadd.f32 v5, v33  }
0xde: {  	v57 =	vadd.f32 v4, v57;
	v4 =	vperm.xlane v48, v1;
	v5 =	vperm.xlane v47, v7  }
0xdf: {  	v46 =	vadd.f32 v0, v46;
	v0 =	vperm.xlane v56, v1;
	v35 =	vadd.f32 v6, v35  }
0xe0: {  	v6 =	vperm.xlane v32, v1;
	v48 =	vadd.f32 v4, v48;
	v4 =	vperm.xlane v40, v1  }
0xe1: {  	v47 =	vadd.f32 v5, v47;
	v5 =	vperm.xlane v43, v7;
	v56 =	vadd.f32 v0, v56  }
0xe2: {  	v0 =	vperm.xlane v49, v1;
	v32 =	vadd.f32 v6, v32;
	v6 =	vperm.xlane v34, v7  }
0xe3: {  	v40 =	vadd.f32 v4, v40;
	v4 =	vperm.xlane v38, v1;
	v43 =	vadd.f32 v5, v43  }
0xe4: {  	v49 =	vadd.f32 v0, v49;
	v0 =	vperm.xlane v42, v1;
	v34 =	vadd.f32 v6, v34  }
0xe5: {  	v6 =	vperm.xlane v48, v7;
	v38 =	vadd.f32 v4, v38;
	v4 =	vperm.xlane v36, v1  }
0xe6: {  	v5 =	vperm.xlane v40, v7;
	v42 =	vadd.f32 v0, v42;
	v0 =	vperm.xlane v61, v1  }
0xe7: {  	v48 =	vadd.f32 v6, v48;
	v6 =	vperm.xlane v41, v7;
	v34 =	vsel vm0, v47, v34  }
0xe8: {  	v36 =	vadd.f32 v4, v36;
	v4 =	vperm.xlane v45, v1;
	v40 =	vadd.f32 v5, v40  }
0xe9: {  	v5 =	vperm.xlane v56, v7;
	v61 =	vadd.f32 v0, v61;
	v0 =	vperm.xlane v55, v7  }
0xea: {  	v41 =	vadd.f32 v6, v41;
	v45 =	vadd.f32 v4, v45;
	v4 =	vperm.xlane v52, v1  }
0xeb: {  	v1 =	vperm.xlane v50, v7;
	v6 =	vperm.xlane v36, v7;
	v55 =	vadd.f32 v0, v55  }
0xec: {  	v0 =	vperm.xlane v39, v7;
	v40 =	vsel vm0, v40, v41;
	v59 =	vperm.xlane v61, v7  }
0xed: {  	v52 =	vadd.f32 v4, v52;
	v4 =	vperm.xlane v54, v7;
	v50 =	vadd.f32 v1, v50  }
0xee: {  	v1 =	vperm.xlane v57, v7;
	v36 =	vadd.f32 v6, v36;
	v6 =	vperm.xlane v35, v7  }
0xef: {  	v39 =	vadd.f32 v0, v39;
	v0 =	vperm.xlane v46, v7;
	v54 =	vadd.f32 v4, v54  }
0xf0: {  	v4 =	vperm.xlane v53, v7;
	v57 =	vadd.f32 v1, v57;
	v1 =	vperm.xlane v44, v7  }
0xf1: {  	v35 =	vadd.f32 v6, v35;
	v46 =	vadd.f32 v0, v46;
	v0 =	vperm.xlane v37, v7  }
0xf2: {  	v39 =	vsel vm0, v48, v39;
	v53 =	vadd.f32 v4, v53;
	v4 =	vperm.xlane v51, v7  }
0xf3: {  	v44 =	vadd.f32 v1, v44;
	v1 =	vperm.xlane v38, v7;
	v50 =	vsel vm0, v50, v54  }
0xf4: {  	v55 =	vsel vm0, v55, v57;
	v54 =	vperm.xlane v52, v7;
	v57 =	vperm.xlane v32, v7  }
0xf5: {  	v36 =	vsel vm1, v36, v39;
	v37 =	vadd.f32 v0, v37;
	v46 =	vsel vm1, v46, v50  }
0xf6: {  	v51 =	vadd.f32 v4, v51;
	v4 =	vperm.xlane v58, v7;
	v38 =	vadd.f32 v1, v38  }
0xf7: {  	v1 =	vadd.f32 v5, v56;
	v5 =	vperm.xlane v45, v7;
	v43 =	vsel vm0, v53, v43  }
0xf8: {  	v53 =	vperm.xlane v42, v7;
	v56 =	vperm.xlane v33, v7;
	v41 =	vadd.f32 v54, v52  }
0xf9: {  	v32 =	vadd.f32 v57, v32;
	v58 =	vadd.f32 v4, v58;
	v4 =	vperm.xlane v49, v7  }
0xfa: {  	v44 =	vsel vm0, v44, v51;
	v45 =	vadd.f32 v5, v45;
	v42 =	vadd.f32 v53, v42  }
0xfb: {  	v34 =	vsel vm1, v38, v34;
	v33 =	vadd.f32 v56, v33;
	v43 =	vsel vm1, v1, v43  }
0xfc: {  	v38 =	vadd.f32 v59, v61;
	v37 =	vsel vm1, v37, v44;
	v34 =	vsel vm2, v35, v34  }
0xfd: {  	v41 =	vsel vm2, v41, v43;
	v49 =	vadd.f32 v4, v49;
	v60 =	vsel vm1, v58, v55  }
0xfe: {  	v63 =	vsel vm2, v45, v46;
	v33 =	vsel vm2, v33, v36;
	v4 =	vperm.xlane v34, v3  }
0xff: {  	v32 =	vsel vm2, v32, v37;
	v6 =	vperm.xlane v41, v3;
	v1 =	vperm.xlane v63, v3  }
0x100: {  	v0 =	vsel vm2, v42, v60;
	v7 =	vperm.xlane v33, v3;
	v45 =	vperm.xlane v32, v3  }
0x101: {  	v62 =	vsel vm1, v49, v40;
	v5 =	vperm.xlane v0, v3;
	v36 =	vadd.f32 v63, v1  }
0x102: {  	v34 =	vadd.f32 v34, v4;
	v41 =	vadd.f32 v41, v6;
	v4 =	vimm.s32 $0x4  }
0x103: {  	v38 =	vsel vm2, v38, v62;
	v33 =	vadd.f32 v33, v7;
	v47 =	vperm.xlane v36, v2  }
0x104: {  	v32 =	vadd.f32 v32, v45;
	v59 =	vperm.xlane v18, v4;
	v35 =	vadd.f32 v0, v5  }
0x105: {  	v46 =	vperm.xlane v38, v3;
	v48 =	vperm.xlane v34, v2;
	v36 =	vadd.f32 v36, v47  }
0x106: {  	v50 =	vperm.xlane v41, v2;
	v0 =	vimm.s32 $0x0;
	v51 =	vperm.xlane v33, v2  }
0x107: {  	v52 =	vperm.xlane v32, v2;
	v34 =	vadd.f32 v34, v48;
	v36 =	vmul.f32 $1.442695020e+00, v36  }
0x108: {  	v6 =	vld [tilespmem:$0x1FFB0];
	v5 =	vimm.s32 $0x8;
	v58 =	vperm.xlane v18, v0;
	v49 =	vperm.xlane v35, v2  }
0x109: {  	v37 =	vadd.f32 v38, v46;
	v34 =	vmul.f32 $1.442695020e+00, v34;
	(erf) = vpow2.f32 v36  }
0x10a: {  	v63 =	vld [tilespmem:$0x1FEF0];
	v60 =	vperm.xlane v18, v5;
	v53 =	vadd.f32 v41, v50;
	v35 =	vadd.f32 v35, v49  }
0x10b: {  	v33 =	vadd.f32 v33, v51;
	v54 =	vperm.xlane v37, v2;
	(erf) = vpow2.f32 v34  }
0x10c: {  	v62 =	vld [tilespmem:$0x1FEE0];
	v32 =	vadd.f32 v32, v52;
	v56 =	vmul.f32 $1.442695020e+00, v53;
	v35 =	vmul.f32 $1.442695020e+00, v35  }
0x10d: {  	v61 =	vld [tilespmem:$0x1FED0];
	v2 =	vperm.xlane v18, v6;
	v33 =	vmul.f32 $1.442695020e+00, v33  }
0x10e: {  	v32 =	vmul.f32 $1.442695020e+00, v32;
	v55 =	vadd.f32 v37, v54;
	(erf) = vpow2.f32 v35  }
0x10f: {  	v3 =	vmul.f32 v60, v63;
	(erf) = vpow2.f32 v56  }
0x110: {  	v36 =	vld [tilespmem:$0x1FF30];
	v57 =	vmul.f32 $1.442695020e+00, v55;
	(erf) = vpow2.f32 v33  }
0x111: {  	v34 =	vmul.f32 v59, v62;
	(erf) = vpow2.f32 v32  }
0x112: {  	v33 =	vmul.f32 v58, v61;
	(erf) = vpow2.f32 v57;
	v32 =	vpop (erf)  }
0x113: {  	v7 =	vimm.s32 $0xC;
	v62 =	vld [tilespmem:$0x1FF10];
	v1 =	vperm.xlane v32, v0;
	v38 =	vperm.xlane v32, v4  }
0x114: {  	s15 =	simm.s32 $0x22C0;
	v35 =	vld [tilespmem:$0x1FF20];
	v40 =	vpop (erf);
	v39 =	vperm.xlane v32, v5;
	v41 =	vperm.xlane v32, v7  }
0x115: {  	v61 =	vld [tilespmem:$0x1FF00];
	[tilespmem:s15+$0x120] =	vst v36;
	v36 =	vperm.xlane v32, v6;
	v42 =	vperm.xlane v40, v0  }
0x116: {  	v43 =	vperm.xlane v40, v4;
	v45 =	vperm.xlane v40, v5  }
0x117: {  	v44 =	vpop (erf);
	v18 =	vperm.xlane v40, v7;
	v46 =	vperm.xlane v40, v6  }
0x118: {  	v8 =	vperm.xlane v44, v0;
	v59 =	vperm.xlane v44, v4  }
0x119: {  	v60 =	vperm.xlane v44, v5;
	v57 =	vperm.xlane v44, v7  }
0x11a: {  	v63 =	vmul.f32 v1, v22;
	v22 =	vmul.f32 v38, v61  }
0x11b: {  	v48 =	vpop (erf);
	v9 =	vmul.f32 v39, v62;
	v62 =	vmul.f32 v41, v35  }
0x11c: {  	v1 =	vld [tilespmem:$0x1FF40];
	[tilespmem:s15+$0xF0] =	vst v33;
	v58 =	vperm.xlane v48, v0;
	v55 =	vperm.xlane v48, v4  }
0x11d: {  	v56 =	vperm.xlane v48, v5;
	v53 =	vperm.xlane v48, v7;
	v38 =	vld [tilespmem:$0x1FF50];
	[tilespmem:s15+$0x100] =	vst v34  }
0x11e: {  	v41 =	vnsel vm2, $0x0, v2;
	v49 =	vpop (erf);
	v61 =	vmul.f32 v42, v19;
	[tilespmem:s15+$0x110] =	vst v3;
	v3 =	vperm.xlane v44, v6  }
0x11f: {  	[tilespmem:s15+$0x130] =	vst v41;
	v48 =	vperm.xlane v48, v6;
	v54 =	vperm.xlane v49, v0  }
0x120: {  	v50 =	vperm.xlane v49, v4;
	v52 =	vperm.xlane v49, v5;
	v47 =	vld [tilespmem:$0x1FF60]  }
0x121: {  	v37 =	vpop (erf);
	v51 =	vperm.xlane v49, v7;
	v40 =	vmul.f32 v8, v23  }
0x122: {  	v42 =	vperm.xlane v37, v0;
	v35 =	vperm.xlane v37, v5  }
0x123: {  	v34 =	vperm.xlane v37, v7;
	v39 =	vmul.f32 v43, v1  }
0x124: {  	v36 =	vnsel vm2, $0x0, v36;
	v43 =	vperm.xlane v37, v4;
	v38 =	vmul.f32 v45, v38;
	v45 =	vpop (erf)  }
0x125: {  	v46 =	vnsel vm2, $0x0, v46;
	[tilespmem:s15+$0xFFFFFF00] =	vst v36;
	v33 =	vperm.xlane v45, v0;
	v41 =	vmul.f32 v18, v47  }
0x126: {  	[tilespmem:s15+$0xFFFFFF50] =	vst v46;
	v32 =	vperm.xlane v45, v4;
	v36 =	vperm.xlane v45, v5  }
0x127: {  	[tilespmem:s15+$0xFFFFFEC0] =	vst v63;
	v4 =	vperm.xlane v49, v6;
	v5 =	vperm.xlane v37, v6  }
0x128: {  	[tilespmem:s15+$0xFFFFFED0] =	vst v22;
	v46 =	vnsel vm2, $0x0, v3;
	v37 =	vperm.xlane v45, v7;
	v44 =	vperm.xlane v45, v6  }
0x129: {  	s20 =	simm.s32 $0x0;
	s23 =	simm.s32 $0x300;
	s21 =	simm.s32 $0x22C0;
	[tilespmem:s15+$0xFFFFFEE0] =	vst v9;
	v49 =	vnsel vm2, $0x0, v48;
	v48 =	vnsel vm2, $0x0, v4;
	v45 =	vnsel vm2, $0x0, v5  }
.LBB2_3:
0x12a: {  	[tilespmem:$0x1FC90] =	vst v35  }
0x12b: {  	[tilespmem:$0x1FCC0] =	vst v34  }
0x12c: {  	[tilespmem:$0x1FD70] =	vst v16  }
0x12d: {  	[tilespmem:$0x1FD00] =	vst v17  }
0x12e: {  	[tilespmem:$0x1FCE0] =	vst v25  }
0x12f: {  	[tilespmem:$0x1FCB0] =	vst v20  }
0x130: {  	[tilespmem:$0x1FD20] =	vst v24  }
0x131: {  	v47 =	vld [tilespmem:s23+$0x60];
	[tilespmem:$0x1FCF0] =	vst v33  }
0x132: {  	v0 =	vld [tilespmem:$0x1FEA0];
	[tilespmem:$0x1FD10] =	vst v32  }
0x133: {  	v35 =	vld [tilespmem:s23+$0x70];
	[tilespmem:$0x1FD60] =	vst v37  }
0x134: {  	v17 =	vld [tilespmem:$0x1FF90];
	[tilespmem:s15+$0xFFFFFEF0] =	vst v62  }
0x135: {  	s13 =	sadd.s32 $0x100, s13;
	v25 =	vmul.f32 v43, v28;
	v28 =	vld [tilespmem:$0x1FFA0];
	[tilespmem:s15+$0xFFFFFF10] =	vst v61  }
0x136: {  	v7 =	vld [tilespmem:s13+$0x60];
	[tilespmem:s15+$0xFFFFFF20] =	vst v39  }
0x137: {  	v30 =	vmul.f32 v58, v30;
	v61 =	vld [tilespmem:s13+$0x70];
	[tilespmem:s15+$0xFFFFFF30] =	vst v38  }
0x138: {  	v27 =	vmul.f32 v55, v27;
	v29 =	vmul.f32 v54, v29;
	[tilespmem:s15+$0xFFFFFF40] =	vst v41;
	v54 =	vld [tilespmem:s23+$0x50]  }
0x139: {  	v31 =	vmul.f32 v42, v31;
	v26 =	vmul.f32 v50, v26;
	[tilespmem:s15+$0xFFFFFF60] =	vst v40;
	v62 =	vld [tilespmem:s23+$0xFFFFFF90]  }
0x13a: {  	v2 =	vnsel vm2, $0x0, v44;
	v63 =	vld [tilespmem:s13+$0xFFFFFF90];
	[tilespmem:s15+$0xFFFFFFB0] =	vst v30;
	v19 =	vmul.f32 v60, v11;
	v18 =	vmul.f32 v57, v10  }
0x13b: {  	v30 =	vld [tilespmem:s23+$0xFFFFFFF0];
	[tilespmem:s15+$0xFFFFFFC0] =	vst v27;
	v23 =	vmul.f32 v56, v15;
	v20 =	vmul.f32 v53, v12;
	v33 =	vunpack.i.l.bf16.f32 v47  }
0x13c: {  	v50 =	vld [tilespmem:s23+$0xFFFFFFB0];
	v24 =	vmul.f32 v52, v13;
	v22 =	vmul.f32 v51, v14;
	v3 =	vunpack.i.l.bf16.f32 v35;
	[tilespmem:$0x1FD50] =	vst v33  }
0x13d: {  	v51 =	vld [tilespmem:s13+$0xFFFFFFB0];
	v59 =	vmul.f32 v59, v0;
	v1 =	vunpack.i.u.bf16.f32 v47;
	v57 =	vunpack.i.u.bf16.f32 v35;
	[tilespmem:$0x1FDA0] =	vst v3  }
0x13e: {  	v27 =	vld [tilespmem:s13+$0xFFFFFFF0];
	v34 =	vunpack.i.l.bf16.f32 v7;
	[tilespmem:s15+$0xFFFFFF80] =	vst v19;
	v35 =	vunpack.i.u.bf16.f32 v61;
	v39 =	vunpack.i.l.bf16.f32 v61  }
0x13f: {  	v60 =	vld [tilespmem:s23+$0x10];
	[tilespmem:s15+$0xFFFFFFD0] =	vst v23;
	v42 =	vunpack.i.u.bf16.f32 v54;
	v37 =	vadd.f32 v34, v33;
	v38 =	vadd.f32 v39, v3  }
0x140: {  	v61 =	vld [tilespmem:s13+$0x10];
	[tilespmem:s15+$0x0] =	vst v29;
	v40 =	vadd.f32 v35, v57;
	v8 =	vunpack.i.u.bf16.f32 v62;
	v3 =	vunpack.i.l.bf16.f32 v62  }
0x141: {  	v29 =	vld [tilespmem:s23+$0x30];
	[tilespmem:s15+$0xFFFFFF70] =	vst v59;
	v58 =	vunpack.i.u.bf16.f32 v63;
	v59 =	vunpack.i.l.bf16.f32 v63;
	v9 =	vunpack.i.u.bf16.f32 v50  }
0x142: {  	v10 =	vunpack.i.l.bf16.f32 v50;
	v19 =	vld [tilespmem:s23+$0xFFFFFFD0];
	[tilespmem:s15+$0xFFFFFF90] =	vst v18;
	v18 =	vunpack.i.u.bf16.f32 v7;
	v59 =	vadd.f32 v59, v3  }
0x143: {  	[tilespmem:s15+$0xFFFFFFE0] =	vst v20;
	v39 =	vld [tilespmem:$0x1FF70];
	v58 =	vadd.f32 v58, v8;
	v44 =	vmul.f32 $2.000000030e-01, v37;
	v18 =	vadd.f32 v18, v1  }
0x144: {  	[tilespmem:s15+$0x10] =	vst v26;
	v62 =	vld [tilespmem:s13+$0x50];
	v6 =	vmul.f32 $2.000000030e-01, v38;
	v7 =	vmul.f32 $2.000000030e-01, v40;
	v55 =	vunpack.i.u.bf16.f32 v51  }
0x145: {  	v0 =	vld [tilespmem:$0x1FFD0];
	[tilespmem:s15+$0xE0] =	vst v2;
	v56 =	vunpack.i.l.bf16.f32 v51;
	v2 =	vunpack.i.u.bf16.f32 v27;
	v27 =	vunpack.i.l.bf16.f32 v27  }
0x146: {  	v26 =	vld [tilespmem:s13+$0x30];
	[tilespmem:s15+$0x20] =	vst v24;
	v41 =	vunpack.i.u.bf16.f32 v60;
	v51 =	vunpack.i.l.bf16.f32 v54;
	v23 =	vmul.f32 $2.000000030e-01, v18  }
0x147: {  	[tilespmem:s15+$0x30] =	vst v22;
	v16 =	vld [tilespmem:s23+$0x40];
	v20 =	vmax.f32 v37, v44;
	v32 =	vmax.f32 v38, v6;
	v40 =	vmax.f32 v40, v7  }
0x148: {  	v52 =	vld [tilespmem:s13+$0xFFFFFFD0];
	[tilespmem:s15+$0xFFFFFFA0] =	vst v46;
	v46 =	vunpack.i.u.bf16.f32 v61;
	v53 =	vunpack.i.l.bf16.f32 v29;
	v33 =	vmul.f32 v40, v28  }
0x149: {  	v47 =	vld [tilespmem:s23+$0xFFFFFFA0];
	[tilespmem:s15+$0x40] =	vst v48;
	v20 =	vmul.f32 v20, v39;
	v40 =	vunpack.i.u.bf16.f32 v30;
	v48 =	vunpack.i.u.bf16.f32 v62  }
0x14a: {  	v14 =	vld [tilespmem:s23+$0x0];
	v54 =	vunpack.i.l.bf16.f32 v62;
	v18 =	vmax.f32 v18, v23;
	v23 =	vmul.f32 v32, v17  }
0x14b: {  	v37 =	vld [tilespmem:$0x1FF80];
	v11 =	vunpack.i.u.bf16.f32 v19;
	v12 =	vunpack.i.l.bf16.f32 v19;
	v32 =	vunpack.i.u.bf16.f32 v29  }
0x14c: {  	[tilespmem:s15+$0xFFFFFFF0] =	vst v49;
	v6 =	vld [tilespmem:s13+$0xFFFFFFC0];
	v29 =	vunpack.i.u.bf16.f32 v26;
	v26 =	vunpack.i.l.bf16.f32 v26;
	v19 =	vadd.f32 v55, v9  }
0x14d: {  	[tilespmem:$0x1FD90] =	vst v1;
	v62 =	vld [tilespmem:s23+$0xFFFFFF80];
	v55 =	vunpack.i.l.bf16.f32 v16;
	v24 =	vperm.xlane v33, v0;
	v35 =	vperm.xlane v20, v0  }
0x14e: {  	[tilespmem:s15+$0x50] =	vst v31;
	v1 =	vld [tilespmem:$0x1FFC0];
	v49 =	vunpack.i.u.bf16.f32 v52;
	v5 =	vunpack.i.l.bf16.f32 v52;
	v26 =	vadd.f32 v26, v53  }
0x14f: {  	v31 =	vld [tilespmem:s13+$0xFFFFFF80];
	[tilespmem:$0x1FCD0] =	vst v32;
	v32 =	vadd.f32 v29, v32;
	v52 =	vunpack.i.u.bf16.f32 v14;
	v43 =	vadd.f32 v5, v12  }
0x150: {  	[tilespmem:s15+$0x60] =	vst v25;
	v5 =	vunpack.i.u.bf16.f32 v47;
	v34 =	vmul.f32 v18, v37;
	v18 =	vperm.xlane v23, v0  }
0x151: {  	[tilespmem:$0x1FDF0] =	vst v8;
	v24 =	vadd.f32 v24, v33;
	v25 =	vadd.f32 v35, v20;
	v29 =	vunpack.i.u.bf16.f32 v6  }
0x152: {  	v63 =	vld [tilespmem:s13+$0xFFFFFFA0];
	[tilespmem:$0x1FE60] =	vst v9;
	v6 =	vunpack.i.l.bf16.f32 v6;
	v9 =	vmul.f32 $2.000000030e-01, v32;
	v8 =	vunpack.i.u.bf16.f32 v62  }
0x153: {  	[tilespmem:$0x1FD30] =	vst v36;
	v22 =	vperm.xlane v34, v0;
	v23 =	vadd.f32 v18, v23;
	v36 =	vperm.xlane v24, v1  }
0x154: {  	[tilespmem:$0x1FDD0] =	vst v3;
	v3 =	vld [tilespmem:s13+$0x40];
	v44 =	vperm.xlane v25, v1;
	v18 =	vunpack.i.u.bf16.f32 v31;
	v9 =	vmax.f32 v32, v9  }
0x155: {  	[tilespmem:$0x1FDC0] =	vst v8;
	v18 =	vadd.f32 v18, v8;
	v8 =	vunpack.i.l.bf16.f32 v62;
	v22 =	vadd.f32 v22, v34  }
0x156: {  	v4 =	vld [tilespmem:s23+$0xFFFFFFC0];
	v9 =	vmul.f32 v9, v28;
	v20 =	vperm.xlane v23, v1;
	v24 =	vadd.f32 v36, v24  }
0x157: {  	v7 =	vld [tilespmem:s23+$0xFFFFFFE0];
	v25 =	vadd.f32 v44, v25;
	v36 =	vunpack.i.u.bf16.f32 v63;
	v38 =	vperm.xlane v22, v1  }
0x158: {  	[tilespmem:$0x1FDE0] =	vst v12;
	v12 =	vmul.f32 $2.000000030e-01, v18;
	v33 =	vadd.f32 v20, v23;
	v23 =	vunpack.i.l.bf16.f32 v30  }
0x159: {  	v20 =	vadd.f32 v49, v11;
	v49 =	vunpack.i.u.bf16.f32 v3;
	v30 =	vadd.f32 v38, v22  }
0x15a: {  	[tilespmem:$0x1FE70] =	vst v41;
	v12 =	vmax.f32 v18, v12;
	v38 =	vadd.f32 v56, v10;
	v22 =	vadd.f32 v27, v23  }
0x15b: {  	[tilespmem:$0x1FE90] =	vst v23;
	v24 =	vsel vm0, v33, v24;
	v23 =	vadd.f32 v2, v40;
	v27 =	vadd.f32 v46, v41  }
0x15c: {  	[tilespmem:$0x1FD40] =	vst v51;
	v33 =	vadd.f32 v54, v51;
	v41 =	vunpack.i.u.bf16.f32 v4;
	v51 =	vunpack.i.u.bf16.f32 v7  }
0x15d: {  	v13 =	vld [tilespmem:s13+$0xFFFFFFE0];
	v54 =	vunpack.i.u.bf16.f32 v16;
	v2 =	vunpack.i.l.bf16.f32 v4;
	v16 =	vunpack.i.l.bf16.f32 v3  }
0x15e: {  	v44 =	vld [tilespmem:$0x1FFE0];
	v4 =	vmul.f32 $2.000000030e-01, v43;
	v12 =	vmul.f32 v12, v37;
	v62 =	vadd.f32 v29, v41  }
0x15f: {  	[tilespmem:$0x1FEA0] =	vst v41;
	v41 =	vadd.f32 v49, v54;
	v49 =	vimm.s32 $0xC;
	v6 =	vadd.f32 v6, v2  }
0x160: {  	v16 =	vadd.f32 v16, v55;
	v30 =	vsel vm1, v30, v24;
	v24 =	vunpack.i.l.bf16.f32 v60  }
0x161: {  	v15 =	vld [tilespmem:s13+$0x0];
	[tilespmem:$0x1FE40] =	vst v10;
	v3 =	vmul.f32 $2.000000030e-01, v27;
	v10 =	vmul.f32 $2.000000030e-01, v33;
	v4 =	vmax.f32 v43, v4  }
0x162: {  	[tilespmem:s15+$0x90] =	vst v45;
	v45 =	vld [tilespmem:$0x1FFF0];
	v25 =	vsel vm2, v25, v30;
	v30 =	vunpack.i.l.bf16.f32 v61;
	v4 =	vmul.f32 v4, v17  }
0x163: {  	v60 =	vld [tilespmem:s23+$0x20];
	[tilespmem:$0x1FE50] =	vst v24;
	v34 =	vperm.xlane v25, v44;
	v24 =	vadd.f32 v30, v24;
	v30 =	vunpack.i.u.bf16.f32 v13  }
0x164: {  	v61 =	vld [tilespmem:s13+$0x20];
	v3 =	vmax.f32 v27, v3;
	v10 =	vmax.f32 v33, v10;
	v33 =	vmul.f32 $2.000000030e-01, v16  }
0x165: {  	v3 =	vmul.f32 v3, v28;
	v10 =	vmul.f32 v10, v17;
	v25 =	vadd.f32 v25, v34  }
0x166: {  	[tilespmem:$0x1FD80] =	vst v42;
	v34 =	vadd.f32 v48, v42;
	v42 =	vunpack.i.u.bf16.f32 v15;
	v48 =	vunpack.i.l.bf16.f32 v7  }
0x167: {  	[tilespmem:$0x1FE80] =	vst v2;
	v7 =	vunpack.i.l.bf16.f32 v13;
	v13 =	vunpack.i.l.bf16.f32 v15;
	v2 =	vmul.f32 $2.000000030e-01, v24  }
0x168: {  	[tilespmem:$0x1FE30] =	vst v40;
	v16 =	vmax.f32 v16, v33;
	v50 =	vunpack.i.u.bf16.f32 v60;
	v40 =	vadd.f32 v42, v52  }
0x169: {  	v16 =	vmul.f32 v16, v39;
	v35 =	vperm.xlane v25, v45;
	v46 =	vunpack.i.u.bf16.f32 v61  }
0x16a: {  	[tilespmem:$0x1FE00] =	vst v11;
	v11 =	vmul.f32 $2.000000030e-01, v34;
	v2 =	vmax.f32 v24, v2;
	v42 =	vadd.f32 v46, v50  }
0x16b: {  	v46 =	vunpack.i.l.bf16.f32 v14;
	v14 =	vunpack.i.l.bf16.f32 v61;
	v61 =	vmul.f32 $2.000000030e-01, v38  }
0x16c: {  	v2 =	vmul.f32 v2, v17;
	v25 =	vadd.f32 v25, v35;
	v35 =	vadd.f32 v30, v51  }
0x16d: {  	v30 =	vmul.f32 $2.000000030e-01, v20;
	v13 =	vadd.f32 v13, v46;
	v11 =	vmax.f32 v34, v11  }
0x16e: {  	[tilespmem:$0x1FCA0] =	vst v21;
	v38 =	vmax.f32 v38, v61;
	v61 =	vmul.f32 $2.000000030e-01, v40;
	v21 =	vmul.f32 $2.000000030e-01, v42  }
0x16f: {  	v11 =	vmul.f32 v11, v28;
	v25 =	vmul.f32 $1.442695020e+00, v25;
	v20 =	vmax.f32 v20, v30  }
0x170: {  	v30 =	vmul.f32 $2.000000030e-01, v13;
	v21 =	vmax.f32 v42, v21;
	v20 =	vmul.f32 v20, v28  }
0x171: {  	(erf) = vpow2.f32 v25;
	v25 =	vadd.f32 v36, v5;
	v36 =	vunpack.i.l.bf16.f32 v31  }
0x172: {  	[tilespmem:$0x1FE20] =	vst v5;
	v5 =	vunpack.i.l.bf16.f32 v47;
	v47 =	vunpack.i.l.bf16.f32 v60;
	v60 =	vmul.f32 $2.000000030e-01, v59  }
0x173: {  	v31 =	vmul.f32 $2.000000030e-01, v23;
	v13 =	vmax.f32 v13, v30;
	v21 =	vmul.f32 v21, v37  }
0x174: {  	v30 =	vperm.xlane v4, v0;
	v29 =	vadd.f32 v36, v8;
	v36 =	vmul.f32 $2.000000030e-01, v58  }
0x175: {  	[tilespmem:$0x1FDB0] =	vst v8;
	v7 =	vadd.f32 v7, v48;
	v8 =	vmul.f32 $2.000000030e-01, v26;
	v13 =	vmul.f32 v13, v39  }
0x176: {  	v59 =	vmax.f32 v59, v60;
	v60 =	vmul.f32 $2.000000030e-01, v25;
	v4 =	vadd.f32 v30, v4  }
0x177: {  	v30 =	vperm.xlane v10, v0;
	v36 =	vmax.f32 v58, v36;
	v58 =	vmul.f32 $2.000000030e-01, v62  }
0x178: {  	v8 =	vmax.f32 v26, v8;
	v26 =	vmul.f32 $2.000000030e-01, v7;
	v32 =	vmul.f32 v59, v17  }
0x179: {  	v24 =	vmax.f32 v25, v60;
	v25 =	vmul.f32 $2.000000030e-01, v6;
	v59 =	vmul.f32 v36, v28  }
0x17a: {  	v60 =	vmul.f32 v38, v17;
	v8 =	vmul.f32 v8, v17;
	v27 =	vmax.f32 v62, v58  }
0x17b: {  	v62 =	vmax.f32 v40, v61;
	v7 =	vmax.f32 v7, v26;
	v26 =	vperm.xlane v32, v0  }
0x17c: {  	v61 =	vperm.xlane v3, v0;
	v6 =	vmax.f32 v6, v25;
	v25 =	vmul.f32 v62, v37;
	v56 =	vpop (erf)  }
0x17d: {  	v63 =	vunpack.i.l.bf16.f32 v63;
	v62 =	vperm.xlane v9, v0;
	v15 =	vperm.xlane v56, v49  }
0x17e: {  	v14 =	vadd.f32 v14, v47;
	v7 =	vmul.f32 v7, v39;
	v6 =	vmul.f32 v6, v39  }
0x17f: {  	v15 =	vmul.f32 v15, v57;
	v57 =	vadd.f32 v63, v5;
	v63 =	vmul.f32 $2.000000030e-01, v19  }
0x180: {  	s15 =	sadd.s32 $0x280, s15;
	[tilespmem:$0x1FE10] =	vst v5;
	v9 =	vadd.f32 v62, v9;
	v62 =	vperm.xlane v7, v0;
	v5 =	vmul.f32 $2.000000030e-01, v35  }
0x181: {  	[tilespmem:s15+$0x120] =	vst v15;
	v15 =	vmul.f32 $2.000000030e-01, v22;
	v19 =	vmax.f32 v19, v63;
	v63 =	vmul.f32 $2.000000030e-01, v41  }
0x182: {  	v18 =	vmul.f32 $2.000000030e-01, v57;
	v58 =	vmax.f32 v35, v5;
	v19 =	vmul.f32 v19, v28  }
0x183: {  	v40 =	vmul.f32 v58, v37;
	v15 =	vmax.f32 v22, v15;
	v22 =	vmax.f32 v23, v31  }
0x184: {  	v23 =	vmul.f32 $2.000000030e-01, v29;
	v31 =	vmul.f32 $2.000000030e-01, v14;
	v63 =	vmax.f32 v41, v63  }
0x185: {  	v18 =	vmax.f32 v57, v18;
	v57 =	vperm.xlane v16, v0;
	v15 =	vmul.f32 v15, v17  }
0x186: {  	v10 =	vadd.f32 v30, v10;
	v22 =	vmul.f32 v22, v28;
	v5 =	vmul.f32 v63, v37  }
0x187: {  	v26 =	vadd.f32 v26, v32;
	v28 =	vperm.xlane v60, v0;
	v63 =	vperm.xlane v11, v0  }
0x188: {  	v3 =	vadd.f32 v61, v3;
	v18 =	vmul.f32 v18, v39;
	v43 =	vperm.xlane v40, v0  }
0x189: {  	v38 =	vmax.f32 v29, v23;
	v23 =	vmul.f32 v24, v37;
	v24 =	vmul.f32 v27, v37  }
0x18a: {  	v7 =	vadd.f32 v62, v7;
	v27 =	vperm.xlane v59, v0;
	v29 =	vperm.xlane v19, v0  }
0x18b: {  	v14 =	vmax.f32 v14, v31;
	v31 =	vperm.xlane v20, v0;
	v58 =	vperm.xlane v15, v0  }
0x18c: {  	v28 =	vadd.f32 v28, v60;
	v60 =	vperm.xlane v2, v0;
	v17 =	vmul.f32 v38, v39  }
0x18d: {  	v16 =	vadd.f32 v57, v16;
	v14 =	vmul.f32 v14, v39;
	v61 =	vperm.xlane v5, v0  }
0x18e: {  	v11 =	vadd.f32 v63, v11;
	v30 =	vperm.xlane v18, v0;
	v63 =	vperm.xlane v13, v0  }
0x18f: {  	v27 =	vadd.f32 v27, v59;
	v59 =	vperm.xlane v22, v0;
	v19 =	vadd.f32 v29, v19  }
0x190: {  	v29 =	vperm.xlane v8, v0;
	v20 =	vadd.f32 v31, v20;
	v31 =	vperm.xlane v12, v0  }
0x191: {  	v39 =	vadd.f32 v43, v40;
	v41 =	vperm.xlane v23, v0;
	v42 =	vperm.xlane v24, v0  }
0x192: {  	v15 =	vadd.f32 v58, v15;
	v2 =	vadd.f32 v60, v2;
	v60 =	vperm.xlane v25, v0  }
0x193: {  	v38 =	vperm.xlane v17, v0;
	v33 =	vperm.xlane v14, v0;
	v5 =	vadd.f32 v61, v5  }
0x194: {  	v18 =	vadd.f32 v30, v18;
	v30 =	vperm.xlane v4, v1;
	v13 =	vadd.f32 v63, v13  }
0x195: {  	v61 =	vperm.xlane v11, v1;
	v58 =	vperm.xlane v39, v1;
	v22 =	vadd.f32 v59, v22  }
0x196: {  	v8 =	vadd.f32 v29, v8;
	v29 =	vperm.xlane v21, v0;
	v12 =	vadd.f32 v31, v12  }
0x197: {  	v31 =	vperm.xlane v6, v0;
	v24 =	vadd.f32 v42, v24;
	v42 =	vperm.xlane v26, v1  }
0x198: {  	v23 =	vadd.f32 v41, v23;
	v43 =	vperm.xlane v27, v1;
	v35 =	vperm.xlane v19, v1  }
0x199: {  	v36 =	vperm.xlane v20, v1;
	v59 =	vperm.xlane v3, v1;
	v25 =	vadd.f32 v60, v25  }
0x19a: {  	v0 =	vperm.xlane v2, v1;
	v60 =	vperm.xlane v9, v1;
	v14 =	vadd.f32 v33, v14  }
0x19b: {  	v33 =	vperm.xlane v10, v1;
	v4 =	vadd.f32 v30, v4;
	v30 =	vperm.xlane v18, v1  }
0x19c: {  	v11 =	vadd.f32 v61, v11;
	v61 =	vperm.xlane v16, v1;
	v21 =	vadd.f32 v29, v21  }
0x19d: {  	v29 =	vperm.xlane v28, v1;
	v6 =	vadd.f32 v31, v6;
	v31 =	vperm.xlane v15, v1  }
0x19e: {  	v17 =	vadd.f32 v38, v17;
	v38 =	vperm.xlane v22, v1;
	v37 =	vperm.xlane v8, v1  }
0x19f: {  	v62 =	vperm.xlane v12, v1;
	v63 =	vperm.xlane v23, v1;
	v26 =	vadd.f32 v42, v26  }
0x1a0: {  	v57 =	vperm.xlane v24, v1;
	v27 =	vadd.f32 v43, v27;
	v19 =	vadd.f32 v35, v19  }
0x1a1: {  	v20 =	vadd.f32 v36, v20;
	v3 =	vadd.f32 v59, v3;
	v43 =	vperm.xlane v7, v1  }
0x1a2: {  	v59 =	vperm.xlane v13, v1;
	v34 =	vperm.xlane v25, v1;
	v2 =	vadd.f32 v0, v2  }
0x1a3: {  	v42 =	vperm.xlane v17, v1;
	v9 =	vadd.f32 v60, v9;
	v10 =	vadd.f32 v33, v10  }
0x1a4: {  	v60 =	vperm.xlane v14, v1;
	v40 =	vperm.xlane v21, v1;
	v28 =	vadd.f32 v29, v28  }
0x1a5: {  	v29 =	vperm.xlane v5, v1;
	v15 =	vadd.f32 v31, v15;
	v22 =	vadd.f32 v38, v22  }
0x1a6: {  	v31 =	vperm.xlane v6, v1;
	v8 =	vadd.f32 v37, v8;
	v12 =	vadd.f32 v62, v12  }
0x1a7: {  	v26 =	vsel vm0, v26, v27;
	v23 =	vadd.f32 v63, v23;
	v24 =	vadd.f32 v57, v24  }
0x1a8: {  	v62 =	vadd.f32 v58, v39;
	v4 =	vsel vm0, v4, v20;
	v7 =	vadd.f32 v43, v7  }
0x1a9: {  	v13 =	vadd.f32 v59, v13;
	v25 =	vadd.f32 v34, v25;
	v2 =	vsel vm0, v2, v3  }
0x1aa: {  	v10 =	vsel vm0, v10, v11;
	v14 =	vadd.f32 v60, v14;
	v19 =	vsel vm0, v28, v19  }
0x1ab: {  	v63 =	vadd.f32 v40, v21;
	v5 =	vadd.f32 v29, v5;
	v15 =	vsel vm0, v15, v22  }
0x1ac: {  	v22 =	vimm.s32 $0x8;
	v34 =	vsel vm0, v8, v9;
	v8 =	vadd.f32 v42, v17  }
0x1ad: {  	v9 =	vadd.f32 v30, v18;
	v18 =	vimm.s32 $0x0;
	v11 =	vsel vm1, v12, v26  }
0x1ae: {  	v6 =	vadd.f32 v31, v6;
	v4 =	vsel vm1, v24, v4;
	v12 =	vsel vm1, v23, v19  }
0x1af: {  	v19 =	vimm.s32 $0x4;
	v0 =	vsel vm1, v62, v15;
	v15 =	vadd.f32 v61, v16  }
0x1b0: {  	v30 =	vmovc v48;
	v2 =	vsel vm1, v25, v2;
	v48 =	vperm.xlane v56, v22;
	v1 =	vsel vm1, v63, v34  }
0x1b1: {  	v38 =	vsel vm1, v5, v10;
	v39 =	vsel vm2, v8, v11;
	v8 =	vsel vm2, v9, v12  }
0x1b2: {  	v29 =	vmovc v46;
	v4 =	vsel vm2, v6, v4;
	v0 =	vsel vm2, v7, v0;
	v46 =	vperm.xlane v56, v18  }
0x1b3: {  	v31 =	vmovc v47;
	v2 =	vsel vm2, v13, v2;
	v47 =	vperm.xlane v56, v19;
	v40 =	vperm.xlane v39, v44  }
0x1b4: {  	v23 =	vld [tilespmem:$0x1FFB0];
	v1 =	vsel vm2, v14, v1;
	v41 =	vperm.xlane v8, v44;
	v9 =	vperm.xlane v4, v44  }
0x1b5: {  	v32 =	vld [tilespmem:$0x1FCE0];
	v3 =	vsel vm2, v15, v38;
	v10 =	vperm.xlane v0, v44;
	v42 =	vperm.xlane v2, v44  }
0x1b6: {  	v35 =	vld [tilespmem:$0x1FD10];
	v11 =	vperm.xlane v1, v44;
	v5 =	vadd.f32 v39, v40;
	v7 =	vadd.f32 v8, v41  }
0x1b7: {  	v36 =	vld [tilespmem:$0x1FD20];
	v4 =	vadd.f32 v4, v9;
	v8 =	vperm.xlane v3, v44;
	v0 =	vadd.f32 v0, v10  }
0x1b8: {  	v33 =	vld [tilespmem:$0x1FCF0];
	v2 =	vadd.f32 v2, v42;
	v1 =	vadd.f32 v1, v11;
	v9 =	vperm.xlane v5, v45  }
0x1b9: {  	v37 =	vld [tilespmem:$0x1FD30];
	v28 =	vmovc v50;
	v50 =	vperm.xlane v56, v23;
	v43 =	vperm.xlane v7, v45;
	v3 =	vadd.f32 v3, v8  }
0x1ba: {  	v27 =	vmovc v51;
	v51 =	vld [tilespmem:$0x1FC90];
	v8 =	vperm.xlane v4, v45;
	v44 =	vperm.xlane v2, v45;
	v5 =	vadd.f32 v5, v9  }
0x1bb: {  	v26 =	vmovc v52;
	v52 =	vld [tilespmem:$0x1FCA0];
	v10 =	vperm.xlane v1, v45;
	v9 =	vperm.xlane v0, v45;
	v6 =	vadd.f32 v7, v43  }
0x1bc: {  	v61 =	vld [tilespmem:$0x1FCB0];
	v4 =	vadd.f32 v4, v8;
	v8 =	vperm.xlane v3, v45;
	v5 =	vmul.f32 $1.442695020e+00, v5  }
0x1bd: {  	v2 =	vadd.f32 v2, v44;
	v43 =	vld [tilespmem:$0x1FD90];
	v1 =	vadd.f32 v1, v10;
	v6 =	vmul.f32 $1.442695020e+00, v6  }
0x1be: {  	v62 =	vld [tilespmem:$0x1FCC0];
	v0 =	vadd.f32 v0, v9;
	v4 =	vmul.f32 $1.442695020e+00, v4;
	(erf) = vpow2.f32 v5  }
0x1bf: {  	v34 =	vld [tilespmem:$0x1FD00];
	v3 =	vadd.f32 v3, v8;
	v2 =	vmul.f32 $1.442695020e+00, v2;
	v1 =	vmul.f32 $1.442695020e+00, v1  }
0x1c0: {  	v44 =	vld [tilespmem:$0x1FDA0];
	v0 =	vmul.f32 $1.442695020e+00, v0;
	(erf) = vpow2.f32 v6  }
0x1c1: {  	v39 =	vld [tilespmem:$0x1FD50];
	v3 =	vmul.f32 $1.442695020e+00, v3;
	(erf) = vpow2.f32 v4  }
0x1c2: {  	v40 =	vld [tilespmem:$0x1FD60];
	v5 =	vmul.f32 v47, v43;
	(erf) = vpow2.f32 v0  }
0x1c3: {  	v41 =	vld [tilespmem:$0x1FD70];
	v0 =	vmul.f32 v51, v52;
	(erf) = vpow2.f32 v2  }
0x1c4: {  	(erf) = vpow2.f32 v1;
	v1 =	vmul.f32 v62, v61  }
0x1c5: {  	v38 =	vld [tilespmem:$0x1FD40];
	v6 =	vmul.f32 v48, v44;
	[tilespmem:s21+$0x70] =	vst v0;
	v0 =	vmul.f32 v33, v32  }
0x1c6: {  	v4 =	vmul.f32 v46, v39;
	[tilespmem:s21+$0x80] =	vst v1;
	v1 =	vmul.f32 v35, v34  }
0x1c7: {  	(erf) = vpow2.f32 v3;
	v3 =	vmul.f32 v37, v36;
	[tilespmem:s21+$0xA0] =	vst v0;
	v7 =	vpop (erf)  }
0x1c8: {  	v0 =	vmul.f32 v40, v41;
	[tilespmem:s21+$0xB0] =	vst v1;
	v1 =	vperm.xlane v7, v18  }
0x1c9: {  	[tilespmem:s21+$0xC0] =	vst v3;
	v8 =	vperm.xlane v7, v19;
	v3 =	vperm.xlane v7, v22  }
0x1ca: {  	v24 =	vmov v38;
	v38 =	vld [tilespmem:$0x1FDC0];
	v9 =	vpop (erf);
	v10 =	vperm.xlane v7, v49;
	v7 =	vperm.xlane v7, v23  }
0x1cb: {  	v62 =	vld [tilespmem:$0x1FDB0];
	[tilespmem:s21+$0xD0] =	vst v0;
	v0 =	vperm.xlane v9, v18;
	v12 =	vperm.xlane v9, v19  }
0x1cc: {  	v39 =	vld [tilespmem:$0x1FDF0];
	v11 =	vpop (erf);
	v13 =	vperm.xlane v9, v22;
	v14 =	vperm.xlane v9, v49  }
0x1cd: {  	v9 =	vperm.xlane v9, v23;
	v15 =	vperm.xlane v11, v18  }
0x1ce: {  	v59 =	vperm.xlane v11, v19;
	v60 =	vperm.xlane v11, v22  }
0x1cf: {  	v41 =	vld [tilespmem:$0x1FE20];
	v57 =	vperm.xlane v11, v49;
	v11 =	vperm.xlane v11, v23  }
0x1d0: {  	v45 =	vpop (erf);
	v1 =	vmul.f32 v1, v62;
	v2 =	vmul.f32 v8, v38  }
0x1d1: {  	v21 =	vmovc v53;
	v63 =	vld [tilespmem:$0x1FCD0];
	v53 =	vnsel vm2, $0x0, v50;
	v62 =	vmul.f32 v10, v39;
	v58 =	vperm.xlane v45, v18  }
0x1d2: {  	v25 =	vmov v55;
	v42 =	vld [tilespmem:$0x1FD80];
	[tilespmem:s15+$0x130] =	vst v53;
	v55 =	vperm.xlane v45, v19;
	v56 =	vperm.xlane v45, v22  }
0x1d3: {  	[tilespmem:s15+$0xF0] =	vst v4;
	v46 =	vpop (erf);
	v53 =	vperm.xlane v45, v49;
	v4 =	vperm.xlane v45, v23  }
0x1d4: {  	v17 =	vmov v54;
	v40 =	vld [tilespmem:$0x1FE10];
	v39 =	vmul.f32 v12, v41;
	v54 =	vperm.xlane v46, v18  }
0x1d5: {  	v8 =	vld [tilespmem:$0x1FDD0];
	v50 =	vperm.xlane v46, v19;
	v52 =	vperm.xlane v46, v22  }
0x1d6: {  	[tilespmem:s15+$0x100] =	vst v5;
	v10 =	vld [tilespmem:$0x1FE00];
	v47 =	vpop (erf);
	v51 =	vperm.xlane v46, v49;
	v5 =	vperm.xlane v46, v23  }
0x1d7: {  	v20 =	vmovc v63;
	v16 =	vmovc v42;
	v63 =	vnsel vm2, $0x0, v9;
	v45 =	vld [tilespmem:$0x1FE40];
	v42 =	vperm.xlane v47, v18;
	v43 =	vperm.xlane v47, v19  }
0x1d8: {  	s20 =	sadd.s32 $0x8, s20;
	[tilespmem:s15+$0xFFFFFF50] =	vst v63;
	v63 =	vld [tilespmem:$0x1FE80];
	v61 =	vpop (erf);
	v35 =	vperm.xlane v47, v22;
	v34 =	vperm.xlane v47, v49  }
0x1d9: {  	p1 =	slt.u32 s20, $0x78;
	[tilespmem:s15+$0x110] =	vst v6;
	v6 =	vperm.xlane v47, v23;
	v47 =	vld [tilespmem:$0x1FE60];
	v33 =	vperm.xlane v61, v18  }
.Ltmp2:
0x1da: {  	v7 =	vnsel vm2, $0x0, v7;
	v12 =	vld [tilespmem:$0x1FE30];
	v32 =	vperm.xlane v61, v19;
	v36 =	vperm.xlane v61, v22;
	(pc) =	sbr.rel @p1 .LBB2_3-.Ltmp2, $4  }
0x1db: {  	[tilespmem:s15+$0xFFFFFF00] =	vst v7;
	v46 =	vnsel vm2, $0x0, v11;
	v11 =	vld [tilespmem:$0x1FDE0];
	v37 =	vperm.xlane v61, v49;
	v44 =	vperm.xlane v61, v23  }
0x1dc: {  	[tilespmem:s15+$0xFFFFFEC0] =	vst v1;
	v3 =	vmul.f32 v3, v8;
	v38 =	vmul.f32 v13, v45;
	v13 =	vld [tilespmem:$0x1FE50]  }
0x1dd: {  	[tilespmem:s15+$0xFFFFFED0] =	vst v2;
	v61 =	vmul.f32 v0, v40;
	v49 =	vnsel vm2, $0x0, v4;
	v40 =	vmul.f32 v15, v63;
	v15 =	vld [tilespmem:$0x1FE90]  }
0x1de: {  	s23 =	sadd.s32 $0x100, s23;
	s21 =	smov.u32 s15;
	v48 =	vnsel vm2, $0x0, v5;
	v45 =	vnsel vm2, $0x0, v6;
	[tilespmem:s15+$0xFFFFFEE0] =	vst v3;
	v41 =	vmul.f32 v14, v47;
	v14 =	vld [tilespmem:$0x1FE70]  }
0x1df: {  	[tilespmem:s15+$0xFFFFFEF0] =	vst v62  }
0x1e0: {  	[tilespmem:s15+$0xFFFFFF10] =	vst v61  }
0x1e1: {  	[tilespmem:s15+$0xFFFFFF20] =	vst v39  }
0x1e2: {  	[tilespmem:s15+$0xFFFFFF30] =	vst v38  }
0x1e3: {  	v0 =	vld [tilespmem:$0x1FEA0];
	[tilespmem:s15+$0xFFFFFF40] =	vst v41  }
0x1e4: {  	[tilespmem:s15+$0xFFFFFF60] =	vst v40  }
0x1e5: {  	[tilespmem:s15+$0xFFFFFFA0] =	vst v46  }
0x1e6: {  	[tilespmem:s15+$0xFFFFFFF0] =	vst v49  }
0x1e7: {  	v2 =	vmul.f32 v57, v10;
	[tilespmem:s15+$0x40] =	vst v48  }
0x1e8: {  	v9 =	vmul.f32 v58, v30;
	[tilespmem:s15+$0x90] =	vst v45  }
0x1e9: {  	v10 =	vmul.f32 v55, v27;
	[tilespmem:s15+$0xFFFFFF90] =	vst v2  }
0x1ea: {  	v12 =	vmul.f32 v53, v12;
	[tilespmem:s15+$0xFFFFFFB0] =	vst v9  }
0x1eb: {  	v38 =	vmul.f32 v54, v29;
	[tilespmem:s15+$0xFFFFFFC0] =	vst v10  }
0x1ec: {  	v39 =	vmul.f32 v50, v26;
	[tilespmem:s15+$0xFFFFFFE0] =	vst v12  }
0x1ed: {  	v42 =	vmul.f32 v42, v31;
	[tilespmem:s15+$0x0] =	vst v38  }
0x1ee: {  	v47 =	vmul.f32 v43, v28;
	[tilespmem:s15+$0x10] =	vst v39  }
0x1ef: {  	[tilespmem:s15+$0x50] =	vst v42  }
0x1f0: {  	v1 =	vmul.f32 v60, v11;
	v48 =	vnsel vm2, $0x0, v44;
	[tilespmem:s15+$0x60] =	vst v47  }
0x1f1: {  	v49 =	vmul.f32 v35, v21;
	[tilespmem:s15+$0xE0] =	vst v48  }
0x1f2: {  	v50 =	vmul.f32 v34, v20;
	[tilespmem:s15+$0xFFFFFF80] =	vst v1  }
0x1f3: {  	v53 =	vmul.f32 v36, v24;
	[tilespmem:s21+$0x70] =	vst v49  }
0x1f4: {  	v54 =	vmul.f32 v37, v16;
	[tilespmem:s21+$0x80] =	vst v50  }
0x1f5: {  	v40 =	vmul.f32 v52, v13;
	[tilespmem:s21+$0xC0] =	vst v53  }
0x1f6: {  	v52 =	vmul.f32 v32, v17;
	[tilespmem:s21+$0xD0] =	vst v54  }
0x1f7: {  	v11 =	vmul.f32 v56, v15;
	[tilespmem:s15+$0x20] =	vst v40  }
0x1f8: {  	v41 =	vmul.f32 v51, v14;
	[tilespmem:s21+$0xB0] =	vst v52  }
0x1f9: {  	p1 =	seq.s32 s11, $0x1A;
	v51 =	vmul.f32 v33, v25;
	[tilespmem:s15+$0xFFFFFFD0] =	vst v11  }
0x1fa: {  	s13 =	smul.u32 @!p1 $0x180, s11;
	v0 =	vmul.f32 v59, v0;
	[tilespmem:s15+$0x30] =	vst v41  }
0x1fb: {  	[tilespmem:s21+$0xA0] =	vst v51  }
0x1fc: {  	[tilespmem:s15+$0xFFFFFF70] =	vst v0;
	s15 =	sadd.s32 @!p1 s13, s16  }
0x1fd: {  	[spmem:s3] =	stream.indirect.scatter.add.f32 [tilespmem:s9], [sflag:$0x4], $0x50, s26, s25, $0xb8;
	[tilespmem:$0x1A4C0] =	vst v63  }
0x1fe: {  	s15 =	sshrl.u32 @!p1 s15, $0x3  }
0x1ff: {  	s21 =	simm.s32 @!p1 $0x0;
	s20 =	sadd.s32 @!p1 s1, s15  }
0x200: {  	[tilespmem:s21], [sflag:$0x7] =	stream.linear.gather @!p1 [hbm4b:s20+s21], $0x80, $0x38;
	[tilespmem:$0x1A4C0] =	vst v63  }
0x201: {  	s15 =	sadd.s32 @!p1 s5, s15;
	s20 =	simm.s32 @!p1 $0x80  }
0x202: {  	[tilespmem:s20], [sflag:$0x7] =	stream.linear.gather @!p1 [hbm4b:s15+s21], $0x80, $0x38;
	[tilespmem:$0x1A4C0] =	vst v63  }
0x203: {  	s22 =	simm.s32 @!p1 $0x100  }
0x204: {  	[tilespmem:s22], [sflag:$0x7] =	stream.linear.gather @!p1 [hbm4b:s15+s21], $0x80, $0x38;
	[tilespmem:$0x1A4C0] =	vst v63  }
0x205: {  	s15 =	simm.s32 @!p1 $0x7  }
0x206: {  	_ =	swait.ge @!p1 [sflag:s15], $0x80  }
0x207: {  	[sflag:s15] =	ssyncset.done @!p1 $0x0  }
0x208: {  	[sflag:s15] =	ssyncadd.s32 @!p1 $0xFFFFFF80  }
0x209: {  	_ =	swait.ge @!p1 [sflag:s15], $0x80  }
0x20a: {  	[sflag:s15] =	ssyncset.done @!p1 $0x0  }
0x20b: {  	[sflag:s15] =	ssyncadd.s32 @!p1 $0xFFFFFF80  }
0x20c: {  	_ =	swait.ge @!p1 [sflag:s15], $0x80  }
0x20d: {  	[sflag:s15] =	ssyncset.done @!p1 $0x0  }
0x20e: {  	[sflag:s15] =	ssyncadd.s32 @!p1 $0xFFFFFF80;
	s15 =	simm.s32 @!p1 $0x180  }
0x20f: {  	[tilespmem:s15], [sflag:$0x1] =	stream.indirect.gather @!p1 [hbm4b:s6+s20], $0x20, s21, s20, $0xb8;
	[tilespmem:$0x1A4C0] =	vst v63  }
0x210: {  	s15 =	simm.s32 @!p1 $0x1180  }
0x211: {  	[tilespmem:s15], [sflag:$0x1] =	stream.indirect.gather @!p1 [hbm4b:s7+s20], $0x20, s20, s20, $0xb8;
	[tilespmem:$0x1A4C0] =	vst v63  }
0x212: {  	_ =	swait.ge [sflag:s10], $0x1000  }
0x213: {  	[sflag:s10] =	ssyncset.done $0x0  }
0x214: {  	[sflag:s10] =	ssyncadd.s32 $0xFFFFF000  }
0x215: {  	_ =	swait.ge [sflag:s10], $0x1000  }
0x216: {  	[sflag:s10] =	ssyncset.done $0x0  }
0x217: {  	s15 =	simm.s32 @!p0 $0x5;
	[sflag:s10] =	ssyncadd.s32 $0xFFFFF000  }
0x218: {  	_ =	swait.ge @!p0 [sflag:s15], $0x2800  }
0x219: {  	v17 =	vld [tilespmem:$0x1FF90]  }
0x21a: {  	[sflag:s15] =	ssyncset.done @!p0 $0x0;
	v26 =	vld [tilespmem:$0x1FFA0]  }
0x21b: {  	s23 =	simm.s32 $0x4B80;
	v39 =	vld [tilespmem:$0x1FF70];
	[sflag:s15] =	ssyncadd.s32 @!p0 $0xFFFFD800  }
0x21c: {  	s15 =	simm.s32 $0x5B80;
	v55 =	vld [tilespmem:s23+$0x60]  }
0x21d: {  	v56 =	vld [tilespmem:s15+$0x60]  }
0x21e: {  	v57 =	vld [tilespmem:s23+$0x70]  }
0x21f: {  	v3 =	vld [tilespmem:s15+$0x70]  }
0x220: {  	v5 =	vld [tilespmem:s23+$0xFFFFFF90]  }
0x221: {  	v9 =	vld [tilespmem:s15+$0xFFFFFF90]  }
0x222: {  	v60 =	vld [tilespmem:s23+$0xFFFFFFB0]  }
0x223: {  	v61 =	vld [tilespmem:s15+$0xFFFFFFB0];
	v34 =	vunpack.i.l.bf16.f32 v55;
	v4 =	vunpack.i.l.bf16.f32 v56;
	v35 =	vunpack.i.u.bf16.f32 v55  }
0x224: {  	v62 =	vld [tilespmem:s23+$0xFFFFFFD0];
	v32 =	vunpack.i.u.bf16.f32 v57;
	v36 =	vunpack.i.l.bf16.f32 v57;
	v58 =	vunpack.i.u.bf16.f32 v3  }
0x225: {  	v41 =	vld [tilespmem:$0x1FF80];
	v3 =	vunpack.i.l.bf16.f32 v3;
	v1 =	vunpack.i.u.bf16.f32 v56;
	v42 =	vunpack.i.u.bf16.f32 v5  }
0x226: {  	v29 =	vld [tilespmem:$0x1FFD0];
	v37 =	vunpack.i.l.bf16.f32 v5;
	v0 =	vunpack.i.u.bf16.f32 v9;
	v9 =	vunpack.i.l.bf16.f32 v9  }
0x227: {  	v24 =	vld [tilespmem:$0x1FFC0];
	v48 =	vunpack.i.u.bf16.f32 v60;
	v4 =	vadd.f32 v4, v34;
	v3 =	vadd.f32 v3, v36;
	[tilespmem:$0x1FC70] =	vst v42  }
0x228: {  	v21 =	vunpack.i.u.bf16.f32 v61;
	v2 =	vadd.f32 v58, v32;
	v1 =	vadd.f32 v1, v35;
	v63 =	vld [tilespmem:s15+$0xFFFFFFD0]  }
0x229: {  	v49 =	vunpack.i.u.bf16.f32 v62;
	v43 =	vld [tilespmem:s23+$0xFFFFFFF0];
	v6 =	vmul.f32 $2.000000030e-01, v4;
	v7 =	vmul.f32 $2.000000030e-01, v3  }
0x22a: {  	v33 =	vunpack.i.l.bf16.f32 v62;
	v45 =	vld [tilespmem:s15+$0xFFFFFFF0];
	v8 =	vmul.f32 $2.000000030e-01, v2;
	v59 =	vmul.f32 $2.000000030e-01, v1  }
0x22b: {  	v14 =	vld [tilespmem:$0x1FFE0];
	v9 =	vadd.f32 v9, v37;
	v21 =	vadd.f32 v21, v48;
	v4 =	vmax.f32 v4, v6  }
0x22c: {  	v46 =	vld [tilespmem:s23+$0x10];
	[tilespmem:$0x1FC80] =	vst v48;
	v3 =	vmax.f32 v3, v7;
	v2 =	vmax.f32 v2, v8;
	v1 =	vmax.f32 v1, v59  }
0x22d: {  	v47 =	vld [tilespmem:s15+$0x10];
	v6 =	vunpack.i.l.bf16.f32 v61;
	v3 =	vmul.f32 v3, v17;
	v2 =	vmul.f32 v2, v26  }
0x22e: {  	v25 =	vld [tilespmem:s15+$0x30];
	v4 =	vmul.f32 v4, v39;
	v1 =	vmul.f32 v1, v41;
	v8 =	vunpack.i.l.bf16.f32 v63  }
0x22f: {  	v13 =	vld [tilespmem:$0x1FFF0];
	v52 =	vunpack.i.u.bf16.f32 v43;
	v50 =	vunpack.i.l.bf16.f32 v43;
	v12 =	vunpack.i.u.bf16.f32 v45  }
0x230: {  	v30 =	vld [tilespmem:s15+$0xFFFFFFC0];
	v27 =	vunpack.i.l.bf16.f32 v45;
	v38 =	vperm.xlane v3, v29;
	v40 =	vperm.xlane v2, v29  }
0x231: {  	v31 =	vld [tilespmem:s23+$0xFFFFFFE0];
	v54 =	vunpack.i.u.bf16.f32 v46;
	v44 =	vperm.xlane v1, v29;
	v15 =	vperm.xlane v4, v29  }
0x232: {  	v11 =	vld [tilespmem:s15+$0x0];
	v57 =	vunpack.i.u.bf16.f32 v47;
	v10 =	vunpack.i.l.bf16.f32 v47;
	v47 =	vadd.f32 v0, v42  }
0x233: {  	v61 =	vld [tilespmem:s23+$0x50];
	v28 =	vunpack.i.u.bf16.f32 v25;
	v8 =	vadd.f32 v8, v33;
	v3 =	vadd.f32 v38, v3  }
0x234: {  	v7 =	vld [tilespmem:s15+$0x50];
	v25 =	vunpack.i.l.bf16.f32 v25;
	v2 =	vadd.f32 v40, v2;
	v4 =	vadd.f32 v15, v4  }
0x235: {  	v42 =	vld [tilespmem:s23+$0xFFFFFF80];
	v12 =	vadd.f32 v12, v52;
	v1 =	vadd.f32 v44, v1;
	v59 =	vperm.xlane v3, v24  }
0x236: {  	v38 =	vunpack.i.l.bf16.f32 v60;
	v15 =	vld [tilespmem:s23+$0x30];
	v60 =	vperm.xlane v2, v24;
	v20 =	vperm.xlane v4, v24  }
0x237: {  	v5 =	vadd.f32 v57, v54;
	v44 =	vld [tilespmem:s15+$0xFFFFFFE0];
	v16 =	vperm.xlane v1, v24;
	v3 =	vadd.f32 v59, v3  }
0x238: {  	v57 =	vunpack.i.u.bf16.f32 v11;
	v2 =	vadd.f32 v60, v2;
	v4 =	vadd.f32 v20, v4;
	v20 =	vld [tilespmem:s23+$0xFFFFFFC0]  }
0x239: {  	v1 =	vadd.f32 v16, v1;
	v16 =	vunpack.i.u.bf16.f32 v63;
	v63 =	vunpack.i.l.bf16.f32 v46;
	v46 =	vld [tilespmem:s23+$0x0]  }
0x23a: {  	v11 =	vunpack.i.l.bf16.f32 v11;
	v40 =	vunpack.i.u.bf16.f32 v30;
	v2 =	vsel vm0, v3, v2;
	v3 =	vld [tilespmem:s15+$0xFFFFFF80]  }
0x23b: {  	v6 =	vadd.f32 v6, v38;
	v60 =	vunpack.i.l.bf16.f32 v61;
	v1 =	vsel vm1, v1, v2;
	v2 =	vld [tilespmem:s23+$0xFFFFFFA0]  }
0x23c: {  	v58 =	vunpack.i.u.bf16.f32 v15;
	v59 =	vunpack.i.l.bf16.f32 v15;
	v1 =	vsel vm2, v4, v1;
	v4 =	vld [tilespmem:s15+$0xFFFFFFA0];
	[tilespmem:$0x1FBA0] =	vst v33  }
0x23d: {  	v15 =	vunpack.i.u.bf16.f32 v61;
	v10 =	vadd.f32 v10, v63;
	v56 =	vunpack.i.u.bf16.f32 v44;
	v48 =	vld [tilespmem:s23+$0x20];
	[tilespmem:$0x1FBB0] =	vst v49  }
0x23e: {  	v44 =	vunpack.i.l.bf16.f32 v44;
	v53 =	vadd.f32 v25, v59;
	v62 =	vperm.xlane v1, v14;
	[tilespmem:$0x1FBC0] =	vst v50  }
0x23f: {  	v49 =	vadd.f32 v16, v49;
	v50 =	vadd.f32 v27, v50;
	v16 =	vunpack.i.u.bf16.f32 v42;
	v51 =	vld [tilespmem:s15+$0x20];
	[tilespmem:$0x1FBD0] =	vst v52  }
0x240: {  	v27 =	vmovc v58;
	[tilespmem:$0x1FBE0] =	vst v63;
	v63 =	vunpack.i.u.bf16.f32 v31;
	v1 =	vadd.f32 v1, v62;
	v62 =	vunpack.i.u.bf16.f32 v7  }
0x241: {  	v7 =	vunpack.i.l.bf16.f32 v7;
	v43 =	vunpack.i.u.bf16.f32 v3;
	v52 =	vld [tilespmem:s23+$0x40];
	[tilespmem:$0x1FBF0] =	vst v54;
	v54 =	vadd.f32 v28, v27  }
0x242: {  	v56 =	vadd.f32 v56, v63;
	v3 =	vunpack.i.l.bf16.f32 v3;
	v61 =	vperm.xlane v1, v13  }
0x243: {  	v33 =	vunpack.i.u.bf16.f32 v2;
	v7 =	vadd.f32 v7, v60;
	v55 =	vadd.f32 v62, v15  }
0x244: {  	[tilespmem:$0x1FC00] =	vst v59;
	v62 =	vunpack.i.u.bf16.f32 v46;
	v59 =	vadd.f32 v43, v16;
	v1 =	vadd.f32 v1, v61  }
0x245: {  	v43 =	vunpack.i.l.bf16.f32 v42;
	v42 =	vunpack.i.l.bf16.f32 v2;
	v45 =	vunpack.i.u.bf16.f32 v4  }
0x246: {  	v57 =	vadd.f32 v57, v62;
	v2 =	vunpack.i.l.bf16.f32 v4;
	v1 =	vmul.f32 $1.442695020e+00, v1  }
0x247: {  	v25 =	vmovc v15;
	v28 =	vmovc v60;
	v3 =	vadd.f32 v3, v43;
	v15 =	vunpack.i.u.bf16.f32 v48;
	v60 =	vadd.f32 v45, v33  }
0x248: {  	v2 =	vadd.f32 v2, v42;
	v61 =	vunpack.i.u.bf16.f32 v20;
	(erf) = vpow2.f32 v1;
	v1 =	vld [tilespmem:s15+$0x40]  }
0x249: {  	v58 =	vunpack.i.u.bf16.f32 v51;
	v51 =	vunpack.i.l.bf16.f32 v51;
	[tilespmem:$0x1FC20] =	vst v63;
	v63 =	vmul.f32 $2.000000030e-01, v9  }
0x24a: {  	v0 =	vunpack.i.u.bf16.f32 v52;
	v58 =	vadd.f32 v58, v15;
	[tilespmem:$0x1FC10] =	vst v61;
	v61 =	vadd.f32 v40, v61  }
0x24b: {  	[tilespmem:$0x1FC30] =	vst v62;
	v40 =	vunpack.i.l.bf16.f32 v20;
	v9 =	vmax.f32 v9, v63;
	v63 =	vmul.f32 $2.000000030e-01, v8  }
0x24c: {  	[tilespmem:$0x1FC40] =	vst v15;
	v62 =	vunpack.i.l.bf16.f32 v30;
	v20 =	vunpack.i.l.bf16.f32 v31;
	v15 =	vimm.s32 $0xC  }
0x24d: {  	v8 =	vmax.f32 v8, v63;
	v63 =	vmul.f32 $2.000000030e-01, v12;
	v45 =	vunpack.i.u.bf16.f32 v1  }
0x24e: {  	v30 =	vunpack.i.l.bf16.f32 v46;
	v9 =	vmul.f32 v9, v17;
	v4 =	vadd.f32 v45, v0  }
0x24f: {  	[tilespmem:$0x1FC50] =	vst v0;
	v0 =	vmul.f32 $2.000000030e-01, v47;
	v12 =	vmax.f32 v12, v63;
	v63 =	vmul.f32 $2.000000030e-01, v53  }
0x250: {  	v62 =	vadd.f32 v62, v40;
	v8 =	vmul.f32 v8, v17;
	v12 =	vmul.f32 v12, v26  }
0x251: {  	v0 =	vmax.f32 v47, v0;
	v47 =	vmax.f32 v53, v63;
	v63 =	vmul.f32 $2.000000030e-01, v55;
	v45 =	vpop (erf)  }
0x252: {  	v44 =	vadd.f32 v44, v20;
	v47 =	vmul.f32 v47, v17;
	v31 =	vperm.xlane v45, v15  }
0x253: {  	v53 =	vmax.f32 v55, v63;
	v55 =	vmul.f32 $2.000000030e-01, v61;
	v63 =	vmul.f32 $2.000000030e-01, v62  }
0x254: {  	[tilespmem:$0x1FC60] =	vst v20;
	v20 =	vunpack.i.l.bf16.f32 v52;
	v46 =	vmul.f32 v31, v32;
	v31 =	vmul.f32 $2.000000030e-01, v6  }
0x255: {  	v53 =	vmul.f32 v53, v26;
	v32 =	vmul.f32 $2.000000030e-01, v21;
	v55 =	vmax.f32 v61, v55  }
0x256: {  	v61 =	vmul.f32 $2.000000030e-01, v58;
	v55 =	vmul.f32 v55, v41;
	v6 =	vmax.f32 v6, v31  }
0x257: {  	v31 =	vmul.f32 $2.000000030e-01, v49;
	v21 =	vmax.f32 v21, v32;
	v32 =	vmul.f32 $2.000000030e-01, v50  }
0x258: {  	v58 =	vmax.f32 v58, v61;
	v61 =	vmul.f32 $2.000000030e-01, v2;
	v6 =	vmul.f32 v6, v17  }
0x259: {  	v11 =	vadd.f32 v11, v30;
	v21 =	vmul.f32 v21, v26;
	v58 =	vmul.f32 v58, v41  }
0x25a: {  	v49 =	vmax.f32 v49, v31;
	v31 =	vmul.f32 $2.000000030e-01, v10;
	v32 =	vmax.f32 v50, v32  }
0x25b: {  	v50 =	vmul.f32 $2.000000030e-01, v5;
	v2 =	vmax.f32 v2, v61;
	v49 =	vmul.f32 v49, v26  }
0x25c: {  	v32 =	vmul.f32 v32, v17;
	v10 =	vmax.f32 v10, v31;
	v31 =	vmul.f32 $2.000000030e-01, v54  }
0x25d: {  	v2 =	vmul.f32 v2, v39;
	v5 =	vmax.f32 v5, v50;
	v50 =	vmul.f32 $2.000000030e-01, v7  }
0x25e: {  	v10 =	vmul.f32 v10, v17;
	v5 =	vmul.f32 v5, v26;
	v54 =	vmax.f32 v54, v31  }
0x25f: {  	v31 =	vmul.f32 $2.000000030e-01, v59;
	v7 =	vmax.f32 v7, v50;
	v50 =	vmul.f32 $2.000000030e-01, v60  }
0x260: {  	v1 =	vunpack.i.l.bf16.f32 v1;
	v52 =	vmul.f32 v54, v26;
	v7 =	vmul.f32 v7, v17  }
0x261: {  	v54 =	vmul.f32 $2.000000030e-01, v11;
	v59 =	vmax.f32 v59, v31;
	v31 =	vmul.f32 $2.000000030e-01, v56  }
0x262: {  	v50 =	vmax.f32 v60, v50;
	v60 =	vmul.f32 $2.000000030e-01, v57;
	v59 =	vmul.f32 v59, v41  }
0x263: {  	v50 =	vmul.f32 v50, v41;
	v11 =	vmax.f32 v11, v54;
	v56 =	vmax.f32 v56, v31  }
0x264: {  	v31 =	vmul.f32 $2.000000030e-01, v4;
	v57 =	vmax.f32 v57, v60;
	v60 =	vmul.f32 $2.000000030e-01, v3  }
0x265: {  	v1 =	vadd.f32 v1, v20;
	v11 =	vmul.f32 v11, v39;
	v54 =	vmul.f32 v56, v41  }
0x266: {  	v56 =	vmul.f32 v57, v41;
	v57 =	vperm.xlane v9, v29;
	v4 =	vmax.f32 v4, v31  }
0x267: {  	v3 =	vmax.f32 v3, v60;
	v60 =	vmul.f32 $2.000000030e-01, v44;
	v31 =	vunpack.i.l.bf16.f32 v48  }
0x268: {  	v48 =	vmul.f32 v0, v26;
	v0 =	vmul.f32 $2.000000030e-01, v1;
	v51 =	vadd.f32 v51, v31  }
0x269: {  	v9 =	vadd.f32 v57, v9;
	v57 =	vperm.xlane v21, v29;
	v4 =	vmul.f32 v4, v41  }
0x26a: {  	v41 =	vperm.xlane v12, v29;
	v3 =	vmul.f32 v3, v39;
	v44 =	vmax.f32 v44, v60  }
0x26b: {  	v60 =	vperm.xlane v48, v29;
	v1 =	vmax.f32 v1, v0;
	v0 =	vperm.xlane v6, v29  }
0x26c: {  	v61 =	vmul.f32 $2.000000030e-01, v51;
	v21 =	vadd.f32 v57, v21;
	v57 =	vperm.xlane v32, v29  }
0x26d: {  	v12 =	vadd.f32 v41, v12;
	v41 =	vperm.xlane v52, v29;
	v44 =	vmul.f32 v44, v39  }
0x26e: {  	v1 =	vmul.f32 v1, v39;
	v48 =	vadd.f32 v60, v48;
	v60 =	vperm.xlane v8, v29  }
0x26f: {  	v6 =	vadd.f32 v0, v6;
	v0 =	vperm.xlane v49, v29;
	v51 =	vmax.f32 v51, v61  }
0x270: {  	v32 =	vadd.f32 v57, v32;
	v57 =	vperm.xlane v5, v29;
	v61 =	vperm.xlane v7, v29  }
0x271: {  	v52 =	vadd.f32 v41, v52;
	v41 =	vperm.xlane v59, v29;
	v8 =	vadd.f32 v60, v8  }
0x272: {  	v49 =	vadd.f32 v0, v49;
	v0 =	vperm.xlane v10, v29;
	v60 =	vperm.xlane v47, v29  }
0x273: {  	v62 =	vmax.f32 v62, v63;
	v51 =	vmul.f32 v51, v39;
	v63 =	vperm.xlane v6, v24  }
0x274: {  	v5 =	vadd.f32 v57, v5;
	v57 =	vperm.xlane v53, v29;
	v7 =	vadd.f32 v61, v7  }
0x275: {  	v59 =	vadd.f32 v41, v59;
	v41 =	vperm.xlane v54, v29;
	v61 =	vperm.xlane v44, v29  }
0x276: {  	v10 =	vadd.f32 v0, v10;
	v47 =	vadd.f32 v60, v47;
	v60 =	vmul.f32 v62, v39  }
0x277: {  	v0 =	vperm.xlane v50, v29;
	v39 =	vperm.xlane v11, v29;
	v6 =	vadd.f32 v63, v6  }
0x278: {  	v62 =	vperm.xlane v49, v24;
	v53 =	vadd.f32 v57, v53;
	v57 =	vperm.xlane v55, v29  }
0x279: {  	v54 =	vadd.f32 v41, v54;
	v41 =	vperm.xlane v4, v29;
	v44 =	vadd.f32 v61, v44  }
0x27a: {  	v50 =	vadd.f32 v0, v50;
	v0 =	vperm.xlane v56, v29;
	v11 =	vadd.f32 v39, v11  }
0x27b: {  	v39 =	vperm.xlane v9, v24;
	v49 =	vadd.f32 v62, v49;
	v62 =	vperm.xlane v52, v24  }
0x27c: {  	v55 =	vadd.f32 v57, v55;
	v57 =	vperm.xlane v58, v29;
	v4 =	vadd.f32 v41, v4  }
0x27d: {  	v41 =	vperm.xlane v60, v29;
	v56 =	vadd.f32 v0, v56;
	v0 =	vperm.xlane v3, v29  }
0x27e: {  	v9 =	vadd.f32 v39, v9;
	v39 =	vperm.xlane v21, v24;
	v52 =	vadd.f32 v62, v52  }
0x27f: {  	v62 =	vperm.xlane v44, v24;
	v63 =	vperm.xlane v11, v24;
	v57 =	vadd.f32 v57, v58  }
0x280: {  	v58 =	vperm.xlane v2, v29;
	v60 =	vadd.f32 v41, v60;
	v41 =	vperm.xlane v51, v29  }
0x281: {  	v3 =	vadd.f32 v0, v3;
	v0 =	vperm.xlane v1, v29;
	v21 =	vadd.f32 v39, v21  }
0x282: {  	v39 =	vperm.xlane v12, v24;
	v44 =	vadd.f32 v62, v44;
	v11 =	vadd.f32 v63, v11  }
0x283: {  	v2 =	vadd.f32 v58, v2;
	v51 =	vadd.f32 v41, v51;
	v41 =	vperm.xlane v48, v24  }
0x284: {  	v61 =	vperm.xlane v60, v24;
	v1 =	vadd.f32 v0, v1;
	v0 =	vperm.xlane v32, v24  }
0x285: {  	v12 =	vadd.f32 v39, v12;
	v39 =	vperm.xlane v47, v24;
	v6 =	vsel vm0, v6, v21  }
0x286: {  	v48 =	vadd.f32 v41, v48;
	v41 =	vperm.xlane v8, v24;
	v32 =	vadd.f32 v0, v32  }
0x287: {  	v0 =	vperm.xlane v5, v24;
	v47 =	vadd.f32 v39, v47;
	v39 =	vperm.xlane v59, v24  }
0x288: {  	v8 =	vadd.f32 v41, v8;
	v41 =	vperm.xlane v10, v24;
	v9 =	vsel vm0, v9, v48  }
0x289: {  	v48 =	vperm.xlane v45, v19;
	v5 =	vadd.f32 v0, v5;
	v0 =	vperm.xlane v53, v24  }
0x28a: {  	v59 =	vadd.f32 v39, v59;
	v39 =	vperm.xlane v54, v24;
	v12 =	vsel vm0, v32, v12  }
0x28b: {  	v58 =	vsel vm0, v47, v52;
	v32 =	vadd.f32 v61, v60;
	v47 =	vperm.xlane v45, v18  }
0x28c: {  	v10 =	vadd.f32 v41, v10;
	v41 =	vperm.xlane v7, v24;
	v8 =	vsel vm0, v8, v49  }
0x28d: {  	v53 =	vadd.f32 v0, v53;
	v0 =	vperm.xlane v55, v24;
	v21 =	vadd.f32 v39, v54  }
0x28e: {  	v39 =	vperm.xlane v4, v24;
	v7 =	vadd.f32 v41, v7;
	v41 =	vperm.xlane v50, v24  }
0x28f: {  	v9 =	vsel vm1, v59, v9;
	v5 =	vsel vm0, v10, v5;
	v55 =	vadd.f32 v0, v55  }
0x290: {  	v0 =	vperm.xlane v57, v24;
	v50 =	vadd.f32 v41, v50;
	v41 =	vperm.xlane v56, v24  }
0x291: {  	v4 =	vadd.f32 v39, v4;
	v39 =	vperm.xlane v1, v24;
	v12 =	vsel vm1, v21, v12  }
0x292: {  	v7 =	vsel vm0, v7, v53;
	v54 =	vadd.f32 v41, v56;
	v41 =	vperm.xlane v3, v24  }
0x293: {  	v49 =	vadd.f32 v0, v57;
	v57 =	vperm.xlane v2, v24;
	v0 =	vperm.xlane v51, v24  }
0x294: {  	v8 =	vsel vm1, v55, v8;
	v1 =	vadd.f32 v39, v1;
	v3 =	vadd.f32 v41, v3  }
0x295: {  	v4 =	vsel vm1, v4, v7;
	v6 =	vsel vm1, v50, v6;
	v50 =	vsel vm2, v32, v8  }
0x296: {  	v2 =	vadd.f32 v57, v2;
	v10 =	vsel vm1, v49, v58;
	v3 =	vsel vm2, v3, v9  }
0x297: {  	v1 =	vsel vm2, v1, v4;
	v49 =	vperm.xlane v45, v22;
	v9 =	vperm.xlane v3, v14  }
0x298: {  	v41 =	vadd.f32 v0, v51;
	v5 =	vsel vm1, v54, v5;
	v2 =	vsel vm2, v2, v6  }
0x299: {  	v51 =	vsel vm2, v44, v12;
	v53 =	vperm.xlane v2, v14;
	v3 =	vadd.f32 v3, v9  }
0x29a: {  	v54 =	vperm.xlane v50, v14;
	v58 =	vperm.xlane v1, v14;
	v5 =	vsel vm2, v11, v5  }
0x29b: {  	v55 =	vperm.xlane v51, v14;
	v2 =	vadd.f32 v2, v53;
	v59 =	vperm.xlane v3, v13  }
0x29c: {  	v52 =	vsel vm2, v41, v10;
	v56 =	vperm.xlane v5, v14;
	v4 =	vadd.f32 v50, v54  }
0x29d: {  	v1 =	vadd.f32 v1, v58;
	v60 =	vperm.xlane v2, v13;
	v3 =	vadd.f32 v3, v59  }
0x29e: {  	v57 =	vperm.xlane v52, v14;
	v7 =	vadd.f32 v51, v55;
	v5 =	vadd.f32 v5, v56  }
0x29f: {  	v61 =	vperm.xlane v4, v13;
	v2 =	vadd.f32 v2, v60;
	v3 =	vmul.f32 $1.442695020e+00, v3  }
0x2a0: {  	v32 =	vperm.xlane v1, v13;
	v8 =	vadd.f32 v52, v57;
	v62 =	vperm.xlane v7, v13  }
0x2a1: {  	v4 =	vadd.f32 v4, v61;
	v2 =	vmul.f32 $1.442695020e+00, v2;
	(erf) = vpow2.f32 v3  }
0x2a2: {  	v63 =	vperm.xlane v5, v13;
	v1 =	vadd.f32 v1, v32;
	v12 =	vperm.xlane v8, v13  }
0x2a3: {  	v14 =	vadd.f32 v7, v62;
	v39 =	vmul.f32 $1.442695020e+00, v4;
	(erf) = vpow2.f32 v2  }
0x2a4: {  	v5 =	vadd.f32 v5, v63;
	v1 =	vmul.f32 $1.442695020e+00, v1;
	v8 =	vadd.f32 v8, v12  }
0x2a5: {  	v41 =	vmul.f32 $1.442695020e+00, v14;
	(erf) = vpow2.f32 v39  }
0x2a6: {  	v5 =	vmul.f32 $1.442695020e+00, v5;
	v44 =	vmul.f32 $1.442695020e+00, v8  }
0x2a7: {  	v3 =	vmul.f32 v49, v36;
	(erf) = vpow2.f32 v41  }
0x2a8: {  	v2 =	vmul.f32 v48, v35;
	(erf) = vpow2.f32 v5  }
0x2a9: {  	v5 =	vperm.xlane v45, v23;
	(erf) = vpow2.f32 v44  }
0x2aa: {  	(erf) = vpow2.f32 v1;
	v1 =	vmul.f32 v47, v34;
	v4 =	vpop (erf)  }
0x2ab: {  	v50 =	vperm.xlane v4, v18;
	v7 =	vperm.xlane v4, v19  }
0x2ac: {  	v8 =	vpop (erf);
	v0 =	vperm.xlane v4, v22;
	v10 =	vperm.xlane v4, v15  }
0x2ad: {  	v63 =	vld [tilespmem:$0x1FC70];
	v41 =	vperm.xlane v8, v18;
	v12 =	vperm.xlane v8, v19  }
0x2ae: {  	v21 =	vpop (erf);
	v14 =	vperm.xlane v8, v22;
	v36 =	vperm.xlane v8, v15  }
0x2af: {  	s21 =	simm.s32 $0x6C40;
	v34 =	vperm.xlane v21, v18;
	v59 =	vperm.xlane v21, v19  }
0x2b0: {  	[tilespmem:s21+$0x120] =	vst v46;
	v60 =	vperm.xlane v21, v22;
	v57 =	vperm.xlane v21, v15  }
0x2b1: {  	[tilespmem:s21+$0x110] =	vst v3;
	v6 =	vmul.f32 v50, v43;
	v7 =	vmul.f32 v7, v16  }
0x2b2: {  	[tilespmem:s21+$0x100] =	vst v2;
	v13 =	vnsel vm2, $0x0, v5;
	v35 =	vpop (erf);
	v9 =	vmul.f32 v0, v37;
	v62 =	vmul.f32 v10, v63  }
0x2b3: {  	[tilespmem:s21+$0x130] =	vst v13;
	v58 =	vperm.xlane v35, v18;
	v55 =	vperm.xlane v35, v19  }
0x2b4: {  	[tilespmem:s21+$0xF0] =	vst v1;
	v56 =	vperm.xlane v35, v22;
	v53 =	vperm.xlane v35, v15  }
0x2b5: {  	v32 =	vld [tilespmem:$0x1FC80];
	v61 =	vmul.f32 v41, v42;
	v39 =	vmul.f32 v12, v33  }
0x2b6: {  	v38 =	vmul.f32 v14, v38;
	v12 =	vperm.xlane v4, v23  }
0x2b7: {  	v47 =	vpop (erf);
	v14 =	vperm.xlane v8, v23;
	v35 =	vperm.xlane v35, v23  }
0x2b8: {  	v54 =	vperm.xlane v47, v18;
	v50 =	vperm.xlane v47, v19  }
0x2b9: {  	v52 =	vperm.xlane v47, v22;
	v51 =	vperm.xlane v47, v15  }
0x2ba: {  	v41 =	vmul.f32 v36, v32;
	v40 =	vmul.f32 v34, v40  }
0x2bb: {  	v37 =	vpop (erf);
	v34 =	vperm.xlane v21, v23;
	v36 =	vperm.xlane v47, v23  }
0x2bc: {  	v42 =	vperm.xlane v37, v18;
	v43 =	vperm.xlane v37, v19  }
0x2bd: {  	[tilespmem:s21+$0xFFFFFEC0] =	vst v6;
	v26 =	vperm.xlane v37, v22;
	v11 =	vpop (erf);
	v24 =	vperm.xlane v37, v15  }
0x2be: {  	[tilespmem:s21+$0xFFFFFED0] =	vst v7;
	v2 =	vnsel vm2, $0x0, v12;
	v63 =	vperm.xlane v37, v23;
	v17 =	vperm.xlane v11, v18  }
0x2bf: {  	[tilespmem:s21+$0xFFFFFEE0] =	vst v9;
	v33 =	vnsel vm2, $0x0, v14;
	v16 =	vperm.xlane v11, v19;
	v29 =	vperm.xlane v11, v22  }
0x2c0: {  	v49 =	vnsel vm2, $0x0, v35;
	[tilespmem:s21+$0xFFFFFF00] =	vst v2;
	v21 =	vperm.xlane v11, v15;
	v44 =	vperm.xlane v11, v23  }
0x2c1: {  	s22 =	simm.s32 $0x4C80;
	s20 =	simm.s32 $0x6C40;
	s23 =	simm.s32 $0x0;
	[tilespmem:s21+$0xFFFFFF50] =	vst v33;
	v46 =	vnsel vm2, $0x0, v34;
	v48 =	vnsel vm2, $0x0, v36;
	v45 =	vnsel vm2, $0x0, v63  }
.LBB2_5:
0x2c2: {  	v1 =	vld [tilespmem:s22+$0x60]  }
0x2c3: {  	v0 =	vld [tilespmem:$0x1FC10]  }
0x2c4: {  	v34 =	vld [tilespmem:$0x1FBA0]  }
0x2c5: {  	v35 =	vld [tilespmem:$0x1FBB0]  }
0x2c6: {  	v36 =	vld [tilespmem:$0x1FC60]  }
0x2c7: {  	v7 =	vld [tilespmem:s22+$0x70]  }
0x2c8: {  	[tilespmem:$0x1FA70] =	vst v27;
	v37 =	vld [tilespmem:$0x1FC20]  }
0x2c9: {  	[tilespmem:$0x1FAF0] =	vst v25;
	s15 =	sadd.s32 $0x100, s15;
	v47 =	vld [tilespmem:$0x1FC30]  }
0x2ca: {  	[tilespmem:$0x1FA80] =	vst v20;
	v4 =	vld [tilespmem:s15+$0x60]  }
0x2cb: {  	[tilespmem:s21+$0xFFFFFF20] =	vst v39;
	v39 =	vld [tilespmem:$0x1FBC0]  }
0x2cc: {  	[tilespmem:$0x1FAB0] =	vst v28;
	v10 =	vld [tilespmem:s15+$0x70]  }
0x2cd: {  	[tilespmem:$0x1FA90] =	vst v17;
	v28 =	vnsel vm2, $0x0, v44;
	v44 =	vld [tilespmem:$0x1FBD0]  }
0x2ce: {  	[tilespmem:$0x1FAC0] =	vst v29;
	v29 =	vld [tilespmem:s22+$0x10]  }
0x2cf: {  	[tilespmem:s21+$0xFFFFFF10] =	vst v61;
	v61 =	vld [tilespmem:s15+$0x10]  }
0x2d0: {  	[tilespmem:s21+$0xFFFFFEF0] =	vst v62;
	v62 =	vld [tilespmem:s22+$0x30]  }
0x2d1: {  	[tilespmem:$0x1FAA0] =	vst v16;
	v16 =	vld [tilespmem:$0x1FF90]  }
0x2d2: {  	[tilespmem:s21+$0xFFFFFF30] =	vst v38;
	v12 =	vmul.f32 v54, v30;
	v23 =	vmul.f32 v42, v31;
	v38 =	vld [tilespmem:$0x1FFA0]  }
0x2d3: {  	[tilespmem:s21+$0xFFFFFF40] =	vst v41;
	v41 =	vld [tilespmem:$0x1FF70];
	v2 =	vmul.f32 v59, v0;
	v3 =	vmul.f32 v60, v34  }
0x2d4: {  	[tilespmem:$0x1FA50] =	vst v26;
	v18 =	vld [tilespmem:s22+$0xFFFFFF90];
	v5 =	vmul.f32 v57, v35;
	v6 =	vmul.f32 v58, v36  }
0x2d5: {  	[tilespmem:$0x1FAE0] =	vst v21;
	v21 =	vld [tilespmem:s15+$0xFFFFFF90];
	v8 =	vmul.f32 v55, v37;
	v19 =	vmul.f32 v50, v47  }
0x2d6: {  	[tilespmem:$0x1FA60] =	vst v24;
	v24 =	vld [tilespmem:s22+$0xFFFFFFB0];
	v13 =	vunpack.i.l.bf16.f32 v1;
	v55 =	vunpack.i.u.bf16.f32 v1;
	v57 =	vunpack.i.u.bf16.f32 v7  }
0x2d7: {  	[tilespmem:s21+$0xFFFFFF60] =	vst v40;
	v25 =	vld [tilespmem:s15+$0xFFFFFFB0];
	v14 =	vunpack.i.l.bf16.f32 v7;
	v9 =	vmul.f32 v56, v39;
	v11 =	vmul.f32 v53, v44  }
0x2d8: {  	v50 =	vld [tilespmem:$0x1FBE0];
	[tilespmem:$0x1FAD0] =	vst v13;
	v26 =	vunpack.i.l.bf16.f32 v4;
	v58 =	vunpack.i.u.bf16.f32 v10;
	v59 =	vunpack.i.l.bf16.f32 v10  }
0x2d9: {  	v47 =	vld [tilespmem:s15+$0xFFFFFF80];
	v4 =	vunpack.i.u.bf16.f32 v4;
	v17 =	vunpack.i.u.bf16.f32 v29;
	[tilespmem:s21+$0xFFFFFF70] =	vst v2;
	v60 =	vadd.f32 v26, v13  }
0x2da: {  	v53 =	vld [tilespmem:$0x1FC40];
	v40 =	vunpack.i.l.bf16.f32 v61;
	[tilespmem:s21+$0xFFFFFF80] =	vst v3;
	v7 =	vadd.f32 v59, v14;
	v3 =	vadd.f32 v58, v57  }
0x2db: {  	v39 =	vld [tilespmem:$0x1FF80];
	[tilespmem:s21+$0xFFFFFFB0] =	vst v6;
	v33 =	vunpack.i.u.bf16.f32 v18;
	v4 =	vadd.f32 v4, v55;
	v34 =	vunpack.i.l.bf16.f32 v18  }
0x2dc: {  	v35 =	vunpack.i.u.bf16.f32 v24;
	v36 =	vunpack.i.l.bf16.f32 v24;
	v6 =	vld [tilespmem:s22+$0xFFFFFFF0];
	[tilespmem:s21+$0xFFFFFFC0] =	vst v8;
	v26 =	vmul.f32 $2.000000030e-01, v60  }
0x2dd: {  	v8 =	vld [tilespmem:s15+$0xFFFFFFF0];
	v18 =	vmul.f32 $2.000000030e-01, v7;
	v27 =	vmul.f32 $2.000000030e-01, v3;
	[tilespmem:s21+$0xFFFFFFD0] =	vst v9;
	v9 =	vunpack.i.u.bf16.f32 v21  }
0x2de: {  	v56 =	vld [tilespmem:s22+$0xFFFFFFD0];
	[tilespmem:s21+$0xFFFFFF90] =	vst v5;
	v21 =	vunpack.i.l.bf16.f32 v21;
	v30 =	vmul.f32 $2.000000030e-01, v4;
	v20 =	vmul.f32 v52, v50  }
0x2df: {  	v0 =	vld [tilespmem:$0x1FFD0];
	[tilespmem:s21+$0xFFFFFFF0] =	vst v49;
	v21 =	vadd.f32 v21, v34;
	v9 =	vadd.f32 v9, v33;
	v49 =	vunpack.i.u.bf16.f32 v47  }
0x2e0: {  	[tilespmem:$0x1FB00] =	vst v55;
	v5 =	vld [tilespmem:s15+$0xFFFFFFD0];
	v54 =	vmul.f32 v43, v53;
	v10 =	vmax.f32 v60, v26;
	v7 =	vmax.f32 v7, v18  }
0x2e1: {  	[tilespmem:$0x1FB10] =	vst v14;
	v52 =	vld [tilespmem:$0x1FBF0];
	v3 =	vmax.f32 v3, v27;
	v4 =	vmax.f32 v4, v30;
	v30 =	vunpack.i.u.bf16.f32 v25  }
0x2e2: {  	v31 =	vld [tilespmem:s15+$0x50];
	[tilespmem:s21+$0xFFFFFFA0] =	vst v46;
	v25 =	vunpack.i.l.bf16.f32 v25;
	v7 =	vmul.f32 v7, v16;
	v3 =	vmul.f32 v3, v38  }
0x2e3: {  	[tilespmem:s21+$0xFFFFFFE0] =	vst v11;
	v55 =	vld [tilespmem:s22+$0xFFFFFFC0];
	v53 =	vunpack.i.l.bf16.f32 v62;
	v10 =	vmul.f32 v10, v41;
	v4 =	vmul.f32 v4, v39  }
0x2e4: {  	[tilespmem:s21+$0x10] =	vst v19;
	v58 =	vld [tilespmem:s22+$0xFFFFFFE0];
	v13 =	vunpack.i.u.bf16.f32 v56;
	v14 =	vunpack.i.l.bf16.f32 v56;
	v15 =	vunpack.i.u.bf16.f32 v6  }
0x2e5: {  	v27 =	vld [tilespmem:s22+$0x50];
	[tilespmem:s21+$0xE0] =	vst v28;
	v18 =	vperm.xlane v7, v0;
	v19 =	vperm.xlane v3, v0;
	v46 =	vunpack.i.u.bf16.f32 v5  }
0x2e6: {  	v26 =	vld [tilespmem:s15+$0x30];
	[tilespmem:s21+$0x20] =	vst v20;
	v5 =	vunpack.i.l.bf16.f32 v5;
	v28 =	vunpack.i.u.bf16.f32 v8;
	v22 =	vmul.f32 v51, v52  }
0x2e7: {  	[tilespmem:$0x1FBA0] =	vst v14;
	v51 =	vunpack.i.u.bf16.f32 v62;
	v62 =	vadd.f32 v25, v36;
	v5 =	vadd.f32 v5, v14  }
0x2e8: {  	v20 =	vperm.xlane v4, v0;
	[tilespmem:$0x1FBB0] =	vst v13;
	v13 =	vadd.f32 v46, v13;
	v14 =	vadd.f32 v28, v15  }
0x2e9: {  	[tilespmem:s21+$0x50] =	vst v23;
	v60 =	vld [tilespmem:s22+$0x40];
	v23 =	vunpack.i.u.bf16.f32 v55;
	v28 =	vunpack.i.l.bf16.f32 v58;
	v7 =	vadd.f32 v18, v7  }
0x2ea: {  	v3 =	vadd.f32 v19, v3;
	v63 =	vadd.f32 v20, v4;
	v18 =	vunpack.i.l.bf16.f32 v6  }
0x2eb: {  	[tilespmem:s21+$0x0] =	vst v12;
	v2 =	vld [tilespmem:$0x1FFC0];
	v19 =	vunpack.i.l.bf16.f32 v29;
	v29 =	vunpack.i.u.bf16.f32 v61;
	v12 =	vunpack.i.u.bf16.f32 v26  }
0x2ec: {  	[tilespmem:s21+$0x60] =	vst v54;
	v56 =	vld [tilespmem:s15+$0xFFFFFFC0];
	v26 =	vunpack.i.l.bf16.f32 v26;
	v50 =	vunpack.i.u.bf16.f32 v27;
	v52 =	vunpack.i.l.bf16.f32 v27  }
0x2ed: {  	v27 =	vunpack.i.u.bf16.f32 v31;
	v31 =	vunpack.i.l.bf16.f32 v31;
	[tilespmem:s21+$0x30] =	vst v22;
	v22 =	vperm.xlane v10, v0  }
0x2ee: {  	[tilespmem:$0x1FBD0] =	vst v15;
	v15 =	vadd.f32 v26, v53;
	v42 =	vadd.f32 v27, v50;
	v54 =	vunpack.i.u.bf16.f32 v60  }
0x2ef: {  	v4 =	vld [tilespmem:s15+$0xFFFFFFA0];
	v27 =	vunpack.i.l.bf16.f32 v55;
	v55 =	vunpack.i.l.bf16.f32 v60;
	v60 =	vmul.f32 $2.000000030e-01, v9  }
0x2f0: {  	v12 =	vadd.f32 v12, v51;
	v20 =	vperm.xlane v7, v2;
	v24 =	vperm.xlane v63, v2  }
0x2f1: {  	[tilespmem:$0x1FB70] =	vst v36;
	v36 =	vunpack.i.u.bf16.f32 v56;
	v10 =	vadd.f32 v22, v10;
	v22 =	vperm.xlane v3, v2  }
0x2f2: {  	v32 =	vld [tilespmem:s22+$0xFFFFFFA0];
	[tilespmem:s21+$0x90] =	vst v45;
	v9 =	vmax.f32 v9, v60;
	v7 =	vadd.f32 v20, v7;
	v1 =	vadd.f32 v24, v63  }
0x2f3: {  	[tilespmem:$0x1FB80] =	vst v35;
	v59 =	vld [tilespmem:s15+$0x20];
	v63 =	vadd.f32 v30, v35;
	v35 =	vmul.f32 $2.000000030e-01, v15;
	v9 =	vmul.f32 v9, v38  }
0x2f4: {  	v61 =	vld [tilespmem:s15+$0x40];
	v37 =	vperm.xlane v10, v2;
	v3 =	vadd.f32 v22, v3;
	v30 =	vunpack.i.u.bf16.f32 v4  }
0x2f5: {  	v22 =	vunpack.i.u.bf16.f32 v58;
	v26 =	vunpack.i.l.bf16.f32 v4;
	v58 =	vmul.f32 $2.000000030e-01, v21  }
0x2f6: {  	v15 =	vmax.f32 v15, v35;
	v10 =	vadd.f32 v37, v10;
	v3 =	vsel vm0, v7, v3  }
0x2f7: {  	[tilespmem:s21+$0x40] =	vst v48;
	v48 =	vld [tilespmem:s22+$0xFFFFFF80];
	v7 =	vunpack.i.l.bf16.f32 v8;
	v37 =	vunpack.i.u.bf16.f32 v32;
	v21 =	vmax.f32 v21, v58  }
0x2f8: {  	v44 =	vld [tilespmem:$0x1FFE0];
	v15 =	vmul.f32 v15, v16;
	v1 =	vsel vm1, v1, v3;
	v7 =	vadd.f32 v7, v18  }
0x2f9: {  	[tilespmem:$0x1FBC0] =	vst v18;
	v18 =	vunpack.i.u.bf16.f32 v59;
	v20 =	vadd.f32 v30, v37;
	v30 =	vunpack.i.u.bf16.f32 v61  }
0x2fa: {  	v6 =	vld [tilespmem:s15+$0xFFFFFFE0];
	[tilespmem:$0x1FB60] =	vst v37;
	v37 =	vunpack.i.l.bf16.f32 v59;
	v59 =	vunpack.i.l.bf16.f32 v61;
	v61 =	vmul.f32 $2.000000030e-01, v63  }
0x2fb: {  	v8 =	vld [tilespmem:s22+$0x0];
	v21 =	vmul.f32 v21, v16;
	v1 =	vsel vm2, v10, v1;
	v10 =	vadd.f32 v40, v19  }
0x2fc: {  	[tilespmem:$0x1FBE0] =	vst v19;
	v19 =	vunpack.i.u.bf16.f32 v48;
	v4 =	vadd.f32 v30, v54;
	v59 =	vadd.f32 v59, v55  }
0x2fd: {  	v3 =	vld [tilespmem:s15+$0x0];
	v43 =	vperm.xlane v1, v44;
	[tilespmem:$0x1FB20] =	vst v19;
	v19 =	vadd.f32 v49, v19;
	v49 =	vunpack.i.l.bf16.f32 v48  }
0x2fe: {  	[tilespmem:$0x1FB40] =	vst v33;
	v45 =	vld [tilespmem:$0x1FFF0];
	v58 =	vmul.f32 $2.000000030e-01, v20;
	v61 =	vmax.f32 v63, v61;
	v33 =	vmul.f32 $2.000000030e-01, v10  }
0x2ff: {  	v63 =	vmul.f32 v61, v38;
	v1 =	vadd.f32 v1, v43;
	v43 =	vadd.f32 v29, v17  }
0x300: {  	[tilespmem:$0x1FBF0] =	vst v17;
	v11 =	vld [tilespmem:s22+$0x20];
	v17 =	vadd.f32 v31, v52;
	v29 =	vunpack.i.u.bf16.f32 v6;
	v24 =	vunpack.i.u.bf16.f32 v8  }
0x301: {  	v6 =	vunpack.i.l.bf16.f32 v6;
	v46 =	vunpack.i.l.bf16.f32 v8;
	v20 =	vmax.f32 v20, v58  }
0x302: {  	[tilespmem:$0x1FC20] =	vst v22;
	v31 =	vunpack.i.u.bf16.f32 v3;
	v22 =	vadd.f32 v29, v22;
	v29 =	vunpack.i.l.bf16.f32 v32  }
0x303: {  	v6 =	vadd.f32 v6, v28;
	v32 =	vmul.f32 $2.000000030e-01, v14;
	v25 =	vperm.xlane v1, v45  }
0x304: {  	[tilespmem:$0x1FC60] =	vst v28;
	v28 =	vmul.f32 $2.000000030e-01, v42;
	v10 =	vmax.f32 v10, v33;
	v20 =	vmul.f32 v20, v39  }
0x305: {  	v30 =	vmul.f32 $2.000000030e-01, v22;
	v1 =	vadd.f32 v1, v25;
	v25 =	vunpack.i.u.bf16.f32 v11  }
0x306: {  	[tilespmem:$0x1FB30] =	vst v34;
	v34 =	vmul.f32 $2.000000030e-01, v43;
	v10 =	vmul.f32 v10, v16;
	v18 =	vadd.f32 v18, v25  }
0x307: {  	[tilespmem:$0x1FC40] =	vst v25;
	v25 =	vunpack.i.l.bf16.f32 v56;
	v22 =	vmax.f32 v22, v30;
	v30 =	vmul.f32 $2.000000030e-01, v59  }
0x308: {  	[tilespmem:$0x1FB90] =	vst v27;
	v1 =	vmul.f32 $1.442695020e+00, v1;
	v25 =	vadd.f32 v25, v27;
	v27 =	vmul.f32 $2.000000030e-01, v13  }
0x309: {  	[tilespmem:$0x1FC30] =	vst v24;
	v24 =	vadd.f32 v31, v24;
	v22 =	vmul.f32 v22, v39;
	v31 =	vmul.f32 $2.000000030e-01, v18  }
0x30a: {  	[tilespmem:$0x1FC10] =	vst v23;
	(erf) = vpow2.f32 v1;
	v1 =	vadd.f32 v36, v23;
	v23 =	vunpack.i.l.bf16.f32 v47  }
0x30b: {  	v47 =	vunpack.i.l.bf16.f32 v11;
	v36 =	vmul.f32 $2.000000030e-01, v12;
	v13 =	vmax.f32 v13, v27  }
0x30c: {  	v23 =	vadd.f32 v23, v49;
	v8 =	vadd.f32 v37, v47;
	v37 =	vmul.f32 $2.000000030e-01, v17  }
0x30d: {  	v18 =	vmax.f32 v18, v31;
	v13 =	vmul.f32 v13, v38;
	v60 =	vmul.f32 $2.000000030e-01, v1  }
0x30e: {  	v12 =	vmax.f32 v12, v36;
	v36 =	vmax.f32 v42, v28;
	v28 =	vmul.f32 $2.000000030e-01, v25  }
0x30f: {  	v18 =	vmul.f32 v18, v39;
	v37 =	vmax.f32 v17, v37;
	v17 =	vmul.f32 $2.000000030e-01, v23  }
0x310: {  	v48 =	vimm.s32 $0xC;
	v42 =	vperm.xlane v22, v0;
	v33 =	vmul.f32 $2.000000030e-01, v8  }
0x311: {  	v12 =	vmul.f32 v12, v38;
	v1 =	vmax.f32 v1, v60;
	v17 =	vmax.f32 v23, v17  }
0x312: {  	v23 =	vmax.f32 v25, v28;
	v25 =	vmax.f32 v59, v30;
	v30 =	vperm.xlane v13, v0  }
0x313: {  	v1 =	vmul.f32 v1, v39;
	v8 =	vmax.f32 v8, v33;
	v17 =	vmul.f32 v17, v41  }
0x314: {  	v23 =	vmul.f32 v23, v41;
	v8 =	vmul.f32 v8, v41;
	v13 =	vadd.f32 v30, v13;
	v56 =	vpop (erf)  }
0x315: {  	v25 =	vmul.f32 v25, v41;
	v40 =	vperm.xlane v56, v48  }
0x316: {  	v30 =	vperm.xlane v20, v0;
	v35 =	vperm.xlane v13, v2  }
0x317: {  	v3 =	vunpack.i.l.bf16.f32 v3;
	v11 =	vmul.f32 v40, v57;
	v57 =	vmul.f32 $2.000000030e-01, v62  }
0x318: {  	s21 =	sadd.s32 $0x280, s21;
	[tilespmem:$0x1FB50] =	vst v29;
	v40 =	vadd.f32 v26, v29;
	v26 =	vmul.f32 $2.000000030e-01, v5;
	v29 =	vmul.f32 $2.000000030e-01, v19  }
0x319: {  	[tilespmem:s21+$0x120] =	vst v11;
	v11 =	vmul.f32 $2.000000030e-01, v7;
	v57 =	vmax.f32 v62, v57;
	v62 =	vmul.f32 $2.000000030e-01, v24  }
0x31a: {  	v5 =	vmax.f32 v5, v26;
	v26 =	vmul.f32 $2.000000030e-01, v4;
	v27 =	vmul.f32 $2.000000030e-01, v40  }
0x31b: {  	v19 =	vmax.f32 v19, v29;
	v29 =	vmul.f32 $2.000000030e-01, v6;
	v60 =	vmul.f32 v57, v16  }
0x31c: {  	v3 =	vadd.f32 v3, v46;
	v5 =	vmul.f32 v5, v16;
	v19 =	vmul.f32 v19, v39  }
0x31d: {  	v57 =	vmul.f32 v36, v38;
	v7 =	vmax.f32 v7, v11;
	v11 =	vmax.f32 v14, v32  }
0x31e: {  	v32 =	vmul.f32 $2.000000030e-01, v3;
	v24 =	vmax.f32 v24, v62;
	v4 =	vmax.f32 v4, v26  }
0x31f: {  	v40 =	vmax.f32 v40, v27;
	v26 =	vperm.xlane v21, v0;
	v27 =	vperm.xlane v9, v0  }
0x320: {  	v6 =	vmax.f32 v6, v29;
	v29 =	vperm.xlane v63, v0;
	v62 =	vperm.xlane v15, v0  }
0x321: {  	v14 =	vmax.f32 v43, v34;
	v7 =	vmul.f32 v7, v16;
	v11 =	vmul.f32 v11, v38  }
0x322: {  	v14 =	vmul.f32 v14, v38;
	v16 =	vmul.f32 v37, v16  }
0x323: {  	v24 =	vmul.f32 v24, v39;
	v4 =	vmul.f32 v4, v39  }
0x324: {  	v22 =	vadd.f32 v42, v22;
	v28 =	vperm.xlane v60, v0;
	v36 =	vperm.xlane v57, v0  }
0x325: {  	v20 =	vadd.f32 v30, v20;
	v40 =	vmul.f32 v40, v41;
	v6 =	vmul.f32 v6, v41  }
0x326: {  	v3 =	vmax.f32 v3, v32;
	v21 =	vadd.f32 v26, v21;
	v26 =	vperm.xlane v5, v0  }
0x327: {  	v9 =	vadd.f32 v27, v9;
	v29 =	vadd.f32 v29, v63;
	v63 =	vperm.xlane v12, v0  }
0x328: {  	v15 =	vadd.f32 v62, v15;
	v62 =	vperm.xlane v17, v0;
	v27 =	vperm.xlane v7, v0  }
0x329: {  	v31 =	vperm.xlane v11, v0;
	v38 =	vadd.f32 v28, v60;
	v60 =	vperm.xlane v10, v0  }
0x32a: {  	v13 =	vadd.f32 v35, v13;
	v61 =	vperm.xlane v14, v0;
	v3 =	vmul.f32 v3, v41  }
0x32b: {  	v43 =	vperm.xlane v24, v0;
	v30 =	vperm.xlane v6, v0;
	v28 =	vadd.f32 v26, v5  }
0x32c: {  	v26 =	vperm.xlane v16, v0;
	v5 =	vadd.f32 v36, v57;
	v57 =	vperm.xlane v25, v0  }
0x32d: {  	v12 =	vadd.f32 v63, v12;
	v58 =	vperm.xlane v21, v2;
	v32 =	vperm.xlane v9, v2  }
0x32e: {  	v39 =	vadd.f32 v62, v17;
	v41 =	vperm.xlane v29, v2;
	v36 =	vperm.xlane v15, v2  }
0x32f: {  	v7 =	vadd.f32 v27, v7;
	v11 =	vadd.f32 v31, v11;
	v27 =	vperm.xlane v19, v0  }
0x330: {  	v10 =	vadd.f32 v60, v10;
	v31 =	vperm.xlane v1, v0;
	v60 =	vperm.xlane v18, v0  }
0x331: {  	v14 =	vadd.f32 v61, v14;
	v61 =	vperm.xlane v4, v0;
	v63 =	vperm.xlane v3, v0  }
0x332: {  	v24 =	vadd.f32 v43, v24;
	v33 =	vperm.xlane v38, v2;
	v6 =	vadd.f32 v30, v6  }
0x333: {  	v16 =	vadd.f32 v26, v16;
	v26 =	vperm.xlane v40, v0;
	v42 =	vperm.xlane v12, v2  }
0x334: {  	v25 =	vadd.f32 v57, v25;
	v21 =	vadd.f32 v58, v21;
	v58 =	vperm.xlane v22, v2  }
0x335: {  	v9 =	vadd.f32 v32, v9;
	v29 =	vadd.f32 v41, v29;
	v41 =	vperm.xlane v39, v2  }
0x336: {  	v15 =	vadd.f32 v36, v15;
	v19 =	vadd.f32 v27, v19;
	v27 =	vperm.xlane v23, v0  }
0x337: {  	v1 =	vadd.f32 v31, v1;
	v31 =	vperm.xlane v8, v0;
	v18 =	vadd.f32 v60, v18  }
0x338: {  	v4 =	vadd.f32 v61, v4;
	v37 =	vperm.xlane v11, v2;
	v30 =	vperm.xlane v10, v2  }
0x339: {  	v59 =	vperm.xlane v14, v2;
	v3 =	vadd.f32 v63, v3;
	v61 =	vperm.xlane v5, v2  }
0x33a: {  	v63 =	vperm.xlane v20, v2;
	v32 =	vperm.xlane v24, v2;
	v33 =	vadd.f32 v33, v38  }
0x33b: {  	v17 =	vadd.f32 v26, v40;
	v26 =	vperm.xlane v28, v2;
	v12 =	vadd.f32 v42, v12  }
0x33c: {  	v9 =	vsel vm0, v21, v9;
	v22 =	vadd.f32 v58, v22;
	v23 =	vadd.f32 v27, v23  }
0x33d: {  	v27 =	vperm.xlane v7, v2;
	v8 =	vadd.f32 v31, v8;
	v31 =	vperm.xlane v16, v2  }
0x33e: {  	v60 =	vadd.f32 v41, v39;
	v43 =	vperm.xlane v19, v2;
	v57 =	vperm.xlane v1, v2  }
0x33f: {  	v0 =	vperm.xlane v18, v2;
	v40 =	vperm.xlane v4, v2;
	v11 =	vadd.f32 v37, v11  }
0x340: {  	v10 =	vadd.f32 v30, v10;
	v14 =	vadd.f32 v59, v14;
	v30 =	vperm.xlane v6, v2  }
0x341: {  	v42 =	vperm.xlane v3, v2;
	v5 =	vadd.f32 v61, v5;
	v20 =	vadd.f32 v63, v20  }
0x342: {  	v21 =	vsel vm0, v33, v29;
	v24 =	vadd.f32 v32, v24;
	v26 =	vadd.f32 v26, v28  }
0x343: {  	v28 =	vperm.xlane v17, v2;
	v59 =	vsel vm0, v15, v12;
	v7 =	vadd.f32 v27, v7  }
0x344: {  	v27 =	vperm.xlane v23, v2;
	v16 =	vadd.f32 v31, v16;
	v19 =	vadd.f32 v43, v19  }
0x345: {  	v31 =	vperm.xlane v8, v2;
	v43 =	vperm.xlane v25, v2;
	v1 =	vadd.f32 v57, v1  }
0x346: {  	v0 =	vadd.f32 v0, v18;
	v4 =	vadd.f32 v40, v4;
	v10 =	vsel vm0, v10, v14  }
0x347: {  	v6 =	vadd.f32 v30, v6;
	v15 =	vsel vm1, v20, v21;
	v3 =	vadd.f32 v42, v3  }
0x348: {  	v13 =	vsel vm0, v26, v13;
	v61 =	vadd.f32 v28, v17;
	v10 =	vsel vm1, v24, v10  }
0x349: {  	v7 =	vsel vm0, v7, v11;
	v5 =	vsel vm0, v16, v5;
	v9 =	vsel vm1, v19, v9  }
0x34a: {  	v19 =	vimm.s32 $0x4;
	v62 =	vadd.f32 v27, v23;
	v8 =	vadd.f32 v31, v8  }
0x34b: {  	v1 =	vsel vm1, v1, v13;
	v63 =	vadd.f32 v43, v25;
	v0 =	vsel vm1, v0, v59  }
0x34c: {  	v3 =	vsel vm2, v3, v10;
	v7 =	vsel vm1, v22, v7;
	v22 =	vimm.s32 $0x8  }
0x34d: {  	v4 =	vsel vm1, v4, v5;
	v12 =	vsel vm2, v60, v9;
	v2 =	vsel vm2, v61, v15  }
0x34e: {  	v30 =	vmovc v46;
	v35 =	vperm.xlane v3, v44;
	v46 =	vperm.xlane v56, v19;
	v1 =	vsel vm2, v62, v1  }
0x34f: {  	v23 =	vld [tilespmem:$0x1FFB0];
	v6 =	vsel vm2, v6, v7;
	v0 =	vsel vm2, v8, v0;
	v14 =	vperm.xlane v12, v44  }
0x350: {  	v31 =	vmovc v47;
	v32 =	vperm.xlane v2, v44;
	v4 =	vsel vm2, v63, v4;
	v47 =	vperm.xlane v56, v22  }
0x351: {  	v58 =	vld [tilespmem:$0x1FC00];
	v33 =	vperm.xlane v1, v44;
	v34 =	vperm.xlane v6, v44;
	v3 =	vadd.f32 v3, v35  }
0x352: {  	v59 =	vld [tilespmem:$0x1FA50];
	v36 =	vperm.xlane v0, v44;
	v5 =	vadd.f32 v12, v14;
	v2 =	vadd.f32 v2, v32  }
0x353: {  	v10 =	vld [tilespmem:$0x1FAA0];
	v37 =	vperm.xlane v4, v44;
	v1 =	vadd.f32 v1, v33;
	v6 =	vadd.f32 v6, v34  }
0x354: {  	v11 =	vld [tilespmem:$0x1FAB0];
	v0 =	vadd.f32 v0, v36;
	v42 =	vperm.xlane v3, v45;
	v57 =	vperm.xlane v56, v23  }
0x355: {  	v61 =	vld [tilespmem:$0x1FA60];
	v4 =	vadd.f32 v4, v37;
	v38 =	vperm.xlane v5, v45;
	v39 =	vperm.xlane v2, v45  }
0x356: {  	v18 =	vimm.s32 $0x0;
	v9 =	vld [tilespmem:$0x1FC50];
	v40 =	vperm.xlane v1, v45;
	v41 =	vperm.xlane v6, v45  }
0x357: {  	v62 =	vld [tilespmem:$0x1FA70];
	v43 =	vperm.xlane v0, v45;
	v44 =	vperm.xlane v4, v45;
	v5 =	vadd.f32 v5, v38  }
0x358: {  	v63 =	vld [tilespmem:$0x1FA80];
	v3 =	vadd.f32 v3, v42;
	v45 =	vperm.xlane v56, v18;
	v2 =	vadd.f32 v2, v39  }
0x359: {  	v34 =	vld [tilespmem:$0x1FB00];
	v1 =	vadd.f32 v1, v40;
	v6 =	vadd.f32 v6, v41;
	v5 =	vmul.f32 $1.442695020e+00, v5  }
0x35a: {  	v35 =	vld [tilespmem:$0x1FB10];
	v0 =	vadd.f32 v0, v43;
	v3 =	vmul.f32 $1.442695020e+00, v3;
	v2 =	vmul.f32 $1.442695020e+00, v2  }
0x35b: {  	v8 =	vld [tilespmem:$0x1FA90];
	v4 =	vadd.f32 v4, v44;
	v1 =	vmul.f32 $1.442695020e+00, v1;
	(erf) = vpow2.f32 v5  }
0x35c: {  	v12 =	vld [tilespmem:$0x1FAC0];
	v6 =	vmul.f32 $1.442695020e+00, v6;
	v0 =	vmul.f32 $1.442695020e+00, v0  }
0x35d: {  	v14 =	vld [tilespmem:$0x1FAD0];
	v4 =	vmul.f32 $1.442695020e+00, v4;
	(erf) = vpow2.f32 v2  }
0x35e: {  	v32 =	vld [tilespmem:$0x1FAE0];
	v5 =	vmul.f32 v46, v34;
	(erf) = vpow2.f32 v1  }
0x35f: {  	v33 =	vld [tilespmem:$0x1FAF0];
	v2 =	vmul.f32 v47, v35;
	(erf) = vpow2.f32 v6  }
0x360: {  	(erf) = vpow2.f32 v3;
	v3 =	vmul.f32 v59, v58  }
0x361: {  	(erf) = vpow2.f32 v0;
	v0 =	vmul.f32 v61, v62  }
0x362: {  	v6 =	vmul.f32 v45, v14;
	[tilespmem:s20+$0x70] =	vst v3;
	v3 =	vmul.f32 v8, v63  }
0x363: {  	(erf) = vpow2.f32 v4;
	v4 =	vmul.f32 v12, v11;
	[tilespmem:s20+$0x80] =	vst v0  }
0x364: {  	v0 =	vmul.f32 v10, v9;
	[tilespmem:s20+$0xA0] =	vst v3;
	v3 =	vmul.f32 v32, v33;
	v36 =	vpop (erf)  }
0x365: {  	v37 =	vperm.xlane v36, v18;
	v8 =	vperm.xlane v36, v19  }
0x366: {  	v38 =	vpop (erf);
	v39 =	vperm.xlane v36, v22;
	v10 =	vperm.xlane v36, v48  }
0x367: {  	v13 =	vmov v54;
	[tilespmem:s20+$0xD0] =	vst v3;
	v7 =	vperm.xlane v36, v23;
	v3 =	vperm.xlane v38, v18  }
0x368: {  	[tilespmem:$0x1FC50] =	vst v13;
	v12 =	vperm.xlane v38, v19;
	v13 =	vperm.xlane v38, v22  }
0x369: {  	v46 =	vpop (erf);
	v32 =	vperm.xlane v38, v48;
	v9 =	vperm.xlane v38, v23  }
0x36a: {  	v60 =	vmov v53;
	v40 =	vld [tilespmem:$0x1FB50];
	v15 =	vperm.xlane v46, v18;
	v59 =	vperm.xlane v46, v19  }
0x36b: {  	[tilespmem:$0x1FC00] =	vst v60;
	v1 =	vnsel vm2, $0x0, v57;
	v60 =	vperm.xlane v46, v22;
	v57 =	vperm.xlane v46, v48  }
0x36c: {  	[tilespmem:s20+$0xB0] =	vst v0;
	v47 =	vpop (erf);
	v11 =	vperm.xlane v46, v23;
	v0 =	vmul.f32 v37, v49  }
0x36d: {  	v20 =	vmov v55;
	v63 =	vld [tilespmem:$0x1FB90];
	v58 =	vperm.xlane v47, v18;
	v55 =	vperm.xlane v47, v19  }
0x36e: {  	v56 =	vperm.xlane v47, v22;
	v53 =	vperm.xlane v47, v48  }
0x36f: {  	[tilespmem:s21+$0xF0] =	vst v6;
	v38 =	vld [tilespmem:$0x1FB30];
	v33 =	vpop (erf);
	v6 =	vperm.xlane v47, v23;
	v61 =	vmul.f32 v3, v40  }
0x370: {  	v25 =	vmov v50;
	v54 =	vperm.xlane v33, v18;
	v50 =	vperm.xlane v33, v19  }
0x371: {  	v28 =	vmovc v52;
	v27 =	vmov v51;
	v41 =	vld [tilespmem:$0x1FB60];
	v52 =	vperm.xlane v33, v22;
	v51 =	vperm.xlane v33, v48  }
0x372: {  	[tilespmem:s21+$0x100] =	vst v5;
	v45 =	vld [tilespmem:$0x1FB70];
	v34 =	vpop (erf);
	v5 =	vperm.xlane v33, v23;
	v40 =	vmul.f32 v15, v63  }
0x373: {  	[tilespmem:s21+$0x110] =	vst v2;
	v37 =	vld [tilespmem:$0x1FB20];
	v42 =	vperm.xlane v34, v18;
	v43 =	vperm.xlane v34, v19  }
0x374: {  	s23 =	sadd.s32 $0x8, s23;
	[tilespmem:s20+$0xC0] =	vst v4;
	v26 =	vperm.xlane v34, v22;
	v4 =	vmul.f32 v39, v38;
	v39 =	vld [tilespmem:$0x1FB40]  }
0x375: {  	p2 =	slt.u32 s23, $0x78;
	[tilespmem:s21+$0x130] =	vst v1;
	v7 =	vnsel vm2, $0x0, v7;
	v47 =	vld [tilespmem:$0x1FB80];
	v35 =	vpop (erf);
	v24 =	vperm.xlane v34, v48;
	v2 =	vperm.xlane v34, v23  }
.Ltmp3:
0x376: {  	[tilespmem:s21+$0xFFFFFF00] =	vst v7;
	v36 =	vnsel vm2, $0x0, v9;
	v17 =	vperm.xlane v35, v18;
	v16 =	vperm.xlane v35, v19;
	(pc) =	sbr.rel @p2 .LBB2_5-.Ltmp3, $4  }
0x377: {  	[tilespmem:s21+$0xFFFFFF50] =	vst v36;
	v46 =	vnsel vm2, $0x0, v11;
	v29 =	vperm.xlane v35, v22;
	v21 =	vperm.xlane v35, v48  }
0x378: {  	[tilespmem:s21+$0xFFFFFEC0] =	vst v0;
	v49 =	vnsel vm2, $0x0, v6;
	v44 =	vperm.xlane v35, v23;
	v1 =	vmul.f32 v8, v37  }
0x379: {  	v38 =	vmul.f32 v13, v45;
	v48 =	vnsel vm2, $0x0, v5;
	[tilespmem:s21+$0xFFFFFEE0] =	vst v4;
	v62 =	vmul.f32 v10, v39  }
0x37a: {  	s22 =	sadd.s32 $0x100, s22;
	s20 =	smov.u32 s21;
	v45 =	vnsel vm2, $0x0, v2;
	[tilespmem:s21+$0xFFFFFED0] =	vst v1;
	v39 =	vmul.f32 v12, v41;
	v41 =	vmul.f32 v32, v47  }
0x37b: {  	[tilespmem:s21+$0xFFFFFEF0] =	vst v62  }
0x37c: {  	[tilespmem:s21+$0xFFFFFF10] =	vst v61  }
0x37d: {  	[tilespmem:s21+$0xFFFFFF30] =	vst v38  }
0x37e: {  	[tilespmem:s21+$0xFFFFFF20] =	vst v39  }
0x37f: {  	v0 =	vld [tilespmem:$0x1FC10];
	_ =	sdelay $0x4  }
0x380: {  	[tilespmem:s21+$0xFFFFFF40] =	vst v41;
	v0 =	vmul.f32 v59, v0  }
0x381: {  	v1 =	vld [tilespmem:$0x1FBA0];
	[tilespmem:s21+$0xFFFFFF60] =	vst v40  }
0x382: {  	v2 =	vld [tilespmem:$0x1FBB0];
	[tilespmem:s21+$0xFFFFFF70] =	vst v0  }
0x383: {  	v0 =	vld [tilespmem:$0x1FC60];
	_ =	sdelay $0x2  }
0x384: {  	v1 =	vmul.f32 v60, v1  }
0x385: {  	v2 =	vmul.f32 v57, v2  }
0x386: {  	[tilespmem:s21+$0xFFFFFF80] =	vst v1;
	v0 =	vmul.f32 v58, v0  }
0x387: {  	v1 =	vld [tilespmem:$0x1FC20];
	[tilespmem:s21+$0xFFFFFF90] =	vst v2  }
0x388: {  	v2 =	vld [tilespmem:$0x1FBC0];
	[tilespmem:s21+$0xFFFFFFB0] =	vst v0  }
0x389: {  	v0 =	vld [tilespmem:$0x1FBD0];
	_ =	sdelay $0x2  }
0x38a: {  	v1 =	vmul.f32 v55, v1  }
0x38b: {  	v2 =	vmul.f32 v56, v2  }
0x38c: {  	[tilespmem:s21+$0xFFFFFFC0] =	vst v1;
	v0 =	vmul.f32 v53, v0  }
0x38d: {  	[tilespmem:s21+$0xFFFFFFD0] =	vst v2  }
0x38e: {  	v47 =	vmul.f32 v54, v30;
	v2 =	vld [tilespmem:$0x1FC30];
	[tilespmem:s21+$0xFFFFFFE0] =	vst v0  }
0x38f: {  	v0 =	vld [tilespmem:$0x1FBE0]  }
0x390: {  	[tilespmem:s21+$0x0] =	vst v47  }
0x391: {  	v1 =	vld [tilespmem:$0x1FBF0];
	_ =	sdelay $0x1  }
0x392: {  	v2 =	vmul.f32 v50, v2  }
0x393: {  	v0 =	vmul.f32 v52, v0  }
0x394: {  	[tilespmem:s21+$0x10] =	vst v2  }
0x395: {  	v1 =	vmul.f32 v51, v1;
	[tilespmem:s21+$0x20] =	vst v0  }
0x396: {  	v53 =	vmul.f32 v42, v31;
	v0 =	vld [tilespmem:$0x1FC40]  }
0x397: {  	[tilespmem:s21+$0x30] =	vst v1  }
0x398: {  	[tilespmem:s21+$0x50] =	vst v53  }
0x399: {  	[tilespmem:s21+$0xFFFFFFA0] =	vst v46  }
0x39a: {  	[tilespmem:s21+$0xFFFFFFF0] =	vst v49  }
0x39b: {  	[tilespmem:s21+$0x40] =	vst v48;
	v0 =	vmul.f32 v43, v0  }
0x39c: {  	[tilespmem:s21+$0x90] =	vst v45  }
0x39d: {  	[tilespmem:s21+$0x60] =	vst v0  }
0x39e: {  	v1 =	vld [tilespmem:$0x1FC00];
	_ =	sdelay $0x3  }
0x39f: {  	v54 =	vnsel vm2, $0x0, v44;
	v55 =	vmul.f32 v24, v27  }
0x3a0: {  	[tilespmem:s21+$0xE0] =	vst v54;
	v1 =	vmul.f32 v26, v1  }
0x3a1: {  	[tilespmem:s20+$0x80] =	vst v55  }
0x3a2: {  	[tilespmem:s20+$0x70] =	vst v1  }
0x3a3: {  	v0 =	vld [tilespmem:$0x1FC50];
	_ =	sdelay $0x1  }
0x3a4: {  	v56 =	vmul.f32 v17, v20  }
0x3a5: {  	v57 =	vmul.f32 v29, v28  }
0x3a6: {  	v58 =	vmul.f32 v21, v25;
	[tilespmem:s20+$0xA0] =	vst v56  }
0x3a7: {  	[tilespmem:s20+$0xC0] =	vst v57;
	v0 =	vmul.f32 v16, v0  }
0x3a8: {  	s13 =	sadd.s32 @!p1 s13, s17;
	[tilespmem:s20+$0xD0] =	vst v58  }
0x3a9: {  	s13 =	sshrl.u32 @!p1 s13, $0x3;
	[tilespmem:s20+$0xB0] =	vst v0  }
0x3aa: {  	[spmem:s3] =	stream.indirect.scatter.add.f32 [tilespmem:s12], [sflag:$0x5], $0x50, s2, s25, $0xb8;
	[tilespmem:$0x1A4C0] =	vst v63  }
0x3ab: {  	s15 =	sadd.s32 @!p1 s1, s13;
	s21 =	simm.s32 @!p1 $0x4980;
	s20 =	simm.s32 @!p1 $0x0  }
0x3ac: {  	[tilespmem:s21], [sflag:$0x7] =	stream.linear.gather @!p1 [hbm4b:s15+s20], $0x80, $0x38;
	[tilespmem:$0x1A4C0] =	vst v63  }
0x3ad: {  	s13 =	sadd.s32 @!p1 s5, s13;
	s15 =	simm.s32 @!p1 $0x4A00  }
0x3ae: {  	[tilespmem:s15], [sflag:$0x7] =	stream.linear.gather @!p1 [hbm4b:s13+s20], $0x80, $0x38;
	[tilespmem:$0x1A4C0] =	vst v63  }
0x3af: {  	s22 =	simm.s32 @!p1 $0x4A80  }
0x3b0: {  	[tilespmem:s22], [sflag:$0x7] =	stream.linear.gather @!p1 [hbm4b:s13+s20], $0x80, $0x38;
	[tilespmem:$0x1A4C0] =	vst v63  }
0x3b1: {  	s13 =	simm.s32 @!p1 $0x7  }
0x3b2: {  	_ =	swait.ge @!p1 [sflag:s13], $0x80  }
0x3b3: {  	[sflag:s13] =	ssyncset.done @!p1 $0x0  }
0x3b4: {  	[sflag:s13] =	ssyncadd.s32 @!p1 $0xFFFFFF80  }
0x3b5: {  	_ =	swait.ge @!p1 [sflag:s13], $0x80  }
0x3b6: {  	[sflag:s13] =	ssyncset.done @!p1 $0x0  }
0x3b7: {  	[sflag:s13] =	ssyncadd.s32 @!p1 $0xFFFFFF80  }
0x3b8: {  	_ =	swait.ge @!p1 [sflag:s13], $0x80  }
0x3b9: {  	[sflag:s13] =	ssyncset.done @!p1 $0x0  }
0x3ba: {  	s20 =	simm.s32 @!p1 $0x4B00;
	[sflag:s13] =	ssyncadd.s32 @!p1 $0xFFFFFF80;
	s13 =	simm.s32 @!p1 $0x80  }
0x3bb: {  	[tilespmem:s20], [sflag:$0x2] =	stream.indirect.gather @!p1 [hbm4b:s6+s13], $0x20, s21, s13, $0xb8;
	[tilespmem:$0x1A4C0] =	vst v63  }
0x3bc: {  	s20 =	simm.s32 @!p1 $0x5B00  }
0x3bd: {  	[tilespmem:s20], [sflag:$0x2] =	stream.indirect.gather @!p1 [hbm4b:s7+s13], $0x20, s15, s13, $0xb8;
	[tilespmem:$0x1A4C0] =	vst v63  }
0x3be: {  	_ =	swait.ge [sflag:s14], $0x1000  }
0x3bf: {  	[sflag:s14] =	ssyncset.done $0x0  }
0x3c0: {  	[sflag:s14] =	ssyncadd.s32 $0xFFFFF000  }
0x3c1: {  	_ =	swait.ge [sflag:s14], $0x1000  }
0x3c2: {  	[sflag:s14] =	ssyncset.done $0x0  }
0x3c3: {  	s13 =	simm.s32 @!p0 $0x6;
	[sflag:s14] =	ssyncadd.s32 $0xFFFFF000  }
0x3c4: {  	_ =	swait.ge @!p0 [sflag:s13], $0x2800  }
0x3c5: {  	v17 =	vld [tilespmem:$0x1FF90]  }
0x3c6: {  	[sflag:s13] =	ssyncset.done @!p0 $0x0;
	v26 =	vld [tilespmem:$0x1FFA0]  }
0x3c7: {  	s23 =	simm.s32 $0x9500;
	v39 =	vld [tilespmem:$0x1FF70];
	[sflag:s13] =	ssyncadd.s32 @!p0 $0xFFFFD800  }
0x3c8: {  	s13 =	simm.s32 $0xA500;
	v59 =	vld [tilespmem:s23+$0x60]  }
0x3c9: {  	v60 =	vld [tilespmem:s13+$0x60]  }
0x3ca: {  	v61 =	vld [tilespmem:s23+$0x70]  }
0x3cb: {  	v3 =	vld [tilespmem:s13+$0x70]  }
0x3cc: {  	v5 =	vld [tilespmem:s23+$0xFFFFFF90]  }
0x3cd: {  	v9 =	vld [tilespmem:s13+$0xFFFFFF90]  }
0x3ce: {  	v11 =	vld [tilespmem:s23+$0xFFFFFFB0]  }
0x3cf: {  	v63 =	vld [tilespmem:s13+$0xFFFFFFB0];
	v34 =	vunpack.i.l.bf16.f32 v59;
	v4 =	vunpack.i.l.bf16.f32 v60;
	v35 =	vunpack.i.u.bf16.f32 v59  }
0x3d0: {  	v33 =	vld [tilespmem:s23+$0xFFFFFFD0];
	v32 =	vunpack.i.u.bf16.f32 v61;
	v36 =	vunpack.i.l.bf16.f32 v61;
	v62 =	vunpack.i.u.bf16.f32 v3  }
0x3d1: {  	v41 =	vld [tilespmem:$0x1FF80];
	v3 =	vunpack.i.l.bf16.f32 v3;
	v1 =	vunpack.i.u.bf16.f32 v60;
	v42 =	vunpack.i.u.bf16.f32 v5  }
0x3d2: {  	v29 =	vld [tilespmem:$0x1FFD0];
	v37 =	vunpack.i.l.bf16.f32 v5;
	v0 =	vunpack.i.u.bf16.f32 v9;
	v9 =	vunpack.i.l.bf16.f32 v9  }
0x3d3: {  	v24 =	vld [tilespmem:$0x1FFC0];
	v48 =	vunpack.i.u.bf16.f32 v11;
	v38 =	vunpack.i.l.bf16.f32 v11;
	v4 =	vadd.f32 v4, v34;
	[tilespmem:$0x1FA30] =	vst v42  }
0x3d4: {  	v21 =	vunpack.i.u.bf16.f32 v63;
	v3 =	vadd.f32 v3, v36;
	v2 =	vadd.f32 v62, v32;
	v43 =	vld [tilespmem:s13+$0xFFFFFFD0]  }
0x3d5: {  	v49 =	vunpack.i.u.bf16.f32 v33;
	v1 =	vadd.f32 v1, v35;
	v12 =	vld [tilespmem:s23+$0xFFFFFFF0];
	v6 =	vmul.f32 $2.000000030e-01, v4  }
0x3d6: {  	v33 =	vunpack.i.l.bf16.f32 v33;
	v14 =	vld [tilespmem:s13+$0xFFFFFFF0];
	v7 =	vmul.f32 $2.000000030e-01, v3;
	v8 =	vmul.f32 $2.000000030e-01, v2  }
0x3d7: {  	v9 =	vadd.f32 v9, v37;
	v21 =	vadd.f32 v21, v48;
	v46 =	vld [tilespmem:s23+$0x10];
	[tilespmem:$0x1FA40] =	vst v48;
	v10 =	vmul.f32 $2.000000030e-01, v1  }
0x3d8: {  	v47 =	vld [tilespmem:s13+$0x10];
	v4 =	vmax.f32 v4, v6;
	v3 =	vmax.f32 v3, v7;
	v2 =	vmax.f32 v2, v8  }
0x3d9: {  	v25 =	vld [tilespmem:s13+$0x30];
	v1 =	vmax.f32 v1, v10;
	v3 =	vmul.f32 v3, v17;
	v2 =	vmul.f32 v2, v26  }
0x3da: {  	v61 =	vld [tilespmem:s23+$0x50];
	v6 =	vunpack.i.l.bf16.f32 v63;
	v4 =	vmul.f32 v4, v39;
	v1 =	vmul.f32 v1, v41  }
0x3db: {  	v30 =	vld [tilespmem:s13+$0xFFFFFFC0];
	v6 =	vadd.f32 v6, v38;
	v8 =	vunpack.i.l.bf16.f32 v43;
	v52 =	vunpack.i.u.bf16.f32 v12  }
0x3dc: {  	v31 =	vld [tilespmem:s23+$0xFFFFFFE0];
	v50 =	vunpack.i.l.bf16.f32 v12;
	v12 =	vunpack.i.u.bf16.f32 v14;
	v27 =	vunpack.i.l.bf16.f32 v14  }
0x3dd: {  	v11 =	vld [tilespmem:s13+$0x0];
	v54 =	vunpack.i.u.bf16.f32 v46;
	v44 =	vperm.xlane v3, v29;
	v45 =	vperm.xlane v2, v29  }
0x3de: {  	v7 =	vld [tilespmem:s13+$0x50];
	v13 =	vperm.xlane v1, v29;
	v15 =	vperm.xlane v4, v29;
	v57 =	vunpack.i.u.bf16.f32 v47  }
0x3df: {  	v14 =	vld [tilespmem:$0x1FFE0];
	v10 =	vunpack.i.l.bf16.f32 v47;
	v47 =	vadd.f32 v0, v42;
	v8 =	vadd.f32 v8, v33  }
0x3e0: {  	v63 =	vunpack.i.l.bf16.f32 v46;
	v46 =	vld [tilespmem:s23+$0x0];
	v3 =	vadd.f32 v44, v3;
	v2 =	vadd.f32 v45, v2  }
0x3e1: {  	v28 =	vunpack.i.u.bf16.f32 v25;
	v42 =	vld [tilespmem:s23+$0xFFFFFF80];
	v1 =	vadd.f32 v13, v1;
	v4 =	vadd.f32 v15, v4  }
0x3e2: {  	v12 =	vadd.f32 v12, v52;
	v15 =	vld [tilespmem:s23+$0x30];
	v59 =	vperm.xlane v3, v24;
	v60 =	vperm.xlane v2, v24  }
0x3e3: {  	v10 =	vadd.f32 v10, v63;
	v44 =	vld [tilespmem:s13+$0xFFFFFFE0];
	v16 =	vperm.xlane v1, v24;
	v20 =	vperm.xlane v4, v24  }
0x3e4: {  	v25 =	vunpack.i.l.bf16.f32 v25;
	v13 =	vld [tilespmem:$0x1FFF0];
	v3 =	vadd.f32 v59, v3;
	v2 =	vadd.f32 v60, v2  }
0x3e5: {  	v40 =	vunpack.i.u.bf16.f32 v30;
	v1 =	vadd.f32 v16, v1;
	v4 =	vadd.f32 v20, v4;
	v20 =	vld [tilespmem:s23+$0xFFFFFFC0]  }
0x3e6: {  	v5 =	vadd.f32 v57, v54;
	v57 =	vunpack.i.u.bf16.f32 v11;
	v2 =	vsel vm0, v3, v2;
	v3 =	vld [tilespmem:s13+$0xFFFFFF80]  }
0x3e7: {  	v11 =	vunpack.i.l.bf16.f32 v11;
	v16 =	vunpack.i.u.bf16.f32 v43;
	v1 =	vsel vm1, v1, v2;
	v2 =	vld [tilespmem:s23+$0xFFFFFFA0]  }
0x3e8: {  	v60 =	vunpack.i.l.bf16.f32 v61;
	v58 =	vunpack.i.u.bf16.f32 v15;
	v1 =	vsel vm2, v4, v1;
	v4 =	vld [tilespmem:s13+$0xFFFFFFA0];
	[tilespmem:$0x1F960] =	vst v33  }
0x3e9: {  	v59 =	vunpack.i.l.bf16.f32 v15;
	v15 =	vunpack.i.u.bf16.f32 v61;
	v56 =	vunpack.i.u.bf16.f32 v44;
	v48 =	vld [tilespmem:s23+$0x20];
	[tilespmem:$0x1F970] =	vst v49  }
0x3ea: {  	v44 =	vunpack.i.l.bf16.f32 v44;
	v53 =	vadd.f32 v25, v59;
	v62 =	vperm.xlane v1, v14;
	[tilespmem:$0x1F980] =	vst v50  }
0x3eb: {  	v49 =	vadd.f32 v16, v49;
	v50 =	vadd.f32 v27, v50;
	v16 =	vunpack.i.u.bf16.f32 v42;
	v51 =	vld [tilespmem:s13+$0x20];
	[tilespmem:$0x1F990] =	vst v52  }
0x3ec: {  	v27 =	vmovc v58;
	[tilespmem:$0x1F9A0] =	vst v63;
	v63 =	vunpack.i.u.bf16.f32 v31;
	v1 =	vadd.f32 v1, v62;
	v62 =	vunpack.i.u.bf16.f32 v7  }
0x3ed: {  	v7 =	vunpack.i.l.bf16.f32 v7;
	v43 =	vunpack.i.u.bf16.f32 v3;
	v52 =	vld [tilespmem:s23+$0x40];
	[tilespmem:$0x1F9B0] =	vst v54;
	v54 =	vadd.f32 v28, v27  }
0x3ee: {  	v56 =	vadd.f32 v56, v63;
	v3 =	vunpack.i.l.bf16.f32 v3;
	v61 =	vperm.xlane v1, v13  }
0x3ef: {  	v33 =	vunpack.i.u.bf16.f32 v2;
	v7 =	vadd.f32 v7, v60;
	v55 =	vadd.f32 v62, v15  }
0x3f0: {  	[tilespmem:$0x1F9C0] =	vst v59;
	v62 =	vunpack.i.u.bf16.f32 v46;
	v59 =	vadd.f32 v43, v16;
	v1 =	vadd.f32 v1, v61  }
0x3f1: {  	v43 =	vunpack.i.l.bf16.f32 v42;
	v42 =	vunpack.i.l.bf16.f32 v2;
	v45 =	vunpack.i.u.bf16.f32 v4  }
0x3f2: {  	v57 =	vadd.f32 v57, v62;
	v2 =	vunpack.i.l.bf16.f32 v4;
	v1 =	vmul.f32 $1.442695020e+00, v1  }
0x3f3: {  	v25 =	vmovc v15;
	v28 =	vmovc v60;
	v3 =	vadd.f32 v3, v43;
	v15 =	vunpack.i.u.bf16.f32 v48;
	v60 =	vadd.f32 v45, v33  }
0x3f4: {  	v2 =	vadd.f32 v2, v42;
	v61 =	vunpack.i.u.bf16.f32 v20;
	(erf) = vpow2.f32 v1;
	v1 =	vld [tilespmem:s13+$0x40]  }
0x3f5: {  	v58 =	vunpack.i.u.bf16.f32 v51;
	v51 =	vunpack.i.l.bf16.f32 v51;
	[tilespmem:$0x1F9E0] =	vst v63;
	v63 =	vmul.f32 $2.000000030e-01, v9  }
0x3f6: {  	v0 =	vunpack.i.u.bf16.f32 v52;
	v58 =	vadd.f32 v58, v15;
	[tilespmem:$0x1F9D0] =	vst v61;
	v61 =	vadd.f32 v40, v61  }
0x3f7: {  	[tilespmem:$0x1F9F0] =	vst v62;
	v40 =	vunpack.i.l.bf16.f32 v20;
	v9 =	vmax.f32 v9, v63;
	v63 =	vmul.f32 $2.000000030e-01, v8  }
0x3f8: {  	[tilespmem:$0x1FA00] =	vst v15;
	v62 =	vunpack.i.l.bf16.f32 v30;
	v20 =	vunpack.i.l.bf16.f32 v31;
	v15 =	vimm.s32 $0xC  }
0x3f9: {  	v8 =	vmax.f32 v8, v63;
	v63 =	vmul.f32 $2.000000030e-01, v12;
	v45 =	vunpack.i.u.bf16.f32 v1  }
0x3fa: {  	v30 =	vunpack.i.l.bf16.f32 v46;
	v9 =	vmul.f32 v9, v17;
	v4 =	vadd.f32 v45, v0  }
0x3fb: {  	[tilespmem:$0x1FA10] =	vst v0;
	v0 =	vmul.f32 $2.000000030e-01, v47;
	v12 =	vmax.f32 v12, v63;
	v63 =	vmul.f32 $2.000000030e-01, v53  }
0x3fc: {  	v62 =	vadd.f32 v62, v40;
	v8 =	vmul.f32 v8, v17;
	v12 =	vmul.f32 v12, v26  }
0x3fd: {  	v0 =	vmax.f32 v47, v0;
	v47 =	vmax.f32 v53, v63;
	v63 =	vmul.f32 $2.000000030e-01, v55;
	v45 =	vpop (erf)  }
0x3fe: {  	v44 =	vadd.f32 v44, v20;
	v47 =	vmul.f32 v47, v17;
	v31 =	vperm.xlane v45, v15  }
0x3ff: {  	v53 =	vmax.f32 v55, v63;
	v55 =	vmul.f32 $2.000000030e-01, v61;
	v63 =	vmul.f32 $2.000000030e-01, v62  }
0x400: {  	[tilespmem:$0x1FA20] =	vst v20;
	v20 =	vunpack.i.l.bf16.f32 v52;
	v46 =	vmul.f32 v31, v32;
	v31 =	vmul.f32 $2.000000030e-01, v6  }
0x401: {  	v53 =	vmul.f32 v53, v26;
	v32 =	vmul.f32 $2.000000030e-01, v21;
	v55 =	vmax.f32 v61, v55  }
0x402: {  	v61 =	vmul.f32 $2.000000030e-01, v58;
	v55 =	vmul.f32 v55, v41;
	v6 =	vmax.f32 v6, v31  }
0x403: {  	v31 =	vmul.f32 $2.000000030e-01, v49;
	v21 =	vmax.f32 v21, v32;
	v32 =	vmul.f32 $2.000000030e-01, v50  }
0x404: {  	v58 =	vmax.f32 v58, v61;
	v61 =	vmul.f32 $2.000000030e-01, v2;
	v6 =	vmul.f32 v6, v17  }
0x405: {  	v11 =	vadd.f32 v11, v30;
	v21 =	vmul.f32 v21, v26;
	v58 =	vmul.f32 v58, v41  }
0x406: {  	v49 =	vmax.f32 v49, v31;
	v31 =	vmul.f32 $2.000000030e-01, v10;
	v32 =	vmax.f32 v50, v32  }
0x407: {  	v50 =	vmul.f32 $2.000000030e-01, v5;
	v2 =	vmax.f32 v2, v61;
	v49 =	vmul.f32 v49, v26  }
0x408: {  	v32 =	vmul.f32 v32, v17;
	v10 =	vmax.f32 v10, v31;
	v31 =	vmul.f32 $2.000000030e-01, v54  }
0x409: {  	v2 =	vmul.f32 v2, v39;
	v5 =	vmax.f32 v5, v50;
	v50 =	vmul.f32 $2.000000030e-01, v7  }
0x40a: {  	v10 =	vmul.f32 v10, v17;
	v5 =	vmul.f32 v5, v26;
	v54 =	vmax.f32 v54, v31  }
0x40b: {  	v31 =	vmul.f32 $2.000000030e-01, v59;
	v7 =	vmax.f32 v7, v50;
	v50 =	vmul.f32 $2.000000030e-01, v60  }
0x40c: {  	v1 =	vunpack.i.l.bf16.f32 v1;
	v52 =	vmul.f32 v54, v26;
	v7 =	vmul.f32 v7, v17  }
0x40d: {  	v54 =	vmul.f32 $2.000000030e-01, v11;
	v59 =	vmax.f32 v59, v31;
	v31 =	vmul.f32 $2.000000030e-01, v56  }
0x40e: {  	v50 =	vmax.f32 v60, v50;
	v60 =	vmul.f32 $2.000000030e-01, v57;
	v59 =	vmul.f32 v59, v41  }
0x40f: {  	v50 =	vmul.f32 v50, v41;
	v11 =	vmax.f32 v11, v54;
	v56 =	vmax.f32 v56, v31  }
0x410: {  	v31 =	vmul.f32 $2.000000030e-01, v4;
	v57 =	vmax.f32 v57, v60;
	v60 =	vmul.f32 $2.000000030e-01, v3  }
0x411: {  	v1 =	vadd.f32 v1, v20;
	v11 =	vmul.f32 v11, v39;
	v54 =	vmul.f32 v56, v41  }
0x412: {  	v56 =	vmul.f32 v57, v41;
	v57 =	vperm.xlane v9, v29;
	v4 =	vmax.f32 v4, v31  }
0x413: {  	v3 =	vmax.f32 v3, v60;
	v60 =	vmul.f32 $2.000000030e-01, v44;
	v31 =	vunpack.i.l.bf16.f32 v48  }
0x414: {  	v48 =	vmul.f32 v0, v26;
	v0 =	vmul.f32 $2.000000030e-01, v1;
	v51 =	vadd.f32 v51, v31  }
0x415: {  	v9 =	vadd.f32 v57, v9;
	v57 =	vperm.xlane v21, v29;
	v4 =	vmul.f32 v4, v41  }
0x416: {  	v41 =	vperm.xlane v12, v29;
	v3 =	vmul.f32 v3, v39;
	v44 =	vmax.f32 v44, v60  }
0x417: {  	v60 =	vperm.xlane v48, v29;
	v1 =	vmax.f32 v1, v0;
	v0 =	vperm.xlane v6, v29  }
0x418: {  	v61 =	vmul.f32 $2.000000030e-01, v51;
	v21 =	vadd.f32 v57, v21;
	v57 =	vperm.xlane v32, v29  }
0x419: {  	v12 =	vadd.f32 v41, v12;
	v41 =	vperm.xlane v52, v29;
	v44 =	vmul.f32 v44, v39  }
0x41a: {  	v1 =	vmul.f32 v1, v39;
	v48 =	vadd.f32 v60, v48;
	v60 =	vperm.xlane v8, v29  }
0x41b: {  	v6 =	vadd.f32 v0, v6;
	v0 =	vperm.xlane v49, v29;
	v51 =	vmax.f32 v51, v61  }
0x41c: {  	v32 =	vadd.f32 v57, v32;
	v57 =	vperm.xlane v5, v29;
	v61 =	vperm.xlane v7, v29  }
0x41d: {  	v52 =	vadd.f32 v41, v52;
	v41 =	vperm.xlane v59, v29;
	v8 =	vadd.f32 v60, v8  }
0x41e: {  	v49 =	vadd.f32 v0, v49;
	v0 =	vperm.xlane v10, v29;
	v60 =	vperm.xlane v47, v29  }
0x41f: {  	v62 =	vmax.f32 v62, v63;
	v51 =	vmul.f32 v51, v39;
	v63 =	vperm.xlane v6, v24  }
0x420: {  	v5 =	vadd.f32 v57, v5;
	v57 =	vperm.xlane v53, v29;
	v7 =	vadd.f32 v61, v7  }
0x421: {  	v59 =	vadd.f32 v41, v59;
	v41 =	vperm.xlane v54, v29;
	v61 =	vperm.xlane v44, v29  }
0x422: {  	v10 =	vadd.f32 v0, v10;
	v47 =	vadd.f32 v60, v47;
	v60 =	vmul.f32 v62, v39  }
0x423: {  	v0 =	vperm.xlane v50, v29;
	v39 =	vperm.xlane v11, v29;
	v6 =	vadd.f32 v63, v6  }
0x424: {  	v62 =	vperm.xlane v49, v24;
	v53 =	vadd.f32 v57, v53;
	v57 =	vperm.xlane v55, v29  }
0x425: {  	v54 =	vadd.f32 v41, v54;
	v41 =	vperm.xlane v4, v29;
	v44 =	vadd.f32 v61, v44  }
0x426: {  	v50 =	vadd.f32 v0, v50;
	v0 =	vperm.xlane v56, v29;
	v11 =	vadd.f32 v39, v11  }
0x427: {  	v39 =	vperm.xlane v9, v24;
	v49 =	vadd.f32 v62, v49;
	v62 =	vperm.xlane v52, v24  }
0x428: {  	v55 =	vadd.f32 v57, v55;
	v57 =	vperm.xlane v58, v29;
	v4 =	vadd.f32 v41, v4  }
0x429: {  	v41 =	vperm.xlane v60, v29;
	v56 =	vadd.f32 v0, v56;
	v0 =	vperm.xlane v3, v29  }
0x42a: {  	v9 =	vadd.f32 v39, v9;
	v39 =	vperm.xlane v21, v24;
	v52 =	vadd.f32 v62, v52  }
0x42b: {  	v62 =	vperm.xlane v44, v24;
	v63 =	vperm.xlane v11, v24;
	v57 =	vadd.f32 v57, v58  }
0x42c: {  	v58 =	vperm.xlane v2, v29;
	v60 =	vadd.f32 v41, v60;
	v41 =	vperm.xlane v51, v29  }
0x42d: {  	v3 =	vadd.f32 v0, v3;
	v0 =	vperm.xlane v1, v29;
	v21 =	vadd.f32 v39, v21  }
0x42e: {  	v39 =	vperm.xlane v12, v24;
	v44 =	vadd.f32 v62, v44;
	v11 =	vadd.f32 v63, v11  }
0x42f: {  	v2 =	vadd.f32 v58, v2;
	v51 =	vadd.f32 v41, v51;
	v41 =	vperm.xlane v48, v24  }
0x430: {  	v61 =	vperm.xlane v60, v24;
	v1 =	vadd.f32 v0, v1;
	v0 =	vperm.xlane v32, v24  }
0x431: {  	v12 =	vadd.f32 v39, v12;
	v39 =	vperm.xlane v47, v24;
	v6 =	vsel vm0, v6, v21  }
0x432: {  	v48 =	vadd.f32 v41, v48;
	v41 =	vperm.xlane v8, v24;
	v32 =	vadd.f32 v0, v32  }
0x433: {  	v0 =	vperm.xlane v5, v24;
	v47 =	vadd.f32 v39, v47;
	v39 =	vperm.xlane v59, v24  }
0x434: {  	v8 =	vadd.f32 v41, v8;
	v41 =	vperm.xlane v10, v24;
	v9 =	vsel vm0, v9, v48  }
0x435: {  	v48 =	vperm.xlane v45, v19;
	v5 =	vadd.f32 v0, v5;
	v0 =	vperm.xlane v53, v24  }
0x436: {  	v59 =	vadd.f32 v39, v59;
	v39 =	vperm.xlane v54, v24;
	v12 =	vsel vm0, v32, v12  }
0x437: {  	v58 =	vsel vm0, v47, v52;
	v32 =	vadd.f32 v61, v60;
	v47 =	vperm.xlane v45, v18  }
0x438: {  	v10 =	vadd.f32 v41, v10;
	v41 =	vperm.xlane v7, v24;
	v8 =	vsel vm0, v8, v49  }
0x439: {  	v53 =	vadd.f32 v0, v53;
	v0 =	vperm.xlane v55, v24;
	v21 =	vadd.f32 v39, v54  }
0x43a: {  	v39 =	vperm.xlane v4, v24;
	v7 =	vadd.f32 v41, v7;
	v41 =	vperm.xlane v50, v24  }
0x43b: {  	v9 =	vsel vm1, v59, v9;
	v5 =	vsel vm0, v10, v5;
	v55 =	vadd.f32 v0, v55  }
0x43c: {  	v0 =	vperm.xlane v57, v24;
	v50 =	vadd.f32 v41, v50;
	v41 =	vperm.xlane v56, v24  }
0x43d: {  	v4 =	vadd.f32 v39, v4;
	v39 =	vperm.xlane v1, v24;
	v12 =	vsel vm1, v21, v12  }
0x43e: {  	v7 =	vsel vm0, v7, v53;
	v54 =	vadd.f32 v41, v56;
	v41 =	vperm.xlane v3, v24  }
0x43f: {  	v49 =	vadd.f32 v0, v57;
	v57 =	vperm.xlane v2, v24;
	v0 =	vperm.xlane v51, v24  }
0x440: {  	v8 =	vsel vm1, v55, v8;
	v1 =	vadd.f32 v39, v1;
	v3 =	vadd.f32 v41, v3  }
0x441: {  	v4 =	vsel vm1, v4, v7;
	v6 =	vsel vm1, v50, v6;
	v50 =	vsel vm2, v32, v8  }
0x442: {  	v2 =	vadd.f32 v57, v2;
	v10 =	vsel vm1, v49, v58;
	v3 =	vsel vm2, v3, v9  }
0x443: {  	v1 =	vsel vm2, v1, v4;
	v49 =	vperm.xlane v45, v22;
	v9 =	vperm.xlane v3, v14  }
0x444: {  	v41 =	vadd.f32 v0, v51;
	v5 =	vsel vm1, v54, v5;
	v2 =	vsel vm2, v2, v6  }
0x445: {  	v51 =	vsel vm2, v44, v12;
	v53 =	vperm.xlane v2, v14;
	v3 =	vadd.f32 v3, v9  }
0x446: {  	v54 =	vperm.xlane v50, v14;
	v58 =	vperm.xlane v1, v14;
	v5 =	vsel vm2, v11, v5  }
0x447: {  	v55 =	vperm.xlane v51, v14;
	v2 =	vadd.f32 v2, v53;
	v59 =	vperm.xlane v3, v13  }
0x448: {  	v52 =	vsel vm2, v41, v10;
	v56 =	vperm.xlane v5, v14;
	v4 =	vadd.f32 v50, v54  }
0x449: {  	v1 =	vadd.f32 v1, v58;
	v60 =	vperm.xlane v2, v13;
	v3 =	vadd.f32 v3, v59  }
0x44a: {  	v57 =	vperm.xlane v52, v14;
	v7 =	vadd.f32 v51, v55;
	v5 =	vadd.f32 v5, v56  }
0x44b: {  	v61 =	vperm.xlane v4, v13;
	v2 =	vadd.f32 v2, v60;
	v3 =	vmul.f32 $1.442695020e+00, v3  }
0x44c: {  	v32 =	vperm.xlane v1, v13;
	v8 =	vadd.f32 v52, v57;
	v62 =	vperm.xlane v7, v13  }
0x44d: {  	v4 =	vadd.f32 v4, v61;
	v2 =	vmul.f32 $1.442695020e+00, v2;
	(erf) = vpow2.f32 v3  }
0x44e: {  	v63 =	vperm.xlane v5, v13;
	v1 =	vadd.f32 v1, v32;
	v12 =	vperm.xlane v8, v13  }
0x44f: {  	v14 =	vadd.f32 v7, v62;
	v39 =	vmul.f32 $1.442695020e+00, v4;
	(erf) = vpow2.f32 v2  }
0x450: {  	v5 =	vadd.f32 v5, v63;
	v1 =	vmul.f32 $1.442695020e+00, v1;
	v8 =	vadd.f32 v8, v12  }
0x451: {  	v41 =	vmul.f32 $1.442695020e+00, v14;
	(erf) = vpow2.f32 v39  }
0x452: {  	v5 =	vmul.f32 $1.442695020e+00, v5;
	v44 =	vmul.f32 $1.442695020e+00, v8  }
0x453: {  	v3 =	vmul.f32 v49, v36;
	(erf) = vpow2.f32 v41  }
0x454: {  	v2 =	vmul.f32 v48, v35;
	(erf) = vpow2.f32 v5  }
0x455: {  	v5 =	vperm.xlane v45, v23;
	(erf) = vpow2.f32 v44  }
0x456: {  	(erf) = vpow2.f32 v1;
	v1 =	vmul.f32 v47, v34;
	v4 =	vpop (erf)  }
0x457: {  	v50 =	vperm.xlane v4, v18;
	v7 =	vperm.xlane v4, v19  }
0x458: {  	v8 =	vpop (erf);
	v0 =	vperm.xlane v4, v22;
	v10 =	vperm.xlane v4, v15  }
0x459: {  	v63 =	vld [tilespmem:$0x1FA30];
	v41 =	vperm.xlane v8, v18;
	v12 =	vperm.xlane v8, v19  }
0x45a: {  	v21 =	vpop (erf);
	v14 =	vperm.xlane v8, v22;
	v36 =	vperm.xlane v8, v15  }
0x45b: {  	s15 =	simm.s32 $0xB5C0;
	v34 =	vperm.xlane v21, v18;
	v59 =	vperm.xlane v21, v19  }
0x45c: {  	[tilespmem:s15+$0x120] =	vst v46;
	v60 =	vperm.xlane v21, v22;
	v57 =	vperm.xlane v21, v15  }
0x45d: {  	[tilespmem:s15+$0x110] =	vst v3;
	v6 =	vmul.f32 v50, v43;
	v7 =	vmul.f32 v7, v16  }
0x45e: {  	[tilespmem:s15+$0x100] =	vst v2;
	v13 =	vnsel vm2, $0x0, v5;
	v35 =	vpop (erf);
	v9 =	vmul.f32 v0, v37;
	v62 =	vmul.f32 v10, v63  }
0x45f: {  	[tilespmem:s15+$0x130] =	vst v13;
	v58 =	vperm.xlane v35, v18;
	v55 =	vperm.xlane v35, v19  }
0x460: {  	[tilespmem:s15+$0xF0] =	vst v1;
	v56 =	vperm.xlane v35, v22;
	v53 =	vperm.xlane v35, v15  }
0x461: {  	v32 =	vld [tilespmem:$0x1FA40];
	v61 =	vmul.f32 v41, v42;
	v39 =	vmul.f32 v12, v33  }
0x462: {  	v38 =	vmul.f32 v14, v38;
	v12 =	vperm.xlane v4, v23  }
0x463: {  	v47 =	vpop (erf);
	v14 =	vperm.xlane v8, v23;
	v35 =	vperm.xlane v35, v23  }
0x464: {  	v54 =	vperm.xlane v47, v18;
	v50 =	vperm.xlane v47, v19  }
0x465: {  	v52 =	vperm.xlane v47, v22;
	v51 =	vperm.xlane v47, v15  }
0x466: {  	v41 =	vmul.f32 v36, v32;
	v40 =	vmul.f32 v34, v40  }
0x467: {  	v37 =	vpop (erf);
	v34 =	vperm.xlane v21, v23;
	v36 =	vperm.xlane v47, v23  }
0x468: {  	v42 =	vperm.xlane v37, v18;
	v43 =	vperm.xlane v37, v19  }
0x469: {  	[tilespmem:s15+$0xFFFFFEC0] =	vst v6;
	v26 =	vperm.xlane v37, v22;
	v11 =	vpop (erf);
	v24 =	vperm.xlane v37, v15  }
0x46a: {  	[tilespmem:s15+$0xFFFFFED0] =	vst v7;
	v2 =	vnsel vm2, $0x0, v12;
	v63 =	vperm.xlane v37, v23;
	v18 =	vperm.xlane v11, v18  }
0x46b: {  	[tilespmem:s15+$0xFFFFFEE0] =	vst v9;
	v33 =	vnsel vm2, $0x0, v14;
	v16 =	vperm.xlane v11, v19;
	v17 =	vperm.xlane v11, v22  }
0x46c: {  	v49 =	vnsel vm2, $0x0, v35;
	[tilespmem:s15+$0xFFFFFF00] =	vst v2;
	v21 =	vperm.xlane v11, v15;
	v44 =	vperm.xlane v11, v23  }
0x46d: {  	s22 =	simm.s32 $0x9600;
	s21 =	simm.s32 $0x0;
	s20 =	simm.s32 $0xB5C0;
	[tilespmem:s15+$0xFFFFFF50] =	vst v33;
	v46 =	vnsel vm2, $0x0, v34;
	v48 =	vnsel vm2, $0x0, v36;
	v45 =	vnsel vm2, $0x0, v63  }
.LBB2_7:
0x46e: {  	v1 =	vld [tilespmem:s22+$0x60]  }
0x46f: {  	v0 =	vld [tilespmem:$0x1F9D0]  }
0x470: {  	v34 =	vld [tilespmem:$0x1F960]  }
0x471: {  	v35 =	vld [tilespmem:$0x1F970]  }
0x472: {  	v36 =	vld [tilespmem:$0x1FA20]  }
0x473: {  	v7 =	vld [tilespmem:s22+$0x70]  }
0x474: {  	[tilespmem:$0x1F830] =	vst v27;
	v37 =	vld [tilespmem:$0x1F9E0]  }
0x475: {  	[tilespmem:$0x1F8B0] =	vst v25;
	v47 =	vld [tilespmem:$0x1F9F0]  }
0x476: {  	[tilespmem:$0x1F850] =	vst v20;
	s13 =	sadd.s32 $0x100, s13;
	v29 =	vld [tilespmem:s22+$0x10]  }
0x477: {  	[tilespmem:$0x1F870] =	vst v28;
	v4 =	vld [tilespmem:s13+$0x60]  }
0x478: {  	[tilespmem:s15+$0xFFFFFF20] =	vst v39;
	v39 =	vld [tilespmem:$0x1F980]  }
0x479: {  	[tilespmem:$0x1F880] =	vst v17;
	v10 =	vld [tilespmem:s13+$0x70]  }
0x47a: {  	[tilespmem:$0x1F860] =	vst v16;
	v28 =	vnsel vm2, $0x0, v44;
	v44 =	vld [tilespmem:$0x1F990]  }
0x47b: {  	[tilespmem:s15+$0xFFFFFF10] =	vst v61;
	v61 =	vld [tilespmem:s13+$0x10]  }
0x47c: {  	[tilespmem:s15+$0xFFFFFEF0] =	vst v62;
	v62 =	vld [tilespmem:s22+$0x30]  }
0x47d: {  	[tilespmem:$0x1F810] =	vst v26;
	v16 =	vld [tilespmem:$0x1FF90]  }
0x47e: {  	[tilespmem:s15+$0xFFFFFF30] =	vst v38;
	v12 =	vmul.f32 v54, v30;
	v23 =	vmul.f32 v42, v31;
	v38 =	vld [tilespmem:$0x1FFA0]  }
0x47f: {  	[tilespmem:s15+$0xFFFFFF40] =	vst v41;
	v41 =	vld [tilespmem:$0x1FF70];
	v2 =	vmul.f32 v59, v0;
	v3 =	vmul.f32 v60, v34  }
0x480: {  	[tilespmem:$0x1F840] =	vst v18;
	v18 =	vld [tilespmem:s22+$0xFFFFFF90];
	v5 =	vmul.f32 v57, v35;
	v6 =	vmul.f32 v58, v36  }
0x481: {  	[tilespmem:$0x1F8A0] =	vst v21;
	v21 =	vld [tilespmem:s13+$0xFFFFFF90];
	v8 =	vmul.f32 v55, v37;
	v19 =	vmul.f32 v50, v47  }
0x482: {  	[tilespmem:$0x1F820] =	vst v24;
	v24 =	vld [tilespmem:s22+$0xFFFFFFB0];
	v13 =	vunpack.i.l.bf16.f32 v1;
	v55 =	vunpack.i.u.bf16.f32 v1;
	v57 =	vunpack.i.u.bf16.f32 v7  }
0x483: {  	[tilespmem:s15+$0xFFFFFF60] =	vst v40;
	v25 =	vld [tilespmem:s13+$0xFFFFFFB0];
	v14 =	vunpack.i.l.bf16.f32 v7;
	v17 =	vunpack.i.u.bf16.f32 v29;
	v9 =	vmul.f32 v56, v39  }
0x484: {  	v50 =	vld [tilespmem:$0x1F9A0];
	v11 =	vmul.f32 v53, v44;
	[tilespmem:$0x1F890] =	vst v13;
	v26 =	vunpack.i.l.bf16.f32 v4;
	v58 =	vunpack.i.u.bf16.f32 v10  }
0x485: {  	v47 =	vld [tilespmem:s13+$0xFFFFFF80];
	v59 =	vunpack.i.l.bf16.f32 v10;
	v4 =	vunpack.i.u.bf16.f32 v4;
	[tilespmem:s15+$0xFFFFFF70] =	vst v2;
	v60 =	vadd.f32 v26, v13  }
0x486: {  	v53 =	vld [tilespmem:$0x1FA00];
	v40 =	vunpack.i.l.bf16.f32 v61;
	[tilespmem:s15+$0xFFFFFF80] =	vst v3;
	v7 =	vadd.f32 v59, v14;
	v3 =	vadd.f32 v58, v57  }
0x487: {  	v39 =	vld [tilespmem:$0x1FF80];
	[tilespmem:s15+$0xFFFFFFB0] =	vst v6;
	v33 =	vunpack.i.u.bf16.f32 v18;
	v4 =	vadd.f32 v4, v55;
	v34 =	vunpack.i.l.bf16.f32 v18  }
0x488: {  	v35 =	vunpack.i.u.bf16.f32 v24;
	v36 =	vunpack.i.l.bf16.f32 v24;
	v6 =	vld [tilespmem:s22+$0xFFFFFFF0];
	[tilespmem:s15+$0xFFFFFFC0] =	vst v8;
	v26 =	vmul.f32 $2.000000030e-01, v60  }
0x489: {  	v8 =	vld [tilespmem:s13+$0xFFFFFFF0];
	v18 =	vmul.f32 $2.000000030e-01, v7;
	v27 =	vmul.f32 $2.000000030e-01, v3;
	[tilespmem:s15+$0xFFFFFFD0] =	vst v9;
	v9 =	vunpack.i.u.bf16.f32 v21  }
0x48a: {  	v56 =	vld [tilespmem:s22+$0xFFFFFFD0];
	[tilespmem:s15+$0xFFFFFF90] =	vst v5;
	v21 =	vunpack.i.l.bf16.f32 v21;
	v30 =	vmul.f32 $2.000000030e-01, v4;
	v20 =	vmul.f32 v52, v50  }
0x48b: {  	v0 =	vld [tilespmem:$0x1FFD0];
	[tilespmem:s15+$0xFFFFFFF0] =	vst v49;
	v21 =	vadd.f32 v21, v34;
	v9 =	vadd.f32 v9, v33;
	v49 =	vunpack.i.u.bf16.f32 v47  }
0x48c: {  	[tilespmem:$0x1F8C0] =	vst v55;
	v5 =	vld [tilespmem:s13+$0xFFFFFFD0];
	v54 =	vmul.f32 v43, v53;
	v10 =	vmax.f32 v60, v26;
	v7 =	vmax.f32 v7, v18  }
0x48d: {  	[tilespmem:$0x1F8D0] =	vst v14;
	v52 =	vld [tilespmem:$0x1F9B0];
	v3 =	vmax.f32 v3, v27;
	v4 =	vmax.f32 v4, v30;
	v30 =	vunpack.i.u.bf16.f32 v25  }
0x48e: {  	v31 =	vld [tilespmem:s13+$0x50];
	[tilespmem:s15+$0xFFFFFFA0] =	vst v46;
	v25 =	vunpack.i.l.bf16.f32 v25;
	v7 =	vmul.f32 v7, v16;
	v3 =	vmul.f32 v3, v38  }
0x48f: {  	[tilespmem:s15+$0xFFFFFFE0] =	vst v11;
	v55 =	vld [tilespmem:s22+$0xFFFFFFC0];
	v53 =	vunpack.i.l.bf16.f32 v62;
	v10 =	vmul.f32 v10, v41;
	v4 =	vmul.f32 v4, v39  }
0x490: {  	[tilespmem:s15+$0x10] =	vst v19;
	v58 =	vld [tilespmem:s22+$0xFFFFFFE0];
	v13 =	vunpack.i.u.bf16.f32 v56;
	v14 =	vunpack.i.l.bf16.f32 v56;
	v15 =	vunpack.i.u.bf16.f32 v6  }
0x491: {  	v27 =	vld [tilespmem:s22+$0x50];
	[tilespmem:s15+$0xE0] =	vst v28;
	v18 =	vperm.xlane v7, v0;
	v19 =	vperm.xlane v3, v0;
	v46 =	vunpack.i.u.bf16.f32 v5  }
0x492: {  	v26 =	vld [tilespmem:s13+$0x30];
	[tilespmem:s15+$0x20] =	vst v20;
	v5 =	vunpack.i.l.bf16.f32 v5;
	v28 =	vunpack.i.u.bf16.f32 v8;
	v22 =	vmul.f32 v51, v52  }
0x493: {  	[tilespmem:$0x1F960] =	vst v14;
	v51 =	vunpack.i.u.bf16.f32 v62;
	v62 =	vadd.f32 v25, v36;
	v5 =	vadd.f32 v5, v14  }
0x494: {  	v20 =	vperm.xlane v4, v0;
	[tilespmem:$0x1F970] =	vst v13;
	v13 =	vadd.f32 v46, v13;
	v14 =	vadd.f32 v28, v15  }
0x495: {  	[tilespmem:s15+$0x50] =	vst v23;
	v60 =	vld [tilespmem:s22+$0x40];
	v23 =	vunpack.i.u.bf16.f32 v55;
	v28 =	vunpack.i.l.bf16.f32 v58;
	v7 =	vadd.f32 v18, v7  }
0x496: {  	v3 =	vadd.f32 v19, v3;
	v63 =	vadd.f32 v20, v4;
	v18 =	vunpack.i.l.bf16.f32 v6  }
0x497: {  	[tilespmem:s15+$0x0] =	vst v12;
	v2 =	vld [tilespmem:$0x1FFC0];
	v19 =	vunpack.i.l.bf16.f32 v29;
	v29 =	vunpack.i.u.bf16.f32 v61;
	v12 =	vunpack.i.u.bf16.f32 v26  }
0x498: {  	[tilespmem:s15+$0x60] =	vst v54;
	v56 =	vld [tilespmem:s13+$0xFFFFFFC0];
	v26 =	vunpack.i.l.bf16.f32 v26;
	v50 =	vunpack.i.u.bf16.f32 v27;
	v52 =	vunpack.i.l.bf16.f32 v27  }
0x499: {  	v27 =	vunpack.i.u.bf16.f32 v31;
	v31 =	vunpack.i.l.bf16.f32 v31;
	[tilespmem:s15+$0x30] =	vst v22;
	v22 =	vperm.xlane v10, v0  }
0x49a: {  	[tilespmem:$0x1F990] =	vst v15;
	v15 =	vadd.f32 v26, v53;
	v42 =	vadd.f32 v27, v50;
	v54 =	vunpack.i.u.bf16.f32 v60  }
0x49b: {  	v4 =	vld [tilespmem:s13+$0xFFFFFFA0];
	v27 =	vunpack.i.l.bf16.f32 v55;
	v55 =	vunpack.i.l.bf16.f32 v60;
	v60 =	vmul.f32 $2.000000030e-01, v9  }
0x49c: {  	v12 =	vadd.f32 v12, v51;
	v20 =	vperm.xlane v7, v2;
	v24 =	vperm.xlane v63, v2  }
0x49d: {  	[tilespmem:$0x1F930] =	vst v36;
	v36 =	vunpack.i.u.bf16.f32 v56;
	v10 =	vadd.f32 v22, v10;
	v22 =	vperm.xlane v3, v2  }
0x49e: {  	v32 =	vld [tilespmem:s22+$0xFFFFFFA0];
	[tilespmem:s15+$0x90] =	vst v45;
	v9 =	vmax.f32 v9, v60;
	v7 =	vadd.f32 v20, v7;
	v1 =	vadd.f32 v24, v63  }
0x49f: {  	[tilespmem:$0x1F940] =	vst v35;
	v59 =	vld [tilespmem:s13+$0x20];
	v63 =	vadd.f32 v30, v35;
	v35 =	vmul.f32 $2.000000030e-01, v15;
	v9 =	vmul.f32 v9, v38  }
0x4a0: {  	v61 =	vld [tilespmem:s13+$0x40];
	v37 =	vperm.xlane v10, v2;
	v3 =	vadd.f32 v22, v3;
	v30 =	vunpack.i.u.bf16.f32 v4  }
0x4a1: {  	v22 =	vunpack.i.u.bf16.f32 v58;
	v26 =	vunpack.i.l.bf16.f32 v4;
	v58 =	vmul.f32 $2.000000030e-01, v21  }
0x4a2: {  	v15 =	vmax.f32 v15, v35;
	v10 =	vadd.f32 v37, v10;
	v3 =	vsel vm0, v7, v3  }
0x4a3: {  	[tilespmem:s15+$0x40] =	vst v48;
	v48 =	vld [tilespmem:s22+$0xFFFFFF80];
	v7 =	vunpack.i.l.bf16.f32 v8;
	v37 =	vunpack.i.u.bf16.f32 v32;
	v21 =	vmax.f32 v21, v58  }
0x4a4: {  	v44 =	vld [tilespmem:$0x1FFE0];
	v15 =	vmul.f32 v15, v16;
	v1 =	vsel vm1, v1, v3;
	v7 =	vadd.f32 v7, v18  }
0x4a5: {  	[tilespmem:$0x1F980] =	vst v18;
	v18 =	vunpack.i.u.bf16.f32 v59;
	v20 =	vadd.f32 v30, v37;
	v30 =	vunpack.i.u.bf16.f32 v61  }
0x4a6: {  	v6 =	vld [tilespmem:s13+$0xFFFFFFE0];
	[tilespmem:$0x1F920] =	vst v37;
	v37 =	vunpack.i.l.bf16.f32 v59;
	v59 =	vunpack.i.l.bf16.f32 v61;
	v61 =	vmul.f32 $2.000000030e-01, v63  }
0x4a7: {  	v8 =	vld [tilespmem:s22+$0x0];
	v21 =	vmul.f32 v21, v16;
	v1 =	vsel vm2, v10, v1;
	v10 =	vadd.f32 v40, v19  }
0x4a8: {  	[tilespmem:$0x1F9A0] =	vst v19;
	v19 =	vunpack.i.u.bf16.f32 v48;
	v4 =	vadd.f32 v30, v54;
	v59 =	vadd.f32 v59, v55  }
0x4a9: {  	v3 =	vld [tilespmem:s13+$0x0];
	v43 =	vperm.xlane v1, v44;
	[tilespmem:$0x1F8E0] =	vst v19;
	v19 =	vadd.f32 v49, v19;
	v49 =	vunpack.i.l.bf16.f32 v48  }
0x4aa: {  	[tilespmem:$0x1F900] =	vst v33;
	v45 =	vld [tilespmem:$0x1FFF0];
	v58 =	vmul.f32 $2.000000030e-01, v20;
	v61 =	vmax.f32 v63, v61;
	v33 =	vmul.f32 $2.000000030e-01, v10  }
0x4ab: {  	v63 =	vmul.f32 v61, v38;
	v1 =	vadd.f32 v1, v43;
	v43 =	vadd.f32 v29, v17  }
0x4ac: {  	[tilespmem:$0x1F9B0] =	vst v17;
	v11 =	vld [tilespmem:s22+$0x20];
	v17 =	vadd.f32 v31, v52;
	v29 =	vunpack.i.u.bf16.f32 v6;
	v24 =	vunpack.i.u.bf16.f32 v8  }
0x4ad: {  	v6 =	vunpack.i.l.bf16.f32 v6;
	v46 =	vunpack.i.l.bf16.f32 v8;
	v20 =	vmax.f32 v20, v58  }
0x4ae: {  	[tilespmem:$0x1F9E0] =	vst v22;
	v31 =	vunpack.i.u.bf16.f32 v3;
	v22 =	vadd.f32 v29, v22;
	v29 =	vunpack.i.l.bf16.f32 v32  }
0x4af: {  	v6 =	vadd.f32 v6, v28;
	v32 =	vmul.f32 $2.000000030e-01, v14;
	v25 =	vperm.xlane v1, v45  }
0x4b0: {  	[tilespmem:$0x1FA20] =	vst v28;
	v28 =	vmul.f32 $2.000000030e-01, v42;
	v10 =	vmax.f32 v10, v33;
	v20 =	vmul.f32 v20, v39  }
0x4b1: {  	v30 =	vmul.f32 $2.000000030e-01, v22;
	v1 =	vadd.f32 v1, v25;
	v25 =	vunpack.i.u.bf16.f32 v11  }
0x4b2: {  	[tilespmem:$0x1F8F0] =	vst v34;
	v34 =	vmul.f32 $2.000000030e-01, v43;
	v10 =	vmul.f32 v10, v16;
	v18 =	vadd.f32 v18, v25  }
0x4b3: {  	[tilespmem:$0x1FA00] =	vst v25;
	v25 =	vunpack.i.l.bf16.f32 v56;
	v22 =	vmax.f32 v22, v30;
	v30 =	vmul.f32 $2.000000030e-01, v59  }
0x4b4: {  	[tilespmem:$0x1F950] =	vst v27;
	v1 =	vmul.f32 $1.442695020e+00, v1;
	v25 =	vadd.f32 v25, v27;
	v27 =	vmul.f32 $2.000000030e-01, v13  }
0x4b5: {  	[tilespmem:$0x1F9F0] =	vst v24;
	v24 =	vadd.f32 v31, v24;
	v22 =	vmul.f32 v22, v39;
	v31 =	vmul.f32 $2.000000030e-01, v18  }
0x4b6: {  	[tilespmem:$0x1F9D0] =	vst v23;
	(erf) = vpow2.f32 v1;
	v1 =	vadd.f32 v36, v23;
	v23 =	vunpack.i.l.bf16.f32 v47  }
0x4b7: {  	v47 =	vunpack.i.l.bf16.f32 v11;
	v36 =	vmul.f32 $2.000000030e-01, v12;
	v13 =	vmax.f32 v13, v27  }
0x4b8: {  	v23 =	vadd.f32 v23, v49;
	v8 =	vadd.f32 v37, v47;
	v37 =	vmul.f32 $2.000000030e-01, v17  }
0x4b9: {  	v18 =	vmax.f32 v18, v31;
	v13 =	vmul.f32 v13, v38;
	v60 =	vmul.f32 $2.000000030e-01, v1  }
0x4ba: {  	v12 =	vmax.f32 v12, v36;
	v36 =	vmax.f32 v42, v28;
	v28 =	vmul.f32 $2.000000030e-01, v25  }
0x4bb: {  	v18 =	vmul.f32 v18, v39;
	v37 =	vmax.f32 v17, v37;
	v17 =	vmul.f32 $2.000000030e-01, v23  }
0x4bc: {  	v48 =	vimm.s32 $0xC;
	v42 =	vperm.xlane v22, v0;
	v33 =	vmul.f32 $2.000000030e-01, v8  }
0x4bd: {  	v12 =	vmul.f32 v12, v38;
	v1 =	vmax.f32 v1, v60;
	v17 =	vmax.f32 v23, v17  }
0x4be: {  	v23 =	vmax.f32 v25, v28;
	v25 =	vmax.f32 v59, v30;
	v30 =	vperm.xlane v13, v0  }
0x4bf: {  	v1 =	vmul.f32 v1, v39;
	v8 =	vmax.f32 v8, v33;
	v17 =	vmul.f32 v17, v41  }
0x4c0: {  	v23 =	vmul.f32 v23, v41;
	v8 =	vmul.f32 v8, v41;
	v13 =	vadd.f32 v30, v13;
	v56 =	vpop (erf)  }
0x4c1: {  	v25 =	vmul.f32 v25, v41;
	v40 =	vperm.xlane v56, v48  }
0x4c2: {  	v30 =	vperm.xlane v20, v0;
	v35 =	vperm.xlane v13, v2  }
0x4c3: {  	v3 =	vunpack.i.l.bf16.f32 v3;
	v11 =	vmul.f32 v40, v57;
	v57 =	vmul.f32 $2.000000030e-01, v62  }
0x4c4: {  	s15 =	sadd.s32 $0x280, s15;
	[tilespmem:$0x1F910] =	vst v29;
	v40 =	vadd.f32 v26, v29;
	v26 =	vmul.f32 $2.000000030e-01, v5;
	v29 =	vmul.f32 $2.000000030e-01, v19  }
0x4c5: {  	[tilespmem:s15+$0x120] =	vst v11;
	v11 =	vmul.f32 $2.000000030e-01, v7;
	v57 =	vmax.f32 v62, v57;
	v62 =	vmul.f32 $2.000000030e-01, v24  }
0x4c6: {  	v5 =	vmax.f32 v5, v26;
	v26 =	vmul.f32 $2.000000030e-01, v4;
	v27 =	vmul.f32 $2.000000030e-01, v40  }
0x4c7: {  	v19 =	vmax.f32 v19, v29;
	v29 =	vmul.f32 $2.000000030e-01, v6;
	v60 =	vmul.f32 v57, v16  }
0x4c8: {  	v3 =	vadd.f32 v3, v46;
	v5 =	vmul.f32 v5, v16;
	v19 =	vmul.f32 v19, v39  }
0x4c9: {  	v57 =	vmul.f32 v36, v38;
	v7 =	vmax.f32 v7, v11;
	v11 =	vmax.f32 v14, v32  }
0x4ca: {  	v32 =	vmul.f32 $2.000000030e-01, v3;
	v24 =	vmax.f32 v24, v62;
	v4 =	vmax.f32 v4, v26  }
0x4cb: {  	v40 =	vmax.f32 v40, v27;
	v26 =	vperm.xlane v21, v0;
	v27 =	vperm.xlane v9, v0  }
0x4cc: {  	v6 =	vmax.f32 v6, v29;
	v29 =	vperm.xlane v63, v0;
	v62 =	vperm.xlane v15, v0  }
0x4cd: {  	v14 =	vmax.f32 v43, v34;
	v7 =	vmul.f32 v7, v16;
	v11 =	vmul.f32 v11, v38  }
0x4ce: {  	v14 =	vmul.f32 v14, v38;
	v16 =	vmul.f32 v37, v16  }
0x4cf: {  	v24 =	vmul.f32 v24, v39;
	v4 =	vmul.f32 v4, v39  }
0x4d0: {  	v22 =	vadd.f32 v42, v22;
	v28 =	vperm.xlane v60, v0;
	v36 =	vperm.xlane v57, v0  }
0x4d1: {  	v20 =	vadd.f32 v30, v20;
	v40 =	vmul.f32 v40, v41;
	v6 =	vmul.f32 v6, v41  }
0x4d2: {  	v3 =	vmax.f32 v3, v32;
	v21 =	vadd.f32 v26, v21;
	v26 =	vperm.xlane v5, v0  }
0x4d3: {  	v9 =	vadd.f32 v27, v9;
	v29 =	vadd.f32 v29, v63;
	v63 =	vperm.xlane v12, v0  }
0x4d4: {  	v15 =	vadd.f32 v62, v15;
	v62 =	vperm.xlane v17, v0;
	v27 =	vperm.xlane v7, v0  }
0x4d5: {  	v31 =	vperm.xlane v11, v0;
	v38 =	vadd.f32 v28, v60;
	v60 =	vperm.xlane v10, v0  }
0x4d6: {  	v13 =	vadd.f32 v35, v13;
	v61 =	vperm.xlane v14, v0;
	v3 =	vmul.f32 v3, v41  }
0x4d7: {  	v43 =	vperm.xlane v24, v0;
	v30 =	vperm.xlane v6, v0;
	v28 =	vadd.f32 v26, v5  }
0x4d8: {  	v26 =	vperm.xlane v16, v0;
	v5 =	vadd.f32 v36, v57;
	v57 =	vperm.xlane v25, v0  }
0x4d9: {  	v12 =	vadd.f32 v63, v12;
	v58 =	vperm.xlane v21, v2;
	v32 =	vperm.xlane v9, v2  }
0x4da: {  	v39 =	vadd.f32 v62, v17;
	v41 =	vperm.xlane v29, v2;
	v36 =	vperm.xlane v15, v2  }
0x4db: {  	v7 =	vadd.f32 v27, v7;
	v11 =	vadd.f32 v31, v11;
	v27 =	vperm.xlane v19, v0  }
0x4dc: {  	v10 =	vadd.f32 v60, v10;
	v31 =	vperm.xlane v1, v0;
	v60 =	vperm.xlane v18, v0  }
0x4dd: {  	v14 =	vadd.f32 v61, v14;
	v61 =	vperm.xlane v4, v0;
	v63 =	vperm.xlane v3, v0  }
0x4de: {  	v24 =	vadd.f32 v43, v24;
	v33 =	vperm.xlane v38, v2;
	v6 =	vadd.f32 v30, v6  }
0x4df: {  	v16 =	vadd.f32 v26, v16;
	v26 =	vperm.xlane v40, v0;
	v42 =	vperm.xlane v12, v2  }
0x4e0: {  	v25 =	vadd.f32 v57, v25;
	v21 =	vadd.f32 v58, v21;
	v58 =	vperm.xlane v22, v2  }
0x4e1: {  	v9 =	vadd.f32 v32, v9;
	v29 =	vadd.f32 v41, v29;
	v41 =	vperm.xlane v39, v2  }
0x4e2: {  	v15 =	vadd.f32 v36, v15;
	v19 =	vadd.f32 v27, v19;
	v27 =	vperm.xlane v23, v0  }
0x4e3: {  	v1 =	vadd.f32 v31, v1;
	v31 =	vperm.xlane v8, v0;
	v18 =	vadd.f32 v60, v18  }
0x4e4: {  	v4 =	vadd.f32 v61, v4;
	v37 =	vperm.xlane v11, v2;
	v30 =	vperm.xlane v10, v2  }
0x4e5: {  	v59 =	vperm.xlane v14, v2;
	v3 =	vadd.f32 v63, v3;
	v61 =	vperm.xlane v5, v2  }
0x4e6: {  	v63 =	vperm.xlane v20, v2;
	v32 =	vperm.xlane v24, v2;
	v33 =	vadd.f32 v33, v38  }
0x4e7: {  	v17 =	vadd.f32 v26, v40;
	v26 =	vperm.xlane v28, v2;
	v12 =	vadd.f32 v42, v12  }
0x4e8: {  	v9 =	vsel vm0, v21, v9;
	v22 =	vadd.f32 v58, v22;
	v23 =	vadd.f32 v27, v23  }
0x4e9: {  	v27 =	vperm.xlane v7, v2;
	v8 =	vadd.f32 v31, v8;
	v31 =	vperm.xlane v16, v2  }
0x4ea: {  	v60 =	vadd.f32 v41, v39;
	v43 =	vperm.xlane v19, v2;
	v57 =	vperm.xlane v1, v2  }
0x4eb: {  	v0 =	vperm.xlane v18, v2;
	v40 =	vperm.xlane v4, v2;
	v11 =	vadd.f32 v37, v11  }
0x4ec: {  	v10 =	vadd.f32 v30, v10;
	v14 =	vadd.f32 v59, v14;
	v30 =	vperm.xlane v6, v2  }
0x4ed: {  	v42 =	vperm.xlane v3, v2;
	v5 =	vadd.f32 v61, v5;
	v20 =	vadd.f32 v63, v20  }
0x4ee: {  	v21 =	vsel vm0, v33, v29;
	v24 =	vadd.f32 v32, v24;
	v26 =	vadd.f32 v26, v28  }
0x4ef: {  	v28 =	vperm.xlane v17, v2;
	v59 =	vsel vm0, v15, v12;
	v7 =	vadd.f32 v27, v7  }
0x4f0: {  	v27 =	vperm.xlane v23, v2;
	v16 =	vadd.f32 v31, v16;
	v19 =	vadd.f32 v43, v19  }
0x4f1: {  	v31 =	vperm.xlane v8, v2;
	v43 =	vperm.xlane v25, v2;
	v1 =	vadd.f32 v57, v1  }
0x4f2: {  	v0 =	vadd.f32 v0, v18;
	v4 =	vadd.f32 v40, v4;
	v10 =	vsel vm0, v10, v14  }
0x4f3: {  	v6 =	vadd.f32 v30, v6;
	v15 =	vsel vm1, v20, v21;
	v3 =	vadd.f32 v42, v3  }
0x4f4: {  	v13 =	vsel vm0, v26, v13;
	v61 =	vadd.f32 v28, v17;
	v17 =	vimm.s32 $0x8  }
0x4f5: {  	v10 =	vsel vm1, v24, v10;
	v7 =	vsel vm0, v7, v11;
	v5 =	vsel vm0, v16, v5  }
0x4f6: {  	v9 =	vsel vm1, v19, v9;
	v16 =	vimm.s32 $0x4;
	v62 =	vadd.f32 v27, v23  }
0x4f7: {  	v8 =	vadd.f32 v31, v8;
	v1 =	vsel vm1, v1, v13;
	v63 =	vadd.f32 v43, v25  }
0x4f8: {  	v0 =	vsel vm1, v0, v59;
	v3 =	vsel vm2, v3, v10;
	v7 =	vsel vm1, v22, v7  }
0x4f9: {  	v4 =	vsel vm1, v4, v5;
	v12 =	vsel vm2, v60, v9;
	v2 =	vsel vm2, v61, v15  }
0x4fa: {  	v30 =	vmovc v46;
	v35 =	vperm.xlane v3, v44;
	v46 =	vperm.xlane v56, v16;
	v1 =	vsel vm2, v62, v1  }
0x4fb: {  	v19 =	vld [tilespmem:$0x1FFB0];
	v6 =	vsel vm2, v6, v7;
	v0 =	vsel vm2, v8, v0;
	v14 =	vperm.xlane v12, v44  }
0x4fc: {  	v31 =	vmovc v47;
	v32 =	vperm.xlane v2, v44;
	v4 =	vsel vm2, v63, v4;
	v47 =	vperm.xlane v56, v17  }
0x4fd: {  	v58 =	vld [tilespmem:$0x1F9C0];
	v33 =	vperm.xlane v1, v44;
	v34 =	vperm.xlane v6, v44;
	v3 =	vadd.f32 v3, v35  }
0x4fe: {  	v59 =	vld [tilespmem:$0x1F810];
	v36 =	vperm.xlane v0, v44;
	v5 =	vadd.f32 v12, v14;
	v2 =	vadd.f32 v2, v32  }
0x4ff: {  	v10 =	vld [tilespmem:$0x1F860];
	v37 =	vperm.xlane v4, v44;
	v1 =	vadd.f32 v1, v33;
	v6 =	vadd.f32 v6, v34  }
0x500: {  	v11 =	vld [tilespmem:$0x1F870];
	v0 =	vadd.f32 v0, v36;
	v42 =	vperm.xlane v3, v45;
	v57 =	vperm.xlane v56, v19  }
0x501: {  	v61 =	vld [tilespmem:$0x1F820];
	v4 =	vadd.f32 v4, v37;
	v38 =	vperm.xlane v5, v45;
	v39 =	vperm.xlane v2, v45  }
0x502: {  	v18 =	vimm.s32 $0x0;
	v9 =	vld [tilespmem:$0x1FA10];
	v40 =	vperm.xlane v1, v45;
	v41 =	vperm.xlane v6, v45  }
0x503: {  	v62 =	vld [tilespmem:$0x1F830];
	v43 =	vperm.xlane v0, v45;
	v44 =	vperm.xlane v4, v45;
	v5 =	vadd.f32 v5, v38  }
0x504: {  	v63 =	vld [tilespmem:$0x1F840];
	v3 =	vadd.f32 v3, v42;
	v45 =	vperm.xlane v56, v18;
	v2 =	vadd.f32 v2, v39  }
0x505: {  	v34 =	vld [tilespmem:$0x1F8C0];
	v1 =	vadd.f32 v1, v40;
	v6 =	vadd.f32 v6, v41;
	v5 =	vmul.f32 $1.442695020e+00, v5  }
0x506: {  	v35 =	vld [tilespmem:$0x1F8D0];
	v0 =	vadd.f32 v0, v43;
	v3 =	vmul.f32 $1.442695020e+00, v3;
	v2 =	vmul.f32 $1.442695020e+00, v2  }
0x507: {  	v8 =	vld [tilespmem:$0x1F850];
	v4 =	vadd.f32 v4, v44;
	v1 =	vmul.f32 $1.442695020e+00, v1;
	(erf) = vpow2.f32 v5  }
0x508: {  	v12 =	vld [tilespmem:$0x1F880];
	v6 =	vmul.f32 $1.442695020e+00, v6;
	v0 =	vmul.f32 $1.442695020e+00, v0  }
0x509: {  	v14 =	vld [tilespmem:$0x1F890];
	v4 =	vmul.f32 $1.442695020e+00, v4;
	(erf) = vpow2.f32 v2  }
0x50a: {  	v32 =	vld [tilespmem:$0x1F8A0];
	v5 =	vmul.f32 v46, v34;
	(erf) = vpow2.f32 v1  }
0x50b: {  	v33 =	vld [tilespmem:$0x1F8B0];
	v2 =	vmul.f32 v47, v35;
	(erf) = vpow2.f32 v6  }
0x50c: {  	(erf) = vpow2.f32 v3;
	v3 =	vmul.f32 v59, v58  }
0x50d: {  	(erf) = vpow2.f32 v0;
	v0 =	vmul.f32 v61, v62  }
0x50e: {  	v6 =	vmul.f32 v45, v14;
	[tilespmem:s20+$0x70] =	vst v3;
	v3 =	vmul.f32 v63, v8  }
0x50f: {  	(erf) = vpow2.f32 v4;
	v4 =	vmul.f32 v12, v11;
	[tilespmem:s20+$0x80] =	vst v0  }
0x510: {  	v0 =	vmul.f32 v10, v9;
	[tilespmem:s20+$0xA0] =	vst v3;
	v3 =	vmul.f32 v32, v33;
	v36 =	vpop (erf)  }
0x511: {  	v37 =	vperm.xlane v36, v18;
	v8 =	vperm.xlane v36, v16  }
0x512: {  	v38 =	vpop (erf);
	v39 =	vperm.xlane v36, v17;
	v10 =	vperm.xlane v36, v48  }
0x513: {  	v13 =	vmov v54;
	[tilespmem:s20+$0xD0] =	vst v3;
	v7 =	vperm.xlane v36, v19;
	v3 =	vperm.xlane v38, v18  }
0x514: {  	[tilespmem:$0x1FA10] =	vst v13;
	v12 =	vperm.xlane v38, v16;
	v13 =	vperm.xlane v38, v17  }
0x515: {  	v46 =	vpop (erf);
	v32 =	vperm.xlane v38, v48;
	v9 =	vperm.xlane v38, v19  }
0x516: {  	v60 =	vmov v53;
	v40 =	vld [tilespmem:$0x1F910];
	v15 =	vperm.xlane v46, v18;
	v59 =	vperm.xlane v46, v16  }
0x517: {  	[tilespmem:$0x1F9C0] =	vst v60;
	v1 =	vnsel vm2, $0x0, v57;
	v60 =	vperm.xlane v46, v17;
	v57 =	vperm.xlane v46, v48  }
0x518: {  	[tilespmem:s20+$0xB0] =	vst v0;
	v47 =	vpop (erf);
	v11 =	vperm.xlane v46, v19;
	v0 =	vmul.f32 v37, v49  }
0x519: {  	v20 =	vmov v55;
	v63 =	vld [tilespmem:$0x1F950];
	v58 =	vperm.xlane v47, v18;
	v55 =	vperm.xlane v47, v16  }
0x51a: {  	v56 =	vperm.xlane v47, v17;
	v53 =	vperm.xlane v47, v48  }
0x51b: {  	[tilespmem:s15+$0xF0] =	vst v6;
	v38 =	vld [tilespmem:$0x1F8F0];
	v33 =	vpop (erf);
	v6 =	vperm.xlane v47, v19;
	v61 =	vmul.f32 v3, v40  }
0x51c: {  	v25 =	vmov v50;
	v54 =	vperm.xlane v33, v18;
	v50 =	vperm.xlane v33, v16  }
0x51d: {  	v28 =	vmovc v52;
	v27 =	vmov v51;
	v41 =	vld [tilespmem:$0x1F920];
	v52 =	vperm.xlane v33, v17;
	v51 =	vperm.xlane v33, v48  }
0x51e: {  	[tilespmem:s15+$0x100] =	vst v5;
	v45 =	vld [tilespmem:$0x1F930];
	v34 =	vpop (erf);
	v5 =	vperm.xlane v33, v19;
	v40 =	vmul.f32 v15, v63  }
0x51f: {  	[tilespmem:s15+$0x110] =	vst v2;
	v37 =	vld [tilespmem:$0x1F8E0];
	v42 =	vperm.xlane v34, v18;
	v43 =	vperm.xlane v34, v16  }
0x520: {  	s21 =	sadd.s32 $0x8, s21;
	[tilespmem:s20+$0xC0] =	vst v4;
	v26 =	vperm.xlane v34, v17;
	v4 =	vmul.f32 v39, v38;
	v39 =	vld [tilespmem:$0x1F900]  }
0x521: {  	p0 =	slt.u32 s21, $0x78;
	[tilespmem:s15+$0x130] =	vst v1;
	v7 =	vnsel vm2, $0x0, v7;
	v47 =	vld [tilespmem:$0x1F940];
	v35 =	vpop (erf);
	v24 =	vperm.xlane v34, v48;
	v2 =	vperm.xlane v34, v19  }
.Ltmp4:
0x522: {  	[tilespmem:s15+$0xFFFFFF00] =	vst v7;
	v36 =	vnsel vm2, $0x0, v9;
	v18 =	vperm.xlane v35, v18;
	v16 =	vperm.xlane v35, v16;
	(pc) =	sbr.rel @p0 .LBB2_7-.Ltmp4, $4  }
0x523: {  	[tilespmem:s15+$0xFFFFFF50] =	vst v36;
	v46 =	vnsel vm2, $0x0, v11;
	v17 =	vperm.xlane v35, v17;
	v21 =	vperm.xlane v35, v48  }
0x524: {  	[tilespmem:s15+$0xFFFFFEC0] =	vst v0;
	v49 =	vnsel vm2, $0x0, v6;
	v44 =	vperm.xlane v35, v19;
	v1 =	vmul.f32 v8, v37  }
0x525: {  	v38 =	vmul.f32 v13, v45;
	v48 =	vnsel vm2, $0x0, v5;
	[tilespmem:s15+$0xFFFFFEE0] =	vst v4;
	v62 =	vmul.f32 v10, v39  }
0x526: {  	s22 =	sadd.s32 $0x100, s22;
	s20 =	smov.u32 s15;
	v45 =	vnsel vm2, $0x0, v2;
	[tilespmem:s15+$0xFFFFFED0] =	vst v1;
	v39 =	vmul.f32 v12, v41;
	v41 =	vmul.f32 v32, v47  }
0x527: {  	v10 =	vld [tilespmem:$0x1FFA0]  }
0x528: {  	v9 =	vld [tilespmem:$0x1FF90]  }
0x529: {  	v8 =	vld [tilespmem:$0x1FF80]  }
0x52a: {  	v6 =	vld [tilespmem:$0x1FF70]  }
0x52b: {  	v5 =	vld [tilespmem:$0x1FFF0]  }
0x52c: {  	v4 =	vld [tilespmem:$0x1FFE0]  }
0x52d: {  	v7 =	vld [tilespmem:$0x1FFC0]  }
0x52e: {  	v3 =	vld [tilespmem:$0x1FFD0];
	[tilespmem:s15+$0xFFFFFEF0] =	vst v62  }
0x52f: {  	[tilespmem:s15+$0xFFFFFF10] =	vst v61  }
0x530: {  	[tilespmem:s15+$0xFFFFFF30] =	vst v38  }
0x531: {  	[tilespmem:s15+$0xFFFFFF20] =	vst v39  }
0x532: {  	v0 =	vld [tilespmem:$0x1F9D0];
	_ =	sdelay $0x4  }
0x533: {  	[tilespmem:s15+$0xFFFFFF40] =	vst v41;
	v0 =	vmul.f32 v59, v0  }
0x534: {  	v1 =	vld [tilespmem:$0x1F960];
	[tilespmem:s15+$0xFFFFFF60] =	vst v40  }
0x535: {  	v2 =	vld [tilespmem:$0x1F970];
	[tilespmem:s15+$0xFFFFFF70] =	vst v0  }
0x536: {  	v0 =	vld [tilespmem:$0x1FA20];
	_ =	sdelay $0x2  }
0x537: {  	v1 =	vmul.f32 v60, v1  }
0x538: {  	v2 =	vmul.f32 v57, v2  }
0x539: {  	[tilespmem:s15+$0xFFFFFF80] =	vst v1;
	v0 =	vmul.f32 v58, v0  }
0x53a: {  	v1 =	vld [tilespmem:$0x1F9E0];
	[tilespmem:s15+$0xFFFFFF90] =	vst v2  }
0x53b: {  	v2 =	vld [tilespmem:$0x1F980];
	[tilespmem:s15+$0xFFFFFFB0] =	vst v0  }
0x53c: {  	v0 =	vld [tilespmem:$0x1F990];
	_ =	sdelay $0x2  }
0x53d: {  	v1 =	vmul.f32 v55, v1  }
0x53e: {  	v2 =	vmul.f32 v56, v2  }
0x53f: {  	[tilespmem:s15+$0xFFFFFFC0] =	vst v1;
	v0 =	vmul.f32 v53, v0  }
0x540: {  	[tilespmem:s15+$0xFFFFFFD0] =	vst v2  }
0x541: {  	v1 =	vmul.f32 v54, v30;
	v2 =	vld [tilespmem:$0x1F9F0];
	[tilespmem:s15+$0xFFFFFFE0] =	vst v0  }
0x542: {  	v0 =	vld [tilespmem:$0x1F9A0]  }
0x543: {  	[tilespmem:s15+$0x0] =	vst v1  }
0x544: {  	v1 =	vld [tilespmem:$0x1F9B0];
	_ =	sdelay $0x1  }
0x545: {  	v2 =	vmul.f32 v50, v2  }
0x546: {  	v0 =	vmul.f32 v52, v0  }
0x547: {  	[tilespmem:s15+$0x10] =	vst v2  }
0x548: {  	v1 =	vmul.f32 v51, v1;
	[tilespmem:s15+$0x20] =	vst v0  }
0x549: {  	v2 =	vmul.f32 v42, v31;
	v0 =	vld [tilespmem:$0x1FA00]  }
0x54a: {  	[tilespmem:s15+$0x30] =	vst v1  }
0x54b: {  	[tilespmem:s15+$0x50] =	vst v2  }
0x54c: {  	[tilespmem:s15+$0xFFFFFFA0] =	vst v46  }
0x54d: {  	[tilespmem:s15+$0xFFFFFFF0] =	vst v49  }
0x54e: {  	[tilespmem:s15+$0x40] =	vst v48;
	v0 =	vmul.f32 v43, v0  }
0x54f: {  	[tilespmem:s15+$0x90] =	vst v45  }
0x550: {  	[tilespmem:s15+$0x60] =	vst v0  }
0x551: {  	v1 =	vld [tilespmem:$0x1F9C0];
	_ =	sdelay $0x2  }
0x552: {  	v0 =	vnsel vm2, $0x0, v44  }
0x553: {  	[tilespmem:s15+$0xE0] =	vst v0;
	v0 =	vmul.f32 v24, v27  }
0x554: {  	v1 =	vmul.f32 v26, v1  }
0x555: {  	[tilespmem:s20+$0x80] =	vst v0  }
0x556: {  	[tilespmem:s20+$0x70] =	vst v1  }
0x557: {  	v0 =	vld [tilespmem:$0x1FA10];
	_ =	sdelay $0x1  }
0x558: {  	v1 =	vmul.f32 v18, v20  }
0x559: {  	v2 =	vmul.f32 v17, v28  }
.Ltmp5:
0x55a: {  	[tilespmem:s20+$0xA0] =	vst v1;
	v1 =	vmul.f32 v21, v25;
	(pc) =	sbr.rel @p1 .LBB2_10-.Ltmp5, $4  }
0x55b: {  	[tilespmem:s20+$0xC0] =	vst v2;
	v0 =	vmul.f32 v16, v0  }
0x55c: {  	[tilespmem:s20+$0xD0] =	vst v1  }
0x55d: {  	[tilespmem:s20+$0xB0] =	vst v0  }
0x55e: {  	[spmem:s3] =	stream.indirect.scatter.add.f32 [tilespmem:s19], [sflag:$0x6], $0x50, s29, s25, $0xb8;
	[tilespmem:$0x1A4C0] =	vst v63  }
0x55f: {  	s13 =	smul.u32 $0x180, s11;
	_ =	sdelay $0x1  }
0x560: {  	s13 =	sadd.s32 s13, s18  }
0x561: {  	s13 =	sshrl.u32 s13, $0x3  }
0x562: {  	s15 =	sadd.s32 s1, s13  }
0x563: {  	[tilespmem:s30], [sflag:$0x7] =	stream.linear.gather [hbm4b:s15+s4], $0x80, $0x38;
	[tilespmem:$0x1A4C0] =	vst v63  }
0x564: {  	s13 =	sadd.s32 s5, s13  }
0x565: {  	[tilespmem:s24], [sflag:$0x7] =	stream.linear.gather [hbm4b:s13+s4], $0x80, $0x38;
	[tilespmem:$0x1A4C0] =	vst v63  }
0x566: {  	_ = 	snop  }
0x567: {  	[tilespmem:s29], [sflag:$0x7] =	stream.linear.gather [hbm4b:s13+s4], $0x80, $0x38;
	[tilespmem:$0x1A4C0] =	vst v63  }
0x568: {  	_ =	swait.ge [sflag:s28], $0x80  }
0x569: {  	[sflag:s28] =	ssyncset.done $0x0  }
0x56a: {  	[sflag:s28] =	ssyncadd.s32 $0xFFFFFF80  }
0x56b: {  	_ =	swait.ge [sflag:s28], $0x80  }
0x56c: {  	[sflag:s28] =	ssyncset.done $0x0  }
0x56d: {  	[sflag:s28] =	ssyncadd.s32 $0xFFFFFF80  }
0x56e: {  	_ =	swait.ge [sflag:s28], $0x80  }
.Ltmp6:
0x56f: {  	[sflag:s28] =	ssyncset.done $0x0;
	(pc) =	sbr.rel .LBB2_2-.Ltmp6, $4  }
0x570: {  	[sflag:s28] =	ssyncadd.s32 $0xFFFFFF80  }
0x571: {  	[tilespmem:s31], [sflag:$0x3] =	stream.indirect.gather [hbm4b:s6+s25], $0x20, s30, s25, $0xb8;
	[tilespmem:$0x1A4C0] =	vst v63  }
0x572: {  	s11 =	sadd.s32 $0x1, s11;
	v1 =	vmov v3  }
0x573: {  	v2 =	vmovc v5;
	v5 =	vmovc v6;
	v6 =	vmov v8;
	v8 =	vmov v9;
	v9 =	vmov v10;
	[tilespmem:s0], [sflag:$0x3] =	stream.indirect.gather [hbm4b:s7+s25], $0x20, s24, s25, $0xb8;
	[tilespmem:$0x1A4C0] =	vst v63  }
.LBB2_11:
0x574: {  	_ =	sfence.sel $0x180000  }
0x575: {  	[bflag:$0x0] =	sbarrier.arrive $0xFFFF  }
0x576: {  	_ =	strace $0x90000047  }
0x577: {  	s0 =	stileid.u32;
	[bflag:$0x2] =	sbarrier.arrive $0xFFFF  }
0x578: {  	p0 =	sne.s32 s0, $0x0;
	s0 =	rddreg [dreg:$0x3]  }
0x579: {  	s0 =	sadd.s32 @!p0 $0x100000, s0  }
0x57a: {  	[sflag:s0] =	ssyncadd.tile.s32 @!p0 $0x1;
	_ =	shalt  }
.Lfunc_end2:
_tile_overlayer_lowered:
.L_overlay_start_2:
0x57b: {  	(tag) =	ssettag $0x2  }
0x57c: {  	s0 =	rddreg [dreg:$0x0];
	s2 =	stileid.u32  }
0x57d: {  	s1 =	rddreg [dreg:$0x1];
	p0 =	sne.s32 s2, $0x0  }
0x57e: {  	s3 =	rddreg [dreg:$0x2];
	[bflag:$0x3] =	sbarrier.arrive $0xFFFF;
	s2 =	simm.s32 @!p0 $0x1C08  }
0x57f: {  	[timem:s3], [sflag:s2] =	dma.local @!p0 [hbm:s0], s1  }
0x580: {  	s0 =	simm.s32 @!p0 $0x8  }
0x581: {  	_ =	swait.ge @!p0 [sflag:s0], s1  }
0x582: {  	s1 =	ssub.s32 @!p0 $0x0, s1;
	[sflag:s0] =	ssyncset.done @!p0 $0x0  }
0x583: {  	[sflag:s0] =	ssyncadd.s32 @!p0 s1  }
0x584: {  	[bflag:$0x3] =	sbarrier.arrive $0xFFFF  }
0x585: {  	_ =	shalt  }

</sc_bundles>
